<compile_context>
chip_gen: v7x
topology: tpu7x:2x2x1
jax: 0.10.2.dev20260603
libtpu: 0.0.44.dev20260713+nightly
codegen_flags: <defaults>
</compile_context>

<pallas_src>
import jax
import jax.numpy as jnp
from jax import lax
from jax.experimental import pallas as pl
from jax.experimental.pallas import tpu as pltpu
from jax.experimental.pallas import tpu_sc as plsc

N = 10000
E = 320000
D = 128

_NC = 2
_NS = 16
_NW = _NC * _NS
_NP = 10112
_ROWS_PER_TILE = _NP // _NS

_CS = 64
_NCH_S = E // _CS
_ITERS_S = _NCH_S // _NW
_BODIES_S = _ITERS_S // 2
_EXTRA_S = _NCH_S - _ITERS_S * _NW

_CC = 128
_NCH_C = E // _CC
_ITERS_C = _NCH_C // _NW
_BODIES_C = _ITERS_C // 2
_EXTRA_C = _NCH_C - _ITERS_C * _NW


def _acc_slices(base0, piece):
    off = 0
    while off < _ROWS_PER_TILE:
        sz = min(piece, _ROWS_PER_TILE - off)
        yield base0 + off, sz
        off += sz


def _sc_body(nh_hbm, src_hbm, dst_hbm, sums_out, cnt_out,
             ia, ib, da, db, dc, dd, de, df, rows_a, rows_b, acc,
             lsem, ssem, ssb, ga, gb):
    cid = lax.axis_index("c")
    sid = lax.axis_index("s")
    wid = cid * _NS + sid
    base0 = sid * _ROWS_PER_TILE

    def _fill(val):
        def _f(r, carry):
            for cc in range(D // 16):
                rows_a[r, pl.ds(cc * 16, 16)] = val
                rows_b[r, pl.ds(cc * 16, 16)] = val
            return carry
        lax.fori_loop(0, _CS, _f, 0)

    _fill(jnp.zeros((16,), jnp.float32))
    for row, sz in _acc_slices(base0, _CS):
        pltpu.sync_copy(rows_a.at[pl.ds(0, sz)], acc.at[pl.ds(row, sz)])
    _fill(jnp.ones((16,), jnp.float32))
    plsc.subcore_barrier()

    def _drain(n):
        for _ in range(n):
            pltpu.make_async_copy(nh_hbm.at[pl.ds(0, _CS)], rows_a, ssem).wait()

    def _cnt_fire(j, q0, q1, q2, q3, drain_first):
        c0 = (wid + (2 * j) * _NW) * _CC
        c1 = (wid + (2 * j + 1) * _NW) * _CC
        hs = (pltpu.async_copy(dst_hbm.at[pl.ds(c0, _CS)], q0, lsem),
              pltpu.async_copy(dst_hbm.at[pl.ds(c0 + _CS, _CS)], q1, lsem),
              pltpu.async_copy(dst_hbm.at[pl.ds(c1, _CS)], q2, lsem),
              pltpu.async_copy(dst_hbm.at[pl.ds(c1 + _CS, _CS)], q3, lsem))
        for h in hs:
            h.wait()
        if drain_first:
            _drain(4)
        pltpu.async_copy(rows_a, acc.at[q0], ssem, add=True)
        pltpu.async_copy(rows_b, acc.at[q1], ssem, add=True)
        pltpu.async_copy(rows_a, acc.at[q2], ssem, add=True)
        pltpu.async_copy(rows_b, acc.at[q3], ssem, add=True)

    _cnt_fire(0, da, db, dc, dd, False)

    def _cnt_body(k, carry):
        _cnt_fire(2 * k + 1, ia, ib, de, df, True)
        _cnt_fire(2 * k + 2, da, db, dc, dd, True)
        return carry
    lax.fori_loop(0, (_BODIES_C - 1) // 2, _cnt_body, 0)
    _drain(4)

    @pl.when(wid < _EXTRA_C)
    def _():
        base = (_ITERS_C * _NW + wid) * _CC
        pltpu.sync_copy(dst_hbm.at[pl.ds(base, _CS)], da)
        pltpu.sync_copy(dst_hbm.at[pl.ds(base + _CS, _CS)], db)
        pltpu.sync_copy(rows_a, acc.at[da], add=True)
        pltpu.sync_copy(rows_b, acc.at[db], add=True)

    def _writeout(out_ref):
        pieces = list(_acc_slices(base0, _CS))
        bufs = (rows_a, rows_b)
        h_in, h_out = {}, {}
        for k, (row, sz) in enumerate(pieces):
            if k >= 2:
                h_out[k - 2].wait()
            h_in[k] = pltpu.async_copy(acc.at[pl.ds(row, sz)],
                                       bufs[k % 2].at[pl.ds(0, sz)], lsem)
            if k >= 1:
                prow, psz = pieces[k - 1]
                h_in[k - 1].wait()
                h_out[k - 1] = pltpu.async_copy(
                    bufs[(k - 1) % 2].at[pl.ds(0, psz)],
                    out_ref.at[cid, pl.ds(prow, psz)], ssem)
        last = len(pieces) - 1
        lrow, lsz = pieces[last]
        h_in[last].wait()
        h_out[last] = pltpu.async_copy(bufs[last % 2].at[pl.ds(0, lsz)],
                                       out_ref.at[cid, pl.ds(lrow, lsz)], ssem)
        h_out[last - 1].wait()
        h_out[last].wait()

    plsc.subcore_barrier()
    _writeout(cnt_out)
    plsc.subcore_barrier()

    def _zrows(r, carry):
        for cc in range(D // 16):
            rows_a[r, pl.ds(cc * 16, 16)] = jnp.zeros((16,), jnp.float32)
        return carry
    lax.fori_loop(0, _CS, _zrows, 0)
    for row, sz in _acc_slices(base0, _CS):
        pltpu.sync_copy(rows_a.at[pl.ds(0, sz)], acc.at[pl.ds(row, sz)])
    plsc.subcore_barrier()

    def _sum_half(q, d0, d1, drain_first):
        c0 = (wid + q * _NW) * _CS
        c1 = (wid + (q + 1) * _NW) * _CS
        hs = (pltpu.async_copy(src_hbm.at[pl.ds(c0, _CS)], ia, lsem),
              pltpu.async_copy(dst_hbm.at[pl.ds(c0, _CS)], d0, lsem),
              pltpu.async_copy(src_hbm.at[pl.ds(c1, _CS)], ib, lsem),
              pltpu.async_copy(dst_hbm.at[pl.ds(c1, _CS)], d1, lsem))
        for h in hs:
            h.wait()
        if drain_first:
            _drain(1)
        gh0 = pltpu.async_copy(nh_hbm.at[ia], rows_a, ga)
        if drain_first:
            pltpu.make_async_copy(nh_hbm.at[pl.ds(0, _CS)], rows_b, ssb).wait()
        gh1 = pltpu.async_copy(nh_hbm.at[ib], rows_b, gb)
        gh0.wait()
        pltpu.async_copy(rows_a, acc.at[d0], ssem, add=True)
        gh1.wait()
        pltpu.async_copy(rows_b, acc.at[d1], ssb, add=True)

    def _sum_super(k, drain_first):
        _sum_half(4 * k, da, db, drain_first)
        _sum_half(4 * k + 2, dc, dd, True)

    _sum_super(0, False)

    def _sum_body(k, carry):
        _sum_super(k, True)
        return carry
    lax.fori_loop(1, _BODIES_S // 2, _sum_body, 0)
    _drain(1)
    pltpu.make_async_copy(nh_hbm.at[pl.ds(0, _CS)], rows_b, ssb).wait()

    @pl.when(wid < _EXTRA_S)
    def _():
        base = (_ITERS_S * _NW + wid) * _CS
        pltpu.sync_copy(src_hbm.at[pl.ds(base, _CS)], ia)
        pltpu.sync_copy(dst_hbm.at[pl.ds(base, _CS)], da)
        pltpu.async_copy(nh_hbm.at[ia], rows_a, ga).wait()
        pltpu.sync_copy(rows_a, acc.at[da], add=True)

    plsc.subcore_barrier()
    _writeout(sums_out)


@jax.jit
def _sc_scatter(nh, src, dst):
    mesh = plsc.VectorSubcoreMesh(core_axis_name="c", subcore_axis_name="s")
    return pl.kernel(
        _sc_body,
        out_type=(
            jax.ShapeDtypeStruct((_NC, _NP, D), jnp.float32),
            jax.ShapeDtypeStruct((_NC, _NP, D), jnp.float32),
        ),
        mesh=mesh,
        scratch_types=[
            pltpu.VMEM((_CS,), jnp.int32),
            pltpu.VMEM((_CS,), jnp.int32),
            pltpu.VMEM((_CS,), jnp.int32),
            pltpu.VMEM((_CS,), jnp.int32),
            pltpu.VMEM((_CS,), jnp.int32),
            pltpu.VMEM((_CS,), jnp.int32),
            pltpu.VMEM((_CS,), jnp.int32),
            pltpu.VMEM((_CS,), jnp.int32),
            pltpu.VMEM((_CS, D), jnp.float32),
            pltpu.VMEM((_CS, D), jnp.float32),
            pltpu.VMEM_SHARED((_NP, D), jnp.float32),
            pltpu.SemaphoreType.DMA,
            pltpu.SemaphoreType.DMA,
            pltpu.SemaphoreType.DMA,
            pltpu.SemaphoreType.DMA,
            pltpu.SemaphoreType.DMA,
        ],
    )(nh, src, dst)


def _mlp_body(sums_ref, cnt_ref, nh_ref, w1a_ref, w1b_ref, b1_ref,
              w2_ref, b2_ref, out_ref):
    s = sums_ref[0] + sums_ref[1]
    c = cnt_ref[0] + cnt_ref[1]
    cnt = jnp.maximum(c[:, 0:1], 1.0)
    agg = s / cnt
    x = jnp.dot(nh_ref[...], w1a_ref[...], preferred_element_type=jnp.float32)
    x = x + jnp.dot(agg, w1b_ref[...], preferred_element_type=jnp.float32)
    h = jnp.maximum(x + b1_ref[...], 0.0)
    out_ref[...] = (jnp.dot(h, w2_ref[...], preferred_element_type=jnp.float32)
                    + b2_ref[...])


_BLK = 1000


@jax.jit
def _mlp(sums, cnts, nh, w1a, w1b, b1, w2, b2):
    grid = (N // _BLK,)
    return pl.pallas_call(
        _mlp_body,
        grid=grid,
        in_specs=[
            pl.BlockSpec((_NC, _BLK, D), lambda i: (0, i, 0)),
            pl.BlockSpec((_NC, _BLK, D), lambda i: (0, i, 0)),
            pl.BlockSpec((_BLK, D), lambda i: (i, 0)),
            pl.BlockSpec((D, D), lambda i: (0, 0)),
            pl.BlockSpec((D, D), lambda i: (0, 0)),
            pl.BlockSpec((1, D), lambda i: (0, 0)),
            pl.BlockSpec((D, D), lambda i: (0, 0)),
            pl.BlockSpec((1, D), lambda i: (0, 0)),
        ],
        out_specs=pl.BlockSpec((_BLK, D), lambda i: (i, 0)),
        out_shape=jax.ShapeDtypeStruct((N, D), jnp.float32),
    )(sums, cnts, nh, w1a, w1b, b1, w2, b2)


def kernel(nh, eh, edge_index, W1, b1, W2, b2):
    src = edge_index[0]
    dst = edge_index[1]
    sums, cnts = _sc_scatter(nh, src, dst)
    n_h = _mlp(sums, cnts, nh, W1[:D], W1[D:], b1.reshape(1, D),
               W2, b2.reshape(1, D))
    return (n_h, eh)

# --- scband reference (transcript-rebuilt; emitter-appended) ---
"""Pipeline reference for scband-graph-sagelayer-6665789243398 (READ-ONLY COPY).

The authoritative reference and input builder live on the scoring server;
editing this copy changes nothing except your own understanding.
"""

import jax, jax.numpy as jnp
import numpy as np

N = 10000
E = 320000
D = 128
DE = 16
H = 128
O = 128


def setup_inputs(seed: int = 0) -> dict:
    key = jax.random.key(seed)
    ks = jax.random.split(key, 8)
    nh = jax.random.normal(ks[0], (N, D), dtype=jnp.float32)
    eh = jax.random.normal(ks[1], (E, DE), dtype=jnp.float32)
    edge_index = jax.random.randint(ks[2], (2, E), 0, N, dtype=jnp.int32)
    # MLP params for build_layer(input_dim*2 -> hidden -> output), layer_num=2
    W1 = jax.random.normal(ks[3], (2 * D, H), dtype=jnp.float32) * (1.0 / np.sqrt(2 * D))
    b1 = jnp.zeros((H,), dtype=jnp.float32)
    W2 = jax.random.normal(ks[4], (H, O), dtype=jnp.float32) * (1.0 / np.sqrt(H))
    b2 = jnp.zeros((O,), dtype=jnp.float32)
    return {"nh": nh, "eh": eh, "edge_index": edge_index, "W1": W1, "b1": b1, "W2": W2, "b2": b2}


def reference(nh, eh, edge_index, W1, b1, W2, b2):
    src, dst = edge_index[0], edge_index[1]
    # message: gather source node features along edges
    msg = jnp.take(nh, src, axis=0)
    # scatter_mean over destination nodes
    s = jax.ops.segment_sum(msg, dst, num_segments=nh.shape[0])
    cnt = jax.ops.segment_sum(jnp.ones((msg.shape[0],), dtype=msg.dtype), dst, num_segments=nh.shape[0])
    agg = s / jnp.maximum(cnt, 1.0)[:, None]
    n_h = jnp.concatenate([nh, agg], axis=-1)
    # nf_lin MLP: Linear(2D->H) + relu + Linear(H->O); dropout=0.0 is identity
    n_h = jax.nn.relu(n_h @ W1 + b1)
    n_h = n_h @ W2 + b2
    e_h = eh
    return (n_h, e_h)

if __name__ == "__main__":
    import jax
    _d = setup_inputs()
    print(jax.jit(kernel)(*tuple(_d.values())))

</pallas_src>

<mosaic_0001>
#map = affine_map<(d0, d1) -> (0, 0)>
#map1 = affine_map<(d0, d1) -> (0)>
#map2 = affine_map<(d0, d1) -> (0, 0, 0)>
module attributes {stable_mosaic.version = 14 : i64} {
  func.func @_sc_body(%arg0: i32, %arg1: i32, %arg2: memref<10000x128xf32, #tpu.memory_space<hbm>>, %arg3: memref<320000xi32, #tpu.memory_space<hbm>>, %arg4: memref<320000xi32, #tpu.memory_space<hbm>>, %arg5: memref<2x10112x128xf32, #tpu.memory_space<hbm>>, %arg6: memref<2x10112x128xf32, #tpu.memory_space<hbm>>, %arg7: memref<64xi32, #tpu.memory_space<vmem>>, %arg8: memref<64xi32, #tpu.memory_space<vmem>>, %arg9: memref<64xi32, #tpu.memory_space<vmem>>, %arg10: memref<64xi32, #tpu.memory_space<vmem>>, %arg11: memref<64xi32, #tpu.memory_space<vmem>>, %arg12: memref<64xi32, #tpu.memory_space<vmem>>, %arg13: memref<64xi32, #tpu.memory_space<vmem>>, %arg14: memref<64xi32, #tpu.memory_space<vmem>>, %arg15: memref<64x128xf32, #tpu.memory_space<vmem>>, %arg16: memref<64x128xf32, #tpu.memory_space<vmem>>, %arg17: memref<10112x128xf32, #tpu.memory_space<vmem_shared>>, %arg18: memref<!tpu.dma_semaphore, #tpu.memory_space<semaphore_mem>>, %arg19: memref<!tpu.dma_semaphore, #tpu.memory_space<semaphore_mem>>, %arg20: memref<!tpu.dma_semaphore, #tpu.memory_space<semaphore_mem>>, %arg21: memref<!tpu.dma_semaphore, #tpu.memory_space<semaphore_mem>>, %arg22: memref<!tpu.dma_semaphore, #tpu.memory_space<semaphore_mem>>) attributes {dimension_semantics = [#tpu.dimension_semantics<core_parallel>, #tpu.dimension_semantics<subcore_parallel>], iteration_bounds = array<i64: 2, 16>, scalar_prefetch = 0 : i64, scratch_operands = 16 : i64, tpu.core_type = #tpu.core_type<sc_vector_subcore>, window_params = [{transform_indices = #map}, {transform_indices = #map1}, {transform_indices = #map1}, {transform_indices = #map2}, {transform_indices = #map2}]} {
    %mul3A = arith.constant 16 : i32
    %mul3A_0 = arith.muli %arg0, %mul3A : i32
    %add3A = arith.addi %mul3A_0, %arg1 : i32
    %mul3A_1 = arith.constant 632 : i32
    %mul3A_2 = arith.muli %arg1, %mul3A_1 : i32
    %broadcast_in_dim3A = arith.constant 0.000000e+00 : f32
    %broadcast_in_dim3A_3 = vector.broadcast %broadcast_in_dim3A : f32 to vector<16xf32>
    %scan3A = arith.constant 0 : i32
    %scan3A_4 = arith.constant 0 : i32
    %scan3A_5 = arith.constant 64 : i32
    %scan3A_6 = arith.addi %scan3A_4, %scan3A_5 : i32
    %scan3A_7 = arith.constant 1 : i32
    scf.for %scan3A_1176 = %scan3A_4 to %scan3A_6 step %scan3A_7  : i32 {
      %swap3A = arith.index_cast %scan3A_1176 : i32 to index
      %swap3A_1177 = arith.constant 0 : index
      %swap3A_1178 = tpu.vector_load %arg15[%swap3A, %swap3A_1177] {strides = array<i32>} : memref<64x128xf32, #tpu.memory_space<vmem>>, vector<1x16xf32>,
      %swap3A_1179 = vector.shape_cast %swap3A_1178 : vector<1x16xf32> to vector<16xf32>
      %swap3A_1180 = vector.shape_cast %broadcast_in_dim3A_3 : vector<16xf32> to vector<1x16xf32>
      tpu.vector_store %arg15[%swap3A, %swap3A_1177], %swap3A_1180 {strides = array<i32>} : memref<64x128xf32, #tpu.memory_space<vmem>>, vector<1x16xf32>,
      %swap3A_1181 = arith.index_cast %scan3A_1176 : i32 to index
      %swap3A_1182 = arith.constant 0 : index
      %swap3A_1183 = tpu.vector_load %arg16[%swap3A_1181, %swap3A_1182] {strides = array<i32>} : memref<64x128xf32, #tpu.memory_space<vmem>>, vector<1x16xf32>,
      %swap3A_1184 = vector.shape_cast %swap3A_1183 : vector<1x16xf32> to vector<16xf32>
      %swap3A_1185 = vector.shape_cast %broadcast_in_dim3A_3 : vector<16xf32> to vector<1x16xf32>
      tpu.vector_store %arg16[%swap3A_1181, %swap3A_1182], %swap3A_1185 {strides = array<i32>} : memref<64x128xf32, #tpu.memory_space<vmem>>, vector<1x16xf32>,
      %swap3A_1186 = arith.index_cast %scan3A_1176 : i32 to index
      %swap3A_1187 = arith.constant 16 : index
      %swap3A_1188 = tpu.vector_load %arg15[%swap3A_1186, %swap3A_1187] {strides = array<i32>} : memref<64x128xf32, #tpu.memory_space<vmem>>, vector<1x16xf32>,
      %swap3A_1189 = vector.shape_cast %swap3A_1188 : vector<1x16xf32> to vector<16xf32>
      %swap3A_1190 = vector.shape_cast %broadcast_in_dim3A_3 : vector<16xf32> to vector<1x16xf32>
      tpu.vector_store %arg15[%swap3A_1186, %swap3A_1187], %swap3A_1190 {strides = array<i32>} : memref<64x128xf32, #tpu.memory_space<vmem>>, vector<1x16xf32>,
      %swap3A_1191 = arith.index_cast %scan3A_1176 : i32 to index
      %swap3A_1192 = arith.constant 16 : index
      %swap3A_1193 = tpu.vector_load %arg16[%swap3A_1191, %swap3A_1192] {strides = array<i32>} : memref<64x128xf32, #tpu.memory_space<vmem>>, vector<1x16xf32>,
      %swap3A_1194 = vector.shape_cast %swap3A_1193 : vector<1x16xf32> to vector<16xf32>
      %swap3A_1195 = vector.shape_cast %broadcast_in_dim3A_3 : vector<16xf32> to vector<1x16xf32>
      tpu.vector_store %arg16[%swap3A_1191, %swap3A_1192], %swap3A_1195 {strides = array<i32>} : memref<64x128xf32, #tpu.memory_space<vmem>>, vector<1x16xf32>,
      %swap3A_1196 = arith.index_cast %scan3A_1176 : i32 to index
      %swap3A_1197 = arith.constant 32 : index
      %swap3A_1198 = tpu.vector_load %arg15[%swap3A_1196, %swap3A_1197] {strides = array<i32>} : memref<64x128xf32, #tpu.memory_space<vmem>>, vector<1x16xf32>,
      %swap3A_1199 = vector.shape_cast %swap3A_1198 : vector<1x16xf32> to vector<16xf32>
      %swap3A_1200 = vector.shape_cast %broadcast_in_dim3A_3 : vector<16xf32> to vector<1x16xf32>
      tpu.vector_store %arg15[%swap3A_1196, %swap3A_1197], %swap3A_1200 {strides = array<i32>} : memref<64x128xf32, #tpu.memory_space<vmem>>, vector<1x16xf32>,
      %swap3A_1201 = arith.index_cast %scan3A_1176 : i32 to index
      %swap3A_1202 = arith.constant 32 : index
      %swap3A_1203 = tpu.vector_load %arg16[%swap3A_1201, %swap3A_1202] {strides = array<i32>} : memref<64x128xf32, #tpu.memory_space<vmem>>, vector<1x16xf32>,
      %swap3A_1204 = vector.shape_cast %swap3A_1203 : vector<1x16xf32> to vector<16xf32>
      %swap3A_1205 = vector.shape_cast %broadcast_in_dim3A_3 : vector<16xf32> to vector<1x16xf32>
      tpu.vector_store %arg16[%swap3A_1201, %swap3A_1202], %swap3A_1205 {strides = array<i32>} : memref<64x128xf32, #tpu.memory_space<vmem>>, vector<1x16xf32>,
      %swap3A_1206 = arith.index_cast %scan3A_1176 : i32 to index
      %swap3A_1207 = arith.constant 48 : index
      %swap3A_1208 = tpu.vector_load %arg15[%swap3A_1206, %swap3A_1207] {strides = array<i32>} : memref<64x128xf32, #tpu.memory_space<vmem>>, vector<1x16xf32>,
      %swap3A_1209 = vector.shape_cast %swap3A_1208 : vector<1x16xf32> to vector<16xf32>
      %swap3A_1210 = vector.shape_cast %broadcast_in_dim3A_3 : vector<16xf32> to vector<1x16xf32>
      tpu.vector_store %arg15[%swap3A_1206, %swap3A_1207], %swap3A_1210 {strides = array<i32>} : memref<64x128xf32, #tpu.memory_space<vmem>>, vector<1x16xf32>,
      %swap3A_1211 = arith.index_cast %scan3A_1176 : i32 to index
      %swap3A_1212 = arith.constant 48 : index
      %swap3A_1213 = tpu.vector_load %arg16[%swap3A_1211, %swap3A_1212] {strides = array<i32>} : memref<64x128xf32, #tpu.memory_space<vmem>>, vector<1x16xf32>,
      %swap3A_1214 = vector.shape_cast %swap3A_1213 : vector<1x16xf32> to vector<16xf32>
      %swap3A_1215 = vector.shape_cast %broadcast_in_dim3A_3 : vector<16xf32> to vector<1x16xf32>
      tpu.vector_store %arg16[%swap3A_1211, %swap3A_1212], %swap3A_1215 {strides = array<i32>} : memref<64x128xf32, #tpu.memory_space<vmem>>, vector<1x16xf32>,
      %swap3A_1216 = arith.index_cast %scan3A_1176 : i32 to index
      %swap3A_1217 = arith.constant 64 : index
      %swap3A_1218 = tpu.vector_load %arg15[%swap3A_1216, %swap3A_1217] {strides = array<i32>} : memref<64x128xf32, #tpu.memory_space<vmem>>, vector<1x16xf32>,
      %swap3A_1219 = vector.shape_cast %swap3A_1218 : vector<1x16xf32> to vector<16xf32>
      %swap3A_1220 = vector.shape_cast %broadcast_in_dim3A_3 : vector<16xf32> to vector<1x16xf32>
      tpu.vector_store %arg15[%swap3A_1216, %swap3A_1217], %swap3A_1220 {strides = array<i32>} : memref<64x128xf32, #tpu.memory_space<vmem>>, vector<1x16xf32>,
      %swap3A_1221 = arith.index_cast %scan3A_1176 : i32 to index
      %swap3A_1222 = arith.constant 64 : index
      %swap3A_1223 = tpu.vector_load %arg16[%swap3A_1221, %swap3A_1222] {strides = array<i32>} : memref<64x128xf32, #tpu.memory_space<vmem>>, vector<1x16xf32>,
      %swap3A_1224 = vector.shape_cast %swap3A_1223 : vector<1x16xf32> to vector<16xf32>
      %swap3A_1225 = vector.shape_cast %broadcast_in_dim3A_3 : vector<16xf32> to vector<1x16xf32>
      tpu.vector_store %arg16[%swap3A_1221, %swap3A_1222], %swap3A_1225 {strides = array<i32>} : memref<64x128xf32, #tpu.memory_space<vmem>>, vector<1x16xf32>,
      %swap3A_1226 = arith.index_cast %scan3A_1176 : i32 to index
      %swap3A_1227 = arith.constant 80 : index
      %swap3A_1228 = tpu.vector_load %arg15[%swap3A_1226, %swap3A_1227] {strides = array<i32>} : memref<64x128xf32, #tpu.memory_space<vmem>>, vector<1x16xf32>,
      %swap3A_1229 = vector.shape_cast %swap3A_1228 : vector<1x16xf32> to vector<16xf32>
      %swap3A_1230 = vector.shape_cast %broadcast_in_dim3A_3 : vector<16xf32> to vector<1x16xf32>
      tpu.vector_store %arg15[%swap3A_1226, %swap3A_1227], %swap3A_1230 {strides = array<i32>} : memref<64x128xf32, #tpu.memory_space<vmem>>, vector<1x16xf32>,
      %swap3A_1231 = arith.index_cast %scan3A_1176 : i32 to index
      %swap3A_1232 = arith.constant 80 : index
      %swap3A_1233 = tpu.vector_load %arg16[%swap3A_1231, %swap3A_1232] {strides = array<i32>} : memref<64x128xf32, #tpu.memory_space<vmem>>, vector<1x16xf32>,
      %swap3A_1234 = vector.shape_cast %swap3A_1233 : vector<1x16xf32> to vector<16xf32>
      %swap3A_1235 = vector.shape_cast %broadcast_in_dim3A_3 : vector<16xf32> to vector<1x16xf32>
      tpu.vector_store %arg16[%swap3A_1231, %swap3A_1232], %swap3A_1235 {strides = array<i32>} : memref<64x128xf32, #tpu.memory_space<vmem>>, vector<1x16xf32>,
      %swap3A_1236 = arith.index_cast %scan3A_1176 : i32 to index
      %swap3A_1237 = arith.constant 96 : index
      %swap3A_1238 = tpu.vector_load %arg15[%swap3A_1236, %swap3A_1237] {strides = array<i32>} : memref<64x128xf32, #tpu.memory_space<vmem>>, vector<1x16xf32>,
      %swap3A_1239 = vector.shape_cast %swap3A_1238 : vector<1x16xf32> to vector<16xf32>
      %swap3A_1240 = vector.shape_cast %broadcast_in_dim3A_3 : vector<16xf32> to vector<1x16xf32>
      tpu.vector_store %arg15[%swap3A_1236, %swap3A_1237], %swap3A_1240 {strides = array<i32>} : memref<64x128xf32, #tpu.memory_space<vmem>>, vector<1x16xf32>,
      %swap3A_1241 = arith.index_cast %scan3A_1176 : i32 to index
      %swap3A_1242 = arith.constant 96 : index
      %swap3A_1243 = tpu.vector_load %arg16[%swap3A_1241, %swap3A_1242] {strides = array<i32>} : memref<64x128xf32, #tpu.memory_space<vmem>>, vector<1x16xf32>,
      %swap3A_1244 = vector.shape_cast %swap3A_1243 : vector<1x16xf32> to vector<16xf32>
      %swap3A_1245 = vector.shape_cast %broadcast_in_dim3A_3 : vector<16xf32> to vector<1x16xf32>
      tpu.vector_store %arg16[%swap3A_1241, %swap3A_1242], %swap3A_1245 {strides = array<i32>} : memref<64x128xf32, #tpu.memory_space<vmem>>, vector<1x16xf32>,
      %swap3A_1246 = arith.index_cast %scan3A_1176 : i32 to index
      %swap3A_1247 = arith.constant 112 : index
      %swap3A_1248 = tpu.vector_load %arg15[%swap3A_1246, %swap3A_1247] {strides = array<i32>} : memref<64x128xf32, #tpu.memory_space<vmem>>, vector<1x16xf32>,
      %swap3A_1249 = vector.shape_cast %swap3A_1248 : vector<1x16xf32> to vector<16xf32>
      %swap3A_1250 = vector.shape_cast %broadcast_in_dim3A_3 : vector<16xf32> to vector<1x16xf32>
      tpu.vector_store %arg15[%swap3A_1246, %swap3A_1247], %swap3A_1250 {strides = array<i32>} : memref<64x128xf32, #tpu.memory_space<vmem>>, vector<1x16xf32>,
      %swap3A_1251 = arith.index_cast %scan3A_1176 : i32 to index
      %swap3A_1252 = arith.constant 112 : index
      %swap3A_1253 = tpu.vector_load %arg16[%swap3A_1251, %swap3A_1252] {strides = array<i32>} : memref<64x128xf32, #tpu.memory_space<vmem>>, vector<1x16xf32>,
      %swap3A_1254 = vector.shape_cast %swap3A_1253 : vector<1x16xf32> to vector<16xf32>
      %swap3A_1255 = vector.shape_cast %broadcast_in_dim3A_3 : vector<16xf32> to vector<1x16xf32>
      tpu.vector_store %arg16[%swap3A_1251, %swap3A_1252], %swap3A_1255 {strides = array<i32>} : memref<64x128xf32, #tpu.memory_space<vmem>>, vector<1x16xf32>,
    }
    %scan3A_8 = arith.constant 64 : i32
    %add3A_9 = arith.constant 0 : i32
    %add3A_10 = arith.addi %mul3A_2, %add3A_9 : i32
    "tpu.region"() ({
      %run_scoped3A = tpu.sem_alloc : memref<!tpu.dma_semaphore, #tpu.memory_space<semaphore_mem>>
      %dma_start3A_1176 = arith.constant 0 : i32
      %dma_start3A_1177 = arith.constant 0 : i32
      %dma_start3A_1178 = tpu.memref_slice %arg15[%dma_start3A_1176, %dma_start3A_1177] : memref<64x128xf32, #tpu.memory_space<vmem>> -> memref<64x128xf32, #tpu.memory_space<vmem>>
      %dma_start3A_1179 = arith.constant 0 : i32
      %dma_start3A_1180 = tpu.memref_slice %arg17[%add3A_10, %dma_start3A_1179] : memref<10112x128xf32, #tpu.memory_space<vmem_shared>> -> memref<64x128xf32, #tpu.memory_space<vmem_shared>>
      %dma_start3A_1181 = arith.constant 0 : i32
      %dma_start3A_1182 = tpu.memref_slice %arg17[%add3A_10, %dma_start3A_1181] : memref<10112x128xf32, #tpu.memory_space<vmem_shared>> -> memref<64x128xf32, #tpu.memory_space<vmem_shared>>
      %dma_start3A_1183 = arith.constant 0 : i32
      %dma_start3A_1184 = arith.constant 0 : i32
      %dma_start3A_1185 = tpu.memref_slice %arg15[%dma_start3A_1183, %dma_start3A_1184] : memref<64x128xf32, #tpu.memory_space<vmem>> -> memref<64x128xf32, #tpu.memory_space<vmem>>
      tpu.enqueue_dma source(%dma_start3A_1185 : memref<64x128xf32, #tpu.memory_space<vmem>>) target(%dma_start3A_1182 : memref<64x128xf32, #tpu.memory_space<vmem_shared>>) target_semaphore(%run_scoped3A : memref<!tpu.dma_semaphore, #tpu.memory_space<semaphore_mem>>)
      %dma_wait3A_1186 = arith.constant 0 : i32
      %dma_wait3A_1187 = arith.constant 0 : i32
      %dma_wait3A_1188 = tpu.memref_slice %arg15[%dma_wait3A_1186, %dma_wait3A_1187] : memref<64x128xf32, #tpu.memory_space<vmem>> -> memref<64x128xf32, #tpu.memory_space<vmem>>
      %dma_wait3A_1189 = arith.constant 0 : i32
      %dma_wait3A_1190 = tpu.memref_slice %arg17[%add3A_10, %dma_wait3A_1189] : memref<10112x128xf32, #tpu.memory_space<vmem_shared>> -> memref<64x128xf32, #tpu.memory_space<vmem_shared>>
      %dma_wait3A_1191 = arith.constant 0 : i32
      %dma_wait3A_1192 = tpu.memref_slice %arg17[%add3A_10, %dma_wait3A_1191] : memref<10112x128xf32, #tpu.memory_space<vmem_shared>> -> memref<64x128xf32, #tpu.memory_space<vmem_shared>>
      %dma_wait3A_1193 = arith.constant 0 : i32
      %dma_wait3A_1194 = arith.constant 0 : i32
      %dma_wait3A_1195 = tpu.memref_slice %arg15[%dma_wait3A_1193, %dma_wait3A_1194] : memref<64x128xf32, #tpu.memory_space<vmem>> -> memref<64x128xf32, #tpu.memory_space<vmem>>
      tpu.wait_dma2 semaphore(%run_scoped3A : memref<!tpu.dma_semaphore, #tpu.memory_space<semaphore_mem>>) src(%dma_wait3A_1195 : memref<64x128xf32, #tpu.memory_space<vmem>>) dst(%dma_wait3A_1192 : memref<64x128xf32, #tpu.memory_space<vmem_shared>>)
      tpu.yield
    }) : () -> ()
    %add3A_11 = arith.constant 64 : i32
    %add3A_12 = arith.addi %mul3A_2, %add3A_11 : i32
    "tpu.region"() ({
      %run_scoped3A = tpu.sem_alloc : memref<!tpu.dma_semaphore, #tpu.memory_space<semaphore_mem>>
      %dma_start3A_1176 = arith.constant 0 : i32
      %dma_start3A_1177 = arith.constant 0 : i32
      %dma_start3A_1178 = tpu.memref_slice %arg15[%dma_start3A_1176, %dma_start3A_1177] : memref<64x128xf32, #tpu.memory_space<vmem>> -> memref<64x128xf32, #tpu.memory_space<vmem>>
      %dma_start3A_1179 = arith.constant 0 : i32
      %dma_start3A_1180 = tpu.memref_slice %arg17[%add3A_12, %dma_start3A_1179] : memref<10112x128xf32, #tpu.memory_space<vmem_shared>> -> memref<64x128xf32, #tpu.memory_space<vmem_shared>>
      %dma_start3A_1181 = arith.constant 0 : i32
      %dma_start3A_1182 = tpu.memref_slice %arg17[%add3A_12, %dma_start3A_1181] : memref<10112x128xf32, #tpu.memory_space<vmem_shared>> -> memref<64x128xf32, #tpu.memory_space<vmem_shared>>
      %dma_start3A_1183 = arith.constant 0 : i32
      %dma_start3A_1184 = arith.constant 0 : i32
      %dma_start3A_1185 = tpu.memref_slice %arg15[%dma_start3A_1183, %dma_start3A_1184] : memref<64x128xf32, #tpu.memory_space<vmem>> -> memref<64x128xf32, #tpu.memory_space<vmem>>
      tpu.enqueue_dma source(%dma_start3A_1185 : memref<64x128xf32, #tpu.memory_space<vmem>>) target(%dma_start3A_1182 : memref<64x128xf32, #tpu.memory_space<vmem_shared>>) target_semaphore(%run_scoped3A : memref<!tpu.dma_semaphore, #tpu.memory_space<semaphore_mem>>)
      %dma_wait3A_1186 = arith.constant 0 : i32
      %dma_wait3A_1187 = arith.constant 0 : i32
      %dma_wait3A_1188 = tpu.memref_slice %arg15[%dma_wait3A_1186, %dma_wait3A_1187] : memref<64x128xf32, #tpu.memory_space<vmem>> -> memref<64x128xf32, #tpu.memory_space<vmem>>
      %dma_wait3A_1189 = arith.constant 0 : i32
      %dma_wait3A_1190 = tpu.memref_slice %arg17[%add3A_12, %dma_wait3A_1189] : memref<10112x128xf32, #tpu.memory_space<vmem_shared>> -> memref<64x128xf32, #tpu.memory_space<vmem_shared>>
      %dma_wait3A_1191 = arith.constant 0 : i32
      %dma_wait3A_1192 = tpu.memref_slice %arg17[%add3A_12, %dma_wait3A_1191] : memref<10112x128xf32, #tpu.memory_space<vmem_shared>> -> memref<64x128xf32, #tpu.memory_space<vmem_shared>>
      %dma_wait3A_1193 = arith.constant 0 : i32
      %dma_wait3A_1194 = arith.constant 0 : i32
      %dma_wait3A_1195 = tpu.memref_slice %arg15[%dma_wait3A_1193, %dma_wait3A_1194] : memref<64x128xf32, #tpu.memory_space<vmem>> -> memref<64x128xf32, #tpu.memory_space<vmem>>
      tpu.wait_dma2 semaphore(%run_scoped3A : memref<!tpu.dma_semaphore, #tpu.memory_space<semaphore_mem>>) src(%dma_wait3A_1195 : memref<64x128xf32, #tpu.memory_space<vmem>>) dst(%dma_wait3A_1192 : memref<64x128xf32, #tpu.memory_space<vmem_shared>>)
      tpu.yield
    }) : () -> ()
    %add3A_13 = arith.constant 128 : i32
    %add3A_14 = arith.addi %mul3A_2, %add3A_13 : i32
    "tpu.region"() ({
      %run_scoped3A = tpu.sem_alloc : memref<!tpu.dma_semaphore, #tpu.memory_space<semaphore_mem>>
      %dma_start3A_1176 = arith.constant 0 : i32
      %dma_start3A_1177 = arith.constant 0 : i32
      %dma_start3A_1178 = tpu.memref_slice %arg15[%dma_start3A_1176, %dma_start3A_1177] : memref<64x128xf32, #tpu.memory_space<vmem>> -> memref<64x128xf32, #tpu.memory_space<vmem>>
      %dma_start3A_1179 = arith.constant 0 : i32
      %dma_start3A_1180 = tpu.memref_slice %arg17[%add3A_14, %dma_start3A_1179] : memref<10112x128xf32, #tpu.memory_space<vmem_shared>> -> memref<64x128xf32, #tpu.memory_space<vmem_shared>>
      %dma_start3A_1181 = arith.constant 0 : i32
      %dma_start3A_1182 = tpu.memref_slice %arg17[%add3A_14, %dma_start3A_1181] : memref<10112x128xf32, #tpu.memory_space<vmem_shared>> -> memref<64x128xf32, #tpu.memory_space<vmem_shared>>
      %dma_start3A_1183 = arith.constant 0 : i32
      %dma_start3A_1184 = arith.constant 0 : i32
      %dma_start3A_1185 = tpu.memref_slice %arg15[%dma_start3A_1183, %dma_start3A_1184] : memref<64x128xf32, #tpu.memory_space<vmem>> -> memref<64x128xf32, #tpu.memory_space<vmem>>
      tpu.enqueue_dma source(%dma_start3A_1185 : memref<64x128xf32, #tpu.memory_space<vmem>>) target(%dma_start3A_1182 : memref<64x128xf32, #tpu.memory_space<vmem_shared>>) target_semaphore(%run_scoped3A : memref<!tpu.dma_semaphore, #tpu.memory_space<semaphore_mem>>)
      %dma_wait3A_1186 = arith.constant 0 : i32
      %dma_wait3A_1187 = arith.constant 0 : i32
      %dma_wait3A_1188 = tpu.memref_slice %arg15[%dma_wait3A_1186, %dma_wait3A_1187] : memref<64x128xf32, #tpu.memory_space<vmem>> -> memref<64x128xf32, #tpu.memory_space<vmem>>
      %dma_wait3A_1189 = arith.constant 0 : i32
      %dma_wait3A_1190 = tpu.memref_slice %arg17[%add3A_14, %dma_wait3A_1189] : memref<10112x128xf32, #tpu.memory_space<vmem_shared>> -> memref<64x128xf32, #tpu.memory_space<vmem_shared>>
      %dma_wait3A_1191 = arith.constant 0 : i32
      %dma_wait3A_1192 = tpu.memref_slice %arg17[%add3A_14, %dma_wait3A_1191] : memref<10112x128xf32, #tpu.memory_space<vmem_shared>> -> memref<64x128xf32, #tpu.memory_space<vmem_shared>>
      %dma_wait3A_1193 = arith.constant 0 : i32
      %dma_wait3A_1194 = arith.constant 0 : i32
      %dma_wait3A_1195 = tpu.memref_slice %arg15[%dma_wait3A_1193, %dma_wait3A_1194] : memref<64x128xf32, #tpu.memory_space<vmem>> -> memref<64x128xf32, #tpu.memory_space<vmem>>
      tpu.wait_dma2 semaphore(%run_scoped3A : memref<!tpu.dma_semaphore, #tpu.memory_space<semaphore_mem>>) src(%dma_wait3A_1195 : memref<64x128xf32, #tpu.memory_space<vmem>>) dst(%dma_wait3A_1192 : memref<64x128xf32, #tpu.memory_space<vmem_shared>>)
      tpu.yield
    }) : () -> ()
    %add3A_15 = arith.constant 192 : i32
    %add3A_16 = arith.addi %mul3A_2, %add3A_15 : i32
    "tpu.region"() ({
      %run_scoped3A = tpu.sem_alloc : memref<!tpu.dma_semaphore, #tpu.memory_space<semaphore_mem>>
      %dma_start3A_1176 = arith.constant 0 : i32
      %dma_start3A_1177 = arith.constant 0 : i32
      %dma_start3A_1178 = tpu.memref_slice %arg15[%dma_start3A_1176, %dma_start3A_1177] : memref<64x128xf32, #tpu.memory_space<vmem>> -> memref<64x128xf32, #tpu.memory_space<vmem>>
      %dma_start3A_1179 = arith.constant 0 : i32
      %dma_start3A_1180 = tpu.memref_slice %arg17[%add3A_16, %dma_start3A_1179] : memref<10112x128xf32, #tpu.memory_space<vmem_shared>> -> memref<64x128xf32, #tpu.memory_space<vmem_shared>>
      %dma_start3A_1181 = arith.constant 0 : i32
      %dma_start3A_1182 = tpu.memref_slice %arg17[%add3A_16, %dma_start3A_1181] : memref<10112x128xf32, #tpu.memory_space<vmem_shared>> -> memref<64x128xf32, #tpu.memory_space<vmem_shared>>
      %dma_start3A_1183 = arith.constant 0 : i32
      %dma_start3A_1184 = arith.constant 0 : i32
      %dma_start3A_1185 = tpu.memref_slice %arg15[%dma_start3A_1183, %dma_start3A_1184] : memref<64x128xf32, #tpu.memory_space<vmem>> -> memref<64x128xf32, #tpu.memory_space<vmem>>
      tpu.enqueue_dma source(%dma_start3A_1185 : memref<64x128xf32, #tpu.memory_space<vmem>>) target(%dma_start3A_1182 : memref<64x128xf32, #tpu.memory_space<vmem_shared>>) target_semaphore(%run_scoped3A : memref<!tpu.dma_semaphore, #tpu.memory_space<semaphore_mem>>)
      %dma_wait3A_1186 = arith.constant 0 : i32
      %dma_wait3A_1187 = arith.constant 0 : i32
      %dma_wait3A_1188 = tpu.memref_slice %arg15[%dma_wait3A_1186, %dma_wait3A_1187] : memref<64x128xf32, #tpu.memory_space<vmem>> -> memref<64x128xf32, #tpu.memory_space<vmem>>
      %dma_wait3A_1189 = arith.constant 0 : i32
      %dma_wait3A_1190 = tpu.memref_slice %arg17[%add3A_16, %dma_wait3A_1189] : memref<10112x128xf32, #tpu.memory_space<vmem_shared>> -> memref<64x128xf32, #tpu.memory_space<vmem_shared>>
      %dma_wait3A_1191 = arith.constant 0 : i32
      %dma_wait3A_1192 = tpu.memref_slice %arg17[%add3A_16, %dma_wait3A_1191] : memref<10112x128xf32, #tpu.memory_space<vmem_shared>> -> memref<64x128xf32, #tpu.memory_space<vmem_shared>>
      %dma_wait3A_1193 = arith.constant 0 : i32
      %dma_wait3A_1194 = arith.constant 0 : i32
      %dma_wait3A_1195 = tpu.memref_slice %arg15[%dma_wait3A_1193, %dma_wait3A_1194] : memref<64x128xf32, #tpu.memory_space<vmem>> -> memref<64x128xf32, #tpu.memory_space<vmem>>
      tpu.wait_dma2 semaphore(%run_scoped3A : memref<!tpu.dma_semaphore, #tpu.memory_space<semaphore_mem>>) src(%dma_wait3A_1195 : memref<64x128xf32, #tpu.memory_space<vmem>>) dst(%dma_wait3A_1192 : memref<64x128xf32, #tpu.memory_space<vmem_shared>>)
      tpu.yield
    }) : () -> ()
    %add3A_17 = arith.constant 256 : i32
    %add3A_18 = arith.addi %mul3A_2, %add3A_17 : i32
    "tpu.region"() ({
      %run_scoped3A = tpu.sem_alloc : memref<!tpu.dma_semaphore, #tpu.memory_space<semaphore_mem>>
      %dma_start3A_1176 = arith.constant 0 : i32
      %dma_start3A_1177 = arith.constant 0 : i32
      %dma_start3A_1178 = tpu.memref_slice %arg15[%dma_start3A_1176, %dma_start3A_1177] : memref<64x128xf32, #tpu.memory_space<vmem>> -> memref<64x128xf32, #tpu.memory_space<vmem>>
      %dma_start3A_1179 = arith.constant 0 : i32
      %dma_start3A_1180 = tpu.memref_slice %arg17[%add3A_18, %dma_start3A_1179] : memref<10112x128xf32, #tpu.memory_space<vmem_shared>> -> memref<64x128xf32, #tpu.memory_space<vmem_shared>>
      %dma_start3A_1181 = arith.constant 0 : i32
      %dma_start3A_1182 = tpu.memref_slice %arg17[%add3A_18, %dma_start3A_1181] : memref<10112x128xf32, #tpu.memory_space<vmem_shared>> -> memref<64x128xf32, #tpu.memory_space<vmem_shared>>
      %dma_start3A_1183 = arith.constant 0 : i32
      %dma_start3A_1184 = arith.constant 0 : i32
      %dma_start3A_1185 = tpu.memref_slice %arg15[%dma_start3A_1183, %dma_start3A_1184] : memref<64x128xf32, #tpu.memory_space<vmem>> -> memref<64x128xf32, #tpu.memory_space<vmem>>
      tpu.enqueue_dma source(%dma_start3A_1185 : memref<64x128xf32, #tpu.memory_space<vmem>>) target(%dma_start3A_1182 : memref<64x128xf32, #tpu.memory_space<vmem_shared>>) target_semaphore(%run_scoped3A : memref<!tpu.dma_semaphore, #tpu.memory_space<semaphore_mem>>)
      %dma_wait3A_1186 = arith.constant 0 : i32
      %dma_wait3A_1187 = arith.constant 0 : i32
      %dma_wait3A_1188 = tpu.memref_slice %arg15[%dma_wait3A_1186, %dma_wait3A_1187] : memref<64x128xf32, #tpu.memory_space<vmem>> -> memref<64x128xf32, #tpu.memory_space<vmem>>
      %dma_wait3A_1189 = arith.constant 0 : i32
      %dma_wait3A_1190 = tpu.memref_slice %arg17[%add3A_18, %dma_wait3A_1189] : memref<10112x128xf32, #tpu.memory_space<vmem_shared>> -> memref<64x128xf32, #tpu.memory_space<vmem_shared>>
      %dma_wait3A_1191 = arith.constant 0 : i32
      %dma_wait3A_1192 = tpu.memref_slice %arg17[%add3A_18, %dma_wait3A_1191] : memref<10112x128xf32, #tpu.memory_space<vmem_shared>> -> memref<64x128xf32, #tpu.memory_space<vmem_shared>>
      %dma_wait3A_1193 = arith.constant 0 : i32
      %dma_wait3A_1194 = arith.constant 0 : i32
      %dma_wait3A_1195 = tpu.memref_slice %arg15[%dma_wait3A_1193, %dma_wait3A_1194] : memref<64x128xf32, #tpu.memory_space<vmem>> -> memref<64x128xf32, #tpu.memory_space<vmem>>
      tpu.wait_dma2 semaphore(%run_scoped3A : memref<!tpu.dma_semaphore, #tpu.memory_space<semaphore_mem>>) src(%dma_wait3A_1195 : memref<64x128xf32, #tpu.memory_space<vmem>>) dst(%dma_wait3A_1192 : memref<64x128xf32, #tpu.memory_space<vmem_shared>>)
      tpu.yield
    }) : () -> ()
    %add3A_19 = arith.constant 320 : i32
    %add3A_20 = arith.addi %mul3A_2, %add3A_19 : i32
    "tpu.region"() ({
      %run_scoped3A = tpu.sem_alloc : memref<!tpu.dma_semaphore, #tpu.memory_space<semaphore_mem>>
      %dma_start3A_1176 = arith.constant 0 : i32
      %dma_start3A_1177 = arith.constant 0 : i32
      %dma_start3A_1178 = tpu.memref_slice %arg15[%dma_start3A_1176, %dma_start3A_1177] : memref<64x128xf32, #tpu.memory_space<vmem>> -> memref<64x128xf32, #tpu.memory_space<vmem>>
      %dma_start3A_1179 = arith.constant 0 : i32
      %dma_start3A_1180 = tpu.memref_slice %arg17[%add3A_20, %dma_start3A_1179] : memref<10112x128xf32, #tpu.memory_space<vmem_shared>> -> memref<64x128xf32, #tpu.memory_space<vmem_shared>>
      %dma_start3A_1181 = arith.constant 0 : i32
      %dma_start3A_1182 = tpu.memref_slice %arg17[%add3A_20, %dma_start3A_1181] : memref<10112x128xf32, #tpu.memory_space<vmem_shared>> -> memref<64x128xf32, #tpu.memory_space<vmem_shared>>
      %dma_start3A_1183 = arith.constant 0 : i32
      %dma_start3A_1184 = arith.constant 0 : i32
      %dma_start3A_1185 = tpu.memref_slice %arg15[%dma_start3A_1183, %dma_start3A_1184] : memref<64x128xf32, #tpu.memory_space<vmem>> -> memref<64x128xf32, #tpu.memory_space<vmem>>
      tpu.enqueue_dma source(%dma_start3A_1185 : memref<64x128xf32, #tpu.memory_space<vmem>>) target(%dma_start3A_1182 : memref<64x128xf32, #tpu.memory_space<vmem_shared>>) target_semaphore(%run_scoped3A : memref<!tpu.dma_semaphore, #tpu.memory_space<semaphore_mem>>)
      %dma_wait3A_1186 = arith.constant 0 : i32
      %dma_wait3A_1187 = arith.constant 0 : i32
      %dma_wait3A_1188 = tpu.memref_slice %arg15[%dma_wait3A_1186, %dma_wait3A_1187] : memref<64x128xf32, #tpu.memory_space<vmem>> -> memref<64x128xf32, #tpu.memory_space<vmem>>
      %dma_wait3A_1189 = arith.constant 0 : i32
      %dma_wait3A_1190 = tpu.memref_slice %arg17[%add3A_20, %dma_wait3A_1189] : memref<10112x128xf32, #tpu.memory_space<vmem_shared>> -> memref<64x128xf32, #tpu.memory_space<vmem_shared>>
      %dma_wait3A_1191 = arith.constant 0 : i32
      %dma_wait3A_1192 = tpu.memref_slice %arg17[%add3A_20, %dma_wait3A_1191] : memref<10112x128xf32, #tpu.memory_space<vmem_shared>> -> memref<64x128xf32, #tpu.memory_space<vmem_shared>>
      %dma_wait3A_1193 = arith.constant 0 : i32
      %dma_wait3A_1194 = arith.constant 0 : i32
      %dma_wait3A_1195 = tpu.memref_slice %arg15[%dma_wait3A_1193, %dma_wait3A_1194] : memref<64x128xf32, #tpu.memory_space<vmem>> -> memref<64x128xf32, #tpu.memory_space<vmem>>
      tpu.wait_dma2 semaphore(%run_scoped3A : memref<!tpu.dma_semaphore, #tpu.memory_space<semaphore_mem>>) src(%dma_wait3A_1195 : memref<64x128xf32, #tpu.memory_space<vmem>>) dst(%dma_wait3A_1192 : memref<64x128xf32, #tpu.memory_space<vmem_shared>>)
      tpu.yield
    }) : () -> ()
    %add3A_21 = arith.constant 384 : i32
    %add3A_22 = arith.addi %mul3A_2, %add3A_21 : i32
    "tpu.region"() ({
      %run_scoped3A = tpu.sem_alloc : memref<!tpu.dma_semaphore, #tpu.memory_space<semaphore_mem>>
      %dma_start3A_1176 = arith.constant 0 : i32
      %dma_start3A_1177 = arith.constant 0 : i32
      %dma_start3A_1178 = tpu.memref_slice %arg15[%dma_start3A_1176, %dma_start3A_1177] : memref<64x128xf32, #tpu.memory_space<vmem>> -> memref<64x128xf32, #tpu.memory_space<vmem>>
      %dma_start3A_1179 = arith.constant 0 : i32
      %dma_start3A_1180 = tpu.memref_slice %arg17[%add3A_22, %dma_start3A_1179] : memref<10112x128xf32, #tpu.memory_space<vmem_shared>> -> memref<64x128xf32, #tpu.memory_space<vmem_shared>>
      %dma_start3A_1181 = arith.constant 0 : i32
      %dma_start3A_1182 = tpu.memref_slice %arg17[%add3A_22, %dma_start3A_1181] : memref<10112x128xf32, #tpu.memory_space<vmem_shared>> -> memref<64x128xf32, #tpu.memory_space<vmem_shared>>
      %dma_start3A_1183 = arith.constant 0 : i32
      %dma_start3A_1184 = arith.constant 0 : i32
      %dma_start3A_1185 = tpu.memref_slice %arg15[%dma_start3A_1183, %dma_start3A_1184] : memref<64x128xf32, #tpu.memory_space<vmem>> -> memref<64x128xf32, #tpu.memory_space<vmem>>
      tpu.enqueue_dma source(%dma_start3A_1185 : memref<64x128xf32, #tpu.memory_space<vmem>>) target(%dma_start3A_1182 : memref<64x128xf32, #tpu.memory_space<vmem_shared>>) target_semaphore(%run_scoped3A : memref<!tpu.dma_semaphore, #tpu.memory_space<semaphore_mem>>)
      %dma_wait3A_1186 = arith.constant 0 : i32
      %dma_wait3A_1187 = arith.constant 0 : i32
      %dma_wait3A_1188 = tpu.memref_slice %arg15[%dma_wait3A_1186, %dma_wait3A_1187] : memref<64x128xf32, #tpu.memory_space<vmem>> -> memref<64x128xf32, #tpu.memory_space<vmem>>
      %dma_wait3A_1189 = arith.constant 0 : i32
      %dma_wait3A_1190 = tpu.memref_slice %arg17[%add3A_22, %dma_wait3A_1189] : memref<10112x128xf32, #tpu.memory_space<vmem_shared>> -> memref<64x128xf32, #tpu.memory_space<vmem_shared>>
      %dma_wait3A_1191 = arith.constant 0 : i32
      %dma_wait3A_1192 = tpu.memref_slice %arg17[%add3A_22, %dma_wait3A_1191] : memref<10112x128xf32, #tpu.memory_space<vmem_shared>> -> memref<64x128xf32, #tpu.memory_space<vmem_shared>>
      %dma_wait3A_1193 = arith.constant 0 : i32
      %dma_wait3A_1194 = arith.constant 0 : i32
      %dma_wait3A_1195 = tpu.memref_slice %arg15[%dma_wait3A_1193, %dma_wait3A_1194] : memref<64x128xf32, #tpu.memory_space<vmem>> -> memref<64x128xf32, #tpu.memory_space<vmem>>
      tpu.wait_dma2 semaphore(%run_scoped3A : memref<!tpu.dma_semaphore, #tpu.memory_space<semaphore_mem>>) src(%dma_wait3A_1195 : memref<64x128xf32, #tpu.memory_space<vmem>>) dst(%dma_wait3A_1192 : memref<64x128xf32, #tpu.memory_space<vmem_shared>>)
      tpu.yield
    }) : () -> ()
    %add3A_23 = arith.constant 448 : i32
    %add3A_24 = arith.addi %mul3A_2, %add3A_23 : i32
    "tpu.region"() ({
      %run_scoped3A = tpu.sem_alloc : memref<!tpu.dma_semaphore, #tpu.memory_space<semaphore_mem>>
      %dma_start3A_1176 = arith.constant 0 : i32
      %dma_start3A_1177 = arith.constant 0 : i32
      %dma_start3A_1178 = tpu.memref_slice %arg15[%dma_start3A_1176, %dma_start3A_1177] : memref<64x128xf32, #tpu.memory_space<vmem>> -> memref<64x128xf32, #tpu.memory_space<vmem>>
      %dma_start3A_1179 = arith.constant 0 : i32
      %dma_start3A_1180 = tpu.memref_slice %arg17[%add3A_24, %dma_start3A_1179] : memref<10112x128xf32, #tpu.memory_space<vmem_shared>> -> memref<64x128xf32, #tpu.memory_space<vmem_shared>>
      %dma_start3A_1181 = arith.constant 0 : i32
      %dma_start3A_1182 = tpu.memref_slice %arg17[%add3A_24, %dma_start3A_1181] : memref<10112x128xf32, #tpu.memory_space<vmem_shared>> -> memref<64x128xf32, #tpu.memory_space<vmem_shared>>
      %dma_start3A_1183 = arith.constant 0 : i32
      %dma_start3A_1184 = arith.constant 0 : i32
      %dma_start3A_1185 = tpu.memref_slice %arg15[%dma_start3A_1183, %dma_start3A_1184] : memref<64x128xf32, #tpu.memory_space<vmem>> -> memref<64x128xf32, #tpu.memory_space<vmem>>
      tpu.enqueue_dma source(%dma_start3A_1185 : memref<64x128xf32, #tpu.memory_space<vmem>>) target(%dma_start3A_1182 : memref<64x128xf32, #tpu.memory_space<vmem_shared>>) target_semaphore(%run_scoped3A : memref<!tpu.dma_semaphore, #tpu.memory_space<semaphore_mem>>)
      %dma_wait3A_1186 = arith.constant 0 : i32
      %dma_wait3A_1187 = arith.constant 0 : i32
      %dma_wait3A_1188 = tpu.memref_slice %arg15[%dma_wait3A_1186, %dma_wait3A_1187] : memref<64x128xf32, #tpu.memory_space<vmem>> -> memref<64x128xf32, #tpu.memory_space<vmem>>
      %dma_wait3A_1189 = arith.constant 0 : i32
      %dma_wait3A_1190 = tpu.memref_slice %arg17[%add3A_24, %dma_wait3A_1189] : memref<10112x128xf32, #tpu.memory_space<vmem_shared>> -> memref<64x128xf32, #tpu.memory_space<vmem_shared>>
      %dma_wait3A_1191 = arith.constant 0 : i32
      %dma_wait3A_1192 = tpu.memref_slice %arg17[%add3A_24, %dma_wait3A_1191] : memref<10112x128xf32, #tpu.memory_space<vmem_shared>> -> memref<64x128xf32, #tpu.memory_space<vmem_shared>>
      %dma_wait3A_1193 = arith.constant 0 : i32
      %dma_wait3A_1194 = arith.constant 0 : i32
      %dma_wait3A_1195 = tpu.memref_slice %arg15[%dma_wait3A_1193, %dma_wait3A_1194] : memref<64x128xf32, #tpu.memory_space<vmem>> -> memref<64x128xf32, #tpu.memory_space<vmem>>
      tpu.wait_dma2 semaphore(%run_scoped3A : memref<!tpu.dma_semaphore, #tpu.memory_space<semaphore_mem>>) src(%dma_wait3A_1195 : memref<64x128xf32, #tpu.memory_space<vmem>>) dst(%dma_wait3A_1192 : memref<64x128xf32, #tpu.memory_space<vmem_shared>>)
      tpu.yield
    }) : () -> ()
    %add3A_25 = arith.constant 512 : i32
    %add3A_26 = arith.addi %mul3A_2, %add3A_25 : i32
    "tpu.region"() ({
      %run_scoped3A = tpu.sem_alloc : memref<!tpu.dma_semaphore, #tpu.memory_space<semaphore_mem>>
      %dma_start3A_1176 = arith.constant 0 : i32
      %dma_start3A_1177 = arith.constant 0 : i32
      %dma_start3A_1178 = tpu.memref_slice %arg15[%dma_start3A_1176, %dma_start3A_1177] : memref<64x128xf32, #tpu.memory_space<vmem>> -> memref<64x128xf32, #tpu.memory_space<vmem>>
      %dma_start3A_1179 = arith.constant 0 : i32
      %dma_start3A_1180 = tpu.memref_slice %arg17[%add3A_26, %dma_start3A_1179] : memref<10112x128xf32, #tpu.memory_space<vmem_shared>> -> memref<64x128xf32, #tpu.memory_space<vmem_shared>>
      %dma_start3A_1181 = arith.constant 0 : i32
      %dma_start3A_1182 = tpu.memref_slice %arg17[%add3A_26, %dma_start3A_1181] : memref<10112x128xf32, #tpu.memory_space<vmem_shared>> -> memref<64x128xf32, #tpu.memory_space<vmem_shared>>
      %dma_start3A_1183 = arith.constant 0 : i32
      %dma_start3A_1184 = arith.constant 0 : i32
      %dma_start3A_1185 = tpu.memref_slice %arg15[%dma_start3A_1183, %dma_start3A_1184] : memref<64x128xf32, #tpu.memory_space<vmem>> -> memref<64x128xf32, #tpu.memory_space<vmem>>
      tpu.enqueue_dma source(%dma_start3A_1185 : memref<64x128xf32, #tpu.memory_space<vmem>>) target(%dma_start3A_1182 : memref<64x128xf32, #tpu.memory_space<vmem_shared>>) target_semaphore(%run_scoped3A : memref<!tpu.dma_semaphore, #tpu.memory_space<semaphore_mem>>)
      %dma_wait3A_1186 = arith.constant 0 : i32
      %dma_wait3A_1187 = arith.constant 0 : i32
      %dma_wait3A_1188 = tpu.memref_slice %arg15[%dma_wait3A_1186, %dma_wait3A_1187] : memref<64x128xf32, #tpu.memory_space<vmem>> -> memref<64x128xf32, #tpu.memory_space<vmem>>
      %dma_wait3A_1189 = arith.constant 0 : i32
      %dma_wait3A_1190 = tpu.memref_slice %arg17[%add3A_26, %dma_wait3A_1189] : memref<10112x128xf32, #tpu.memory_space<vmem_shared>> -> memref<64x128xf32, #tpu.memory_space<vmem_shared>>
      %dma_wait3A_1191 = arith.constant 0 : i32
      %dma_wait3A_1192 = tpu.memref_slice %arg17[%add3A_26, %dma_wait3A_1191] : memref<10112x128xf32, #tpu.memory_space<vmem_shared>> -> memref<64x128xf32, #tpu.memory_space<vmem_shared>>
      %dma_wait3A_1193 = arith.constant 0 : i32
      %dma_wait3A_1194 = arith.constant 0 : i32
      %dma_wait3A_1195 = tpu.memref_slice %arg15[%dma_wait3A_1193, %dma_wait3A_1194] : memref<64x128xf32, #tpu.memory_space<vmem>> -> memref<64x128xf32, #tpu.memory_space<vmem>>
      tpu.wait_dma2 semaphore(%run_scoped3A : memref<!tpu.dma_semaphore, #tpu.memory_space<semaphore_mem>>) src(%dma_wait3A_1195 : memref<64x128xf32, #tpu.memory_space<vmem>>) dst(%dma_wait3A_1192 : memref<64x128xf32, #tpu.memory_space<vmem_shared>>)
      tpu.yield
    }) : () -> ()
    %add3A_27 = arith.constant 576 : i32
    %add3A_28 = arith.addi %mul3A_2, %add3A_27 : i32
    "tpu.region"() ({
      %run_scoped3A = tpu.sem_alloc : memref<!tpu.dma_semaphore, #tpu.memory_space<semaphore_mem>>
      %dma_start3A_1176 = arith.constant 0 : i32
      %dma_start3A_1177 = arith.constant 0 : i32
      %dma_start3A_1178 = tpu.memref_slice %arg15[%dma_start3A_1176, %dma_start3A_1177] : memref<64x128xf32, #tpu.memory_space<vmem>> -> memref<56x128xf32, #tpu.memory_space<vmem>>
      %dma_start3A_1179 = arith.constant 0 : i32
      %dma_start3A_1180 = tpu.memref_slice %arg17[%add3A_28, %dma_start3A_1179] : memref<10112x128xf32, #tpu.memory_space<vmem_shared>> -> memref<56x128xf32, #tpu.memory_space<vmem_shared>>
      %dma_start3A_1181 = arith.constant 0 : i32
      %dma_start3A_1182 = tpu.memref_slice %arg17[%add3A_28, %dma_start3A_1181] : memref<10112x128xf32, #tpu.memory_space<vmem_shared>> -> memref<56x128xf32, #tpu.memory_space<vmem_shared>>
      %dma_start3A_1183 = arith.constant 0 : i32
      %dma_start3A_1184 = arith.constant 0 : i32
      %dma_start3A_1185 = tpu.memref_slice %arg15[%dma_start3A_1183, %dma_start3A_1184] : memref<64x128xf32, #tpu.memory_space<vmem>> -> memref<56x128xf32, #tpu.memory_space<vmem>>
      tpu.enqueue_dma source(%dma_start3A_1185 : memref<56x128xf32, #tpu.memory_space<vmem>>) target(%dma_start3A_1182 : memref<56x128xf32, #tpu.memory_space<vmem_shared>>) target_semaphore(%run_scoped3A : memref<!tpu.dma_semaphore, #tpu.memory_space<semaphore_mem>>)
      %dma_wait3A_1186 = arith.constant 0 : i32
      %dma_wait3A_1187 = arith.constant 0 : i32
      %dma_wait3A_1188 = tpu.memref_slice %arg15[%dma_wait3A_1186, %dma_wait3A_1187] : memref<64x128xf32, #tpu.memory_space<vmem>> -> memref<56x128xf32, #tpu.memory_space<vmem>>
      %dma_wait3A_1189 = arith.constant 0 : i32
      %dma_wait3A_1190 = tpu.memref_slice %arg17[%add3A_28, %dma_wait3A_1189] : memref<10112x128xf32, #tpu.memory_space<vmem_shared>> -> memref<56x128xf32, #tpu.memory_space<vmem_shared>>
      %dma_wait3A_1191 = arith.constant 0 : i32
      %dma_wait3A_1192 = tpu.memref_slice %arg17[%add3A_28, %dma_wait3A_1191] : memref<10112x128xf32, #tpu.memory_space<vmem_shared>> -> memref<56x128xf32, #tpu.memory_space<vmem_shared>>
      %dma_wait3A_1193 = arith.constant 0 : i32
      %dma_wait3A_1194 = arith.constant 0 : i32
      %dma_wait3A_1195 = tpu.memref_slice %arg15[%dma_wait3A_1193, %dma_wait3A_1194] : memref<64x128xf32, #tpu.memory_space<vmem>> -> memref<56x128xf32, #tpu.memory_space<vmem>>
      tpu.wait_dma2 semaphore(%run_scoped3A : memref<!tpu.dma_semaphore, #tpu.memory_space<semaphore_mem>>) src(%dma_wait3A_1195 : memref<56x128xf32, #tpu.memory_space<vmem>>) dst(%dma_wait3A_1192 : memref<56x128xf32, #tpu.memory_space<vmem_shared>>)
      tpu.yield
    }) : () -> ()
    %broadcast_in_dim3A_29 = arith.constant 1.000000e+00 : f32
    %broadcast_in_dim3A_30 = vector.broadcast %broadcast_in_dim3A_29 : f32 to vector<16xf32>
    %scan3A_31 = arith.constant 0 : i32
    %scan3A_32 = arith.constant 0 : i32
    %scan3A_33 = arith.constant 64 : i32
    %scan3A_34 = arith.addi %scan3A_32, %scan3A_33 : i32
    %scan3A_35 = arith.constant 1 : i32
    scf.for %scan3A_1176 = %scan3A_32 to %scan3A_34 step %scan3A_35  : i32 {
      %swap3A = arith.index_cast %scan3A_1176 : i32 to index
      %swap3A_1177 = arith.constant 0 : index
      %swap3A_1178 = tpu.vector_load %arg15[%swap3A, %swap3A_1177] {strides = array<i32>} : memref<64x128xf32, #tpu.memory_space<vmem>>, vector<1x16xf32>,
      %swap3A_1179 = vector.shape_cast %swap3A_1178 : vector<1x16xf32> to vector<16xf32>
      %swap3A_1180 = vector.shape_cast %broadcast_in_dim3A_30 : vector<16xf32> to vector<1x16xf32>
      tpu.vector_store %arg15[%swap3A, %swap3A_1177], %swap3A_1180 {strides = array<i32>} : memref<64x128xf32, #tpu.memory_space<vmem>>, vector<1x16xf32>,
      %swap3A_1181 = arith.index_cast %scan3A_1176 : i32 to index
      %swap3A_1182 = arith.constant 0 : index
      %swap3A_1183 = tpu.vector_load %arg16[%swap3A_1181, %swap3A_1182] {strides = array<i32>} : memref<64x128xf32, #tpu.memory_space<vmem>>, vector<1x16xf32>,
      %swap3A_1184 = vector.shape_cast %swap3A_1183 : vector<1x16xf32> to vector<16xf32>
      %swap3A_1185 = vector.shape_cast %broadcast_in_dim3A_30 : vector<16xf32> to vector<1x16xf32>
      tpu.vector_store %arg16[%swap3A_1181, %swap3A_1182], %swap3A_1185 {strides = array<i32>} : memref<64x128xf32, #tpu.memory_space<vmem>>, vector<1x16xf32>,
      %swap3A_1186 = arith.index_cast %scan3A_1176 : i32 to index
      %swap3A_1187 = arith.constant 16 : index
      %swap3A_1188 = tpu.vector_load %arg15[%swap3A_1186, %swap3A_1187] {strides = array<i32>} : memref<64x128xf32, #tpu.memory_space<vmem>>, vector<1x16xf32>,
      %swap3A_1189 = vector.shape_cast %swap3A_1188 : vector<1x16xf32> to vector<16xf32>
      %swap3A_1190 = vector.shape_cast %broadcast_in_dim3A_30 : vector<16xf32> to vector<1x16xf32>
      tpu.vector_store %arg15[%swap3A_1186, %swap3A_1187], %swap3A_1190 {strides = array<i32>} : memref<64x128xf32, #tpu.memory_space<vmem>>, vector<1x16xf32>,
      %swap3A_1191 = arith.index_cast %scan3A_1176 : i32 to index
      %swap3A_1192 = arith.constant 16 : index
      %swap3A_1193 = tpu.vector_load %arg16[%swap3A_1191, %swap3A_1192] {strides = array<i32>} : memref<64x128xf32, #tpu.memory_space<vmem>>, vector<1x16xf32>,
      %swap3A_1194 = vector.shape_cast %swap3A_1193 : vector<1x16xf32> to vector<16xf32>
      %swap3A_1195 = vector.shape_cast %broadcast_in_dim3A_30 : vector<16xf32> to vector<1x16xf32>
      tpu.vector_store %arg16[%swap3A_1191, %swap3A_1192], %swap3A_1195 {strides = array<i32>} : memref<64x128xf32, #tpu.memory_space<vmem>>, vector<1x16xf32>,
      %swap3A_1196 = arith.index_cast %scan3A_1176 : i32 to index
      %swap3A_1197 = arith.constant 32 : index
      %swap3A_1198 = tpu.vector_load %arg15[%swap3A_1196, %swap3A_1197] {strides = array<i32>} : memref<64x128xf32, #tpu.memory_space<vmem>>, vector<1x16xf32>,
      %swap3A_1199 = vector.shape_cast %swap3A_1198 : vector<1x16xf32> to vector<16xf32>
      %swap3A_1200 = vector.shape_cast %broadcast_in_dim3A_30 : vector<16xf32> to vector<1x16xf32>
      tpu.vector_store %arg15[%swap3A_1196, %swap3A_1197], %swap3A_1200 {strides = array<i32>} : memref<64x128xf32, #tpu.memory_space<vmem>>, vector<1x16xf32>,
      %swap3A_1201 = arith.index_cast %scan3A_1176 : i32 to index
      %swap3A_1202 = arith.constant 32 : index
      %swap3A_1203 = tpu.vector_load %arg16[%swap3A_1201, %swap3A_1202] {strides = array<i32>} : memref<64x128xf32, #tpu.memory_space<vmem>>, vector<1x16xf32>,
      %swap3A_1204 = vector.shape_cast %swap3A_1203 : vector<1x16xf32> to vector<16xf32>
      %swap3A_1205 = vector.shape_cast %broadcast_in_dim3A_30 : vector<16xf32> to vector<1x16xf32>
      tpu.vector_store %arg16[%swap3A_1201, %swap3A_1202], %swap3A_1205 {strides = array<i32>} : memref<64x128xf32, #tpu.memory_space<vmem>>, vector<1x16xf32>,
      %swap3A_1206 = arith.index_cast %scan3A_1176 : i32 to index
      %swap3A_1207 = arith.constant 48 : index
      %swap3A_1208 = tpu.vector_load %arg15[%swap3A_1206, %swap3A_1207] {strides = array<i32>} : memref<64x128xf32, #tpu.memory_space<vmem>>, vector<1x16xf32>,
      %swap3A_1209 = vector.shape_cast %swap3A_1208 : vector<1x16xf32> to vector<16xf32>
      %swap3A_1210 = vector.shape_cast %broadcast_in_dim3A_30 : vector<16xf32> to vector<1x16xf32>
      tpu.vector_store %arg15[%swap3A_1206, %swap3A_1207], %swap3A_1210 {strides = array<i32>} : memref<64x128xf32, #tpu.memory_space<vmem>>, vector<1x16xf32>,
      %swap3A_1211 = arith.index_cast %scan3A_1176 : i32 to index
      %swap3A_1212 = arith.constant 48 : index
      %swap3A_1213 = tpu.vector_load %arg16[%swap3A_1211, %swap3A_1212] {strides = array<i32>} : memref<64x128xf32, #tpu.memory_space<vmem>>, vector<1x16xf32>,
      %swap3A_1214 = vector.shape_cast %swap3A_1213 : vector<1x16xf32> to vector<16xf32>
      %swap3A_1215 = vector.shape_cast %broadcast_in_dim3A_30 : vector<16xf32> to vector<1x16xf32>
      tpu.vector_store %arg16[%swap3A_1211, %swap3A_1212], %swap3A_1215 {strides = array<i32>} : memref<64x128xf32, #tpu.memory_space<vmem>>, vector<1x16xf32>,
      %swap3A_1216 = arith.index_cast %scan3A_1176 : i32 to index
      %swap3A_1217 = arith.constant 64 : index
      %swap3A_1218 = tpu.vector_load %arg15[%swap3A_1216, %swap3A_1217] {strides = array<i32>} : memref<64x128xf32, #tpu.memory_space<vmem>>, vector<1x16xf32>,
      %swap3A_1219 = vector.shape_cast %swap3A_1218 : vector<1x16xf32> to vector<16xf32>
      %swap3A_1220 = vector.shape_cast %broadcast_in_dim3A_30 : vector<16xf32> to vector<1x16xf32>
      tpu.vector_store %arg15[%swap3A_1216, %swap3A_1217], %swap3A_1220 {strides = array<i32>} : memref<64x128xf32, #tpu.memory_space<vmem>>, vector<1x16xf32>,
      %swap3A_1221 = arith.index_cast %scan3A_1176 : i32 to index
      %swap3A_1222 = arith.constant 64 : index
      %swap3A_1223 = tpu.vector_load %arg16[%swap3A_1221, %swap3A_1222] {strides = array<i32>} : memref<64x128xf32, #tpu.memory_space<vmem>>, vector<1x16xf32>,
      %swap3A_1224 = vector.shape_cast %swap3A_1223 : vector<1x16xf32> to vector<16xf32>
      %swap3A_1225 = vector.shape_cast %broadcast_in_dim3A_30 : vector<16xf32> to vector<1x16xf32>
      tpu.vector_store %arg16[%swap3A_1221, %swap3A_1222], %swap3A_1225 {strides = array<i32>} : memref<64x128xf32, #tpu.memory_space<vmem>>, vector<1x16xf32>,
      %swap3A_1226 = arith.index_cast %scan3A_1176 : i32 to index
      %swap3A_1227 = arith.constant 80 : index
      %swap3A_1228 = tpu.vector_load %arg15[%swap3A_1226, %swap3A_1227] {strides = array<i32>} : memref<64x128xf32, #tpu.memory_space<vmem>>, vector<1x16xf32>,
      %swap3A_1229 = vector.shape_cast %swap3A_1228 : vector<1x16xf32> to vector<16xf32>
      %swap3A_1230 = vector.shape_cast %broadcast_in_dim3A_30 : vector<16xf32> to vector<1x16xf32>
      tpu.vector_store %arg15[%swap3A_1226, %swap3A_1227], %swap3A_1230 {strides = array<i32>} : memref<64x128xf32, #tpu.memory_space<vmem>>, vector<1x16xf32>,
      %swap3A_1231 = arith.index_cast %scan3A_1176 : i32 to index
      %swap3A_1232 = arith.constant 80 : index
      %swap3A_1233 = tpu.vector_load %arg16[%swap3A_1231, %swap3A_1232] {strides = array<i32>} : memref<64x128xf32, #tpu.memory_space<vmem>>, vector<1x16xf32>,
      %swap3A_1234 = vector.shape_cast %swap3A_1233 : vector<1x16xf32> to vector<16xf32>
      %swap3A_1235 = vector.shape_cast %broadcast_in_dim3A_30 : vector<16xf32> to vector<1x16xf32>
      tpu.vector_store %arg16[%swap3A_1231, %swap3A_1232], %swap3A_1235 {strides = array<i32>} : memref<64x128xf32, #tpu.memory_space<vmem>>, vector<1x16xf32>,
      %swap3A_1236 = arith.index_cast %scan3A_1176 : i32 to index
      %swap3A_1237 = arith.constant 96 : index
      %swap3A_1238 = tpu.vector_load %arg15[%swap3A_1236, %swap3A_1237] {strides = array<i32>} : memref<64x128xf32, #tpu.memory_space<vmem>>, vector<1x16xf32>,
      %swap3A_1239 = vector.shape_cast %swap3A_1238 : vector<1x16xf32> to vector<16xf32>
      %swap3A_1240 = vector.shape_cast %broadcast_in_dim3A_30 : vector<16xf32> to vector<1x16xf32>
      tpu.vector_store %arg15[%swap3A_1236, %swap3A_1237], %swap3A_1240 {strides = array<i32>} : memref<64x128xf32, #tpu.memory_space<vmem>>, vector<1x16xf32>,
      %swap3A_1241 = arith.index_cast %scan3A_1176 : i32 to index
      %swap3A_1242 = arith.constant 96 : index
      %swap3A_1243 = tpu.vector_load %arg16[%swap3A_1241, %swap3A_1242] {strides = array<i32>} : memref<64x128xf32, #tpu.memory_space<vmem>>, vector<1x16xf32>,
      %swap3A_1244 = vector.shape_cast %swap3A_1243 : vector<1x16xf32> to vector<16xf32>
      %swap3A_1245 = vector.shape_cast %broadcast_in_dim3A_30 : vector<16xf32> to vector<1x16xf32>
      tpu.vector_store %arg16[%swap3A_1241, %swap3A_1242], %swap3A_1245 {strides = array<i32>} : memref<64x128xf32, #tpu.memory_space<vmem>>, vector<1x16xf32>,
      %swap3A_1246 = arith.index_cast %scan3A_1176 : i32 to index
      %swap3A_1247 = arith.constant 112 : index
      %swap3A_1248 = tpu.vector_load %arg15[%swap3A_1246, %swap3A_1247] {strides = array<i32>} : memref<64x128xf32, #tpu.memory_space<vmem>>, vector<1x16xf32>,
      %swap3A_1249 = vector.shape_cast %swap3A_1248 : vector<1x16xf32> to vector<16xf32>
      %swap3A_1250 = vector.shape_cast %broadcast_in_dim3A_30 : vector<16xf32> to vector<1x16xf32>
      tpu.vector_store %arg15[%swap3A_1246, %swap3A_1247], %swap3A_1250 {strides = array<i32>} : memref<64x128xf32, #tpu.memory_space<vmem>>, vector<1x16xf32>,
      %swap3A_1251 = arith.index_cast %scan3A_1176 : i32 to index
      %swap3A_1252 = arith.constant 112 : index
      %swap3A_1253 = tpu.vector_load %arg16[%swap3A_1251, %swap3A_1252] {strides = array<i32>} : memref<64x128xf32, #tpu.memory_space<vmem>>, vector<1x16xf32>,
      %swap3A_1254 = vector.shape_cast %swap3A_1253 : vector<1x16xf32> to vector<16xf32>
      %swap3A_1255 = vector.shape_cast %broadcast_in_dim3A_30 : vector<16xf32> to vector<1x16xf32>
      tpu.vector_store %arg16[%swap3A_1251, %swap3A_1252], %swap3A_1255 {strides = array<i32>} : memref<64x128xf32, #tpu.memory_space<vmem>>, vector<1x16xf32>,
    }
    %scan3A_36 = arith.constant 64 : i32
    %barrier3A = arith.constant 0 : index
    tpu.barrier barrier_id(%barrier3A)
    %add3A_37 = arith.constant 0 : i32
    %add3A_38 = arith.addi %add3A, %add3A_37 : i32
    %mul3A_39 = arith.constant 128 : i32
    %mul3A_40 = arith.muli %add3A_38, %mul3A_39 : i32
    %add3A_41 = arith.constant 32 : i32
    %add3A_42 = arith.addi %add3A, %add3A_41 : i32
    %mul3A_43 = arith.constant 128 : i32
    %mul3A_44 = arith.muli %add3A_42, %mul3A_43 : i32
    %dma_start3A = tpu.memref_slice %arg4[%mul3A_40] : memref<320000xi32, #tpu.memory_space<hbm>> -> memref<64xi32, #tpu.memory_space<hbm>>
    %dma_start3A_45 = tpu.memref_slice %arg4[%mul3A_40] : memref<320000xi32, #tpu.memory_space<hbm>> -> memref<64xi32, #tpu.memory_space<hbm>>
    tpu.enqueue_dma source(%dma_start3A_45 : memref<64xi32, #tpu.memory_space<hbm>>) target(%arg9 : memref<64xi32, #tpu.memory_space<vmem>>) target_semaphore(%arg18 : memref<!tpu.dma_semaphore, #tpu.memory_space<semaphore_mem>>)
    %add3A_46 = arith.constant 64 : i32
    %add3A_47 = arith.addi %mul3A_40, %add3A_46 : i32
    %dma_start3A_48 = tpu.memref_slice %arg4[%add3A_47] : memref<320000xi32, #tpu.memory_space<hbm>> -> memref<64xi32, #tpu.memory_space<hbm>>
    %dma_start3A_49 = tpu.memref_slice %arg4[%add3A_47] : memref<320000xi32, #tpu.memory_space<hbm>> -> memref<64xi32, #tpu.memory_space<hbm>>
    tpu.enqueue_dma source(%dma_start3A_49 : memref<64xi32, #tpu.memory_space<hbm>>) target(%arg10 : memref<64xi32, #tpu.memory_space<vmem>>) target_semaphore(%arg18 : memref<!tpu.dma_semaphore, #tpu.memory_space<semaphore_mem>>)
    %dma_start3A_50 = tpu.memref_slice %arg4[%mul3A_44] : memref<320000xi32, #tpu.memory_space<hbm>> -> memref<64xi32, #tpu.memory_space<hbm>>
    %dma_start3A_51 = tpu.memref_slice %arg4[%mul3A_44] : memref<320000xi32, #tpu.memory_space<hbm>> -> memref<64xi32, #tpu.memory_space<hbm>>
    tpu.enqueue_dma source(%dma_start3A_51 : memref<64xi32, #tpu.memory_space<hbm>>) target(%arg11 : memref<64xi32, #tpu.memory_space<vmem>>) target_semaphore(%arg18 : memref<!tpu.dma_semaphore, #tpu.memory_space<semaphore_mem>>)
    %add3A_52 = arith.constant 64 : i32
    %add3A_53 = arith.addi %mul3A_44, %add3A_52 : i32
    %dma_start3A_54 = tpu.memref_slice %arg4[%add3A_53] : memref<320000xi32, #tpu.memory_space<hbm>> -> memref<64xi32, #tpu.memory_space<hbm>>
    %dma_start3A_55 = tpu.memref_slice %arg4[%add3A_53] : memref<320000xi32, #tpu.memory_space<hbm>> -> memref<64xi32, #tpu.memory_space<hbm>>
    tpu.enqueue_dma source(%dma_start3A_55 : memref<64xi32, #tpu.memory_space<hbm>>) target(%arg12 : memref<64xi32, #tpu.memory_space<vmem>>) target_semaphore(%arg18 : memref<!tpu.dma_semaphore, #tpu.memory_space<semaphore_mem>>)
    %dma_wait3A = tpu.memref_slice %arg4[%mul3A_40] : memref<320000xi32, #tpu.memory_space<hbm>> -> memref<64xi32, #tpu.memory_space<hbm>>
    %dma_wait3A_56 = tpu.memref_slice %arg4[%mul3A_40] : memref<320000xi32, #tpu.memory_space<hbm>> -> memref<64xi32, #tpu.memory_space<hbm>>
    tpu.wait_dma2 semaphore(%arg18 : memref<!tpu.dma_semaphore, #tpu.memory_space<semaphore_mem>>) src(%dma_wait3A_56 : memref<64xi32, #tpu.memory_space<hbm>>) dst(%arg9 : memref<64xi32, #tpu.memory_space<vmem>>)
    %dma_wait3A_57 = tpu.memref_slice %arg4[%add3A_47] : memref<320000xi32, #tpu.memory_space<hbm>> -> memref<64xi32, #tpu.memory_space<hbm>>
    %dma_wait3A_58 = tpu.memref_slice %arg4[%add3A_47] : memref<320000xi32, #tpu.memory_space<hbm>> -> memref<64xi32, #tpu.memory_space<hbm>>
    tpu.wait_dma2 semaphore(%arg18 : memref<!tpu.dma_semaphore, #tpu.memory_space<semaphore_mem>>) src(%dma_wait3A_58 : memref<64xi32, #tpu.memory_space<hbm>>) dst(%arg10 : memref<64xi32, #tpu.memory_space<vmem>>)
    %dma_wait3A_59 = tpu.memref_slice %arg4[%mul3A_44] : memref<320000xi32, #tpu.memory_space<hbm>> -> memref<64xi32, #tpu.memory_space<hbm>>
    %dma_wait3A_60 = tpu.memref_slice %arg4[%mul3A_44] : memref<320000xi32, #tpu.memory_space<hbm>> -> memref<64xi32, #tpu.memory_space<hbm>>
    tpu.wait_dma2 semaphore(%arg18 : memref<!tpu.dma_semaphore, #tpu.memory_space<semaphore_mem>>) src(%dma_wait3A_60 : memref<64xi32, #tpu.memory_space<hbm>>) dst(%arg11 : memref<64xi32, #tpu.memory_space<vmem>>)
    %dma_wait3A_61 = tpu.memref_slice %arg4[%add3A_53] : memref<320000xi32, #tpu.memory_space<hbm>> -> memref<64xi32, #tpu.memory_space<hbm>>
    %dma_wait3A_62 = tpu.memref_slice %arg4[%add3A_53] : memref<320000xi32, #tpu.memory_space<hbm>> -> memref<64xi32, #tpu.memory_space<hbm>>
    tpu.wait_dma2 semaphore(%arg18 : memref<!tpu.dma_semaphore, #tpu.memory_space<semaphore_mem>>) src(%dma_wait3A_62 : memref<64xi32, #tpu.memory_space<hbm>>) dst(%arg12 : memref<64xi32, #tpu.memory_space<vmem>>)
    %dma_start3A_63 = arith.constant 0 : i32
    %dma_start3A_64 = arith.constant 0 : i32
    %dma_start3A_65 = tpu.memref_slice %arg17[%dma_start3A_63, %dma_start3A_64] : memref<10112x128xf32, #tpu.memory_space<vmem_shared>> -> memref<10112x128xf32, #tpu.memory_space<vmem_shared>>
    tpu.enqueue_indirect_dma source(%arg15 : memref<64x128xf32, #tpu.memory_space<vmem>>) target(%dma_start3A_65 : memref<10112x128xf32, #tpu.memory_space<vmem_shared>>) offsets(%arg9 : memref<64xi32, #tpu.memory_space<vmem>>) semaphore(%arg19 : memref<!tpu.dma_semaphore, #tpu.memory_space<semaphore_mem>>) {add = true}
    %dma_start3A_66 = arith.constant 0 : i32
    %dma_start3A_67 = arith.constant 0 : i32
    %dma_start3A_68 = tpu.memref_slice %arg17[%dma_start3A_66, %dma_start3A_67] : memref<10112x128xf32, #tpu.memory_space<vmem_shared>> -> memref<10112x128xf32, #tpu.memory_space<vmem_shared>>
    tpu.enqueue_indirect_dma source(%arg16 : memref<64x128xf32, #tpu.memory_space<vmem>>) target(%dma_start3A_68 : memref<10112x128xf32, #tpu.memory_space<vmem_shared>>) offsets(%arg10 : memref<64xi32, #tpu.memory_space<vmem>>) semaphore(%arg19 : memref<!tpu.dma_semaphore, #tpu.memory_space<semaphore_mem>>) {add = true}
    %dma_start3A_69 = arith.constant 0 : i32
    %dma_start3A_70 = arith.constant 0 : i32
    %dma_start3A_71 = tpu.memref_slice %arg17[%dma_start3A_69, %dma_start3A_70] : memref<10112x128xf32, #tpu.memory_space<vmem_shared>> -> memref<10112x128xf32, #tpu.memory_space<vmem_shared>>
    tpu.enqueue_indirect_dma source(%arg15 : memref<64x128xf32, #tpu.memory_space<vmem>>) target(%dma_start3A_71 : memref<10112x128xf32, #tpu.memory_space<vmem_shared>>) offsets(%arg11 : memref<64xi32, #tpu.memory_space<vmem>>) semaphore(%arg19 : memref<!tpu.dma_semaphore, #tpu.memory_space<semaphore_mem>>) {add = true}
    %dma_start3A_72 = arith.constant 0 : i32
    %dma_start3A_73 = arith.constant 0 : i32
    %dma_start3A_74 = tpu.memref_slice %arg17[%dma_start3A_72, %dma_start3A_73] : memref<10112x128xf32, #tpu.memory_space<vmem_shared>> -> memref<10112x128xf32, #tpu.memory_space<vmem_shared>>
    tpu.enqueue_indirect_dma source(%arg16 : memref<64x128xf32, #tpu.memory_space<vmem>>) target(%dma_start3A_74 : memref<10112x128xf32, #tpu.memory_space<vmem_shared>>) offsets(%arg12 : memref<64xi32, #tpu.memory_space<vmem>>) semaphore(%arg19 : memref<!tpu.dma_semaphore, #tpu.memory_space<semaphore_mem>>) {add = true}
    %scan3A_75 = arith.constant 0 : i32
    %scan3A_76 = arith.constant 0 : i32
    %scan3A_77 = arith.constant 19 : i32
    %scan3A_78 = arith.addi %scan3A_76, %scan3A_77 : i32
    %scan3A_79 = arith.constant 1 : i32
    scf.for %scan3A_1176 = %scan3A_76 to %scan3A_78 step %scan3A_79  : i32 {
      %mul3A_1177 = arith.constant 2 : i32
      %mul3A_1178 = arith.muli %mul3A_1177, %scan3A_1176 : i32
      %add3A_1179 = arith.constant 1 : i32
      %add3A_1180 = arith.addi %mul3A_1178, %add3A_1179 : i32
      %mul3A_1181 = arith.constant 2 : i32
      %mul3A_1182 = arith.muli %mul3A_1181, %add3A_1180 : i32
      %mul3A_1183 = arith.constant 32 : i32
      %mul3A_1184 = arith.muli %mul3A_1182, %mul3A_1183 : i32
      %add3A_1185 = arith.addi %add3A, %mul3A_1184 : i32
      %mul3A_1186 = arith.constant 128 : i32
      %mul3A_1187 = arith.muli %add3A_1185, %mul3A_1186 : i32
      %mul3A_1188 = arith.constant 2 : i32
      %mul3A_1189 = arith.muli %mul3A_1188, %add3A_1180 : i32
      %add3A_1190 = arith.constant 1 : i32
      %add3A_1191 = arith.addi %mul3A_1189, %add3A_1190 : i32
      %mul3A_1192 = arith.constant 32 : i32
      %mul3A_1193 = arith.muli %add3A_1191, %mul3A_1192 : i32
      %add3A_1194 = arith.addi %add3A, %mul3A_1193 : i32
      %mul3A_1195 = arith.constant 128 : i32
      %mul3A_1196 = arith.muli %add3A_1194, %mul3A_1195 : i32
      %dma_start3A_1197 = tpu.memref_slice %arg4[%mul3A_1187] : memref<320000xi32, #tpu.memory_space<hbm>> -> memref<64xi32, #tpu.memory_space<hbm>>
      %dma_start3A_1198 = tpu.memref_slice %arg4[%mul3A_1187] : memref<320000xi32, #tpu.memory_space<hbm>> -> memref<64xi32, #tpu.memory_space<hbm>>
      tpu.enqueue_dma source(%dma_start3A_1198 : memref<64xi32, #tpu.memory_space<hbm>>) target(%arg7 : memref<64xi32, #tpu.memory_space<vmem>>) target_semaphore(%arg18 : memref<!tpu.dma_semaphore, #tpu.memory_space<semaphore_mem>>)
      %add3A_1199 = arith.constant 64 : i32
      %add3A_1200 = arith.addi %mul3A_1187, %add3A_1199 : i32
      %dma_start3A_1201 = tpu.memref_slice %arg4[%add3A_1200] : memref<320000xi32, #tpu.memory_space<hbm>> -> memref<64xi32, #tpu.memory_space<hbm>>
      %dma_start3A_1202 = tpu.memref_slice %arg4[%add3A_1200] : memref<320000xi32, #tpu.memory_space<hbm>> -> memref<64xi32, #tpu.memory_space<hbm>>
      tpu.enqueue_dma source(%dma_start3A_1202 : memref<64xi32, #tpu.memory_space<hbm>>) target(%arg8 : memref<64xi32, #tpu.memory_space<vmem>>) target_semaphore(%arg18 : memref<!tpu.dma_semaphore, #tpu.memory_space<semaphore_mem>>)
      %dma_start3A_1203 = tpu.memref_slice %arg4[%mul3A_1196] : memref<320000xi32, #tpu.memory_space<hbm>> -> memref<64xi32, #tpu.memory_space<hbm>>
      %dma_start3A_1204 = tpu.memref_slice %arg4[%mul3A_1196] : memref<320000xi32, #tpu.memory_space<hbm>> -> memref<64xi32, #tpu.memory_space<hbm>>
      tpu.enqueue_dma source(%dma_start3A_1204 : memref<64xi32, #tpu.memory_space<hbm>>) target(%arg13 : memref<64xi32, #tpu.memory_space<vmem>>) target_semaphore(%arg18 : memref<!tpu.dma_semaphore, #tpu.memory_space<semaphore_mem>>)
      %add3A_1205 = arith.constant 64 : i32
      %add3A_1206 = arith.addi %mul3A_1196, %add3A_1205 : i32
      %dma_start3A_1207 = tpu.memref_slice %arg4[%add3A_1206] : memref<320000xi32, #tpu.memory_space<hbm>> -> memref<64xi32, #tpu.memory_space<hbm>>
      %dma_start3A_1208 = tpu.memref_slice %arg4[%add3A_1206] : memref<320000xi32, #tpu.memory_space<hbm>> -> memref<64xi32, #tpu.memory_space<hbm>>
      tpu.enqueue_dma source(%dma_start3A_1208 : memref<64xi32, #tpu.memory_space<hbm>>) target(%arg14 : memref<64xi32, #tpu.memory_space<vmem>>) target_semaphore(%arg18 : memref<!tpu.dma_semaphore, #tpu.memory_space<semaphore_mem>>)
      %dma_wait3A_1209 = tpu.memref_slice %arg4[%mul3A_1187] : memref<320000xi32, #tpu.memory_space<hbm>> -> memref<64xi32, #tpu.memory_space<hbm>>
      %dma_wait3A_1210 = tpu.memref_slice %arg4[%mul3A_1187] : memref<320000xi32, #tpu.memory_space<hbm>> -> memref<64xi32, #tpu.memory_space<hbm>>
      tpu.wait_dma2 semaphore(%arg18 : memref<!tpu.dma_semaphore, #tpu.memory_space<semaphore_mem>>) src(%dma_wait3A_1210 : memref<64xi32, #tpu.memory_space<hbm>>) dst(%arg7 : memref<64xi32, #tpu.memory_space<vmem>>)
      %dma_wait3A_1211 = tpu.memref_slice %arg4[%add3A_1200] : memref<320000xi32, #tpu.memory_space<hbm>> -> memref<64xi32, #tpu.memory_space<hbm>>
      %dma_wait3A_1212 = tpu.memref_slice %arg4[%add3A_1200] : memref<320000xi32, #tpu.memory_space<hbm>> -> memref<64xi32, #tpu.memory_space<hbm>>
      tpu.wait_dma2 semaphore(%arg18 : memref<!tpu.dma_semaphore, #tpu.memory_space<semaphore_mem>>) src(%dma_wait3A_1212 : memref<64xi32, #tpu.memory_space<hbm>>) dst(%arg8 : memref<64xi32, #tpu.memory_space<vmem>>)
      %dma_wait3A_1213 = tpu.memref_slice %arg4[%mul3A_1196] : memref<320000xi32, #tpu.memory_space<hbm>> -> memref<64xi32, #tpu.memory_space<hbm>>
      %dma_wait3A_1214 = tpu.memref_slice %arg4[%mul3A_1196] : memref<320000xi32, #tpu.memory_space<hbm>> -> memref<64xi32, #tpu.memory_space<hbm>>
      tpu.wait_dma2 semaphore(%arg18 : memref<!tpu.dma_semaphore, #tpu.memory_space<semaphore_mem>>) src(%dma_wait3A_1214 : memref<64xi32, #tpu.memory_space<hbm>>) dst(%arg13 : memref<64xi32, #tpu.memory_space<vmem>>)
      %dma_wait3A_1215 = tpu.memref_slice %arg4[%add3A_1206] : memref<320000xi32, #tpu.memory_space<hbm>> -> memref<64xi32, #tpu.memory_space<hbm>>
      %dma_wait3A_1216 = tpu.memref_slice %arg4[%add3A_1206] : memref<320000xi32, #tpu.memory_space<hbm>> -> memref<64xi32, #tpu.memory_space<hbm>>
      tpu.wait_dma2 semaphore(%arg18 : memref<!tpu.dma_semaphore, #tpu.memory_space<semaphore_mem>>) src(%dma_wait3A_1216 : memref<64xi32, #tpu.memory_space<hbm>>) dst(%arg14 : memref<64xi32, #tpu.memory_space<vmem>>)
      %dma_wait3A_1217 = arith.constant 0 : i32
      %dma_wait3A_1218 = arith.constant 0 : i32
      %dma_wait3A_1219 = tpu.memref_slice %arg2[%dma_wait3A_1217, %dma_wait3A_1218] : memref<10000x128xf32, #tpu.memory_space<hbm>> -> memref<64x128xf32, #tpu.memory_space<hbm>>
      %dma_wait3A_1220 = arith.constant 0 : i32
      %dma_wait3A_1221 = arith.constant 0 : i32
      %dma_wait3A_1222 = tpu.memref_slice %arg2[%dma_wait3A_1220, %dma_wait3A_1221] : memref<10000x128xf32, #tpu.memory_space<hbm>> -> memref<64x128xf32, #tpu.memory_space<hbm>>
      tpu.wait_dma2 semaphore(%arg19 : memref<!tpu.dma_semaphore, #tpu.memory_space<semaphore_mem>>) src(%dma_wait3A_1222 : memref<64x128xf32, #tpu.memory_space<hbm>>) dst(%arg15 : memref<64x128xf32, #tpu.memory_space<vmem>>)
      %dma_wait3A_1223 = arith.constant 0 : i32
      %dma_wait3A_1224 = arith.constant 0 : i32
      %dma_wait3A_1225 = tpu.memref_slice %arg2[%dma_wait3A_1223, %dma_wait3A_1224] : memref<10000x128xf32, #tpu.memory_space<hbm>> -> memref<64x128xf32, #tpu.memory_space<hbm>>
      %dma_wait3A_1226 = arith.constant 0 : i32
      %dma_wait3A_1227 = arith.constant 0 : i32
      %dma_wait3A_1228 = tpu.memref_slice %arg2[%dma_wait3A_1226, %dma_wait3A_1227] : memref<10000x128xf32, #tpu.memory_space<hbm>> -> memref<64x128xf32, #tpu.memory_space<hbm>>
      tpu.wait_dma2 semaphore(%arg19 : memref<!tpu.dma_semaphore, #tpu.memory_space<semaphore_mem>>) src(%dma_wait3A_1228 : memref<64x128xf32, #tpu.memory_space<hbm>>) dst(%arg15 : memref<64x128xf32, #tpu.memory_space<vmem>>)
      %dma_wait3A_1229 = arith.constant 0 : i32
      %dma_wait3A_1230 = arith.constant 0 : i32
      %dma_wait3A_1231 = tpu.memref_slice %arg2[%dma_wait3A_1229, %dma_wait3A_1230] : memref<10000x128xf32, #tpu.memory_space<hbm>> -> memref<64x128xf32, #tpu.memory_space<hbm>>
      %dma_wait3A_1232 = arith.constant 0 : i32
      %dma_wait3A_1233 = arith.constant 0 : i32
      %dma_wait3A_1234 = tpu.memref_slice %arg2[%dma_wait3A_1232, %dma_wait3A_1233] : memref<10000x128xf32, #tpu.memory_space<hbm>> -> memref<64x128xf32, #tpu.memory_space<hbm>>
      tpu.wait_dma2 semaphore(%arg19 : memref<!tpu.dma_semaphore, #tpu.memory_space<semaphore_mem>>) src(%dma_wait3A_1234 : memref<64x128xf32, #tpu.memory_space<hbm>>) dst(%arg15 : memref<64x128xf32, #tpu.memory_space<vmem>>)
      %dma_wait3A_1235 = arith.constant 0 : i32
      %dma_wait3A_1236 = arith.constant 0 : i32
      %dma_wait3A_1237 = tpu.memref_slice %arg2[%dma_wait3A_1235, %dma_wait3A_1236] : memref<10000x128xf32, #tpu.memory_space<hbm>> -> memref<64x128xf32, #tpu.memory_space<hbm>>
      %dma_wait3A_1238 = arith.constant 0 : i32
      %dma_wait3A_1239 = arith.constant 0 : i32
      %dma_wait3A_1240 = tpu.memref_slice %arg2[%dma_wait3A_1238, %dma_wait3A_1239] : memref<10000x128xf32, #tpu.memory_space<hbm>> -> memref<64x128xf32, #tpu.memory_space<hbm>>
      tpu.wait_dma2 semaphore(%arg19 : memref<!tpu.dma_semaphore, #tpu.memory_space<semaphore_mem>>) src(%dma_wait3A_1240 : memref<64x128xf32, #tpu.memory_space<hbm>>) dst(%arg15 : memref<64x128xf32, #tpu.memory_space<vmem>>)
      %dma_start3A_1241 = arith.constant 0 : i32
      %dma_start3A_1242 = arith.constant 0 : i32
      %dma_start3A_1243 = tpu.memref_slice %arg17[%dma_start3A_1241, %dma_start3A_1242] : memref<10112x128xf32, #tpu.memory_space<vmem_shared>> -> memref<10112x128xf32, #tpu.memory_space<vmem_shared>>
      tpu.enqueue_indirect_dma source(%arg15 : memref<64x128xf32, #tpu.memory_space<vmem>>) target(%dma_start3A_1243 : memref<10112x128xf32, #tpu.memory_space<vmem_shared>>) offsets(%arg7 : memref<64xi32, #tpu.memory_space<vmem>>) semaphore(%arg19 : memref<!tpu.dma_semaphore, #tpu.memory_space<semaphore_mem>>) {add = true}
      %dma_start3A_1244 = arith.constant 0 : i32
      %dma_start3A_1245 = arith.constant 0 : i32
      %dma_start3A_1246 = tpu.memref_slice %arg17[%dma_start3A_1244, %dma_start3A_1245] : memref<10112x128xf32, #tpu.memory_space<vmem_shared>> -> memref<10112x128xf32, #tpu.memory_space<vmem_shared>>
      tpu.enqueue_indirect_dma source(%arg16 : memref<64x128xf32, #tpu.memory_space<vmem>>) target(%dma_start3A_1246 : memref<10112x128xf32, #tpu.memory_space<vmem_shared>>) offsets(%arg8 : memref<64xi32, #tpu.memory_space<vmem>>) semaphore(%arg19 : memref<!tpu.dma_semaphore, #tpu.memory_space<semaphore_mem>>) {add = true}
      %dma_start3A_1247 = arith.constant 0 : i32
      %dma_start3A_1248 = arith.constant 0 : i32
      %dma_start3A_1249 = tpu.memref_slice %arg17[%dma_start3A_1247, %dma_start3A_1248] : memref<10112x128xf32, #tpu.memory_space<vmem_shared>> -> memref<10112x128xf32, #tpu.memory_space<vmem_shared>>
      tpu.enqueue_indirect_dma source(%arg15 : memref<64x128xf32, #tpu.memory_space<vmem>>) target(%dma_start3A_1249 : memref<10112x128xf32, #tpu.memory_space<vmem_shared>>) offsets(%arg13 : memref<64xi32, #tpu.memory_space<vmem>>) semaphore(%arg19 : memref<!tpu.dma_semaphore, #tpu.memory_space<semaphore_mem>>) {add = true}
      %dma_start3A_1250 = arith.constant 0 : i32
      %dma_start3A_1251 = arith.constant 0 : i32
      %dma_start3A_1252 = tpu.memref_slice %arg17[%dma_start3A_1250, %dma_start3A_1251] : memref<10112x128xf32, #tpu.memory_space<vmem_shared>> -> memref<10112x128xf32, #tpu.memory_space<vmem_shared>>
      tpu.enqueue_indirect_dma source(%arg16 : memref<64x128xf32, #tpu.memory_space<vmem>>) target(%dma_start3A_1252 : memref<10112x128xf32, #tpu.memory_space<vmem_shared>>) offsets(%arg14 : memref<64xi32, #tpu.memory_space<vmem>>) semaphore(%arg19 : memref<!tpu.dma_semaphore, #tpu.memory_space<semaphore_mem>>) {add = true}
      %mul3A_1253 = arith.constant 2 : i32
      %mul3A_1254 = arith.muli %mul3A_1253, %scan3A_1176 : i32
      %add3A_1255 = arith.constant 2 : i32
      %add3A_1256 = arith.addi %mul3A_1254, %add3A_1255 : i32
      %mul3A_1257 = arith.constant 2 : i32
      %mul3A_1258 = arith.muli %mul3A_1257, %add3A_1256 : i32
      %mul3A_1259 = arith.constant 32 : i32
      %mul3A_1260 = arith.muli %mul3A_1258, %mul3A_1259 : i32
      %add3A_1261 = arith.addi %add3A, %mul3A_1260 : i32
      %mul3A_1262 = arith.constant 128 : i32
      %mul3A_1263 = arith.muli %add3A_1261, %mul3A_1262 : i32
      %mul3A_1264 = arith.constant 2 : i32
      %mul3A_1265 = arith.muli %mul3A_1264, %add3A_1256 : i32
      %add3A_1266 = arith.constant 1 : i32
      %add3A_1267 = arith.addi %mul3A_1265, %add3A_1266 : i32
      %mul3A_1268 = arith.constant 32 : i32
      %mul3A_1269 = arith.muli %add3A_1267, %mul3A_1268 : i32
      %add3A_1270 = arith.addi %add3A, %mul3A_1269 : i32
      %mul3A_1271 = arith.constant 128 : i32
      %mul3A_1272 = arith.muli %add3A_1270, %mul3A_1271 : i32
      %dma_start3A_1273 = tpu.memref_slice %arg4[%mul3A_1263] : memref<320000xi32, #tpu.memory_space<hbm>> -> memref<64xi32, #tpu.memory_space<hbm>>
      %dma_start3A_1274 = tpu.memref_slice %arg4[%mul3A_1263] : memref<320000xi32, #tpu.memory_space<hbm>> -> memref<64xi32, #tpu.memory_space<hbm>>
      tpu.enqueue_dma source(%dma_start3A_1274 : memref<64xi32, #tpu.memory_space<hbm>>) target(%arg9 : memref<64xi32, #tpu.memory_space<vmem>>) target_semaphore(%arg18 : memref<!tpu.dma_semaphore, #tpu.memory_space<semaphore_mem>>)
      %add3A_1275 = arith.constant 64 : i32
      %add3A_1276 = arith.addi %mul3A_1263, %add3A_1275 : i32
      %dma_start3A_1277 = tpu.memref_slice %arg4[%add3A_1276] : memref<320000xi32, #tpu.memory_space<hbm>> -> memref<64xi32, #tpu.memory_space<hbm>>
      %dma_start3A_1278 = tpu.memref_slice %arg4[%add3A_1276] : memref<320000xi32, #tpu.memory_space<hbm>> -> memref<64xi32, #tpu.memory_space<hbm>>
      tpu.enqueue_dma source(%dma_start3A_1278 : memref<64xi32, #tpu.memory_space<hbm>>) target(%arg10 : memref<64xi32, #tpu.memory_space<vmem>>) target_semaphore(%arg18 : memref<!tpu.dma_semaphore, #tpu.memory_space<semaphore_mem>>)
      %dma_start3A_1279 = tpu.memref_slice %arg4[%mul3A_1272] : memref<320000xi32, #tpu.memory_space<hbm>> -> memref<64xi32, #tpu.memory_space<hbm>>
      %dma_start3A_1280 = tpu.memref_slice %arg4[%mul3A_1272] : memref<320000xi32, #tpu.memory_space<hbm>> -> memref<64xi32, #tpu.memory_space<hbm>>
      tpu.enqueue_dma source(%dma_start3A_1280 : memref<64xi32, #tpu.memory_space<hbm>>) target(%arg11 : memref<64xi32, #tpu.memory_space<vmem>>) target_semaphore(%arg18 : memref<!tpu.dma_semaphore, #tpu.memory_space<semaphore_mem>>)
      %add3A_1281 = arith.constant 64 : i32
      %add3A_1282 = arith.addi %mul3A_1272, %add3A_1281 : i32
      %dma_start3A_1283 = tpu.memref_slice %arg4[%add3A_1282] : memref<320000xi32, #tpu.memory_space<hbm>> -> memref<64xi32, #tpu.memory_space<hbm>>
      %dma_start3A_1284 = tpu.memref_slice %arg4[%add3A_1282] : memref<320000xi32, #tpu.memory_space<hbm>> -> memref<64xi32, #tpu.memory_space<hbm>>
      tpu.enqueue_dma source(%dma_start3A_1284 : memref<64xi32, #tpu.memory_space<hbm>>) target(%arg12 : memref<64xi32, #tpu.memory_space<vmem>>) target_semaphore(%arg18 : memref<!tpu.dma_semaphore, #tpu.memory_space<semaphore_mem>>)
      %dma_wait3A_1285 = tpu.memref_slice %arg4[%mul3A_1263] : memref<320000xi32, #tpu.memory_space<hbm>> -> memref<64xi32, #tpu.memory_space<hbm>>
      %dma_wait3A_1286 = tpu.memref_slice %arg4[%mul3A_1263] : memref<320000xi32, #tpu.memory_space<hbm>> -> memref<64xi32, #tpu.memory_space<hbm>>
      tpu.wait_dma2 semaphore(%arg18 : memref<!tpu.dma_semaphore, #tpu.memory_space<semaphore_mem>>) src(%dma_wait3A_1286 : memref<64xi32, #tpu.memory_space<hbm>>) dst(%arg9 : memref<64xi32, #tpu.memory_space<vmem>>)
      %dma_wait3A_1287 = tpu.memref_slice %arg4[%add3A_1276] : memref<320000xi32, #tpu.memory_space<hbm>> -> memref<64xi32, #tpu.memory_space<hbm>>
      %dma_wait3A_1288 = tpu.memref_slice %arg4[%add3A_1276] : memref<320000xi32, #tpu.memory_space<hbm>> -> memref<64xi32, #tpu.memory_space<hbm>>
      tpu.wait_dma2 semaphore(%arg18 : memref<!tpu.dma_semaphore, #tpu.memory_space<semaphore_mem>>) src(%dma_wait3A_1288 : memref<64xi32, #tpu.memory_space<hbm>>) dst(%arg10 : memref<64xi32, #tpu.memory_space<vmem>>)
      %dma_wait3A_1289 = tpu.memref_slice %arg4[%mul3A_1272] : memref<320000xi32, #tpu.memory_space<hbm>> -> memref<64xi32, #tpu.memory_space<hbm>>
      %dma_wait3A_1290 = tpu.memref_slice %arg4[%mul3A_1272] : memref<320000xi32, #tpu.memory_space<hbm>> -> memref<64xi32, #tpu.memory_space<hbm>>
      tpu.wait_dma2 semaphore(%arg18 : memref<!tpu.dma_semaphore, #tpu.memory_space<semaphore_mem>>) src(%dma_wait3A_1290 : memref<64xi32, #tpu.memory_space<hbm>>) dst(%arg11 : memref<64xi32, #tpu.memory_space<vmem>>)
      %dma_wait3A_1291 = tpu.memref_slice %arg4[%add3A_1282] : memref<320000xi32, #tpu.memory_space<hbm>> -> memref<64xi32, #tpu.memory_space<hbm>>
      %dma_wait3A_1292 = tpu.memref_slice %arg4[%add3A_1282] : memref<320000xi32, #tpu.memory_space<hbm>> -> memref<64xi32, #tpu.memory_space<hbm>>
      tpu.wait_dma2 semaphore(%arg18 : memref<!tpu.dma_semaphore, #tpu.memory_space<semaphore_mem>>) src(%dma_wait3A_1292 : memref<64xi32, #tpu.memory_space<hbm>>) dst(%arg12 : memref<64xi32, #tpu.memory_space<vmem>>)
      %dma_wait3A_1293 = arith.constant 0 : i32
      %dma_wait3A_1294 = arith.constant 0 : i32
      %dma_wait3A_1295 = tpu.memref_slice %arg2[%dma_wait3A_1293, %dma_wait3A_1294] : memref<10000x128xf32, #tpu.memory_space<hbm>> -> memref<64x128xf32, #tpu.memory_space<hbm>>
      %dma_wait3A_1296 = arith.constant 0 : i32
      %dma_wait3A_1297 = arith.constant 0 : i32
      %dma_wait3A_1298 = tpu.memref_slice %arg2[%dma_wait3A_1296, %dma_wait3A_1297] : memref<10000x128xf32, #tpu.memory_space<hbm>> -> memref<64x128xf32, #tpu.memory_space<hbm>>
      tpu.wait_dma2 semaphore(%arg19 : memref<!tpu.dma_semaphore, #tpu.memory_space<semaphore_mem>>) src(%dma_wait3A_1298 : memref<64x128xf32, #tpu.memory_space<hbm>>) dst(%arg15 : memref<64x128xf32, #tpu.memory_space<vmem>>)
      %dma_wait3A_1299 = arith.constant 0 : i32
      %dma_wait3A_1300 = arith.constant 0 : i32
      %dma_wait3A_1301 = tpu.memref_slice %arg2[%dma_wait3A_1299, %dma_wait3A_1300] : memref<10000x128xf32, #tpu.memory_space<hbm>> -> memref<64x128xf32, #tpu.memory_space<hbm>>
      %dma_wait3A_1302 = arith.constant 0 : i32
      %dma_wait3A_1303 = arith.constant 0 : i32
      %dma_wait3A_1304 = tpu.memref_slice %arg2[%dma_wait3A_1302, %dma_wait3A_1303] : memref<10000x128xf32, #tpu.memory_space<hbm>> -> memref<64x128xf32, #tpu.memory_space<hbm>>
      tpu.wait_dma2 semaphore(%arg19 : memref<!tpu.dma_semaphore, #tpu.memory_space<semaphore_mem>>) src(%dma_wait3A_1304 : memref<64x128xf32, #tpu.memory_space<hbm>>) dst(%arg15 : memref<64x128xf32, #tpu.memory_space<vmem>>)
      %dma_wait3A_1305 = arith.constant 0 : i32
      %dma_wait3A_1306 = arith.constant 0 : i32
      %dma_wait3A_1307 = tpu.memref_slice %arg2[%dma_wait3A_1305, %dma_wait3A_1306] : memref<10000x128xf32, #tpu.memory_space<hbm>> -> memref<64x128xf32, #tpu.memory_space<hbm>>
      %dma_wait3A_1308 = arith.constant 0 : i32
      %dma_wait3A_1309 = arith.constant 0 : i32
      %dma_wait3A_1310 = tpu.memref_slice %arg2[%dma_wait3A_1308, %dma_wait3A_1309] : memref<10000x128xf32, #tpu.memory_space<hbm>> -> memref<64x128xf32, #tpu.memory_space<hbm>>
      tpu.wait_dma2 semaphore(%arg19 : memref<!tpu.dma_semaphore, #tpu.memory_space<semaphore_mem>>) src(%dma_wait3A_1310 : memref<64x128xf32, #tpu.memory_space<hbm>>) dst(%arg15 : memref<64x128xf32, #tpu.memory_space<vmem>>)
      %dma_wait3A_1311 = arith.constant 0 : i32
      %dma_wait3A_1312 = arith.constant 0 : i32
      %dma_wait3A_1313 = tpu.memref_slice %arg2[%dma_wait3A_1311, %dma_wait3A_1312] : memref<10000x128xf32, #tpu.memory_space<hbm>> -> memref<64x128xf32, #tpu.memory_space<hbm>>
      %dma_wait3A_1314 = arith.constant 0 : i32
      %dma_wait3A_1315 = arith.constant 0 : i32
      %dma_wait3A_1316 = tpu.memref_slice %arg2[%dma_wait3A_1314, %dma_wait3A_1315] : memref<10000x128xf32, #tpu.memory_space<hbm>> -> memref<64x128xf32, #tpu.memory_space<hbm>>
      tpu.wait_dma2 semaphore(%arg19 : memref<!tpu.dma_semaphore, #tpu.memory_space<semaphore_mem>>) src(%dma_wait3A_1316 : memref<64x128xf32, #tpu.memory_space<hbm>>) dst(%arg15 : memref<64x128xf32, #tpu.memory_space<vmem>>)
      %dma_start3A_1317 = arith.constant 0 : i32
      %dma_start3A_1318 = arith.constant 0 : i32
      %dma_start3A_1319 = tpu.memref_slice %arg17[%dma_start3A_1317, %dma_start3A_1318] : memref<10112x128xf32, #tpu.memory_space<vmem_shared>> -> memref<10112x128xf32, #tpu.memory_space<vmem_shared>>
      tpu.enqueue_indirect_dma source(%arg15 : memref<64x128xf32, #tpu.memory_space<vmem>>) target(%dma_start3A_1319 : memref<10112x128xf32, #tpu.memory_space<vmem_shared>>) offsets(%arg9 : memref<64xi32, #tpu.memory_space<vmem>>) semaphore(%arg19 : memref<!tpu.dma_semaphore, #tpu.memory_space<semaphore_mem>>) {add = true}
      %dma_start3A_1320 = arith.constant 0 : i32
      %dma_start3A_1321 = arith.constant 0 : i32
      %dma_start3A_1322 = tpu.memref_slice %arg17[%dma_start3A_1320, %dma_start3A_1321] : memref<10112x128xf32, #tpu.memory_space<vmem_shared>> -> memref<10112x128xf32, #tpu.memory_space<vmem_shared>>
      tpu.enqueue_indirect_dma source(%arg16 : memref<64x128xf32, #tpu.memory_space<vmem>>) target(%dma_start3A_1322 : memref<10112x128xf32, #tpu.memory_space<vmem_shared>>) offsets(%arg10 : memref<64xi32, #tpu.memory_space<vmem>>) semaphore(%arg19 : memref<!tpu.dma_semaphore, #tpu.memory_space<semaphore_mem>>) {add = true}
      %dma_start3A_1323 = arith.constant 0 : i32
      %dma_start3A_1324 = arith.constant 0 : i32
      %dma_start3A_1325 = tpu.memref_slice %arg17[%dma_start3A_1323, %dma_start3A_1324] : memref<10112x128xf32, #tpu.memory_space<vmem_shared>> -> memref<10112x128xf32, #tpu.memory_space<vmem_shared>>
      tpu.enqueue_indirect_dma source(%arg15 : memref<64x128xf32, #tpu.memory_space<vmem>>) target(%dma_start3A_1325 : memref<10112x128xf32, #tpu.memory_space<vmem_shared>>) offsets(%arg11 : memref<64xi32, #tpu.memory_space<vmem>>) semaphore(%arg19 : memref<!tpu.dma_semaphore, #tpu.memory_space<semaphore_mem>>) {add = true}
      %dma_start3A_1326 = arith.constant 0 : i32
      %dma_start3A_1327 = arith.constant 0 : i32
      %dma_start3A_1328 = tpu.memref_slice %arg17[%dma_start3A_1326, %dma_start3A_1327] : memref<10112x128xf32, #tpu.memory_space<vmem_shared>> -> memref<10112x128xf32, #tpu.memory_space<vmem_shared>>
      tpu.enqueue_indirect_dma source(%arg16 : memref<64x128xf32, #tpu.memory_space<vmem>>) target(%dma_start3A_1328 : memref<10112x128xf32, #tpu.memory_space<vmem_shared>>) offsets(%arg12 : memref<64xi32, #tpu.memory_space<vmem>>) semaphore(%arg19 : memref<!tpu.dma_semaphore, #tpu.memory_space<semaphore_mem>>) {add = true}
    }
    %scan3A_80 = arith.constant 19 : i32
    %dma_wait3A_81 = arith.constant 0 : i32
    %dma_wait3A_82 = arith.constant 0 : i32
    %dma_wait3A_83 = tpu.memref_slice %arg2[%dma_wait3A_81, %dma_wait3A_82] : memref<10000x128xf32, #tpu.memory_space<hbm>> -> memref<64x128xf32, #tpu.memory_space<hbm>>
    %dma_wait3A_84 = arith.constant 0 : i32
    %dma_wait3A_85 = arith.constant 0 : i32
    %dma_wait3A_86 = tpu.memref_slice %arg2[%dma_wait3A_84, %dma_wait3A_85] : memref<10000x128xf32, #tpu.memory_space<hbm>> -> memref<64x128xf32, #tpu.memory_space<hbm>>
    tpu.wait_dma2 semaphore(%arg19 : memref<!tpu.dma_semaphore, #tpu.memory_space<semaphore_mem>>) src(%dma_wait3A_86 : memref<64x128xf32, #tpu.memory_space<hbm>>) dst(%arg15 : memref<64x128xf32, #tpu.memory_space<vmem>>)
    %dma_wait3A_87 = arith.constant 0 : i32
    %dma_wait3A_88 = arith.constant 0 : i32
    %dma_wait3A_89 = tpu.memref_slice %arg2[%dma_wait3A_87, %dma_wait3A_88] : memref<10000x128xf32, #tpu.memory_space<hbm>> -> memref<64x128xf32, #tpu.memory_space<hbm>>
    %dma_wait3A_90 = arith.constant 0 : i32
    %dma_wait3A_91 = arith.constant 0 : i32
    %dma_wait3A_92 = tpu.memref_slice %arg2[%dma_wait3A_90, %dma_wait3A_91] : memref<10000x128xf32, #tpu.memory_space<hbm>> -> memref<64x128xf32, #tpu.memory_space<hbm>>
    tpu.wait_dma2 semaphore(%arg19 : memref<!tpu.dma_semaphore, #tpu.memory_space<semaphore_mem>>) src(%dma_wait3A_92 : memref<64x128xf32, #tpu.memory_space<hbm>>) dst(%arg15 : memref<64x128xf32, #tpu.memory_space<vmem>>)
    %dma_wait3A_93 = arith.constant 0 : i32
    %dma_wait3A_94 = arith.constant 0 : i32
    %dma_wait3A_95 = tpu.memref_slice %arg2[%dma_wait3A_93, %dma_wait3A_94] : memref<10000x128xf32, #tpu.memory_space<hbm>> -> memref<64x128xf32, #tpu.memory_space<hbm>>
    %dma_wait3A_96 = arith.constant 0 : i32
    %dma_wait3A_97 = arith.constant 0 : i32
    %dma_wait3A_98 = tpu.memref_slice %arg2[%dma_wait3A_96, %dma_wait3A_97] : memref<10000x128xf32, #tpu.memory_space<hbm>> -> memref<64x128xf32, #tpu.memory_space<hbm>>
    tpu.wait_dma2 semaphore(%arg19 : memref<!tpu.dma_semaphore, #tpu.memory_space<semaphore_mem>>) src(%dma_wait3A_98 : memref<64x128xf32, #tpu.memory_space<hbm>>) dst(%arg15 : memref<64x128xf32, #tpu.memory_space<vmem>>)
    %dma_wait3A_99 = arith.constant 0 : i32
    %dma_wait3A_100 = arith.constant 0 : i32
    %dma_wait3A_101 = tpu.memref_slice %arg2[%dma_wait3A_99, %dma_wait3A_100] : memref<10000x128xf32, #tpu.memory_space<hbm>> -> memref<64x128xf32, #tpu.memory_space<hbm>>
    %dma_wait3A_102 = arith.constant 0 : i32
    %dma_wait3A_103 = arith.constant 0 : i32
    %dma_wait3A_104 = tpu.memref_slice %arg2[%dma_wait3A_102, %dma_wait3A_103] : memref<10000x128xf32, #tpu.memory_space<hbm>> -> memref<64x128xf32, #tpu.memory_space<hbm>>
    tpu.wait_dma2 semaphore(%arg19 : memref<!tpu.dma_semaphore, #tpu.memory_space<semaphore_mem>>) src(%dma_wait3A_104 : memref<64x128xf32, #tpu.memory_space<hbm>>) dst(%arg15 : memref<64x128xf32, #tpu.memory_space<vmem>>)
    %lt3A = arith.constant 4 : i32
    %lt3A_105 = arith.cmpi slt, %add3A, %lt3A : i32
    %convert_element_type3A = arith.extui %lt3A_105 : i1 to i32
    %cond3A = arith.constant 0 : i32
    %cond3A_106 = arith.cmpi ne, %convert_element_type3A, %cond3A : i32
    scf.if %cond3A_106 {
      %add3A_1176 = arith.constant 2496 : i32
      %add3A_1177 = arith.addi %add3A_1176, %add3A : i32
      %mul3A_1178 = arith.constant 128 : i32
      %mul3A_1179 = arith.muli %add3A_1177, %mul3A_1178 : i32
      "tpu.region"() ({
        %run_scoped3A = tpu.sem_alloc : memref<!tpu.dma_semaphore, #tpu.memory_space<semaphore_mem>>
        %dma_start3A_1182 = tpu.memref_slice %arg4[%mul3A_1179] : memref<320000xi32, #tpu.memory_space<hbm>> -> memref<64xi32, #tpu.memory_space<hbm>>
        %dma_start3A_1183 = tpu.memref_slice %arg4[%mul3A_1179] : memref<320000xi32, #tpu.memory_space<hbm>> -> memref<64xi32, #tpu.memory_space<hbm>>
        tpu.enqueue_dma source(%dma_start3A_1183 : memref<64xi32, #tpu.memory_space<hbm>>) target(%arg9 : memref<64xi32, #tpu.memory_space<vmem>>) target_semaphore(%run_scoped3A : memref<!tpu.dma_semaphore, #tpu.memory_space<semaphore_mem>>)
        %dma_wait3A_1184 = tpu.memref_slice %arg4[%mul3A_1179] : memref<320000xi32, #tpu.memory_space<hbm>> -> memref<64xi32, #tpu.memory_space<hbm>>
        %dma_wait3A_1185 = tpu.memref_slice %arg4[%mul3A_1179] : memref<320000xi32, #tpu.memory_space<hbm>> -> memref<64xi32, #tpu.memory_space<hbm>>
        tpu.wait_dma2 semaphore(%run_scoped3A : memref<!tpu.dma_semaphore, #tpu.memory_space<semaphore_mem>>) src(%dma_wait3A_1185 : memref<64xi32, #tpu.memory_space<hbm>>) dst(%arg9 : memref<64xi32, #tpu.memory_space<vmem>>)
        tpu.yield
      }) : () -> ()
      %add3A_1180 = arith.constant 64 : i32
      %add3A_1181 = arith.addi %mul3A_1179, %add3A_1180 : i32
      "tpu.region"() ({
        %run_scoped3A = tpu.sem_alloc : memref<!tpu.dma_semaphore, #tpu.memory_space<semaphore_mem>>
        %dma_start3A_1182 = tpu.memref_slice %arg4[%add3A_1181] : memref<320000xi32, #tpu.memory_space<hbm>> -> memref<64xi32, #tpu.memory_space<hbm>>
        %dma_start3A_1183 = tpu.memref_slice %arg4[%add3A_1181] : memref<320000xi32, #tpu.memory_space<hbm>> -> memref<64xi32, #tpu.memory_space<hbm>>
        tpu.enqueue_dma source(%dma_start3A_1183 : memref<64xi32, #tpu.memory_space<hbm>>) target(%arg10 : memref<64xi32, #tpu.memory_space<vmem>>) target_semaphore(%run_scoped3A : memref<!tpu.dma_semaphore, #tpu.memory_space<semaphore_mem>>)
        %dma_wait3A_1184 = tpu.memref_slice %arg4[%add3A_1181] : memref<320000xi32, #tpu.memory_space<hbm>> -> memref<64xi32, #tpu.memory_space<hbm>>
        %dma_wait3A_1185 = tpu.memref_slice %arg4[%add3A_1181] : memref<320000xi32, #tpu.memory_space<hbm>> -> memref<64xi32, #tpu.memory_space<hbm>>
        tpu.wait_dma2 semaphore(%run_scoped3A : memref<!tpu.dma_semaphore, #tpu.memory_space<semaphore_mem>>) src(%dma_wait3A_1185 : memref<64xi32, #tpu.memory_space<hbm>>) dst(%arg10 : memref<64xi32, #tpu.memory_space<vmem>>)
        tpu.yield
      }) : () -> ()
      "tpu.region"() ({
        %run_scoped3A = tpu.sem_alloc : memref<!tpu.dma_semaphore, #tpu.memory_space<semaphore_mem>>
        %dma_start3A_1182 = arith.constant 0 : i32
        %dma_start3A_1183 = arith.constant 0 : i32
        %dma_start3A_1184 = tpu.memref_slice %arg17[%dma_start3A_1182, %dma_start3A_1183] : memref<10112x128xf32, #tpu.memory_space<vmem_shared>> -> memref<10112x128xf32, #tpu.memory_space<vmem_shared>>
        tpu.enqueue_indirect_dma source(%arg15 : memref<64x128xf32, #tpu.memory_space<vmem>>) target(%dma_start3A_1184 : memref<10112x128xf32, #tpu.memory_space<vmem_shared>>) offsets(%arg9 : memref<64xi32, #tpu.memory_space<vmem>>) semaphore(%run_scoped3A : memref<!tpu.dma_semaphore, #tpu.memory_space<semaphore_mem>>) {add = true}
        %dma_wait3A_1185 = arith.constant 0 : i32
        %dma_wait3A_1186 = arith.constant 0 : i32
        %dma_wait3A_1187 = tpu.memref_slice %arg17[%dma_wait3A_1185, %dma_wait3A_1186] : memref<10112x128xf32, #tpu.memory_space<vmem_shared>> -> memref<10112x128xf32, #tpu.memory_space<vmem_shared>>
        tpu.wait_indirect_dma semaphore(%run_scoped3A : memref<!tpu.dma_semaphore, #tpu.memory_space<semaphore_mem>>) src(%arg15 : memref<64x128xf32, #tpu.memory_space<vmem>>) dst(%dma_wait3A_1187 : memref<10112x128xf32, #tpu.memory_space<vmem_shared>>)
        tpu.yield
      }) : () -> ()
      "tpu.region"() ({
        %run_scoped3A = tpu.sem_alloc : memref<!tpu.dma_semaphore, #tpu.memory_space<semaphore_mem>>
        %dma_start3A_1182 = arith.constant 0 : i32
        %dma_start3A_1183 = arith.constant 0 : i32
        %dma_start3A_1184 = tpu.memref_slice %arg17[%dma_start3A_1182, %dma_start3A_1183] : memref<10112x128xf32, #tpu.memory_space<vmem_shared>> -> memref<10112x128xf32, #tpu.memory_space<vmem_shared>>
        tpu.enqueue_indirect_dma source(%arg16 : memref<64x128xf32, #tpu.memory_space<vmem>>) target(%dma_start3A_1184 : memref<10112x128xf32, #tpu.memory_space<vmem_shared>>) offsets(%arg10 : memref<64xi32, #tpu.memory_space<vmem>>) semaphore(%run_scoped3A : memref<!tpu.dma_semaphore, #tpu.memory_space<semaphore_mem>>) {add = true}
        %dma_wait3A_1185 = arith.constant 0 : i32
        %dma_wait3A_1186 = arith.constant 0 : i32
        %dma_wait3A_1187 = tpu.memref_slice %arg17[%dma_wait3A_1185, %dma_wait3A_1186] : memref<10112x128xf32, #tpu.memory_space<vmem_shared>> -> memref<10112x128xf32, #tpu.memory_space<vmem_shared>>
        tpu.wait_indirect_dma semaphore(%run_scoped3A : memref<!tpu.dma_semaphore, #tpu.memory_space<semaphore_mem>>) src(%arg16 : memref<64x128xf32, #tpu.memory_space<vmem>>) dst(%dma_wait3A_1187 : memref<10112x128xf32, #tpu.memory_space<vmem_shared>>)
        tpu.yield
      }) : () -> ()
    } else {
    }
    %barrier3A_107 = arith.constant 0 : index
    tpu.barrier barrier_id(%barrier3A_107)
    %add3A_108 = arith.constant 0 : i32
    %add3A_109 = arith.addi %mul3A_2, %add3A_108 : i32
    %add3A_110 = arith.constant 64 : i32
    %add3A_111 = arith.addi %mul3A_2, %add3A_110 : i32
    %add3A_112 = arith.constant 128 : i32
    %add3A_113 = arith.addi %mul3A_2, %add3A_112 : i32
    %add3A_114 = arith.constant 192 : i32
    %add3A_115 = arith.addi %mul3A_2, %add3A_114 : i32
    %add3A_116 = arith.constant 256 : i32
    %add3A_117 = arith.addi %mul3A_2, %add3A_116 : i32
    %add3A_118 = arith.constant 320 : i32
    %add3A_119 = arith.addi %mul3A_2, %add3A_118 : i32
    %add3A_120 = arith.constant 384 : i32
    %add3A_121 = arith.addi %mul3A_2, %add3A_120 : i32
    %add3A_122 = arith.constant 448 : i32
    %add3A_123 = arith.addi %mul3A_2, %add3A_122 : i32
    %add3A_124 = arith.constant 512 : i32
    %add3A_125 = arith.addi %mul3A_2, %add3A_124 : i32
    %add3A_126 = arith.constant 576 : i32
    %add3A_127 = arith.addi %mul3A_2, %add3A_126 : i32
    %dma_start3A_128 = arith.constant 0 : i32
    %dma_start3A_129 = arith.constant 0 : i32
    %dma_start3A_130 = tpu.memref_slice %arg15[%dma_start3A_128, %dma_start3A_129] : memref<64x128xf32, #tpu.memory_space<vmem>> -> memref<64x128xf32, #tpu.memory_space<vmem>>
    %dma_start3A_131 = arith.constant 0 : i32
    %dma_start3A_132 = tpu.memref_slice %arg17[%add3A_109, %dma_start3A_131] : memref<10112x128xf32, #tpu.memory_space<vmem_shared>> -> memref<64x128xf32, #tpu.memory_space<vmem_shared>>
    %dma_start3A_133 = arith.constant 0 : i32
    %dma_start3A_134 = arith.constant 0 : i32
    %dma_start3A_135 = tpu.memref_slice %arg15[%dma_start3A_133, %dma_start3A_134] : memref<64x128xf32, #tpu.memory_space<vmem>> -> memref<64x128xf32, #tpu.memory_space<vmem>>
    %dma_start3A_136 = arith.constant 0 : i32
    %dma_start3A_137 = tpu.memref_slice %arg17[%add3A_109, %dma_start3A_136] : memref<10112x128xf32, #tpu.memory_space<vmem_shared>> -> memref<64x128xf32, #tpu.memory_space<vmem_shared>>
    tpu.enqueue_dma source(%dma_start3A_137 : memref<64x128xf32, #tpu.memory_space<vmem_shared>>) target(%dma_start3A_135 : memref<64x128xf32, #tpu.memory_space<vmem>>) target_semaphore(%arg18 : memref<!tpu.dma_semaphore, #tpu.memory_space<semaphore_mem>>)
    %dma_start3A_138 = arith.constant 0 : i32
    %dma_start3A_139 = arith.constant 0 : i32
    %dma_start3A_140 = tpu.memref_slice %arg16[%dma_start3A_138, %dma_start3A_139] : memref<64x128xf32, #tpu.memory_space<vmem>> -> memref<64x128xf32, #tpu.memory_space<vmem>>
    %dma_start3A_141 = arith.constant 0 : i32
    %dma_start3A_142 = tpu.memref_slice %arg17[%add3A_111, %dma_start3A_141] : memref<10112x128xf32, #tpu.memory_space<vmem_shared>> -> memref<64x128xf32, #tpu.memory_space<vmem_shared>>
    %dma_start3A_143 = arith.constant 0 : i32
    %dma_start3A_144 = arith.constant 0 : i32
    %dma_start3A_145 = tpu.memref_slice %arg16[%dma_start3A_143, %dma_start3A_144] : memref<64x128xf32, #tpu.memory_space<vmem>> -> memref<64x128xf32, #tpu.memory_space<vmem>>
    %dma_start3A_146 = arith.constant 0 : i32
    %dma_start3A_147 = tpu.memref_slice %arg17[%add3A_111, %dma_start3A_146] : memref<10112x128xf32, #tpu.memory_space<vmem_shared>> -> memref<64x128xf32, #tpu.memory_space<vmem_shared>>
    tpu.enqueue_dma source(%dma_start3A_147 : memref<64x128xf32, #tpu.memory_space<vmem_shared>>) target(%dma_start3A_145 : memref<64x128xf32, #tpu.memory_space<vmem>>) target_semaphore(%arg18 : memref<!tpu.dma_semaphore, #tpu.memory_space<semaphore_mem>>)
    %dma_wait3A_148 = arith.constant 0 : i32
    %dma_wait3A_149 = arith.constant 0 : i32
    %dma_wait3A_150 = tpu.memref_slice %arg15[%dma_wait3A_148, %dma_wait3A_149] : memref<64x128xf32, #tpu.memory_space<vmem>> -> memref<64x128xf32, #tpu.memory_space<vmem>>
    %dma_wait3A_151 = arith.constant 0 : i32
    %dma_wait3A_152 = tpu.memref_slice %arg17[%add3A_109, %dma_wait3A_151] : memref<10112x128xf32, #tpu.memory_space<vmem_shared>> -> memref<64x128xf32, #tpu.memory_space<vmem_shared>>
    %dma_wait3A_153 = arith.constant 0 : i32
    %dma_wait3A_154 = arith.constant 0 : i32
    %dma_wait3A_155 = tpu.memref_slice %arg15[%dma_wait3A_153, %dma_wait3A_154] : memref<64x128xf32, #tpu.memory_space<vmem>> -> memref<64x128xf32, #tpu.memory_space<vmem>>
    %dma_wait3A_156 = arith.constant 0 : i32
    %dma_wait3A_157 = tpu.memref_slice %arg17[%add3A_109, %dma_wait3A_156] : memref<10112x128xf32, #tpu.memory_space<vmem_shared>> -> memref<64x128xf32, #tpu.memory_space<vmem_shared>>
    tpu.wait_dma2 semaphore(%arg18 : memref<!tpu.dma_semaphore, #tpu.memory_space<semaphore_mem>>) src(%dma_wait3A_157 : memref<64x128xf32, #tpu.memory_space<vmem_shared>>) dst(%dma_wait3A_155 : memref<64x128xf32, #tpu.memory_space<vmem>>)
    %dma_start3A_158 = arith.constant 0 : i32
    %dma_start3A_159 = arith.constant 0 : i32
    %dma_start3A_160 = tpu.memref_slice %arg15[%dma_start3A_158, %dma_start3A_159] : memref<64x128xf32, #tpu.memory_space<vmem>> -> memref<64x128xf32, #tpu.memory_space<vmem>>
    %dma_start3A_161 = arith.constant 0 : i32
    %dma_start3A_162 = tpu.memref_slice %arg6[%arg0, %add3A_109, %dma_start3A_161] : memref<2x10112x128xf32, #tpu.memory_space<hbm>> -> memref<1x64x128xf32, #tpu.memory_space<hbm>>
    %dma_start3A_163 = tpu.memref_squeeze %dma_start3A_162 : memref<1x64x128xf32, #tpu.memory_space<hbm>> -> memref<64x128xf32, #tpu.memory_space<hbm>>
    %dma_start3A_164 = arith.constant 0 : i32
    %dma_start3A_165 = tpu.memref_slice %arg6[%arg0, %add3A_109, %dma_start3A_164] : memref<2x10112x128xf32, #tpu.memory_space<hbm>> -> memref<1x64x128xf32, #tpu.memory_space<hbm>>
    %dma_start3A_166 = tpu.memref_squeeze %dma_start3A_165 : memref<1x64x128xf32, #tpu.memory_space<hbm>> -> memref<64x128xf32, #tpu.memory_space<hbm>>
    %dma_start3A_167 = arith.constant 0 : i32
    %dma_start3A_168 = arith.constant 0 : i32
    %dma_start3A_169 = tpu.memref_slice %arg15[%dma_start3A_167, %dma_start3A_168] : memref<64x128xf32, #tpu.memory_space<vmem>> -> memref<64x128xf32, #tpu.memory_space<vmem>>
    tpu.enqueue_dma source(%dma_start3A_169 : memref<64x128xf32, #tpu.memory_space<vmem>>) target(%dma_start3A_166 : memref<64x128xf32, #tpu.memory_space<hbm>>) target_semaphore(%arg19 : memref<!tpu.dma_semaphore, #tpu.memory_space<semaphore_mem>>)
    %dma_wait3A_170 = arith.constant 0 : i32
    %dma_wait3A_171 = arith.constant 0 : i32
    %dma_wait3A_172 = tpu.memref_slice %arg15[%dma_wait3A_170, %dma_wait3A_171] : memref<64x128xf32, #tpu.memory_space<vmem>> -> memref<64x128xf32, #tpu.memory_space<vmem>>
    %dma_wait3A_173 = arith.constant 0 : i32
    %dma_wait3A_174 = tpu.memref_slice %arg6[%arg0, %add3A_109, %dma_wait3A_173] : memref<2x10112x128xf32, #tpu.memory_space<hbm>> -> memref<1x64x128xf32, #tpu.memory_space<hbm>>
    %dma_wait3A_175 = tpu.memref_squeeze %dma_wait3A_174 : memref<1x64x128xf32, #tpu.memory_space<hbm>> -> memref<64x128xf32, #tpu.memory_space<hbm>>
    %dma_wait3A_176 = arith.constant 0 : i32
    %dma_wait3A_177 = tpu.memref_slice %arg6[%arg0, %add3A_109, %dma_wait3A_176] : memref<2x10112x128xf32, #tpu.memory_space<hbm>> -> memref<1x64x128xf32, #tpu.memory_space<hbm>>
    %dma_wait3A_178 = tpu.memref_squeeze %dma_wait3A_177 : memref<1x64x128xf32, #tpu.memory_space<hbm>> -> memref<64x128xf32, #tpu.memory_space<hbm>>
    %dma_wait3A_179 = arith.constant 0 : i32
    %dma_wait3A_180 = arith.constant 0 : i32
    %dma_wait3A_181 = tpu.memref_slice %arg15[%dma_wait3A_179, %dma_wait3A_180] : memref<64x128xf32, #tpu.memory_space<vmem>> -> memref<64x128xf32, #tpu.memory_space<vmem>>
    tpu.wait_dma2 semaphore(%arg19 : memref<!tpu.dma_semaphore, #tpu.memory_space<semaphore_mem>>) src(%dma_wait3A_181 : memref<64x128xf32, #tpu.memory_space<vmem>>) dst(%dma_wait3A_178 : memref<64x128xf32, #tpu.memory_space<hbm>>)
    %dma_start3A_182 = arith.constant 0 : i32
    %dma_start3A_183 = arith.constant 0 : i32
    %dma_start3A_184 = tpu.memref_slice %arg15[%dma_start3A_182, %dma_start3A_183] : memref<64x128xf32, #tpu.memory_space<vmem>> -> memref<64x128xf32, #tpu.memory_space<vmem>>
    %dma_start3A_185 = arith.constant 0 : i32
    %dma_start3A_186 = tpu.memref_slice %arg17[%add3A_113, %dma_start3A_185] : memref<10112x128xf32, #tpu.memory_space<vmem_shared>> -> memref<64x128xf32, #tpu.memory_space<vmem_shared>>
    %dma_start3A_187 = arith.constant 0 : i32
    %dma_start3A_188 = arith.constant 0 : i32
    %dma_start3A_189 = tpu.memref_slice %arg15[%dma_start3A_187, %dma_start3A_188] : memref<64x128xf32, #tpu.memory_space<vmem>> -> memref<64x128xf32, #tpu.memory_space<vmem>>
    %dma_start3A_190 = arith.constant 0 : i32
    %dma_start3A_191 = tpu.memref_slice %arg17[%add3A_113, %dma_start3A_190] : memref<10112x128xf32, #tpu.memory_space<vmem_shared>> -> memref<64x128xf32, #tpu.memory_space<vmem_shared>>
    tpu.enqueue_dma source(%dma_start3A_191 : memref<64x128xf32, #tpu.memory_space<vmem_shared>>) target(%dma_start3A_189 : memref<64x128xf32, #tpu.memory_space<vmem>>) target_semaphore(%arg18 : memref<!tpu.dma_semaphore, #tpu.memory_space<semaphore_mem>>)
    %dma_wait3A_192 = arith.constant 0 : i32
    %dma_wait3A_193 = arith.constant 0 : i32
    %dma_wait3A_194 = tpu.memref_slice %arg16[%dma_wait3A_192, %dma_wait3A_193] : memref<64x128xf32, #tpu.memory_space<vmem>> -> memref<64x128xf32, #tpu.memory_space<vmem>>
    %dma_wait3A_195 = arith.constant 0 : i32
    %dma_wait3A_196 = tpu.memref_slice %arg17[%add3A_111, %dma_wait3A_195] : memref<10112x128xf32, #tpu.memory_space<vmem_shared>> -> memref<64x128xf32, #tpu.memory_space<vmem_shared>>
    %dma_wait3A_197 = arith.constant 0 : i32
    %dma_wait3A_198 = arith.constant 0 : i32
    %dma_wait3A_199 = tpu.memref_slice %arg16[%dma_wait3A_197, %dma_wait3A_198] : memref<64x128xf32, #tpu.memory_space<vmem>> -> memref<64x128xf32, #tpu.memory_space<vmem>>
    %dma_wait3A_200 = arith.constant 0 : i32
    %dma_wait3A_201 = tpu.memref_slice %arg17[%add3A_111, %dma_wait3A_200] : memref<10112x128xf32, #tpu.memory_space<vmem_shared>> -> memref<64x128xf32, #tpu.memory_space<vmem_shared>>
    tpu.wait_dma2 semaphore(%arg18 : memref<!tpu.dma_semaphore, #tpu.memory_space<semaphore_mem>>) src(%dma_wait3A_201 : memref<64x128xf32, #tpu.memory_space<vmem_shared>>) dst(%dma_wait3A_199 : memref<64x128xf32, #tpu.memory_space<vmem>>)
    %dma_start3A_202 = arith.constant 0 : i32
    %dma_start3A_203 = arith.constant 0 : i32
    %dma_start3A_204 = tpu.memref_slice %arg16[%dma_start3A_202, %dma_start3A_203] : memref<64x128xf32, #tpu.memory_space<vmem>> -> memref<64x128xf32, #tpu.memory_space<vmem>>
    %dma_start3A_205 = arith.constant 0 : i32
    %dma_start3A_206 = tpu.memref_slice %arg6[%arg0, %add3A_111, %dma_start3A_205] : memref<2x10112x128xf32, #tpu.memory_space<hbm>> -> memref<1x64x128xf32, #tpu.memory_space<hbm>>
    %dma_start3A_207 = tpu.memref_squeeze %dma_start3A_206 : memref<1x64x128xf32, #tpu.memory_space<hbm>> -> memref<64x128xf32, #tpu.memory_space<hbm>>
    %dma_start3A_208 = arith.constant 0 : i32
    %dma_start3A_209 = tpu.memref_slice %arg6[%arg0, %add3A_111, %dma_start3A_208] : memref<2x10112x128xf32, #tpu.memory_space<hbm>> -> memref<1x64x128xf32, #tpu.memory_space<hbm>>
    %dma_start3A_210 = tpu.memref_squeeze %dma_start3A_209 : memref<1x64x128xf32, #tpu.memory_space<hbm>> -> memref<64x128xf32, #tpu.memory_space<hbm>>
    %dma_start3A_211 = arith.constant 0 : i32
    %dma_start3A_212 = arith.constant 0 : i32
    %dma_start3A_213 = tpu.memref_slice %arg16[%dma_start3A_211, %dma_start3A_212] : memref<64x128xf32, #tpu.memory_space<vmem>> -> memref<64x128xf32, #tpu.memory_space<vmem>>
    tpu.enqueue_dma source(%dma_start3A_213 : memref<64x128xf32, #tpu.memory_space<vmem>>) target(%dma_start3A_210 : memref<64x128xf32, #tpu.memory_space<hbm>>) target_semaphore(%arg19 : memref<!tpu.dma_semaphore, #tpu.memory_space<semaphore_mem>>)
    %dma_wait3A_214 = arith.constant 0 : i32
    %dma_wait3A_215 = arith.constant 0 : i32
    %dma_wait3A_216 = tpu.memref_slice %arg16[%dma_wait3A_214, %dma_wait3A_215] : memref<64x128xf32, #tpu.memory_space<vmem>> -> memref<64x128xf32, #tpu.memory_space<vmem>>
    %dma_wait3A_217 = arith.constant 0 : i32
    %dma_wait3A_218 = tpu.memref_slice %arg6[%arg0, %add3A_111, %dma_wait3A_217] : memref<2x10112x128xf32, #tpu.memory_space<hbm>> -> memref<1x64x128xf32, #tpu.memory_space<hbm>>
    %dma_wait3A_219 = tpu.memref_squeeze %dma_wait3A_218 : memref<1x64x128xf32, #tpu.memory_space<hbm>> -> memref<64x128xf32, #tpu.memory_space<hbm>>
    %dma_wait3A_220 = arith.constant 0 : i32
    %dma_wait3A_221 = tpu.memref_slice %arg6[%arg0, %add3A_111, %dma_wait3A_220] : memref<2x10112x128xf32, #tpu.memory_space<hbm>> -> memref<1x64x128xf32, #tpu.memory_space<hbm>>
    %dma_wait3A_222 = tpu.memref_squeeze %dma_wait3A_221 : memref<1x64x128xf32, #tpu.memory_space<hbm>> -> memref<64x128xf32, #tpu.memory_space<hbm>>
    %dma_wait3A_223 = arith.constant 0 : i32
    %dma_wait3A_224 = arith.constant 0 : i32
    %dma_wait3A_225 = tpu.memref_slice %arg16[%dma_wait3A_223, %dma_wait3A_224] : memref<64x128xf32, #tpu.memory_space<vmem>> -> memref<64x128xf32, #tpu.memory_space<vmem>>
    tpu.wait_dma2 semaphore(%arg19 : memref<!tpu.dma_semaphore, #tpu.memory_space<semaphore_mem>>) src(%dma_wait3A_225 : memref<64x128xf32, #tpu.memory_space<vmem>>) dst(%dma_wait3A_222 : memref<64x128xf32, #tpu.memory_space<hbm>>)
    %dma_start3A_226 = arith.constant 0 : i32
    %dma_start3A_227 = arith.constant 0 : i32
    %dma_start3A_228 = tpu.memref_slice %arg16[%dma_start3A_226, %dma_start3A_227] : memref<64x128xf32, #tpu.memory_space<vmem>> -> memref<64x128xf32, #tpu.memory_space<vmem>>
    %dma_start3A_229 = arith.constant 0 : i32
    %dma_start3A_230 = tpu.memref_slice %arg17[%add3A_115, %dma_start3A_229] : memref<10112x128xf32, #tpu.memory_space<vmem_shared>> -> memref<64x128xf32, #tpu.memory_space<vmem_shared>>
    %dma_start3A_231 = arith.constant 0 : i32
    %dma_start3A_232 = arith.constant 0 : i32
    %dma_start3A_233 = tpu.memref_slice %arg16[%dma_start3A_231, %dma_start3A_232] : memref<64x128xf32, #tpu.memory_space<vmem>> -> memref<64x128xf32, #tpu.memory_space<vmem>>
    %dma_start3A_234 = arith.constant 0 : i32
    %dma_start3A_235 = tpu.memref_slice %arg17[%add3A_115, %dma_start3A_234] : memref<10112x128xf32, #tpu.memory_space<vmem_shared>> -> memref<64x128xf32, #tpu.memory_space<vmem_shared>>
    tpu.enqueue_dma source(%dma_start3A_235 : memref<64x128xf32, #tpu.memory_space<vmem_shared>>) target(%dma_start3A_233 : memref<64x128xf32, #tpu.memory_space<vmem>>) target_semaphore(%arg18 : memref<!tpu.dma_semaphore, #tpu.memory_space<semaphore_mem>>)
    %dma_wait3A_236 = arith.constant 0 : i32
    %dma_wait3A_237 = arith.constant 0 : i32
    %dma_wait3A_238 = tpu.memref_slice %arg15[%dma_wait3A_236, %dma_wait3A_237] : memref<64x128xf32, #tpu.memory_space<vmem>> -> memref<64x128xf32, #tpu.memory_space<vmem>>
    %dma_wait3A_239 = arith.constant 0 : i32
    %dma_wait3A_240 = tpu.memref_slice %arg17[%add3A_113, %dma_wait3A_239] : memref<10112x128xf32, #tpu.memory_space<vmem_shared>> -> memref<64x128xf32, #tpu.memory_space<vmem_shared>>
    %dma_wait3A_241 = arith.constant 0 : i32
    %dma_wait3A_242 = arith.constant 0 : i32
    %dma_wait3A_243 = tpu.memref_slice %arg15[%dma_wait3A_241, %dma_wait3A_242] : memref<64x128xf32, #tpu.memory_space<vmem>> -> memref<64x128xf32, #tpu.memory_space<vmem>>
    %dma_wait3A_244 = arith.constant 0 : i32
    %dma_wait3A_245 = tpu.memref_slice %arg17[%add3A_113, %dma_wait3A_244] : memref<10112x128xf32, #tpu.memory_space<vmem_shared>> -> memref<64x128xf32, #tpu.memory_space<vmem_shared>>
    tpu.wait_dma2 semaphore(%arg18 : memref<!tpu.dma_semaphore, #tpu.memory_space<semaphore_mem>>) src(%dma_wait3A_245 : memref<64x128xf32, #tpu.memory_space<vmem_shared>>) dst(%dma_wait3A_243 : memref<64x128xf32, #tpu.memory_space<vmem>>)
    %dma_start3A_246 = arith.constant 0 : i32
    %dma_start3A_247 = arith.constant 0 : i32
    %dma_start3A_248 = tpu.memref_slice %arg15[%dma_start3A_246, %dma_start3A_247] : memref<64x128xf32, #tpu.memory_space<vmem>> -> memref<64x128xf32, #tpu.memory_space<vmem>>
    %dma_start3A_249 = arith.constant 0 : i32
    %dma_start3A_250 = tpu.memref_slice %arg6[%arg0, %add3A_113, %dma_start3A_249] : memref<2x10112x128xf32, #tpu.memory_space<hbm>> -> memref<1x64x128xf32, #tpu.memory_space<hbm>>
    %dma_start3A_251 = tpu.memref_squeeze %dma_start3A_250 : memref<1x64x128xf32, #tpu.memory_space<hbm>> -> memref<64x128xf32, #tpu.memory_space<hbm>>
    %dma_start3A_252 = arith.constant 0 : i32
    %dma_start3A_253 = tpu.memref_slice %arg6[%arg0, %add3A_113, %dma_start3A_252] : memref<2x10112x128xf32, #tpu.memory_space<hbm>> -> memref<1x64x128xf32, #tpu.memory_space<hbm>>
    %dma_start3A_254 = tpu.memref_squeeze %dma_start3A_253 : memref<1x64x128xf32, #tpu.memory_space<hbm>> -> memref<64x128xf32, #tpu.memory_space<hbm>>
    %dma_start3A_255 = arith.constant 0 : i32
    %dma_start3A_256 = arith.constant 0 : i32
    %dma_start3A_257 = tpu.memref_slice %arg15[%dma_start3A_255, %dma_start3A_256] : memref<64x128xf32, #tpu.memory_space<vmem>> -> memref<64x128xf32, #tpu.memory_space<vmem>>
    tpu.enqueue_dma source(%dma_start3A_257 : memref<64x128xf32, #tpu.memory_space<vmem>>) target(%dma_start3A_254 : memref<64x128xf32, #tpu.memory_space<hbm>>) target_semaphore(%arg19 : memref<!tpu.dma_semaphore, #tpu.memory_space<semaphore_mem>>)
    %dma_wait3A_258 = arith.constant 0 : i32
    %dma_wait3A_259 = arith.constant 0 : i32
    %dma_wait3A_260 = tpu.memref_slice %arg15[%dma_wait3A_258, %dma_wait3A_259] : memref<64x128xf32, #tpu.memory_space<vmem>> -> memref<64x128xf32, #tpu.memory_space<vmem>>
    %dma_wait3A_261 = arith.constant 0 : i32
    %dma_wait3A_262 = tpu.memref_slice %arg6[%arg0, %add3A_113, %dma_wait3A_261] : memref<2x10112x128xf32, #tpu.memory_space<hbm>> -> memref<1x64x128xf32, #tpu.memory_space<hbm>>
    %dma_wait3A_263 = tpu.memref_squeeze %dma_wait3A_262 : memref<1x64x128xf32, #tpu.memory_space<hbm>> -> memref<64x128xf32, #tpu.memory_space<hbm>>
    %dma_wait3A_264 = arith.constant 0 : i32
    %dma_wait3A_265 = tpu.memref_slice %arg6[%arg0, %add3A_113, %dma_wait3A_264] : memref<2x10112x128xf32, #tpu.memory_space<hbm>> -> memref<1x64x128xf32, #tpu.memory_space<hbm>>
    %dma_wait3A_266 = tpu.memref_squeeze %dma_wait3A_265 : memref<1x64x128xf32, #tpu.memory_space<hbm>> -> memref<64x128xf32, #tpu.memory_space<hbm>>
    %dma_wait3A_267 = arith.constant 0 : i32
    %dma_wait3A_268 = arith.constant 0 : i32
    %dma_wait3A_269 = tpu.memref_slice %arg15[%dma_wait3A_267, %dma_wait3A_268] : memref<64x128xf32, #tpu.memory_space<vmem>> -> memref<64x128xf32, #tpu.memory_space<vmem>>
    tpu.wait_dma2 semaphore(%arg19 : memref<!tpu.dma_semaphore, #tpu.memory_space<semaphore_mem>>) src(%dma_wait3A_269 : memref<64x128xf32, #tpu.memory_space<vmem>>) dst(%dma_wait3A_266 : memref<64x128xf32, #tpu.memory_space<hbm>>)
    %dma_start3A_270 = arith.constant 0 : i32
    %dma_start3A_271 = arith.constant 0 : i32
    %dma_start3A_272 = tpu.memref_slice %arg15[%dma_start3A_270, %dma_start3A_271] : memref<64x128xf32, #tpu.memory_space<vmem>> -> memref<64x128xf32, #tpu.memory_space<vmem>>
    %dma_start3A_273 = arith.constant 0 : i32
    %dma_start3A_274 = tpu.memref_slice %arg17[%add3A_117, %dma_start3A_273] : memref<10112x128xf32, #tpu.memory_space<vmem_shared>> -> memref<64x128xf32, #tpu.memory_space<vmem_shared>>
    %dma_start3A_275 = arith.constant 0 : i32
    %dma_start3A_276 = arith.constant 0 : i32
    %dma_start3A_277 = tpu.memref_slice %arg15[%dma_start3A_275, %dma_start3A_276] : memref<64x128xf32, #tpu.memory_space<vmem>> -> memref<64x128xf32, #tpu.memory_space<vmem>>
    %dma_start3A_278 = arith.constant 0 : i32
    %dma_start3A_279 = tpu.memref_slice %arg17[%add3A_117, %dma_start3A_278] : memref<10112x128xf32, #tpu.memory_space<vmem_shared>> -> memref<64x128xf32, #tpu.memory_space<vmem_shared>>
    tpu.enqueue_dma source(%dma_start3A_279 : memref<64x128xf32, #tpu.memory_space<vmem_shared>>) target(%dma_start3A_277 : memref<64x128xf32, #tpu.memory_space<vmem>>) target_semaphore(%arg18 : memref<!tpu.dma_semaphore, #tpu.memory_space<semaphore_mem>>)
    %dma_wait3A_280 = arith.constant 0 : i32
    %dma_wait3A_281 = arith.constant 0 : i32
    %dma_wait3A_282 = tpu.memref_slice %arg16[%dma_wait3A_280, %dma_wait3A_281] : memref<64x128xf32, #tpu.memory_space<vmem>> -> memref<64x128xf32, #tpu.memory_space<vmem>>
    %dma_wait3A_283 = arith.constant 0 : i32
    %dma_wait3A_284 = tpu.memref_slice %arg17[%add3A_115, %dma_wait3A_283] : memref<10112x128xf32, #tpu.memory_space<vmem_shared>> -> memref<64x128xf32, #tpu.memory_space<vmem_shared>>
    %dma_wait3A_285 = arith.constant 0 : i32
    %dma_wait3A_286 = arith.constant 0 : i32
    %dma_wait3A_287 = tpu.memref_slice %arg16[%dma_wait3A_285, %dma_wait3A_286] : memref<64x128xf32, #tpu.memory_space<vmem>> -> memref<64x128xf32, #tpu.memory_space<vmem>>
    %dma_wait3A_288 = arith.constant 0 : i32
    %dma_wait3A_289 = tpu.memref_slice %arg17[%add3A_115, %dma_wait3A_288] : memref<10112x128xf32, #tpu.memory_space<vmem_shared>> -> memref<64x128xf32, #tpu.memory_space<vmem_shared>>
    tpu.wait_dma2 semaphore(%arg18 : memref<!tpu.dma_semaphore, #tpu.memory_space<semaphore_mem>>) src(%dma_wait3A_289 : memref<64x128xf32, #tpu.memory_space<vmem_shared>>) dst(%dma_wait3A_287 : memref<64x128xf32, #tpu.memory_space<vmem>>)
    %dma_start3A_290 = arith.constant 0 : i32
    %dma_start3A_291 = arith.constant 0 : i32
    %dma_start3A_292 = tpu.memref_slice %arg16[%dma_start3A_290, %dma_start3A_291] : memref<64x128xf32, #tpu.memory_space<vmem>> -> memref<64x128xf32, #tpu.memory_space<vmem>>
    %dma_start3A_293 = arith.constant 0 : i32
    %dma_start3A_294 = tpu.memref_slice %arg6[%arg0, %add3A_115, %dma_start3A_293] : memref<2x10112x128xf32, #tpu.memory_space<hbm>> -> memref<1x64x128xf32, #tpu.memory_space<hbm>>
    %dma_start3A_295 = tpu.memref_squeeze %dma_start3A_294 : memref<1x64x128xf32, #tpu.memory_space<hbm>> -> memref<64x128xf32, #tpu.memory_space<hbm>>
    %dma_start3A_296 = arith.constant 0 : i32
    %dma_start3A_297 = tpu.memref_slice %arg6[%arg0, %add3A_115, %dma_start3A_296] : memref<2x10112x128xf32, #tpu.memory_space<hbm>> -> memref<1x64x128xf32, #tpu.memory_space<hbm>>
    %dma_start3A_298 = tpu.memref_squeeze %dma_start3A_297 : memref<1x64x128xf32, #tpu.memory_space<hbm>> -> memref<64x128xf32, #tpu.memory_space<hbm>>
    %dma_start3A_299 = arith.constant 0 : i32
    %dma_start3A_300 = arith.constant 0 : i32
    %dma_start3A_301 = tpu.memref_slice %arg16[%dma_start3A_299, %dma_start3A_300] : memref<64x128xf32, #tpu.memory_space<vmem>> -> memref<64x128xf32, #tpu.memory_space<vmem>>
    tpu.enqueue_dma source(%dma_start3A_301 : memref<64x128xf32, #tpu.memory_space<vmem>>) target(%dma_start3A_298 : memref<64x128xf32, #tpu.memory_space<hbm>>) target_semaphore(%arg19 : memref<!tpu.dma_semaphore, #tpu.memory_space<semaphore_mem>>)
    %dma_wait3A_302 = arith.constant 0 : i32
    %dma_wait3A_303 = arith.constant 0 : i32
    %dma_wait3A_304 = tpu.memref_slice %arg16[%dma_wait3A_302, %dma_wait3A_303] : memref<64x128xf32, #tpu.memory_space<vmem>> -> memref<64x128xf32, #tpu.memory_space<vmem>>
    %dma_wait3A_305 = arith.constant 0 : i32
    %dma_wait3A_306 = tpu.memref_slice %arg6[%arg0, %add3A_115, %dma_wait3A_305] : memref<2x10112x128xf32, #tpu.memory_space<hbm>> -> memref<1x64x128xf32, #tpu.memory_space<hbm>>
    %dma_wait3A_307 = tpu.memref_squeeze %dma_wait3A_306 : memref<1x64x128xf32, #tpu.memory_space<hbm>> -> memref<64x128xf32, #tpu.memory_space<hbm>>
    %dma_wait3A_308 = arith.constant 0 : i32
    %dma_wait3A_309 = tpu.memref_slice %arg6[%arg0, %add3A_115, %dma_wait3A_308] : memref<2x10112x128xf32, #tpu.memory_space<hbm>> -> memref<1x64x128xf32, #tpu.memory_space<hbm>>
    %dma_wait3A_310 = tpu.memref_squeeze %dma_wait3A_309 : memref<1x64x128xf32, #tpu.memory_space<hbm>> -> memref<64x128xf32, #tpu.memory_space<hbm>>
    %dma_wait3A_311 = arith.constant 0 : i32
    %dma_wait3A_312 = arith.constant 0 : i32
    %dma_wait3A_313 = tpu.memref_slice %arg16[%dma_wait3A_311, %dma_wait3A_312] : memref<64x128xf32, #tpu.memory_space<vmem>> -> memref<64x128xf32, #tpu.memory_space<vmem>>
    tpu.wait_dma2 semaphore(%arg19 : memref<!tpu.dma_semaphore, #tpu.memory_space<semaphore_mem>>) src(%dma_wait3A_313 : memref<64x128xf32, #tpu.memory_space<vmem>>) dst(%dma_wait3A_310 : memref<64x128xf32, #tpu.memory_space<hbm>>)
    %dma_start3A_314 = arith.constant 0 : i32
    %dma_start3A_315 = arith.constant 0 : i32
    %dma_start3A_316 = tpu.memref_slice %arg16[%dma_start3A_314, %dma_start3A_315] : memref<64x128xf32, #tpu.memory_space<vmem>> -> memref<64x128xf32, #tpu.memory_space<vmem>>
    %dma_start3A_317 = arith.constant 0 : i32
    %dma_start3A_318 = tpu.memref_slice %arg17[%add3A_119, %dma_start3A_317] : memref<10112x128xf32, #tpu.memory_space<vmem_shared>> -> memref<64x128xf32, #tpu.memory_space<vmem_shared>>
    %dma_start3A_319 = arith.constant 0 : i32
    %dma_start3A_320 = arith.constant 0 : i32
    %dma_start3A_321 = tpu.memref_slice %arg16[%dma_start3A_319, %dma_start3A_320] : memref<64x128xf32, #tpu.memory_space<vmem>> -> memref<64x128xf32, #tpu.memory_space<vmem>>
    %dma_start3A_322 = arith.constant 0 : i32
    %dma_start3A_323 = tpu.memref_slice %arg17[%add3A_119, %dma_start3A_322] : memref<10112x128xf32, #tpu.memory_space<vmem_shared>> -> memref<64x128xf32, #tpu.memory_space<vmem_shared>>
    tpu.enqueue_dma source(%dma_start3A_323 : memref<64x128xf32, #tpu.memory_space<vmem_shared>>) target(%dma_start3A_321 : memref<64x128xf32, #tpu.memory_space<vmem>>) target_semaphore(%arg18 : memref<!tpu.dma_semaphore, #tpu.memory_space<semaphore_mem>>)
    %dma_wait3A_324 = arith.constant 0 : i32
    %dma_wait3A_325 = arith.constant 0 : i32
    %dma_wait3A_326 = tpu.memref_slice %arg15[%dma_wait3A_324, %dma_wait3A_325] : memref<64x128xf32, #tpu.memory_space<vmem>> -> memref<64x128xf32, #tpu.memory_space<vmem>>
    %dma_wait3A_327 = arith.constant 0 : i32
    %dma_wait3A_328 = tpu.memref_slice %arg17[%add3A_117, %dma_wait3A_327] : memref<10112x128xf32, #tpu.memory_space<vmem_shared>> -> memref<64x128xf32, #tpu.memory_space<vmem_shared>>
    %dma_wait3A_329 = arith.constant 0 : i32
    %dma_wait3A_330 = arith.constant 0 : i32
    %dma_wait3A_331 = tpu.memref_slice %arg15[%dma_wait3A_329, %dma_wait3A_330] : memref<64x128xf32, #tpu.memory_space<vmem>> -> memref<64x128xf32, #tpu.memory_space<vmem>>
    %dma_wait3A_332 = arith.constant 0 : i32
    %dma_wait3A_333 = tpu.memref_slice %arg17[%add3A_117, %dma_wait3A_332] : memref<10112x128xf32, #tpu.memory_space<vmem_shared>> -> memref<64x128xf32, #tpu.memory_space<vmem_shared>>
    tpu.wait_dma2 semaphore(%arg18 : memref<!tpu.dma_semaphore, #tpu.memory_space<semaphore_mem>>) src(%dma_wait3A_333 : memref<64x128xf32, #tpu.memory_space<vmem_shared>>) dst(%dma_wait3A_331 : memref<64x128xf32, #tpu.memory_space<vmem>>)
    %dma_start3A_334 = arith.constant 0 : i32
    %dma_start3A_335 = arith.constant 0 : i32
    %dma_start3A_336 = tpu.memref_slice %arg15[%dma_start3A_334, %dma_start3A_335] : memref<64x128xf32, #tpu.memory_space<vmem>> -> memref<64x128xf32, #tpu.memory_space<vmem>>
    %dma_start3A_337 = arith.constant 0 : i32
    %dma_start3A_338 = tpu.memref_slice %arg6[%arg0, %add3A_117, %dma_start3A_337] : memref<2x10112x128xf32, #tpu.memory_space<hbm>> -> memref<1x64x128xf32, #tpu.memory_space<hbm>>
    %dma_start3A_339 = tpu.memref_squeeze %dma_start3A_338 : memref<1x64x128xf32, #tpu.memory_space<hbm>> -> memref<64x128xf32, #tpu.memory_space<hbm>>
    %dma_start3A_340 = arith.constant 0 : i32
    %dma_start3A_341 = tpu.memref_slice %arg6[%arg0, %add3A_117, %dma_start3A_340] : memref<2x10112x128xf32, #tpu.memory_space<hbm>> -> memref<1x64x128xf32, #tpu.memory_space<hbm>>
    %dma_start3A_342 = tpu.memref_squeeze %dma_start3A_341 : memref<1x64x128xf32, #tpu.memory_space<hbm>> -> memref<64x128xf32, #tpu.memory_space<hbm>>
    %dma_start3A_343 = arith.constant 0 : i32
    %dma_start3A_344 = arith.constant 0 : i32
    %dma_start3A_345 = tpu.memref_slice %arg15[%dma_start3A_343, %dma_start3A_344] : memref<64x128xf32, #tpu.memory_space<vmem>> -> memref<64x128xf32, #tpu.memory_space<vmem>>
    tpu.enqueue_dma source(%dma_start3A_345 : memref<64x128xf32, #tpu.memory_space<vmem>>) target(%dma_start3A_342 : memref<64x128xf32, #tpu.memory_space<hbm>>) target_semaphore(%arg19 : memref<!tpu.dma_semaphore, #tpu.memory_space<semaphore_mem>>)
    %dma_wait3A_346 = arith.constant 0 : i32
    %dma_wait3A_347 = arith.constant 0 : i32
    %dma_wait3A_348 = tpu.memref_slice %arg15[%dma_wait3A_346, %dma_wait3A_347] : memref<64x128xf32, #tpu.memory_space<vmem>> -> memref<64x128xf32, #tpu.memory_space<vmem>>
    %dma_wait3A_349 = arith.constant 0 : i32
    %dma_wait3A_350 = tpu.memref_slice %arg6[%arg0, %add3A_117, %dma_wait3A_349] : memref<2x10112x128xf32, #tpu.memory_space<hbm>> -> memref<1x64x128xf32, #tpu.memory_space<hbm>>
    %dma_wait3A_351 = tpu.memref_squeeze %dma_wait3A_350 : memref<1x64x128xf32, #tpu.memory_space<hbm>> -> memref<64x128xf32, #tpu.memory_space<hbm>>
    %dma_wait3A_352 = arith.constant 0 : i32
    %dma_wait3A_353 = tpu.memref_slice %arg6[%arg0, %add3A_117, %dma_wait3A_352] : memref<2x10112x128xf32, #tpu.memory_space<hbm>> -> memref<1x64x128xf32, #tpu.memory_space<hbm>>
    %dma_wait3A_354 = tpu.memref_squeeze %dma_wait3A_353 : memref<1x64x128xf32, #tpu.memory_space<hbm>> -> memref<64x128xf32, #tpu.memory_space<hbm>>
    %dma_wait3A_355 = arith.constant 0 : i32
    %dma_wait3A_356 = arith.constant 0 : i32
    %dma_wait3A_357 = tpu.memref_slice %arg15[%dma_wait3A_355, %dma_wait3A_356] : memref<64x128xf32, #tpu.memory_space<vmem>> -> memref<64x128xf32, #tpu.memory_space<vmem>>
    tpu.wait_dma2 semaphore(%arg19 : memref<!tpu.dma_semaphore, #tpu.memory_space<semaphore_mem>>) src(%dma_wait3A_357 : memref<64x128xf32, #tpu.memory_space<vmem>>) dst(%dma_wait3A_354 : memref<64x128xf32, #tpu.memory_space<hbm>>)
    %dma_start3A_358 = arith.constant 0 : i32
    %dma_start3A_359 = arith.constant 0 : i32
    %dma_start3A_360 = tpu.memref_slice %arg15[%dma_start3A_358, %dma_start3A_359] : memref<64x128xf32, #tpu.memory_space<vmem>> -> memref<64x128xf32, #tpu.memory_space<vmem>>
    %dma_start3A_361 = arith.constant 0 : i32
    %dma_start3A_362 = tpu.memref_slice %arg17[%add3A_121, %dma_start3A_361] : memref<10112x128xf32, #tpu.memory_space<vmem_shared>> -> memref<64x128xf32, #tpu.memory_space<vmem_shared>>
    %dma_start3A_363 = arith.constant 0 : i32
    %dma_start3A_364 = arith.constant 0 : i32
    %dma_start3A_365 = tpu.memref_slice %arg15[%dma_start3A_363, %dma_start3A_364] : memref<64x128xf32, #tpu.memory_space<vmem>> -> memref<64x128xf32, #tpu.memory_space<vmem>>
    %dma_start3A_366 = arith.constant 0 : i32
    %dma_start3A_367 = tpu.memref_slice %arg17[%add3A_121, %dma_start3A_366] : memref<10112x128xf32, #tpu.memory_space<vmem_shared>> -> memref<64x128xf32, #tpu.memory_space<vmem_shared>>
    tpu.enqueue_dma source(%dma_start3A_367 : memref<64x128xf32, #tpu.memory_space<vmem_shared>>) target(%dma_start3A_365 : memref<64x128xf32, #tpu.memory_space<vmem>>) target_semaphore(%arg18 : memref<!tpu.dma_semaphore, #tpu.memory_space<semaphore_mem>>)
    %dma_wait3A_368 = arith.constant 0 : i32
    %dma_wait3A_369 = arith.constant 0 : i32
    %dma_wait3A_370 = tpu.memref_slice %arg16[%dma_wait3A_368, %dma_wait3A_369] : memref<64x128xf32, #tpu.memory_space<vmem>> -> memref<64x128xf32, #tpu.memory_space<vmem>>
    %dma_wait3A_371 = arith.constant 0 : i32
    %dma_wait3A_372 = tpu.memref_slice %arg17[%add3A_119, %dma_wait3A_371] : memref<10112x128xf32, #tpu.memory_space<vmem_shared>> -> memref<64x128xf32, #tpu.memory_space<vmem_shared>>
    %dma_wait3A_373 = arith.constant 0 : i32
    %dma_wait3A_374 = arith.constant 0 : i32
    %dma_wait3A_375 = tpu.memref_slice %arg16[%dma_wait3A_373, %dma_wait3A_374] : memref<64x128xf32, #tpu.memory_space<vmem>> -> memref<64x128xf32, #tpu.memory_space<vmem>>
    %dma_wait3A_376 = arith.constant 0 : i32
    %dma_wait3A_377 = tpu.memref_slice %arg17[%add3A_119, %dma_wait3A_376] : memref<10112x128xf32, #tpu.memory_space<vmem_shared>> -> memref<64x128xf32, #tpu.memory_space<vmem_shared>>
    tpu.wait_dma2 semaphore(%arg18 : memref<!tpu.dma_semaphore, #tpu.memory_space<semaphore_mem>>) src(%dma_wait3A_377 : memref<64x128xf32, #tpu.memory_space<vmem_shared>>) dst(%dma_wait3A_375 : memref<64x128xf32, #tpu.memory_space<vmem>>)
    %dma_start3A_378 = arith.constant 0 : i32
    %dma_start3A_379 = arith.constant 0 : i32
    %dma_start3A_380 = tpu.memref_slice %arg16[%dma_start3A_378, %dma_start3A_379] : memref<64x128xf32, #tpu.memory_space<vmem>> -> memref<64x128xf32, #tpu.memory_space<vmem>>
    %dma_start3A_381 = arith.constant 0 : i32
    %dma_start3A_382 = tpu.memref_slice %arg6[%arg0, %add3A_119, %dma_start3A_381] : memref<2x10112x128xf32, #tpu.memory_space<hbm>> -> memref<1x64x128xf32, #tpu.memory_space<hbm>>
    %dma_start3A_383 = tpu.memref_squeeze %dma_start3A_382 : memref<1x64x128xf32, #tpu.memory_space<hbm>> -> memref<64x128xf32, #tpu.memory_space<hbm>>
    %dma_start3A_384 = arith.constant 0 : i32
    %dma_start3A_385 = tpu.memref_slice %arg6[%arg0, %add3A_119, %dma_start3A_384] : memref<2x10112x128xf32, #tpu.memory_space<hbm>> -> memref<1x64x128xf32, #tpu.memory_space<hbm>>
    %dma_start3A_386 = tpu.memref_squeeze %dma_start3A_385 : memref<1x64x128xf32, #tpu.memory_space<hbm>> -> memref<64x128xf32, #tpu.memory_space<hbm>>
    %dma_start3A_387 = arith.constant 0 : i32
    %dma_start3A_388 = arith.constant 0 : i32
    %dma_start3A_389 = tpu.memref_slice %arg16[%dma_start3A_387, %dma_start3A_388] : memref<64x128xf32, #tpu.memory_space<vmem>> -> memref<64x128xf32, #tpu.memory_space<vmem>>
    tpu.enqueue_dma source(%dma_start3A_389 : memref<64x128xf32, #tpu.memory_space<vmem>>) target(%dma_start3A_386 : memref<64x128xf32, #tpu.memory_space<hbm>>) target_semaphore(%arg19 : memref<!tpu.dma_semaphore, #tpu.memory_space<semaphore_mem>>)
    %dma_wait3A_390 = arith.constant 0 : i32
    %dma_wait3A_391 = arith.constant 0 : i32
    %dma_wait3A_392 = tpu.memref_slice %arg16[%dma_wait3A_390, %dma_wait3A_391] : memref<64x128xf32, #tpu.memory_space<vmem>> -> memref<64x128xf32, #tpu.memory_space<vmem>>
    %dma_wait3A_393 = arith.constant 0 : i32
    %dma_wait3A_394 = tpu.memref_slice %arg6[%arg0, %add3A_119, %dma_wait3A_393] : memref<2x10112x128xf32, #tpu.memory_space<hbm>> -> memref<1x64x128xf32, #tpu.memory_space<hbm>>
    %dma_wait3A_395 = tpu.memref_squeeze %dma_wait3A_394 : memref<1x64x128xf32, #tpu.memory_space<hbm>> -> memref<64x128xf32, #tpu.memory_space<hbm>>
    %dma_wait3A_396 = arith.constant 0 : i32
    %dma_wait3A_397 = tpu.memref_slice %arg6[%arg0, %add3A_119, %dma_wait3A_396] : memref<2x10112x128xf32, #tpu.memory_space<hbm>> -> memref<1x64x128xf32, #tpu.memory_space<hbm>>
    %dma_wait3A_398 = tpu.memref_squeeze %dma_wait3A_397 : memref<1x64x128xf32, #tpu.memory_space<hbm>> -> memref<64x128xf32, #tpu.memory_space<hbm>>
    %dma_wait3A_399 = arith.constant 0 : i32
    %dma_wait3A_400 = arith.constant 0 : i32
    %dma_wait3A_401 = tpu.memref_slice %arg16[%dma_wait3A_399, %dma_wait3A_400] : memref<64x128xf32, #tpu.memory_space<vmem>> -> memref<64x128xf32, #tpu.memory_space<vmem>>
    tpu.wait_dma2 semaphore(%arg19 : memref<!tpu.dma_semaphore, #tpu.memory_space<semaphore_mem>>) src(%dma_wait3A_401 : memref<64x128xf32, #tpu.memory_space<vmem>>) dst(%dma_wait3A_398 : memref<64x128xf32, #tpu.memory_space<hbm>>)
    %dma_start3A_402 = arith.constant 0 : i32
    %dma_start3A_403 = arith.constant 0 : i32
    %dma_start3A_404 = tpu.memref_slice %arg16[%dma_start3A_402, %dma_start3A_403] : memref<64x128xf32, #tpu.memory_space<vmem>> -> memref<64x128xf32, #tpu.memory_space<vmem>>
    %dma_start3A_405 = arith.constant 0 : i32
    %dma_start3A_406 = tpu.memref_slice %arg17[%add3A_123, %dma_start3A_405] : memref<10112x128xf32, #tpu.memory_space<vmem_shared>> -> memref<64x128xf32, #tpu.memory_space<vmem_shared>>
    %dma_start3A_407 = arith.constant 0 : i32
    %dma_start3A_408 = arith.constant 0 : i32
    %dma_start3A_409 = tpu.memref_slice %arg16[%dma_start3A_407, %dma_start3A_408] : memref<64x128xf32, #tpu.memory_space<vmem>> -> memref<64x128xf32, #tpu.memory_space<vmem>>
    %dma_start3A_410 = arith.constant 0 : i32
    %dma_start3A_411 = tpu.memref_slice %arg17[%add3A_123, %dma_start3A_410] : memref<10112x128xf32, #tpu.memory_space<vmem_shared>> -> memref<64x128xf32, #tpu.memory_space<vmem_shared>>
    tpu.enqueue_dma source(%dma_start3A_411 : memref<64x128xf32, #tpu.memory_space<vmem_shared>>) target(%dma_start3A_409 : memref<64x128xf32, #tpu.memory_space<vmem>>) target_semaphore(%arg18 : memref<!tpu.dma_semaphore, #tpu.memory_space<semaphore_mem>>)
    %dma_wait3A_412 = arith.constant 0 : i32
    %dma_wait3A_413 = arith.constant 0 : i32
    %dma_wait3A_414 = tpu.memref_slice %arg15[%dma_wait3A_412, %dma_wait3A_413] : memref<64x128xf32, #tpu.memory_space<vmem>> -> memref<64x128xf32, #tpu.memory_space<vmem>>
    %dma_wait3A_415 = arith.constant 0 : i32
    %dma_wait3A_416 = tpu.memref_slice %arg17[%add3A_121, %dma_wait3A_415] : memref<10112x128xf32, #tpu.memory_space<vmem_shared>> -> memref<64x128xf32, #tpu.memory_space<vmem_shared>>
    %dma_wait3A_417 = arith.constant 0 : i32
    %dma_wait3A_418 = arith.constant 0 : i32
    %dma_wait3A_419 = tpu.memref_slice %arg15[%dma_wait3A_417, %dma_wait3A_418] : memref<64x128xf32, #tpu.memory_space<vmem>> -> memref<64x128xf32, #tpu.memory_space<vmem>>
    %dma_wait3A_420 = arith.constant 0 : i32
    %dma_wait3A_421 = tpu.memref_slice %arg17[%add3A_121, %dma_wait3A_420] : memref<10112x128xf32, #tpu.memory_space<vmem_shared>> -> memref<64x128xf32, #tpu.memory_space<vmem_shared>>
    tpu.wait_dma2 semaphore(%arg18 : memref<!tpu.dma_semaphore, #tpu.memory_space<semaphore_mem>>) src(%dma_wait3A_421 : memref<64x128xf32, #tpu.memory_space<vmem_shared>>) dst(%dma_wait3A_419 : memref<64x128xf32, #tpu.memory_space<vmem>>)
    %dma_start3A_422 = arith.constant 0 : i32
    %dma_start3A_423 = arith.constant 0 : i32
    %dma_start3A_424 = tpu.memref_slice %arg15[%dma_start3A_422, %dma_start3A_423] : memref<64x128xf32, #tpu.memory_space<vmem>> -> memref<64x128xf32, #tpu.memory_space<vmem>>
    %dma_start3A_425 = arith.constant 0 : i32
    %dma_start3A_426 = tpu.memref_slice %arg6[%arg0, %add3A_121, %dma_start3A_425] : memref<2x10112x128xf32, #tpu.memory_space<hbm>> -> memref<1x64x128xf32, #tpu.memory_space<hbm>>
    %dma_start3A_427 = tpu.memref_squeeze %dma_start3A_426 : memref<1x64x128xf32, #tpu.memory_space<hbm>> -> memref<64x128xf32, #tpu.memory_space<hbm>>
    %dma_start3A_428 = arith.constant 0 : i32
    %dma_start3A_429 = tpu.memref_slice %arg6[%arg0, %add3A_121, %dma_start3A_428] : memref<2x10112x128xf32, #tpu.memory_space<hbm>> -> memref<1x64x128xf32, #tpu.memory_space<hbm>>
    %dma_start3A_430 = tpu.memref_squeeze %dma_start3A_429 : memref<1x64x128xf32, #tpu.memory_space<hbm>> -> memref<64x128xf32, #tpu.memory_space<hbm>>
    %dma_start3A_431 = arith.constant 0 : i32
    %dma_start3A_432 = arith.constant 0 : i32
    %dma_start3A_433 = tpu.memref_slice %arg15[%dma_start3A_431, %dma_start3A_432] : memref<64x128xf32, #tpu.memory_space<vmem>> -> memref<64x128xf32, #tpu.memory_space<vmem>>
    tpu.enqueue_dma source(%dma_start3A_433 : memref<64x128xf32, #tpu.memory_space<vmem>>) target(%dma_start3A_430 : memref<64x128xf32, #tpu.memory_space<hbm>>) target_semaphore(%arg19 : memref<!tpu.dma_semaphore, #tpu.memory_space<semaphore_mem>>)
    %dma_wait3A_434 = arith.constant 0 : i32
    %dma_wait3A_435 = arith.constant 0 : i32
    %dma_wait3A_436 = tpu.memref_slice %arg15[%dma_wait3A_434, %dma_wait3A_435] : memref<64x128xf32, #tpu.memory_space<vmem>> -> memref<64x128xf32, #tpu.memory_space<vmem>>
    %dma_wait3A_437 = arith.constant 0 : i32
    %dma_wait3A_438 = tpu.memref_slice %arg6[%arg0, %add3A_121, %dma_wait3A_437] : memref<2x10112x128xf32, #tpu.memory_space<hbm>> -> memref<1x64x128xf32, #tpu.memory_space<hbm>>
    %dma_wait3A_439 = tpu.memref_squeeze %dma_wait3A_438 : memref<1x64x128xf32, #tpu.memory_space<hbm>> -> memref<64x128xf32, #tpu.memory_space<hbm>>
    %dma_wait3A_440 = arith.constant 0 : i32
    %dma_wait3A_441 = tpu.memref_slice %arg6[%arg0, %add3A_121, %dma_wait3A_440] : memref<2x10112x128xf32, #tpu.memory_space<hbm>> -> memref<1x64x128xf32, #tpu.memory_space<hbm>>
    %dma_wait3A_442 = tpu.memref_squeeze %dma_wait3A_441 : memref<1x64x128xf32, #tpu.memory_space<hbm>> -> memref<64x128xf32, #tpu.memory_space<hbm>>
    %dma_wait3A_443 = arith.constant 0 : i32
    %dma_wait3A_444 = arith.constant 0 : i32
    %dma_wait3A_445 = tpu.memref_slice %arg15[%dma_wait3A_443, %dma_wait3A_444] : memref<64x128xf32, #tpu.memory_space<vmem>> -> memref<64x128xf32, #tpu.memory_space<vmem>>
    tpu.wait_dma2 semaphore(%arg19 : memref<!tpu.dma_semaphore, #tpu.memory_space<semaphore_mem>>) src(%dma_wait3A_445 : memref<64x128xf32, #tpu.memory_space<vmem>>) dst(%dma_wait3A_442 : memref<64x128xf32, #tpu.memory_space<hbm>>)
    %dma_start3A_446 = arith.constant 0 : i32
    %dma_start3A_447 = arith.constant 0 : i32
    %dma_start3A_448 = tpu.memref_slice %arg15[%dma_start3A_446, %dma_start3A_447] : memref<64x128xf32, #tpu.memory_space<vmem>> -> memref<64x128xf32, #tpu.memory_space<vmem>>
    %dma_start3A_449 = arith.constant 0 : i32
    %dma_start3A_450 = tpu.memref_slice %arg17[%add3A_125, %dma_start3A_449] : memref<10112x128xf32, #tpu.memory_space<vmem_shared>> -> memref<64x128xf32, #tpu.memory_space<vmem_shared>>
    %dma_start3A_451 = arith.constant 0 : i32
    %dma_start3A_452 = arith.constant 0 : i32
    %dma_start3A_453 = tpu.memref_slice %arg15[%dma_start3A_451, %dma_start3A_452] : memref<64x128xf32, #tpu.memory_space<vmem>> -> memref<64x128xf32, #tpu.memory_space<vmem>>
    %dma_start3A_454 = arith.constant 0 : i32
    %dma_start3A_455 = tpu.memref_slice %arg17[%add3A_125, %dma_start3A_454] : memref<10112x128xf32, #tpu.memory_space<vmem_shared>> -> memref<64x128xf32, #tpu.memory_space<vmem_shared>>
    tpu.enqueue_dma source(%dma_start3A_455 : memref<64x128xf32, #tpu.memory_space<vmem_shared>>) target(%dma_start3A_453 : memref<64x128xf32, #tpu.memory_space<vmem>>) target_semaphore(%arg18 : memref<!tpu.dma_semaphore, #tpu.memory_space<semaphore_mem>>)
    %dma_wait3A_456 = arith.constant 0 : i32
    %dma_wait3A_457 = arith.constant 0 : i32
    %dma_wait3A_458 = tpu.memref_slice %arg16[%dma_wait3A_456, %dma_wait3A_457] : memref<64x128xf32, #tpu.memory_space<vmem>> -> memref<64x128xf32, #tpu.memory_space<vmem>>
    %dma_wait3A_459 = arith.constant 0 : i32
    %dma_wait3A_460 = tpu.memref_slice %arg17[%add3A_123, %dma_wait3A_459] : memref<10112x128xf32, #tpu.memory_space<vmem_shared>> -> memref<64x128xf32, #tpu.memory_space<vmem_shared>>
    %dma_wait3A_461 = arith.constant 0 : i32
    %dma_wait3A_462 = arith.constant 0 : i32
    %dma_wait3A_463 = tpu.memref_slice %arg16[%dma_wait3A_461, %dma_wait3A_462] : memref<64x128xf32, #tpu.memory_space<vmem>> -> memref<64x128xf32, #tpu.memory_space<vmem>>
    %dma_wait3A_464 = arith.constant 0 : i32
    %dma_wait3A_465 = tpu.memref_slice %arg17[%add3A_123, %dma_wait3A_464] : memref<10112x128xf32, #tpu.memory_space<vmem_shared>> -> memref<64x128xf32, #tpu.memory_space<vmem_shared>>
    tpu.wait_dma2 semaphore(%arg18 : memref<!tpu.dma_semaphore, #tpu.memory_space<semaphore_mem>>) src(%dma_wait3A_465 : memref<64x128xf32, #tpu.memory_space<vmem_shared>>) dst(%dma_wait3A_463 : memref<64x128xf32, #tpu.memory_space<vmem>>)
    %dma_start3A_466 = arith.constant 0 : i32
    %dma_start3A_467 = arith.constant 0 : i32
    %dma_start3A_468 = tpu.memref_slice %arg16[%dma_start3A_466, %dma_start3A_467] : memref<64x128xf32, #tpu.memory_space<vmem>> -> memref<64x128xf32, #tpu.memory_space<vmem>>
    %dma_start3A_469 = arith.constant 0 : i32
    %dma_start3A_470 = tpu.memref_slice %arg6[%arg0, %add3A_123, %dma_start3A_469] : memref<2x10112x128xf32, #tpu.memory_space<hbm>> -> memref<1x64x128xf32, #tpu.memory_space<hbm>>
    %dma_start3A_471 = tpu.memref_squeeze %dma_start3A_470 : memref<1x64x128xf32, #tpu.memory_space<hbm>> -> memref<64x128xf32, #tpu.memory_space<hbm>>
    %dma_start3A_472 = arith.constant 0 : i32
    %dma_start3A_473 = tpu.memref_slice %arg6[%arg0, %add3A_123, %dma_start3A_472] : memref<2x10112x128xf32, #tpu.memory_space<hbm>> -> memref<1x64x128xf32, #tpu.memory_space<hbm>>
    %dma_start3A_474 = tpu.memref_squeeze %dma_start3A_473 : memref<1x64x128xf32, #tpu.memory_space<hbm>> -> memref<64x128xf32, #tpu.memory_space<hbm>>
    %dma_start3A_475 = arith.constant 0 : i32
    %dma_start3A_476 = arith.constant 0 : i32
    %dma_start3A_477 = tpu.memref_slice %arg16[%dma_start3A_475, %dma_start3A_476] : memref<64x128xf32, #tpu.memory_space<vmem>> -> memref<64x128xf32, #tpu.memory_space<vmem>>
    tpu.enqueue_dma source(%dma_start3A_477 : memref<64x128xf32, #tpu.memory_space<vmem>>) target(%dma_start3A_474 : memref<64x128xf32, #tpu.memory_space<hbm>>) target_semaphore(%arg19 : memref<!tpu.dma_semaphore, #tpu.memory_space<semaphore_mem>>)
    %dma_wait3A_478 = arith.constant 0 : i32
    %dma_wait3A_479 = arith.constant 0 : i32
    %dma_wait3A_480 = tpu.memref_slice %arg16[%dma_wait3A_478, %dma_wait3A_479] : memref<64x128xf32, #tpu.memory_space<vmem>> -> memref<64x128xf32, #tpu.memory_space<vmem>>
    %dma_wait3A_481 = arith.constant 0 : i32
    %dma_wait3A_482 = tpu.memref_slice %arg6[%arg0, %add3A_123, %dma_wait3A_481] : memref<2x10112x128xf32, #tpu.memory_space<hbm>> -> memref<1x64x128xf32, #tpu.memory_space<hbm>>
    %dma_wait3A_483 = tpu.memref_squeeze %dma_wait3A_482 : memref<1x64x128xf32, #tpu.memory_space<hbm>> -> memref<64x128xf32, #tpu.memory_space<hbm>>
    %dma_wait3A_484 = arith.constant 0 : i32
    %dma_wait3A_485 = tpu.memref_slice %arg6[%arg0, %add3A_123, %dma_wait3A_484] : memref<2x10112x128xf32, #tpu.memory_space<hbm>> -> memref<1x64x128xf32, #tpu.memory_space<hbm>>
    %dma_wait3A_486 = tpu.memref_squeeze %dma_wait3A_485 : memref<1x64x128xf32, #tpu.memory_space<hbm>> -> memref<64x128xf32, #tpu.memory_space<hbm>>
    %dma_wait3A_487 = arith.constant 0 : i32
    %dma_wait3A_488 = arith.constant 0 : i32
    %dma_wait3A_489 = tpu.memref_slice %arg16[%dma_wait3A_487, %dma_wait3A_488] : memref<64x128xf32, #tpu.memory_space<vmem>> -> memref<64x128xf32, #tpu.memory_space<vmem>>
    tpu.wait_dma2 semaphore(%arg19 : memref<!tpu.dma_semaphore, #tpu.memory_space<semaphore_mem>>) src(%dma_wait3A_489 : memref<64x128xf32, #tpu.memory_space<vmem>>) dst(%dma_wait3A_486 : memref<64x128xf32, #tpu.memory_space<hbm>>)
    %dma_start3A_490 = arith.constant 0 : i32
    %dma_start3A_491 = arith.constant 0 : i32
    %dma_start3A_492 = tpu.memref_slice %arg16[%dma_start3A_490, %dma_start3A_491] : memref<64x128xf32, #tpu.memory_space<vmem>> -> memref<56x128xf32, #tpu.memory_space<vmem>>
    %dma_start3A_493 = arith.constant 0 : i32
    %dma_start3A_494 = tpu.memref_slice %arg17[%add3A_127, %dma_start3A_493] : memref<10112x128xf32, #tpu.memory_space<vmem_shared>> -> memref<56x128xf32, #tpu.memory_space<vmem_shared>>
    %dma_start3A_495 = arith.constant 0 : i32
    %dma_start3A_496 = arith.constant 0 : i32
    %dma_start3A_497 = tpu.memref_slice %arg16[%dma_start3A_495, %dma_start3A_496] : memref<64x128xf32, #tpu.memory_space<vmem>> -> memref<56x128xf32, #tpu.memory_space<vmem>>
    %dma_start3A_498 = arith.constant 0 : i32
    %dma_start3A_499 = tpu.memref_slice %arg17[%add3A_127, %dma_start3A_498] : memref<10112x128xf32, #tpu.memory_space<vmem_shared>> -> memref<56x128xf32, #tpu.memory_space<vmem_shared>>
    tpu.enqueue_dma source(%dma_start3A_499 : memref<56x128xf32, #tpu.memory_space<vmem_shared>>) target(%dma_start3A_497 : memref<56x128xf32, #tpu.memory_space<vmem>>) target_semaphore(%arg18 : memref<!tpu.dma_semaphore, #tpu.memory_space<semaphore_mem>>)
    %dma_wait3A_500 = arith.constant 0 : i32
    %dma_wait3A_501 = arith.constant 0 : i32
    %dma_wait3A_502 = tpu.memref_slice %arg15[%dma_wait3A_500, %dma_wait3A_501] : memref<64x128xf32, #tpu.memory_space<vmem>> -> memref<64x128xf32, #tpu.memory_space<vmem>>
    %dma_wait3A_503 = arith.constant 0 : i32
    %dma_wait3A_504 = tpu.memref_slice %arg17[%add3A_125, %dma_wait3A_503] : memref<10112x128xf32, #tpu.memory_space<vmem_shared>> -> memref<64x128xf32, #tpu.memory_space<vmem_shared>>
    %dma_wait3A_505 = arith.constant 0 : i32
    %dma_wait3A_506 = arith.constant 0 : i32
    %dma_wait3A_507 = tpu.memref_slice %arg15[%dma_wait3A_505, %dma_wait3A_506] : memref<64x128xf32, #tpu.memory_space<vmem>> -> memref<64x128xf32, #tpu.memory_space<vmem>>
    %dma_wait3A_508 = arith.constant 0 : i32
    %dma_wait3A_509 = tpu.memref_slice %arg17[%add3A_125, %dma_wait3A_508] : memref<10112x128xf32, #tpu.memory_space<vmem_shared>> -> memref<64x128xf32, #tpu.memory_space<vmem_shared>>
    tpu.wait_dma2 semaphore(%arg18 : memref<!tpu.dma_semaphore, #tpu.memory_space<semaphore_mem>>) src(%dma_wait3A_509 : memref<64x128xf32, #tpu.memory_space<vmem_shared>>) dst(%dma_wait3A_507 : memref<64x128xf32, #tpu.memory_space<vmem>>)
    %dma_start3A_510 = arith.constant 0 : i32
    %dma_start3A_511 = arith.constant 0 : i32
    %dma_start3A_512 = tpu.memref_slice %arg15[%dma_start3A_510, %dma_start3A_511] : memref<64x128xf32, #tpu.memory_space<vmem>> -> memref<64x128xf32, #tpu.memory_space<vmem>>
    %dma_start3A_513 = arith.constant 0 : i32
    %dma_start3A_514 = tpu.memref_slice %arg6[%arg0, %add3A_125, %dma_start3A_513] : memref<2x10112x128xf32, #tpu.memory_space<hbm>> -> memref<1x64x128xf32, #tpu.memory_space<hbm>>
    %dma_start3A_515 = tpu.memref_squeeze %dma_start3A_514 : memref<1x64x128xf32, #tpu.memory_space<hbm>> -> memref<64x128xf32, #tpu.memory_space<hbm>>
    %dma_start3A_516 = arith.constant 0 : i32
    %dma_start3A_517 = tpu.memref_slice %arg6[%arg0, %add3A_125, %dma_start3A_516] : memref<2x10112x128xf32, #tpu.memory_space<hbm>> -> memref<1x64x128xf32, #tpu.memory_space<hbm>>
    %dma_start3A_518 = tpu.memref_squeeze %dma_start3A_517 : memref<1x64x128xf32, #tpu.memory_space<hbm>> -> memref<64x128xf32, #tpu.memory_space<hbm>>
    %dma_start3A_519 = arith.constant 0 : i32
    %dma_start3A_520 = arith.constant 0 : i32
    %dma_start3A_521 = tpu.memref_slice %arg15[%dma_start3A_519, %dma_start3A_520] : memref<64x128xf32, #tpu.memory_space<vmem>> -> memref<64x128xf32, #tpu.memory_space<vmem>>
    tpu.enqueue_dma source(%dma_start3A_521 : memref<64x128xf32, #tpu.memory_space<vmem>>) target(%dma_start3A_518 : memref<64x128xf32, #tpu.memory_space<hbm>>) target_semaphore(%arg19 : memref<!tpu.dma_semaphore, #tpu.memory_space<semaphore_mem>>)
    %dma_wait3A_522 = arith.constant 0 : i32
    %dma_wait3A_523 = arith.constant 0 : i32
    %dma_wait3A_524 = tpu.memref_slice %arg16[%dma_wait3A_522, %dma_wait3A_523] : memref<64x128xf32, #tpu.memory_space<vmem>> -> memref<56x128xf32, #tpu.memory_space<vmem>>
    %dma_wait3A_525 = arith.constant 0 : i32
    %dma_wait3A_526 = tpu.memref_slice %arg17[%add3A_127, %dma_wait3A_525] : memref<10112x128xf32, #tpu.memory_space<vmem_shared>> -> memref<56x128xf32, #tpu.memory_space<vmem_shared>>
    %dma_wait3A_527 = arith.constant 0 : i32
    %dma_wait3A_528 = arith.constant 0 : i32
    %dma_wait3A_529 = tpu.memref_slice %arg16[%dma_wait3A_527, %dma_wait3A_528] : memref<64x128xf32, #tpu.memory_space<vmem>> -> memref<56x128xf32, #tpu.memory_space<vmem>>
    %dma_wait3A_530 = arith.constant 0 : i32
    %dma_wait3A_531 = tpu.memref_slice %arg17[%add3A_127, %dma_wait3A_530] : memref<10112x128xf32, #tpu.memory_space<vmem_shared>> -> memref<56x128xf32, #tpu.memory_space<vmem_shared>>
    tpu.wait_dma2 semaphore(%arg18 : memref<!tpu.dma_semaphore, #tpu.memory_space<semaphore_mem>>) src(%dma_wait3A_531 : memref<56x128xf32, #tpu.memory_space<vmem_shared>>) dst(%dma_wait3A_529 : memref<56x128xf32, #tpu.memory_space<vmem>>)
    %dma_start3A_532 = arith.constant 0 : i32
    %dma_start3A_533 = arith.constant 0 : i32
    %dma_start3A_534 = tpu.memref_slice %arg16[%dma_start3A_532, %dma_start3A_533] : memref<64x128xf32, #tpu.memory_space<vmem>> -> memref<56x128xf32, #tpu.memory_space<vmem>>
    %dma_start3A_535 = arith.constant 0 : i32
    %dma_start3A_536 = tpu.memref_slice %arg6[%arg0, %add3A_127, %dma_start3A_535] : memref<2x10112x128xf32, #tpu.memory_space<hbm>> -> memref<1x56x128xf32, #tpu.memory_space<hbm>>
    %dma_start3A_537 = tpu.memref_squeeze %dma_start3A_536 : memref<1x56x128xf32, #tpu.memory_space<hbm>> -> memref<56x128xf32, #tpu.memory_space<hbm>>
    %dma_start3A_538 = arith.constant 0 : i32
    %dma_start3A_539 = tpu.memref_slice %arg6[%arg0, %add3A_127, %dma_start3A_538] : memref<2x10112x128xf32, #tpu.memory_space<hbm>> -> memref<1x56x128xf32, #tpu.memory_space<hbm>>
    %dma_start3A_540 = tpu.memref_squeeze %dma_start3A_539 : memref<1x56x128xf32, #tpu.memory_space<hbm>> -> memref<56x128xf32, #tpu.memory_space<hbm>>
    %dma_start3A_541 = arith.constant 0 : i32
    %dma_start3A_542 = arith.constant 0 : i32
    %dma_start3A_543 = tpu.memref_slice %arg16[%dma_start3A_541, %dma_start3A_542] : memref<64x128xf32, #tpu.memory_space<vmem>> -> memref<56x128xf32, #tpu.memory_space<vmem>>
    tpu.enqueue_dma source(%dma_start3A_543 : memref<56x128xf32, #tpu.memory_space<vmem>>) target(%dma_start3A_540 : memref<56x128xf32, #tpu.memory_space<hbm>>) target_semaphore(%arg19 : memref<!tpu.dma_semaphore, #tpu.memory_space<semaphore_mem>>)
    %dma_wait3A_544 = arith.constant 0 : i32
    %dma_wait3A_545 = arith.constant 0 : i32
    %dma_wait3A_546 = tpu.memref_slice %arg15[%dma_wait3A_544, %dma_wait3A_545] : memref<64x128xf32, #tpu.memory_space<vmem>> -> memref<64x128xf32, #tpu.memory_space<vmem>>
    %dma_wait3A_547 = arith.constant 0 : i32
    %dma_wait3A_548 = tpu.memref_slice %arg6[%arg0, %add3A_125, %dma_wait3A_547] : memref<2x10112x128xf32, #tpu.memory_space<hbm>> -> memref<1x64x128xf32, #tpu.memory_space<hbm>>
    %dma_wait3A_549 = tpu.memref_squeeze %dma_wait3A_548 : memref<1x64x128xf32, #tpu.memory_space<hbm>> -> memref<64x128xf32, #tpu.memory_space<hbm>>
    %dma_wait3A_550 = arith.constant 0 : i32
    %dma_wait3A_551 = tpu.memref_slice %arg6[%arg0, %add3A_125, %dma_wait3A_550] : memref<2x10112x128xf32, #tpu.memory_space<hbm>> -> memref<1x64x128xf32, #tpu.memory_space<hbm>>
    %dma_wait3A_552 = tpu.memref_squeeze %dma_wait3A_551 : memref<1x64x128xf32, #tpu.memory_space<hbm>> -> memref<64x128xf32, #tpu.memory_space<hbm>>
    %dma_wait3A_553 = arith.constant 0 : i32
    %dma_wait3A_554 = arith.constant 0 : i32
    %dma_wait3A_555 = tpu.memref_slice %arg15[%dma_wait3A_553, %dma_wait3A_554] : memref<64x128xf32, #tpu.memory_space<vmem>> -> memref<64x128xf32, #tpu.memory_space<vmem>>
    tpu.wait_dma2 semaphore(%arg19 : memref<!tpu.dma_semaphore, #tpu.memory_space<semaphore_mem>>) src(%dma_wait3A_555 : memref<64x128xf32, #tpu.memory_space<vmem>>) dst(%dma_wait3A_552 : memref<64x128xf32, #tpu.memory_space<hbm>>)
    %dma_wait3A_556 = arith.constant 0 : i32
    %dma_wait3A_557 = arith.constant 0 : i32
    %dma_wait3A_558 = tpu.memref_slice %arg16[%dma_wait3A_556, %dma_wait3A_557] : memref<64x128xf32, #tpu.memory_space<vmem>> -> memref<56x128xf32, #tpu.memory_space<vmem>>
    %dma_wait3A_559 = arith.constant 0 : i32
    %dma_wait3A_560 = tpu.memref_slice %arg6[%arg0, %add3A_127, %dma_wait3A_559] : memref<2x10112x128xf32, #tpu.memory_space<hbm>> -> memref<1x56x128xf32, #tpu.memory_space<hbm>>
    %dma_wait3A_561 = tpu.memref_squeeze %dma_wait3A_560 : memref<1x56x128xf32, #tpu.memory_space<hbm>> -> memref<56x128xf32, #tpu.memory_space<hbm>>
    %dma_wait3A_562 = arith.constant 0 : i32
    %dma_wait3A_563 = tpu.memref_slice %arg6[%arg0, %add3A_127, %dma_wait3A_562] : memref<2x10112x128xf32, #tpu.memory_space<hbm>> -> memref<1x56x128xf32, #tpu.memory_space<hbm>>
    %dma_wait3A_564 = tpu.memref_squeeze %dma_wait3A_563 : memref<1x56x128xf32, #tpu.memory_space<hbm>> -> memref<56x128xf32, #tpu.memory_space<hbm>>
    %dma_wait3A_565 = arith.constant 0 : i32
    %dma_wait3A_566 = arith.constant 0 : i32
    %dma_wait3A_567 = tpu.memref_slice %arg16[%dma_wait3A_565, %dma_wait3A_566] : memref<64x128xf32, #tpu.memory_space<vmem>> -> memref<56x128xf32, #tpu.memory_space<vmem>>
    tpu.wait_dma2 semaphore(%arg19 : memref<!tpu.dma_semaphore, #tpu.memory_space<semaphore_mem>>) src(%dma_wait3A_567 : memref<56x128xf32, #tpu.memory_space<vmem>>) dst(%dma_wait3A_564 : memref<56x128xf32, #tpu.memory_space<hbm>>)
    %barrier3A_568 = arith.constant 0 : index
    tpu.barrier barrier_id(%barrier3A_568)
    %scan3A_569 = arith.constant 0 : i32
    %scan3A_570 = arith.constant 0 : i32
    %scan3A_571 = arith.constant 64 : i32
    %scan3A_572 = arith.addi %scan3A_570, %scan3A_571 : i32
    %scan3A_573 = arith.constant 1 : i32
    scf.for %scan3A_1176 = %scan3A_570 to %scan3A_572 step %scan3A_573  : i32 {
      %broadcast_in_dim3A_1177 = arith.constant 0.000000e+00 : f32
      %broadcast_in_dim3A_1178 = vector.broadcast %broadcast_in_dim3A_1177 : f32 to vector<16xf32>
      %swap3A = arith.index_cast %scan3A_1176 : i32 to index
      %swap3A_1179 = arith.constant 0 : index
      %swap3A_1180 = tpu.vector_load %arg15[%swap3A, %swap3A_1179] {strides = array<i32>} : memref<64x128xf32, #tpu.memory_space<vmem>>, vector<1x16xf32>,
      %swap3A_1181 = vector.shape_cast %swap3A_1180 : vector<1x16xf32> to vector<16xf32>
      %swap3A_1182 = vector.shape_cast %broadcast_in_dim3A_1178 : vector<16xf32> to vector<1x16xf32>
      tpu.vector_store %arg15[%swap3A, %swap3A_1179], %swap3A_1182 {strides = array<i32>} : memref<64x128xf32, #tpu.memory_space<vmem>>, vector<1x16xf32>,
      %broadcast_in_dim3A_1183 = arith.constant 0.000000e+00 : f32
      %broadcast_in_dim3A_1184 = vector.broadcast %broadcast_in_dim3A_1183 : f32 to vector<16xf32>
      %swap3A_1185 = arith.index_cast %scan3A_1176 : i32 to index
      %swap3A_1186 = arith.constant 16 : index
      %swap3A_1187 = tpu.vector_load %arg15[%swap3A_1185, %swap3A_1186] {strides = array<i32>} : memref<64x128xf32, #tpu.memory_space<vmem>>, vector<1x16xf32>,
      %swap3A_1188 = vector.shape_cast %swap3A_1187 : vector<1x16xf32> to vector<16xf32>
      %swap3A_1189 = vector.shape_cast %broadcast_in_dim3A_1184 : vector<16xf32> to vector<1x16xf32>
      tpu.vector_store %arg15[%swap3A_1185, %swap3A_1186], %swap3A_1189 {strides = array<i32>} : memref<64x128xf32, #tpu.memory_space<vmem>>, vector<1x16xf32>,
      %broadcast_in_dim3A_1190 = arith.constant 0.000000e+00 : f32
      %broadcast_in_dim3A_1191 = vector.broadcast %broadcast_in_dim3A_1190 : f32 to vector<16xf32>
      %swap3A_1192 = arith.index_cast %scan3A_1176 : i32 to index
      %swap3A_1193 = arith.constant 32 : index
      %swap3A_1194 = tpu.vector_load %arg15[%swap3A_1192, %swap3A_1193] {strides = array<i32>} : memref<64x128xf32, #tpu.memory_space<vmem>>, vector<1x16xf32>,
      %swap3A_1195 = vector.shape_cast %swap3A_1194 : vector<1x16xf32> to vector<16xf32>
      %swap3A_1196 = vector.shape_cast %broadcast_in_dim3A_1191 : vector<16xf32> to vector<1x16xf32>
      tpu.vector_store %arg15[%swap3A_1192, %swap3A_1193], %swap3A_1196 {strides = array<i32>} : memref<64x128xf32, #tpu.memory_space<vmem>>, vector<1x16xf32>,
      %broadcast_in_dim3A_1197 = arith.constant 0.000000e+00 : f32
      %broadcast_in_dim3A_1198 = vector.broadcast %broadcast_in_dim3A_1197 : f32 to vector<16xf32>
      %swap3A_1199 = arith.index_cast %scan3A_1176 : i32 to index
      %swap3A_1200 = arith.constant 48 : index
      %swap3A_1201 = tpu.vector_load %arg15[%swap3A_1199, %swap3A_1200] {strides = array<i32>} : memref<64x128xf32, #tpu.memory_space<vmem>>, vector<1x16xf32>,
      %swap3A_1202 = vector.shape_cast %swap3A_1201 : vector<1x16xf32> to vector<16xf32>
      %swap3A_1203 = vector.shape_cast %broadcast_in_dim3A_1198 : vector<16xf32> to vector<1x16xf32>
      tpu.vector_store %arg15[%swap3A_1199, %swap3A_1200], %swap3A_1203 {strides = array<i32>} : memref<64x128xf32, #tpu.memory_space<vmem>>, vector<1x16xf32>,
      %broadcast_in_dim3A_1204 = arith.constant 0.000000e+00 : f32
      %broadcast_in_dim3A_1205 = vector.broadcast %broadcast_in_dim3A_1204 : f32 to vector<16xf32>
      %swap3A_1206 = arith.index_cast %scan3A_1176 : i32 to index
      %swap3A_1207 = arith.constant 64 : index
      %swap3A_1208 = tpu.vector_load %arg15[%swap3A_1206, %swap3A_1207] {strides = array<i32>} : memref<64x128xf32, #tpu.memory_space<vmem>>, vector<1x16xf32>,
      %swap3A_1209 = vector.shape_cast %swap3A_1208 : vector<1x16xf32> to vector<16xf32>
      %swap3A_1210 = vector.shape_cast %broadcast_in_dim3A_1205 : vector<16xf32> to vector<1x16xf32>
      tpu.vector_store %arg15[%swap3A_1206, %swap3A_1207], %swap3A_1210 {strides = array<i32>} : memref<64x128xf32, #tpu.memory_space<vmem>>, vector<1x16xf32>,
      %broadcast_in_dim3A_1211 = arith.constant 0.000000e+00 : f32
      %broadcast_in_dim3A_1212 = vector.broadcast %broadcast_in_dim3A_1211 : f32 to vector<16xf32>
      %swap3A_1213 = arith.index_cast %scan3A_1176 : i32 to index
      %swap3A_1214 = arith.constant 80 : index
      %swap3A_1215 = tpu.vector_load %arg15[%swap3A_1213, %swap3A_1214] {strides = array<i32>} : memref<64x128xf32, #tpu.memory_space<vmem>>, vector<1x16xf32>,
      %swap3A_1216 = vector.shape_cast %swap3A_1215 : vector<1x16xf32> to vector<16xf32>
      %swap3A_1217 = vector.shape_cast %broadcast_in_dim3A_1212 : vector<16xf32> to vector<1x16xf32>
      tpu.vector_store %arg15[%swap3A_1213, %swap3A_1214], %swap3A_1217 {strides = array<i32>} : memref<64x128xf32, #tpu.memory_space<vmem>>, vector<1x16xf32>,
      %broadcast_in_dim3A_1218 = arith.constant 0.000000e+00 : f32
      %broadcast_in_dim3A_1219 = vector.broadcast %broadcast_in_dim3A_1218 : f32 to vector<16xf32>
      %swap3A_1220 = arith.index_cast %scan3A_1176 : i32 to index
      %swap3A_1221 = arith.constant 96 : index
      %swap3A_1222 = tpu.vector_load %arg15[%swap3A_1220, %swap3A_1221] {strides = array<i32>} : memref<64x128xf32, #tpu.memory_space<vmem>>, vector<1x16xf32>,
      %swap3A_1223 = vector.shape_cast %swap3A_1222 : vector<1x16xf32> to vector<16xf32>
      %swap3A_1224 = vector.shape_cast %broadcast_in_dim3A_1219 : vector<16xf32> to vector<1x16xf32>
      tpu.vector_store %arg15[%swap3A_1220, %swap3A_1221], %swap3A_1224 {strides = array<i32>} : memref<64x128xf32, #tpu.memory_space<vmem>>, vector<1x16xf32>,
      %broadcast_in_dim3A_1225 = arith.constant 0.000000e+00 : f32
      %broadcast_in_dim3A_1226 = vector.broadcast %broadcast_in_dim3A_1225 : f32 to vector<16xf32>
      %swap3A_1227 = arith.index_cast %scan3A_1176 : i32 to index
      %swap3A_1228 = arith.constant 112 : index
      %swap3A_1229 = tpu.vector_load %arg15[%swap3A_1227, %swap3A_1228] {strides = array<i32>} : memref<64x128xf32, #tpu.memory_space<vmem>>, vector<1x16xf32>,
      %swap3A_1230 = vector.shape_cast %swap3A_1229 : vector<1x16xf32> to vector<16xf32>
      %swap3A_1231 = vector.shape_cast %broadcast_in_dim3A_1226 : vector<16xf32> to vector<1x16xf32>
      tpu.vector_store %arg15[%swap3A_1227, %swap3A_1228], %swap3A_1231 {strides = array<i32>} : memref<64x128xf32, #tpu.memory_space<vmem>>, vector<1x16xf32>,
    }
    %scan3A_574 = arith.constant 64 : i32
    %add3A_575 = arith.constant 0 : i32
    %add3A_576 = arith.addi %mul3A_2, %add3A_575 : i32
    "tpu.region"() ({
      %run_scoped3A = tpu.sem_alloc : memref<!tpu.dma_semaphore, #tpu.memory_space<semaphore_mem>>
      %dma_start3A_1176 = arith.constant 0 : i32
      %dma_start3A_1177 = arith.constant 0 : i32
      %dma_start3A_1178 = tpu.memref_slice %arg15[%dma_start3A_1176, %dma_start3A_1177] : memref<64x128xf32, #tpu.memory_space<vmem>> -> memref<64x128xf32, #tpu.memory_space<vmem>>
      %dma_start3A_1179 = arith.constant 0 : i32
      %dma_start3A_1180 = tpu.memref_slice %arg17[%add3A_576, %dma_start3A_1179] : memref<10112x128xf32, #tpu.memory_space<vmem_shared>> -> memref<64x128xf32, #tpu.memory_space<vmem_shared>>
      %dma_start3A_1181 = arith.constant 0 : i32
      %dma_start3A_1182 = tpu.memref_slice %arg17[%add3A_576, %dma_start3A_1181] : memref<10112x128xf32, #tpu.memory_space<vmem_shared>> -> memref<64x128xf32, #tpu.memory_space<vmem_shared>>
      %dma_start3A_1183 = arith.constant 0 : i32
      %dma_start3A_1184 = arith.constant 0 : i32
      %dma_start3A_1185 = tpu.memref_slice %arg15[%dma_start3A_1183, %dma_start3A_1184] : memref<64x128xf32, #tpu.memory_space<vmem>> -> memref<64x128xf32, #tpu.memory_space<vmem>>
      tpu.enqueue_dma source(%dma_start3A_1185 : memref<64x128xf32, #tpu.memory_space<vmem>>) target(%dma_start3A_1182 : memref<64x128xf32, #tpu.memory_space<vmem_shared>>) target_semaphore(%run_scoped3A : memref<!tpu.dma_semaphore, #tpu.memory_space<semaphore_mem>>)
      %dma_wait3A_1186 = arith.constant 0 : i32
      %dma_wait3A_1187 = arith.constant 0 : i32
      %dma_wait3A_1188 = tpu.memref_slice %arg15[%dma_wait3A_1186, %dma_wait3A_1187] : memref<64x128xf32, #tpu.memory_space<vmem>> -> memref<64x128xf32, #tpu.memory_space<vmem>>
      %dma_wait3A_1189 = arith.constant 0 : i32
      %dma_wait3A_1190 = tpu.memref_slice %arg17[%add3A_576, %dma_wait3A_1189] : memref<10112x128xf32, #tpu.memory_space<vmem_shared>> -> memref<64x128xf32, #tpu.memory_space<vmem_shared>>
      %dma_wait3A_1191 = arith.constant 0 : i32
      %dma_wait3A_1192 = tpu.memref_slice %arg17[%add3A_576, %dma_wait3A_1191] : memref<10112x128xf32, #tpu.memory_space<vmem_shared>> -> memref<64x128xf32, #tpu.memory_space<vmem_shared>>
      %dma_wait3A_1193 = arith.constant 0 : i32
      %dma_wait3A_1194 = arith.constant 0 : i32
      %dma_wait3A_1195 = tpu.memref_slice %arg15[%dma_wait3A_1193, %dma_wait3A_1194] : memref<64x128xf32, #tpu.memory_space<vmem>> -> memref<64x128xf32, #tpu.memory_space<vmem>>
      tpu.wait_dma2 semaphore(%run_scoped3A : memref<!tpu.dma_semaphore, #tpu.memory_space<semaphore_mem>>) src(%dma_wait3A_1195 : memref<64x128xf32, #tpu.memory_space<vmem>>) dst(%dma_wait3A_1192 : memref<64x128xf32, #tpu.memory_space<vmem_shared>>)
      tpu.yield
    }) : () -> ()
    %add3A_577 = arith.constant 64 : i32
    %add3A_578 = arith.addi %mul3A_2, %add3A_577 : i32
    "tpu.region"() ({
      %run_scoped3A = tpu.sem_alloc : memref<!tpu.dma_semaphore, #tpu.memory_space<semaphore_mem>>
      %dma_start3A_1176 = arith.constant 0 : i32
      %dma_start3A_1177 = arith.constant 0 : i32
      %dma_start3A_1178 = tpu.memref_slice %arg15[%dma_start3A_1176, %dma_start3A_1177] : memref<64x128xf32, #tpu.memory_space<vmem>> -> memref<64x128xf32, #tpu.memory_space<vmem>>
      %dma_start3A_1179 = arith.constant 0 : i32
      %dma_start3A_1180 = tpu.memref_slice %arg17[%add3A_578, %dma_start3A_1179] : memref<10112x128xf32, #tpu.memory_space<vmem_shared>> -> memref<64x128xf32, #tpu.memory_space<vmem_shared>>
      %dma_start3A_1181 = arith.constant 0 : i32
      %dma_start3A_1182 = tpu.memref_slice %arg17[%add3A_578, %dma_start3A_1181] : memref<10112x128xf32, #tpu.memory_space<vmem_shared>> -> memref<64x128xf32, #tpu.memory_space<vmem_shared>>
      %dma_start3A_1183 = arith.constant 0 : i32
      %dma_start3A_1184 = arith.constant 0 : i32
      %dma_start3A_1185 = tpu.memref_slice %arg15[%dma_start3A_1183, %dma_start3A_1184] : memref<64x128xf32, #tpu.memory_space<vmem>> -> memref<64x128xf32, #tpu.memory_space<vmem>>
      tpu.enqueue_dma source(%dma_start3A_1185 : memref<64x128xf32, #tpu.memory_space<vmem>>) target(%dma_start3A_1182 : memref<64x128xf32, #tpu.memory_space<vmem_shared>>) target_semaphore(%run_scoped3A : memref<!tpu.dma_semaphore, #tpu.memory_space<semaphore_mem>>)
      %dma_wait3A_1186 = arith.constant 0 : i32
      %dma_wait3A_1187 = arith.constant 0 : i32
      %dma_wait3A_1188 = tpu.memref_slice %arg15[%dma_wait3A_1186, %dma_wait3A_1187] : memref<64x128xf32, #tpu.memory_space<vmem>> -> memref<64x128xf32, #tpu.memory_space<vmem>>
      %dma_wait3A_1189 = arith.constant 0 : i32
      %dma_wait3A_1190 = tpu.memref_slice %arg17[%add3A_578, %dma_wait3A_1189] : memref<10112x128xf32, #tpu.memory_space<vmem_shared>> -> memref<64x128xf32, #tpu.memory_space<vmem_shared>>
      %dma_wait3A_1191 = arith.constant 0 : i32
      %dma_wait3A_1192 = tpu.memref_slice %arg17[%add3A_578, %dma_wait3A_1191] : memref<10112x128xf32, #tpu.memory_space<vmem_shared>> -> memref<64x128xf32, #tpu.memory_space<vmem_shared>>
      %dma_wait3A_1193 = arith.constant 0 : i32
      %dma_wait3A_1194 = arith.constant 0 : i32
      %dma_wait3A_1195 = tpu.memref_slice %arg15[%dma_wait3A_1193, %dma_wait3A_1194] : memref<64x128xf32, #tpu.memory_space<vmem>> -> memref<64x128xf32, #tpu.memory_space<vmem>>
      tpu.wait_dma2 semaphore(%run_scoped3A : memref<!tpu.dma_semaphore, #tpu.memory_space<semaphore_mem>>) src(%dma_wait3A_1195 : memref<64x128xf32, #tpu.memory_space<vmem>>) dst(%dma_wait3A_1192 : memref<64x128xf32, #tpu.memory_space<vmem_shared>>)
      tpu.yield
    }) : () -> ()
    %add3A_579 = arith.constant 128 : i32
    %add3A_580 = arith.addi %mul3A_2, %add3A_579 : i32
    "tpu.region"() ({
      %run_scoped3A = tpu.sem_alloc : memref<!tpu.dma_semaphore, #tpu.memory_space<semaphore_mem>>
      %dma_start3A_1176 = arith.constant 0 : i32
      %dma_start3A_1177 = arith.constant 0 : i32
      %dma_start3A_1178 = tpu.memref_slice %arg15[%dma_start3A_1176, %dma_start3A_1177] : memref<64x128xf32, #tpu.memory_space<vmem>> -> memref<64x128xf32, #tpu.memory_space<vmem>>
      %dma_start3A_1179 = arith.constant 0 : i32
      %dma_start3A_1180 = tpu.memref_slice %arg17[%add3A_580, %dma_start3A_1179] : memref<10112x128xf32, #tpu.memory_space<vmem_shared>> -> memref<64x128xf32, #tpu.memory_space<vmem_shared>>
      %dma_start3A_1181 = arith.constant 0 : i32
      %dma_start3A_1182 = tpu.memref_slice %arg17[%add3A_580, %dma_start3A_1181] : memref<10112x128xf32, #tpu.memory_space<vmem_shared>> -> memref<64x128xf32, #tpu.memory_space<vmem_shared>>
      %dma_start3A_1183 = arith.constant 0 : i32
      %dma_start3A_1184 = arith.constant 0 : i32
      %dma_start3A_1185 = tpu.memref_slice %arg15[%dma_start3A_1183, %dma_start3A_1184] : memref<64x128xf32, #tpu.memory_space<vmem>> -> memref<64x128xf32, #tpu.memory_space<vmem>>
      tpu.enqueue_dma source(%dma_start3A_1185 : memref<64x128xf32, #tpu.memory_space<vmem>>) target(%dma_start3A_1182 : memref<64x128xf32, #tpu.memory_space<vmem_shared>>) target_semaphore(%run_scoped3A : memref<!tpu.dma_semaphore, #tpu.memory_space<semaphore_mem>>)
      %dma_wait3A_1186 = arith.constant 0 : i32
      %dma_wait3A_1187 = arith.constant 0 : i32
      %dma_wait3A_1188 = tpu.memref_slice %arg15[%dma_wait3A_1186, %dma_wait3A_1187] : memref<64x128xf32, #tpu.memory_space<vmem>> -> memref<64x128xf32, #tpu.memory_space<vmem>>
      %dma_wait3A_1189 = arith.constant 0 : i32
      %dma_wait3A_1190 = tpu.memref_slice %arg17[%add3A_580, %dma_wait3A_1189] : memref<10112x128xf32, #tpu.memory_space<vmem_shared>> -> memref<64x128xf32, #tpu.memory_space<vmem_shared>>
      %dma_wait3A_1191 = arith.constant 0 : i32
      %dma_wait3A_1192 = tpu.memref_slice %arg17[%add3A_580, %dma_wait3A_1191] : memref<10112x128xf32, #tpu.memory_space<vmem_shared>> -> memref<64x128xf32, #tpu.memory_space<vmem_shared>>
      %dma_wait3A_1193 = arith.constant 0 : i32
      %dma_wait3A_1194 = arith.constant 0 : i32
      %dma_wait3A_1195 = tpu.memref_slice %arg15[%dma_wait3A_1193, %dma_wait3A_1194] : memref<64x128xf32, #tpu.memory_space<vmem>> -> memref<64x128xf32, #tpu.memory_space<vmem>>
      tpu.wait_dma2 semaphore(%run_scoped3A : memref<!tpu.dma_semaphore, #tpu.memory_space<semaphore_mem>>) src(%dma_wait3A_1195 : memref<64x128xf32, #tpu.memory_space<vmem>>) dst(%dma_wait3A_1192 : memref<64x128xf32, #tpu.memory_space<vmem_shared>>)
      tpu.yield
    }) : () -> ()
    %add3A_581 = arith.constant 192 : i32
    %add3A_582 = arith.addi %mul3A_2, %add3A_581 : i32
    "tpu.region"() ({
      %run_scoped3A = tpu.sem_alloc : memref<!tpu.dma_semaphore, #tpu.memory_space<semaphore_mem>>
      %dma_start3A_1176 = arith.constant 0 : i32
      %dma_start3A_1177 = arith.constant 0 : i32
      %dma_start3A_1178 = tpu.memref_slice %arg15[%dma_start3A_1176, %dma_start3A_1177] : memref<64x128xf32, #tpu.memory_space<vmem>> -> memref<64x128xf32, #tpu.memory_space<vmem>>
      %dma_start3A_1179 = arith.constant 0 : i32
      %dma_start3A_1180 = tpu.memref_slice %arg17[%add3A_582, %dma_start3A_1179] : memref<10112x128xf32, #tpu.memory_space<vmem_shared>> -> memref<64x128xf32, #tpu.memory_space<vmem_shared>>
      %dma_start3A_1181 = arith.constant 0 : i32
      %dma_start3A_1182 = tpu.memref_slice %arg17[%add3A_582, %dma_start3A_1181] : memref<10112x128xf32, #tpu.memory_space<vmem_shared>> -> memref<64x128xf32, #tpu.memory_space<vmem_shared>>
      %dma_start3A_1183 = arith.constant 0 : i32
      %dma_start3A_1184 = arith.constant 0 : i32
      %dma_start3A_1185 = tpu.memref_slice %arg15[%dma_start3A_1183, %dma_start3A_1184] : memref<64x128xf32, #tpu.memory_space<vmem>> -> memref<64x128xf32, #tpu.memory_space<vmem>>
      tpu.enqueue_dma source(%dma_start3A_1185 : memref<64x128xf32, #tpu.memory_space<vmem>>) target(%dma_start3A_1182 : memref<64x128xf32, #tpu.memory_space<vmem_shared>>) target_semaphore(%run_scoped3A : memref<!tpu.dma_semaphore, #tpu.memory_space<semaphore_mem>>)
      %dma_wait3A_1186 = arith.constant 0 : i32
      %dma_wait3A_1187 = arith.constant 0 : i32
      %dma_wait3A_1188 = tpu.memref_slice %arg15[%dma_wait3A_1186, %dma_wait3A_1187] : memref<64x128xf32, #tpu.memory_space<vmem>> -> memref<64x128xf32, #tpu.memory_space<vmem>>
      %dma_wait3A_1189 = arith.constant 0 : i32
      %dma_wait3A_1190 = tpu.memref_slice %arg17[%add3A_582, %dma_wait3A_1189] : memref<10112x128xf32, #tpu.memory_space<vmem_shared>> -> memref<64x128xf32, #tpu.memory_space<vmem_shared>>
      %dma_wait3A_1191 = arith.constant 0 : i32
      %dma_wait3A_1192 = tpu.memref_slice %arg17[%add3A_582, %dma_wait3A_1191] : memref<10112x128xf32, #tpu.memory_space<vmem_shared>> -> memref<64x128xf32, #tpu.memory_space<vmem_shared>>
      %dma_wait3A_1193 = arith.constant 0 : i32
      %dma_wait3A_1194 = arith.constant 0 : i32
      %dma_wait3A_1195 = tpu.memref_slice %arg15[%dma_wait3A_1193, %dma_wait3A_1194] : memref<64x128xf32, #tpu.memory_space<vmem>> -> memref<64x128xf32, #tpu.memory_space<vmem>>
      tpu.wait_dma2 semaphore(%run_scoped3A : memref<!tpu.dma_semaphore, #tpu.memory_space<semaphore_mem>>) src(%dma_wait3A_1195 : memref<64x128xf32, #tpu.memory_space<vmem>>) dst(%dma_wait3A_1192 : memref<64x128xf32, #tpu.memory_space<vmem_shared>>)
      tpu.yield
    }) : () -> ()
    %add3A_583 = arith.constant 256 : i32
    %add3A_584 = arith.addi %mul3A_2, %add3A_583 : i32
    "tpu.region"() ({
      %run_scoped3A = tpu.sem_alloc : memref<!tpu.dma_semaphore, #tpu.memory_space<semaphore_mem>>
      %dma_start3A_1176 = arith.constant 0 : i32
      %dma_start3A_1177 = arith.constant 0 : i32
      %dma_start3A_1178 = tpu.memref_slice %arg15[%dma_start3A_1176, %dma_start3A_1177] : memref<64x128xf32, #tpu.memory_space<vmem>> -> memref<64x128xf32, #tpu.memory_space<vmem>>
      %dma_start3A_1179 = arith.constant 0 : i32
      %dma_start3A_1180 = tpu.memref_slice %arg17[%add3A_584, %dma_start3A_1179] : memref<10112x128xf32, #tpu.memory_space<vmem_shared>> -> memref<64x128xf32, #tpu.memory_space<vmem_shared>>
      %dma_start3A_1181 = arith.constant 0 : i32
      %dma_start3A_1182 = tpu.memref_slice %arg17[%add3A_584, %dma_start3A_1181] : memref<10112x128xf32, #tpu.memory_space<vmem_shared>> -> memref<64x128xf32, #tpu.memory_space<vmem_shared>>
      %dma_start3A_1183 = arith.constant 0 : i32
      %dma_start3A_1184 = arith.constant 0 : i32
      %dma_start3A_1185 = tpu.memref_slice %arg15[%dma_start3A_1183, %dma_start3A_1184] : memref<64x128xf32, #tpu.memory_space<vmem>> -> memref<64x128xf32, #tpu.memory_space<vmem>>
      tpu.enqueue_dma source(%dma_start3A_1185 : memref<64x128xf32, #tpu.memory_space<vmem>>) target(%dma_start3A_1182 : memref<64x128xf32, #tpu.memory_space<vmem_shared>>) target_semaphore(%run_scoped3A : memref<!tpu.dma_semaphore, #tpu.memory_space<semaphore_mem>>)
      %dma_wait3A_1186 = arith.constant 0 : i32
      %dma_wait3A_1187 = arith.constant 0 : i32
      %dma_wait3A_1188 = tpu.memref_slice %arg15[%dma_wait3A_1186, %dma_wait3A_1187] : memref<64x128xf32, #tpu.memory_space<vmem>> -> memref<64x128xf32, #tpu.memory_space<vmem>>
      %dma_wait3A_1189 = arith.constant 0 : i32
      %dma_wait3A_1190 = tpu.memref_slice %arg17[%add3A_584, %dma_wait3A_1189] : memref<10112x128xf32, #tpu.memory_space<vmem_shared>> -> memref<64x128xf32, #tpu.memory_space<vmem_shared>>
      %dma_wait3A_1191 = arith.constant 0 : i32
      %dma_wait3A_1192 = tpu.memref_slice %arg17[%add3A_584, %dma_wait3A_1191] : memref<10112x128xf32, #tpu.memory_space<vmem_shared>> -> memref<64x128xf32, #tpu.memory_space<vmem_shared>>
      %dma_wait3A_1193 = arith.constant 0 : i32
      %dma_wait3A_1194 = arith.constant 0 : i32
      %dma_wait3A_1195 = tpu.memref_slice %arg15[%dma_wait3A_1193, %dma_wait3A_1194] : memref<64x128xf32, #tpu.memory_space<vmem>> -> memref<64x128xf32, #tpu.memory_space<vmem>>
      tpu.wait_dma2 semaphore(%run_scoped3A : memref<!tpu.dma_semaphore, #tpu.memory_space<semaphore_mem>>) src(%dma_wait3A_1195 : memref<64x128xf32, #tpu.memory_space<vmem>>) dst(%dma_wait3A_1192 : memref<64x128xf32, #tpu.memory_space<vmem_shared>>)
      tpu.yield
    }) : () -> ()
    %add3A_585 = arith.constant 320 : i32
    %add3A_586 = arith.addi %mul3A_2, %add3A_585 : i32
    "tpu.region"() ({
      %run_scoped3A = tpu.sem_alloc : memref<!tpu.dma_semaphore, #tpu.memory_space<semaphore_mem>>
      %dma_start3A_1176 = arith.constant 0 : i32
      %dma_start3A_1177 = arith.constant 0 : i32
      %dma_start3A_1178 = tpu.memref_slice %arg15[%dma_start3A_1176, %dma_start3A_1177] : memref<64x128xf32, #tpu.memory_space<vmem>> -> memref<64x128xf32, #tpu.memory_space<vmem>>
      %dma_start3A_1179 = arith.constant 0 : i32
      %dma_start3A_1180 = tpu.memref_slice %arg17[%add3A_586, %dma_start3A_1179] : memref<10112x128xf32, #tpu.memory_space<vmem_shared>> -> memref<64x128xf32, #tpu.memory_space<vmem_shared>>
      %dma_start3A_1181 = arith.constant 0 : i32
      %dma_start3A_1182 = tpu.memref_slice %arg17[%add3A_586, %dma_start3A_1181] : memref<10112x128xf32, #tpu.memory_space<vmem_shared>> -> memref<64x128xf32, #tpu.memory_space<vmem_shared>>
      %dma_start3A_1183 = arith.constant 0 : i32
      %dma_start3A_1184 = arith.constant 0 : i32
      %dma_start3A_1185 = tpu.memref_slice %arg15[%dma_start3A_1183, %dma_start3A_1184] : memref<64x128xf32, #tpu.memory_space<vmem>> -> memref<64x128xf32, #tpu.memory_space<vmem>>
      tpu.enqueue_dma source(%dma_start3A_1185 : memref<64x128xf32, #tpu.memory_space<vmem>>) target(%dma_start3A_1182 : memref<64x128xf32, #tpu.memory_space<vmem_shared>>) target_semaphore(%run_scoped3A : memref<!tpu.dma_semaphore, #tpu.memory_space<semaphore_mem>>)
      %dma_wait3A_1186 = arith.constant 0 : i32
      %dma_wait3A_1187 = arith.constant 0 : i32
      %dma_wait3A_1188 = tpu.memref_slice %arg15[%dma_wait3A_1186, %dma_wait3A_1187] : memref<64x128xf32, #tpu.memory_space<vmem>> -> memref<64x128xf32, #tpu.memory_space<vmem>>
      %dma_wait3A_1189 = arith.constant 0 : i32
      %dma_wait3A_1190 = tpu.memref_slice %arg17[%add3A_586, %dma_wait3A_1189] : memref<10112x128xf32, #tpu.memory_space<vmem_shared>> -> memref<64x128xf32, #tpu.memory_space<vmem_shared>>
      %dma_wait3A_1191 = arith.constant 0 : i32
      %dma_wait3A_1192 = tpu.memref_slice %arg17[%add3A_586, %dma_wait3A_1191] : memref<10112x128xf32, #tpu.memory_space<vmem_shared>> -> memref<64x128xf32, #tpu.memory_space<vmem_shared>>
      %dma_wait3A_1193 = arith.constant 0 : i32
      %dma_wait3A_1194 = arith.constant 0 : i32
      %dma_wait3A_1195 = tpu.memref_slice %arg15[%dma_wait3A_1193, %dma_wait3A_1194] : memref<64x128xf32, #tpu.memory_space<vmem>> -> memref<64x128xf32, #tpu.memory_space<vmem>>
      tpu.wait_dma2 semaphore(%run_scoped3A : memref<!tpu.dma_semaphore, #tpu.memory_space<semaphore_mem>>) src(%dma_wait3A_1195 : memref<64x128xf32, #tpu.memory_space<vmem>>) dst(%dma_wait3A_1192 : memref<64x128xf32, #tpu.memory_space<vmem_shared>>)
      tpu.yield
    }) : () -> ()
    %add3A_587 = arith.constant 384 : i32
    %add3A_588 = arith.addi %mul3A_2, %add3A_587 : i32
    "tpu.region"() ({
      %run_scoped3A = tpu.sem_alloc : memref<!tpu.dma_semaphore, #tpu.memory_space<semaphore_mem>>
      %dma_start3A_1176 = arith.constant 0 : i32
      %dma_start3A_1177 = arith.constant 0 : i32
      %dma_start3A_1178 = tpu.memref_slice %arg15[%dma_start3A_1176, %dma_start3A_1177] : memref<64x128xf32, #tpu.memory_space<vmem>> -> memref<64x128xf32, #tpu.memory_space<vmem>>
      %dma_start3A_1179 = arith.constant 0 : i32
      %dma_start3A_1180 = tpu.memref_slice %arg17[%add3A_588, %dma_start3A_1179] : memref<10112x128xf32, #tpu.memory_space<vmem_shared>> -> memref<64x128xf32, #tpu.memory_space<vmem_shared>>
      %dma_start3A_1181 = arith.constant 0 : i32
      %dma_start3A_1182 = tpu.memref_slice %arg17[%add3A_588, %dma_start3A_1181] : memref<10112x128xf32, #tpu.memory_space<vmem_shared>> -> memref<64x128xf32, #tpu.memory_space<vmem_shared>>
      %dma_start3A_1183 = arith.constant 0 : i32
      %dma_start3A_1184 = arith.constant 0 : i32
      %dma_start3A_1185 = tpu.memref_slice %arg15[%dma_start3A_1183, %dma_start3A_1184] : memref<64x128xf32, #tpu.memory_space<vmem>> -> memref<64x128xf32, #tpu.memory_space<vmem>>
      tpu.enqueue_dma source(%dma_start3A_1185 : memref<64x128xf32, #tpu.memory_space<vmem>>) target(%dma_start3A_1182 : memref<64x128xf32, #tpu.memory_space<vmem_shared>>) target_semaphore(%run_scoped3A : memref<!tpu.dma_semaphore, #tpu.memory_space<semaphore_mem>>)
      %dma_wait3A_1186 = arith.constant 0 : i32
      %dma_wait3A_1187 = arith.constant 0 : i32
      %dma_wait3A_1188 = tpu.memref_slice %arg15[%dma_wait3A_1186, %dma_wait3A_1187] : memref<64x128xf32, #tpu.memory_space<vmem>> -> memref<64x128xf32, #tpu.memory_space<vmem>>
      %dma_wait3A_1189 = arith.constant 0 : i32
      %dma_wait3A_1190 = tpu.memref_slice %arg17[%add3A_588, %dma_wait3A_1189] : memref<10112x128xf32, #tpu.memory_space<vmem_shared>> -> memref<64x128xf32, #tpu.memory_space<vmem_shared>>
      %dma_wait3A_1191 = arith.constant 0 : i32
      %dma_wait3A_1192 = tpu.memref_slice %arg17[%add3A_588, %dma_wait3A_1191] : memref<10112x128xf32, #tpu.memory_space<vmem_shared>> -> memref<64x128xf32, #tpu.memory_space<vmem_shared>>
      %dma_wait3A_1193 = arith.constant 0 : i32
      %dma_wait3A_1194 = arith.constant 0 : i32
      %dma_wait3A_1195 = tpu.memref_slice %arg15[%dma_wait3A_1193, %dma_wait3A_1194] : memref<64x128xf32, #tpu.memory_space<vmem>> -> memref<64x128xf32, #tpu.memory_space<vmem>>
      tpu.wait_dma2 semaphore(%run_scoped3A : memref<!tpu.dma_semaphore, #tpu.memory_space<semaphore_mem>>) src(%dma_wait3A_1195 : memref<64x128xf32, #tpu.memory_space<vmem>>) dst(%dma_wait3A_1192 : memref<64x128xf32, #tpu.memory_space<vmem_shared>>)
      tpu.yield
    }) : () -> ()
    %add3A_589 = arith.constant 448 : i32
    %add3A_590 = arith.addi %mul3A_2, %add3A_589 : i32
    "tpu.region"() ({
      %run_scoped3A = tpu.sem_alloc : memref<!tpu.dma_semaphore, #tpu.memory_space<semaphore_mem>>
      %dma_start3A_1176 = arith.constant 0 : i32
      %dma_start3A_1177 = arith.constant 0 : i32
      %dma_start3A_1178 = tpu.memref_slice %arg15[%dma_start3A_1176, %dma_start3A_1177] : memref<64x128xf32, #tpu.memory_space<vmem>> -> memref<64x128xf32, #tpu.memory_space<vmem>>
      %dma_start3A_1179 = arith.constant 0 : i32
      %dma_start3A_1180 = tpu.memref_slice %arg17[%add3A_590, %dma_start3A_1179] : memref<10112x128xf32, #tpu.memory_space<vmem_shared>> -> memref<64x128xf32, #tpu.memory_space<vmem_shared>>
      %dma_start3A_1181 = arith.constant 0 : i32
      %dma_start3A_1182 = tpu.memref_slice %arg17[%add3A_590, %dma_start3A_1181] : memref<10112x128xf32, #tpu.memory_space<vmem_shared>> -> memref<64x128xf32, #tpu.memory_space<vmem_shared>>
      %dma_start3A_1183 = arith.constant 0 : i32
      %dma_start3A_1184 = arith.constant 0 : i32
      %dma_start3A_1185 = tpu.memref_slice %arg15[%dma_start3A_1183, %dma_start3A_1184] : memref<64x128xf32, #tpu.memory_space<vmem>> -> memref<64x128xf32, #tpu.memory_space<vmem>>
      tpu.enqueue_dma source(%dma_start3A_1185 : memref<64x128xf32, #tpu.memory_space<vmem>>) target(%dma_start3A_1182 : memref<64x128xf32, #tpu.memory_space<vmem_shared>>) target_semaphore(%run_scoped3A : memref<!tpu.dma_semaphore, #tpu.memory_space<semaphore_mem>>)
      %dma_wait3A_1186 = arith.constant 0 : i32
      %dma_wait3A_1187 = arith.constant 0 : i32
      %dma_wait3A_1188 = tpu.memref_slice %arg15[%dma_wait3A_1186, %dma_wait3A_1187] : memref<64x128xf32, #tpu.memory_space<vmem>> -> memref<64x128xf32, #tpu.memory_space<vmem>>
      %dma_wait3A_1189 = arith.constant 0 : i32
      %dma_wait3A_1190 = tpu.memref_slice %arg17[%add3A_590, %dma_wait3A_1189] : memref<10112x128xf32, #tpu.memory_space<vmem_shared>> -> memref<64x128xf32, #tpu.memory_space<vmem_shared>>
      %dma_wait3A_1191 = arith.constant 0 : i32
      %dma_wait3A_1192 = tpu.memref_slice %arg17[%add3A_590, %dma_wait3A_1191] : memref<10112x128xf32, #tpu.memory_space<vmem_shared>> -> memref<64x128xf32, #tpu.memory_space<vmem_shared>>
      %dma_wait3A_1193 = arith.constant 0 : i32
      %dma_wait3A_1194 = arith.constant 0 : i32
      %dma_wait3A_1195 = tpu.memref_slice %arg15[%dma_wait3A_1193, %dma_wait3A_1194] : memref<64x128xf32, #tpu.memory_space<vmem>> -> memref<64x128xf32, #tpu.memory_space<vmem>>
      tpu.wait_dma2 semaphore(%run_scoped3A : memref<!tpu.dma_semaphore, #tpu.memory_space<semaphore_mem>>) src(%dma_wait3A_1195 : memref<64x128xf32, #tpu.memory_space<vmem>>) dst(%dma_wait3A_1192 : memref<64x128xf32, #tpu.memory_space<vmem_shared>>)
      tpu.yield
    }) : () -> ()
    %add3A_591 = arith.constant 512 : i32
    %add3A_592 = arith.addi %mul3A_2, %add3A_591 : i32
    "tpu.region"() ({
      %run_scoped3A = tpu.sem_alloc : memref<!tpu.dma_semaphore, #tpu.memory_space<semaphore_mem>>
      %dma_start3A_1176 = arith.constant 0 : i32
      %dma_start3A_1177 = arith.constant 0 : i32
      %dma_start3A_1178 = tpu.memref_slice %arg15[%dma_start3A_1176, %dma_start3A_1177] : memref<64x128xf32, #tpu.memory_space<vmem>> -> memref<64x128xf32, #tpu.memory_space<vmem>>
      %dma_start3A_1179 = arith.constant 0 : i32
      %dma_start3A_1180 = tpu.memref_slice %arg17[%add3A_592, %dma_start3A_1179] : memref<10112x128xf32, #tpu.memory_space<vmem_shared>> -> memref<64x128xf32, #tpu.memory_space<vmem_shared>>
      %dma_start3A_1181 = arith.constant 0 : i32
      %dma_start3A_1182 = tpu.memref_slice %arg17[%add3A_592, %dma_start3A_1181] : memref<10112x128xf32, #tpu.memory_space<vmem_shared>> -> memref<64x128xf32, #tpu.memory_space<vmem_shared>>
      %dma_start3A_1183 = arith.constant 0 : i32
      %dma_start3A_1184 = arith.constant 0 : i32
      %dma_start3A_1185 = tpu.memref_slice %arg15[%dma_start3A_1183, %dma_start3A_1184] : memref<64x128xf32, #tpu.memory_space<vmem>> -> memref<64x128xf32, #tpu.memory_space<vmem>>
      tpu.enqueue_dma source(%dma_start3A_1185 : memref<64x128xf32, #tpu.memory_space<vmem>>) target(%dma_start3A_1182 : memref<64x128xf32, #tpu.memory_space<vmem_shared>>) target_semaphore(%run_scoped3A : memref<!tpu.dma_semaphore, #tpu.memory_space<semaphore_mem>>)
      %dma_wait3A_1186 = arith.constant 0 : i32
      %dma_wait3A_1187 = arith.constant 0 : i32
      %dma_wait3A_1188 = tpu.memref_slice %arg15[%dma_wait3A_1186, %dma_wait3A_1187] : memref<64x128xf32, #tpu.memory_space<vmem>> -> memref<64x128xf32, #tpu.memory_space<vmem>>
      %dma_wait3A_1189 = arith.constant 0 : i32
      %dma_wait3A_1190 = tpu.memref_slice %arg17[%add3A_592, %dma_wait3A_1189] : memref<10112x128xf32, #tpu.memory_space<vmem_shared>> -> memref<64x128xf32, #tpu.memory_space<vmem_shared>>
      %dma_wait3A_1191 = arith.constant 0 : i32
      %dma_wait3A_1192 = tpu.memref_slice %arg17[%add3A_592, %dma_wait3A_1191] : memref<10112x128xf32, #tpu.memory_space<vmem_shared>> -> memref<64x128xf32, #tpu.memory_space<vmem_shared>>
      %dma_wait3A_1193 = arith.constant 0 : i32
      %dma_wait3A_1194 = arith.constant 0 : i32
      %dma_wait3A_1195 = tpu.memref_slice %arg15[%dma_wait3A_1193, %dma_wait3A_1194] : memref<64x128xf32, #tpu.memory_space<vmem>> -> memref<64x128xf32, #tpu.memory_space<vmem>>
      tpu.wait_dma2 semaphore(%run_scoped3A : memref<!tpu.dma_semaphore, #tpu.memory_space<semaphore_mem>>) src(%dma_wait3A_1195 : memref<64x128xf32, #tpu.memory_space<vmem>>) dst(%dma_wait3A_1192 : memref<64x128xf32, #tpu.memory_space<vmem_shared>>)
      tpu.yield
    }) : () -> ()
    %add3A_593 = arith.constant 576 : i32
    %add3A_594 = arith.addi %mul3A_2, %add3A_593 : i32
    "tpu.region"() ({
      %run_scoped3A = tpu.sem_alloc : memref<!tpu.dma_semaphore, #tpu.memory_space<semaphore_mem>>
      %dma_start3A_1176 = arith.constant 0 : i32
      %dma_start3A_1177 = arith.constant 0 : i32
      %dma_start3A_1178 = tpu.memref_slice %arg15[%dma_start3A_1176, %dma_start3A_1177] : memref<64x128xf32, #tpu.memory_space<vmem>> -> memref<56x128xf32, #tpu.memory_space<vmem>>
      %dma_start3A_1179 = arith.constant 0 : i32
      %dma_start3A_1180 = tpu.memref_slice %arg17[%add3A_594, %dma_start3A_1179] : memref<10112x128xf32, #tpu.memory_space<vmem_shared>> -> memref<56x128xf32, #tpu.memory_space<vmem_shared>>
      %dma_start3A_1181 = arith.constant 0 : i32
      %dma_start3A_1182 = tpu.memref_slice %arg17[%add3A_594, %dma_start3A_1181] : memref<10112x128xf32, #tpu.memory_space<vmem_shared>> -> memref<56x128xf32, #tpu.memory_space<vmem_shared>>
      %dma_start3A_1183 = arith.constant 0 : i32
      %dma_start3A_1184 = arith.constant 0 : i32
      %dma_start3A_1185 = tpu.memref_slice %arg15[%dma_start3A_1183, %dma_start3A_1184] : memref<64x128xf32, #tpu.memory_space<vmem>> -> memref<56x128xf32, #tpu.memory_space<vmem>>
      tpu.enqueue_dma source(%dma_start3A_1185 : memref<56x128xf32, #tpu.memory_space<vmem>>) target(%dma_start3A_1182 : memref<56x128xf32, #tpu.memory_space<vmem_shared>>) target_semaphore(%run_scoped3A : memref<!tpu.dma_semaphore, #tpu.memory_space<semaphore_mem>>)
      %dma_wait3A_1186 = arith.constant 0 : i32
      %dma_wait3A_1187 = arith.constant 0 : i32
      %dma_wait3A_1188 = tpu.memref_slice %arg15[%dma_wait3A_1186, %dma_wait3A_1187] : memref<64x128xf32, #tpu.memory_space<vmem>> -> memref<56x128xf32, #tpu.memory_space<vmem>>
      %dma_wait3A_1189 = arith.constant 0 : i32
      %dma_wait3A_1190 = tpu.memref_slice %arg17[%add3A_594, %dma_wait3A_1189] : memref<10112x128xf32, #tpu.memory_space<vmem_shared>> -> memref<56x128xf32, #tpu.memory_space<vmem_shared>>
      %dma_wait3A_1191 = arith.constant 0 : i32
      %dma_wait3A_1192 = tpu.memref_slice %arg17[%add3A_594, %dma_wait3A_1191] : memref<10112x128xf32, #tpu.memory_space<vmem_shared>> -> memref<56x128xf32, #tpu.memory_space<vmem_shared>>
      %dma_wait3A_1193 = arith.constant 0 : i32
      %dma_wait3A_1194 = arith.constant 0 : i32
      %dma_wait3A_1195 = tpu.memref_slice %arg15[%dma_wait3A_1193, %dma_wait3A_1194] : memref<64x128xf32, #tpu.memory_space<vmem>> -> memref<56x128xf32, #tpu.memory_space<vmem>>
      tpu.wait_dma2 semaphore(%run_scoped3A : memref<!tpu.dma_semaphore, #tpu.memory_space<semaphore_mem>>) src(%dma_wait3A_1195 : memref<56x128xf32, #tpu.memory_space<vmem>>) dst(%dma_wait3A_1192 : memref<56x128xf32, #tpu.memory_space<vmem_shared>>)
      tpu.yield
    }) : () -> ()
    %barrier3A_595 = arith.constant 0 : index
    tpu.barrier barrier_id(%barrier3A_595)
    %add3A_596 = arith.constant 0 : i32
    %add3A_597 = arith.addi %add3A, %add3A_596 : i32
    %mul3A_598 = arith.constant 64 : i32
    %mul3A_599 = arith.muli %add3A_597, %mul3A_598 : i32
    %add3A_600 = arith.constant 32 : i32
    %add3A_601 = arith.addi %add3A, %add3A_600 : i32
    %mul3A_602 = arith.constant 64 : i32
    %mul3A_603 = arith.muli %add3A_601, %mul3A_602 : i32
    %dma_start3A_604 = tpu.memref_slice %arg3[%mul3A_599] : memref<320000xi32, #tpu.memory_space<hbm>> -> memref<64xi32, #tpu.memory_space<hbm>>
    %dma_start3A_605 = tpu.memref_slice %arg3[%mul3A_599] : memref<320000xi32, #tpu.memory_space<hbm>> -> memref<64xi32, #tpu.memory_space<hbm>>
    tpu.enqueue_dma source(%dma_start3A_605 : memref<64xi32, #tpu.memory_space<hbm>>) target(%arg7 : memref<64xi32, #tpu.memory_space<vmem>>) target_semaphore(%arg18 : memref<!tpu.dma_semaphore, #tpu.memory_space<semaphore_mem>>)
    %dma_start3A_606 = tpu.memref_slice %arg4[%mul3A_599] : memref<320000xi32, #tpu.memory_space<hbm>> -> memref<64xi32, #tpu.memory_space<hbm>>
    %dma_start3A_607 = tpu.memref_slice %arg4[%mul3A_599] : memref<320000xi32, #tpu.memory_space<hbm>> -> memref<64xi32, #tpu.memory_space<hbm>>
    tpu.enqueue_dma source(%dma_start3A_607 : memref<64xi32, #tpu.memory_space<hbm>>) target(%arg9 : memref<64xi32, #tpu.memory_space<vmem>>) target_semaphore(%arg18 : memref<!tpu.dma_semaphore, #tpu.memory_space<semaphore_mem>>)
    %dma_start3A_608 = tpu.memref_slice %arg3[%mul3A_603] : memref<320000xi32, #tpu.memory_space<hbm>> -> memref<64xi32, #tpu.memory_space<hbm>>
    %dma_start3A_609 = tpu.memref_slice %arg3[%mul3A_603] : memref<320000xi32, #tpu.memory_space<hbm>> -> memref<64xi32, #tpu.memory_space<hbm>>
    tpu.enqueue_dma source(%dma_start3A_609 : memref<64xi32, #tpu.memory_space<hbm>>) target(%arg8 : memref<64xi32, #tpu.memory_space<vmem>>) target_semaphore(%arg18 : memref<!tpu.dma_semaphore, #tpu.memory_space<semaphore_mem>>)
    %dma_start3A_610 = tpu.memref_slice %arg4[%mul3A_603] : memref<320000xi32, #tpu.memory_space<hbm>> -> memref<64xi32, #tpu.memory_space<hbm>>
    %dma_start3A_611 = tpu.memref_slice %arg4[%mul3A_603] : memref<320000xi32, #tpu.memory_space<hbm>> -> memref<64xi32, #tpu.memory_space<hbm>>
    tpu.enqueue_dma source(%dma_start3A_611 : memref<64xi32, #tpu.memory_space<hbm>>) target(%arg10 : memref<64xi32, #tpu.memory_space<vmem>>) target_semaphore(%arg18 : memref<!tpu.dma_semaphore, #tpu.memory_space<semaphore_mem>>)
    %dma_wait3A_612 = tpu.memref_slice %arg3[%mul3A_599] : memref<320000xi32, #tpu.memory_space<hbm>> -> memref<64xi32, #tpu.memory_space<hbm>>
    %dma_wait3A_613 = tpu.memref_slice %arg3[%mul3A_599] : memref<320000xi32, #tpu.memory_space<hbm>> -> memref<64xi32, #tpu.memory_space<hbm>>
    tpu.wait_dma2 semaphore(%arg18 : memref<!tpu.dma_semaphore, #tpu.memory_space<semaphore_mem>>) src(%dma_wait3A_613 : memref<64xi32, #tpu.memory_space<hbm>>) dst(%arg7 : memref<64xi32, #tpu.memory_space<vmem>>)
    %dma_wait3A_614 = tpu.memref_slice %arg4[%mul3A_599] : memref<320000xi32, #tpu.memory_space<hbm>> -> memref<64xi32, #tpu.memory_space<hbm>>
    %dma_wait3A_615 = tpu.memref_slice %arg4[%mul3A_599] : memref<320000xi32, #tpu.memory_space<hbm>> -> memref<64xi32, #tpu.memory_space<hbm>>
    tpu.wait_dma2 semaphore(%arg18 : memref<!tpu.dma_semaphore, #tpu.memory_space<semaphore_mem>>) src(%dma_wait3A_615 : memref<64xi32, #tpu.memory_space<hbm>>) dst(%arg9 : memref<64xi32, #tpu.memory_space<vmem>>)
    %dma_wait3A_616 = tpu.memref_slice %arg3[%mul3A_603] : memref<320000xi32, #tpu.memory_space<hbm>> -> memref<64xi32, #tpu.memory_space<hbm>>
    %dma_wait3A_617 = tpu.memref_slice %arg3[%mul3A_603] : memref<320000xi32, #tpu.memory_space<hbm>> -> memref<64xi32, #tpu.memory_space<hbm>>
    tpu.wait_dma2 semaphore(%arg18 : memref<!tpu.dma_semaphore, #tpu.memory_space<semaphore_mem>>) src(%dma_wait3A_617 : memref<64xi32, #tpu.memory_space<hbm>>) dst(%arg8 : memref<64xi32, #tpu.memory_space<vmem>>)
    %dma_wait3A_618 = tpu.memref_slice %arg4[%mul3A_603] : memref<320000xi32, #tpu.memory_space<hbm>> -> memref<64xi32, #tpu.memory_space<hbm>>
    %dma_wait3A_619 = tpu.memref_slice %arg4[%mul3A_603] : memref<320000xi32, #tpu.memory_space<hbm>> -> memref<64xi32, #tpu.memory_space<hbm>>
    tpu.wait_dma2 semaphore(%arg18 : memref<!tpu.dma_semaphore, #tpu.memory_space<semaphore_mem>>) src(%dma_wait3A_619 : memref<64xi32, #tpu.memory_space<hbm>>) dst(%arg10 : memref<64xi32, #tpu.memory_space<vmem>>)
    %dma_start3A_620 = arith.constant 0 : i32
    %dma_start3A_621 = arith.constant 0 : i32
    %dma_start3A_622 = tpu.memref_slice %arg2[%dma_start3A_620, %dma_start3A_621] : memref<10000x128xf32, #tpu.memory_space<hbm>> -> memref<10000x128xf32, #tpu.memory_space<hbm>>
    tpu.enqueue_indirect_dma source(%dma_start3A_622 : memref<10000x128xf32, #tpu.memory_space<hbm>>) target(%arg15 : memref<64x128xf32, #tpu.memory_space<vmem>>) offsets(%arg7 : memref<64xi32, #tpu.memory_space<vmem>>) semaphore(%arg21 : memref<!tpu.dma_semaphore, #tpu.memory_space<semaphore_mem>>)
    %dma_start3A_623 = arith.constant 0 : i32
    %dma_start3A_624 = arith.constant 0 : i32
    %dma_start3A_625 = tpu.memref_slice %arg2[%dma_start3A_623, %dma_start3A_624] : memref<10000x128xf32, #tpu.memory_space<hbm>> -> memref<10000x128xf32, #tpu.memory_space<hbm>>
    tpu.enqueue_indirect_dma source(%dma_start3A_625 : memref<10000x128xf32, #tpu.memory_space<hbm>>) target(%arg16 : memref<64x128xf32, #tpu.memory_space<vmem>>) offsets(%arg8 : memref<64xi32, #tpu.memory_space<vmem>>) semaphore(%arg22 : memref<!tpu.dma_semaphore, #tpu.memory_space<semaphore_mem>>)
    %dma_wait3A_626 = arith.constant 0 : i32
    %dma_wait3A_627 = arith.constant 0 : i32
    %dma_wait3A_628 = tpu.memref_slice %arg2[%dma_wait3A_626, %dma_wait3A_627] : memref<10000x128xf32, #tpu.memory_space<hbm>> -> memref<10000x128xf32, #tpu.memory_space<hbm>>
    tpu.wait_indirect_dma semaphore(%arg21 : memref<!tpu.dma_semaphore, #tpu.memory_space<semaphore_mem>>) src(%dma_wait3A_628 : memref<10000x128xf32, #tpu.memory_space<hbm>>) dst(%arg15 : memref<64x128xf32, #tpu.memory_space<vmem>>)
    %dma_start3A_629 = arith.constant 0 : i32
    %dma_start3A_630 = arith.constant 0 : i32
    %dma_start3A_631 = tpu.memref_slice %arg17[%dma_start3A_629, %dma_start3A_630] : memref<10112x128xf32, #tpu.memory_space<vmem_shared>> -> memref<10112x128xf32, #tpu.memory_space<vmem_shared>>
    tpu.enqueue_indirect_dma source(%arg15 : memref<64x128xf32, #tpu.memory_space<vmem>>) target(%dma_start3A_631 : memref<10112x128xf32, #tpu.memory_space<vmem_shared>>) offsets(%arg9 : memref<64xi32, #tpu.memory_space<vmem>>) semaphore(%arg19 : memref<!tpu.dma_semaphore, #tpu.memory_space<semaphore_mem>>) {add = true}
    %dma_wait3A_632 = arith.constant 0 : i32
    %dma_wait3A_633 = arith.constant 0 : i32
    %dma_wait3A_634 = tpu.memref_slice %arg2[%dma_wait3A_632, %dma_wait3A_633] : memref<10000x128xf32, #tpu.memory_space<hbm>> -> memref<10000x128xf32, #tpu.memory_space<hbm>>
    tpu.wait_indirect_dma semaphore(%arg22 : memref<!tpu.dma_semaphore, #tpu.memory_space<semaphore_mem>>) src(%dma_wait3A_634 : memref<10000x128xf32, #tpu.memory_space<hbm>>) dst(%arg16 : memref<64x128xf32, #tpu.memory_space<vmem>>)
    %dma_start3A_635 = arith.constant 0 : i32
    %dma_start3A_636 = arith.constant 0 : i32
    %dma_start3A_637 = tpu.memref_slice %arg17[%dma_start3A_635, %dma_start3A_636] : memref<10112x128xf32, #tpu.memory_space<vmem_shared>> -> memref<10112x128xf32, #tpu.memory_space<vmem_shared>>
    tpu.enqueue_indirect_dma source(%arg16 : memref<64x128xf32, #tpu.memory_space<vmem>>) target(%dma_start3A_637 : memref<10112x128xf32, #tpu.memory_space<vmem_shared>>) offsets(%arg10 : memref<64xi32, #tpu.memory_space<vmem>>) semaphore(%arg20 : memref<!tpu.dma_semaphore, #tpu.memory_space<semaphore_mem>>) {add = true}
    %add3A_638 = arith.constant 64 : i32
    %add3A_639 = arith.addi %add3A, %add3A_638 : i32
    %mul3A_640 = arith.constant 64 : i32
    %mul3A_641 = arith.muli %add3A_639, %mul3A_640 : i32
    %add3A_642 = arith.constant 96 : i32
    %add3A_643 = arith.addi %add3A, %add3A_642 : i32
    %mul3A_644 = arith.constant 64 : i32
    %mul3A_645 = arith.muli %add3A_643, %mul3A_644 : i32
    %dma_start3A_646 = tpu.memref_slice %arg3[%mul3A_641] : memref<320000xi32, #tpu.memory_space<hbm>> -> memref<64xi32, #tpu.memory_space<hbm>>
    %dma_start3A_647 = tpu.memref_slice %arg3[%mul3A_641] : memref<320000xi32, #tpu.memory_space<hbm>> -> memref<64xi32, #tpu.memory_space<hbm>>
    tpu.enqueue_dma source(%dma_start3A_647 : memref<64xi32, #tpu.memory_space<hbm>>) target(%arg7 : memref<64xi32, #tpu.memory_space<vmem>>) target_semaphore(%arg18 : memref<!tpu.dma_semaphore, #tpu.memory_space<semaphore_mem>>)
    %dma_start3A_648 = tpu.memref_slice %arg4[%mul3A_641] : memref<320000xi32, #tpu.memory_space<hbm>> -> memref<64xi32, #tpu.memory_space<hbm>>
    %dma_start3A_649 = tpu.memref_slice %arg4[%mul3A_641] : memref<320000xi32, #tpu.memory_space<hbm>> -> memref<64xi32, #tpu.memory_space<hbm>>
    tpu.enqueue_dma source(%dma_start3A_649 : memref<64xi32, #tpu.memory_space<hbm>>) target(%arg11 : memref<64xi32, #tpu.memory_space<vmem>>) target_semaphore(%arg18 : memref<!tpu.dma_semaphore, #tpu.memory_space<semaphore_mem>>)
    %dma_start3A_650 = tpu.memref_slice %arg3[%mul3A_645] : memref<320000xi32, #tpu.memory_space<hbm>> -> memref<64xi32, #tpu.memory_space<hbm>>
    %dma_start3A_651 = tpu.memref_slice %arg3[%mul3A_645] : memref<320000xi32, #tpu.memory_space<hbm>> -> memref<64xi32, #tpu.memory_space<hbm>>
    tpu.enqueue_dma source(%dma_start3A_651 : memref<64xi32, #tpu.memory_space<hbm>>) target(%arg8 : memref<64xi32, #tpu.memory_space<vmem>>) target_semaphore(%arg18 : memref<!tpu.dma_semaphore, #tpu.memory_space<semaphore_mem>>)
    %dma_start3A_652 = tpu.memref_slice %arg4[%mul3A_645] : memref<320000xi32, #tpu.memory_space<hbm>> -> memref<64xi32, #tpu.memory_space<hbm>>
    %dma_start3A_653 = tpu.memref_slice %arg4[%mul3A_645] : memref<320000xi32, #tpu.memory_space<hbm>> -> memref<64xi32, #tpu.memory_space<hbm>>
    tpu.enqueue_dma source(%dma_start3A_653 : memref<64xi32, #tpu.memory_space<hbm>>) target(%arg12 : memref<64xi32, #tpu.memory_space<vmem>>) target_semaphore(%arg18 : memref<!tpu.dma_semaphore, #tpu.memory_space<semaphore_mem>>)
    %dma_wait3A_654 = tpu.memref_slice %arg3[%mul3A_641] : memref<320000xi32, #tpu.memory_space<hbm>> -> memref<64xi32, #tpu.memory_space<hbm>>
    %dma_wait3A_655 = tpu.memref_slice %arg3[%mul3A_641] : memref<320000xi32, #tpu.memory_space<hbm>> -> memref<64xi32, #tpu.memory_space<hbm>>
    tpu.wait_dma2 semaphore(%arg18 : memref<!tpu.dma_semaphore, #tpu.memory_space<semaphore_mem>>) src(%dma_wait3A_655 : memref<64xi32, #tpu.memory_space<hbm>>) dst(%arg7 : memref<64xi32, #tpu.memory_space<vmem>>)
    %dma_wait3A_656 = tpu.memref_slice %arg4[%mul3A_641] : memref<320000xi32, #tpu.memory_space<hbm>> -> memref<64xi32, #tpu.memory_space<hbm>>
    %dma_wait3A_657 = tpu.memref_slice %arg4[%mul3A_641] : memref<320000xi32, #tpu.memory_space<hbm>> -> memref<64xi32, #tpu.memory_space<hbm>>
    tpu.wait_dma2 semaphore(%arg18 : memref<!tpu.dma_semaphore, #tpu.memory_space<semaphore_mem>>) src(%dma_wait3A_657 : memref<64xi32, #tpu.memory_space<hbm>>) dst(%arg11 : memref<64xi32, #tpu.memory_space<vmem>>)
    %dma_wait3A_658 = tpu.memref_slice %arg3[%mul3A_645] : memref<320000xi32, #tpu.memory_space<hbm>> -> memref<64xi32, #tpu.memory_space<hbm>>
    %dma_wait3A_659 = tpu.memref_slice %arg3[%mul3A_645] : memref<320000xi32, #tpu.memory_space<hbm>> -> memref<64xi32, #tpu.memory_space<hbm>>
    tpu.wait_dma2 semaphore(%arg18 : memref<!tpu.dma_semaphore, #tpu.memory_space<semaphore_mem>>) src(%dma_wait3A_659 : memref<64xi32, #tpu.memory_space<hbm>>) dst(%arg8 : memref<64xi32, #tpu.memory_space<vmem>>)
    %dma_wait3A_660 = tpu.memref_slice %arg4[%mul3A_645] : memref<320000xi32, #tpu.memory_space<hbm>> -> memref<64xi32, #tpu.memory_space<hbm>>
    %dma_wait3A_661 = tpu.memref_slice %arg4[%mul3A_645] : memref<320000xi32, #tpu.memory_space<hbm>> -> memref<64xi32, #tpu.memory_space<hbm>>
    tpu.wait_dma2 semaphore(%arg18 : memref<!tpu.dma_semaphore, #tpu.memory_space<semaphore_mem>>) src(%dma_wait3A_661 : memref<64xi32, #tpu.memory_space<hbm>>) dst(%arg12 : memref<64xi32, #tpu.memory_space<vmem>>)
    %dma_wait3A_662 = arith.constant 0 : i32
    %dma_wait3A_663 = arith.constant 0 : i32
    %dma_wait3A_664 = tpu.memref_slice %arg2[%dma_wait3A_662, %dma_wait3A_663] : memref<10000x128xf32, #tpu.memory_space<hbm>> -> memref<64x128xf32, #tpu.memory_space<hbm>>
    %dma_wait3A_665 = arith.constant 0 : i32
    %dma_wait3A_666 = arith.constant 0 : i32
    %dma_wait3A_667 = tpu.memref_slice %arg2[%dma_wait3A_665, %dma_wait3A_666] : memref<10000x128xf32, #tpu.memory_space<hbm>> -> memref<64x128xf32, #tpu.memory_space<hbm>>
    tpu.wait_dma2 semaphore(%arg19 : memref<!tpu.dma_semaphore, #tpu.memory_space<semaphore_mem>>) src(%dma_wait3A_667 : memref<64x128xf32, #tpu.memory_space<hbm>>) dst(%arg15 : memref<64x128xf32, #tpu.memory_space<vmem>>)
    %dma_start3A_668 = arith.constant 0 : i32
    %dma_start3A_669 = arith.constant 0 : i32
    %dma_start3A_670 = tpu.memref_slice %arg2[%dma_start3A_668, %dma_start3A_669] : memref<10000x128xf32, #tpu.memory_space<hbm>> -> memref<10000x128xf32, #tpu.memory_space<hbm>>
    tpu.enqueue_indirect_dma source(%dma_start3A_670 : memref<10000x128xf32, #tpu.memory_space<hbm>>) target(%arg15 : memref<64x128xf32, #tpu.memory_space<vmem>>) offsets(%arg7 : memref<64xi32, #tpu.memory_space<vmem>>) semaphore(%arg21 : memref<!tpu.dma_semaphore, #tpu.memory_space<semaphore_mem>>)
    %dma_wait3A_671 = arith.constant 0 : i32
    %dma_wait3A_672 = arith.constant 0 : i32
    %dma_wait3A_673 = tpu.memref_slice %arg2[%dma_wait3A_671, %dma_wait3A_672] : memref<10000x128xf32, #tpu.memory_space<hbm>> -> memref<64x128xf32, #tpu.memory_space<hbm>>
    %dma_wait3A_674 = arith.constant 0 : i32
    %dma_wait3A_675 = arith.constant 0 : i32
    %dma_wait3A_676 = tpu.memref_slice %arg2[%dma_wait3A_674, %dma_wait3A_675] : memref<10000x128xf32, #tpu.memory_space<hbm>> -> memref<64x128xf32, #tpu.memory_space<hbm>>
    tpu.wait_dma2 semaphore(%arg20 : memref<!tpu.dma_semaphore, #tpu.memory_space<semaphore_mem>>) src(%dma_wait3A_676 : memref<64x128xf32, #tpu.memory_space<hbm>>) dst(%arg16 : memref<64x128xf32, #tpu.memory_space<vmem>>)
    %dma_start3A_677 = arith.constant 0 : i32
    %dma_start3A_678 = arith.constant 0 : i32
    %dma_start3A_679 = tpu.memref_slice %arg2[%dma_start3A_677, %dma_start3A_678] : memref<10000x128xf32, #tpu.memory_space<hbm>> -> memref<10000x128xf32, #tpu.memory_space<hbm>>
    tpu.enqueue_indirect_dma source(%dma_start3A_679 : memref<10000x128xf32, #tpu.memory_space<hbm>>) target(%arg16 : memref<64x128xf32, #tpu.memory_space<vmem>>) offsets(%arg8 : memref<64xi32, #tpu.memory_space<vmem>>) semaphore(%arg22 : memref<!tpu.dma_semaphore, #tpu.memory_space<semaphore_mem>>)
    %dma_wait3A_680 = arith.constant 0 : i32
    %dma_wait3A_681 = arith.constant 0 : i32
    %dma_wait3A_682 = tpu.memref_slice %arg2[%dma_wait3A_680, %dma_wait3A_681] : memref<10000x128xf32, #tpu.memory_space<hbm>> -> memref<10000x128xf32, #tpu.memory_space<hbm>>
    tpu.wait_indirect_dma semaphore(%arg21 : memref<!tpu.dma_semaphore, #tpu.memory_space<semaphore_mem>>) src(%dma_wait3A_682 : memref<10000x128xf32, #tpu.memory_space<hbm>>) dst(%arg15 : memref<64x128xf32, #tpu.memory_space<vmem>>)
    %dma_start3A_683 = arith.constant 0 : i32
    %dma_start3A_684 = arith.constant 0 : i32
    %dma_start3A_685 = tpu.memref_slice %arg17[%dma_start3A_683, %dma_start3A_684] : memref<10112x128xf32, #tpu.memory_space<vmem_shared>> -> memref<10112x128xf32, #tpu.memory_space<vmem_shared>>
    tpu.enqueue_indirect_dma source(%arg15 : memref<64x128xf32, #tpu.memory_space<vmem>>) target(%dma_start3A_685 : memref<10112x128xf32, #tpu.memory_space<vmem_shared>>) offsets(%arg11 : memref<64xi32, #tpu.memory_space<vmem>>) semaphore(%arg19 : memref<!tpu.dma_semaphore, #tpu.memory_space<semaphore_mem>>) {add = true}
    %dma_wait3A_686 = arith.constant 0 : i32
    %dma_wait3A_687 = arith.constant 0 : i32
    %dma_wait3A_688 = tpu.memref_slice %arg2[%dma_wait3A_686, %dma_wait3A_687] : memref<10000x128xf32, #tpu.memory_space<hbm>> -> memref<10000x128xf32, #tpu.memory_space<hbm>>
    tpu.wait_indirect_dma semaphore(%arg22 : memref<!tpu.dma_semaphore, #tpu.memory_space<semaphore_mem>>) src(%dma_wait3A_688 : memref<10000x128xf32, #tpu.memory_space<hbm>>) dst(%arg16 : memref<64x128xf32, #tpu.memory_space<vmem>>)
    %dma_start3A_689 = arith.constant 0 : i32
    %dma_start3A_690 = arith.constant 0 : i32
    %dma_start3A_691 = tpu.memref_slice %arg17[%dma_start3A_689, %dma_start3A_690] : memref<10112x128xf32, #tpu.memory_space<vmem_shared>> -> memref<10112x128xf32, #tpu.memory_space<vmem_shared>>
    tpu.enqueue_indirect_dma source(%arg16 : memref<64x128xf32, #tpu.memory_space<vmem>>) target(%dma_start3A_691 : memref<10112x128xf32, #tpu.memory_space<vmem_shared>>) offsets(%arg12 : memref<64xi32, #tpu.memory_space<vmem>>) semaphore(%arg20 : memref<!tpu.dma_semaphore, #tpu.memory_space<semaphore_mem>>) {add = true}
    %scan3A_692 = arith.constant 0 : i32
    %scan3A_693 = arith.constant 1 : i32
    %scan3A_694 = arith.constant 38 : i32
    %scan3A_695 = arith.addi %scan3A_693, %scan3A_694 : i32
    %scan3A_696 = arith.constant 1 : i32
    scf.for %scan3A_1176 = %scan3A_693 to %scan3A_695 step %scan3A_696  : i32 {
      %mul3A_1177 = arith.constant 4 : i32
      %mul3A_1178 = arith.muli %mul3A_1177, %scan3A_1176 : i32
      %mul3A_1179 = arith.constant 32 : i32
      %mul3A_1180 = arith.muli %mul3A_1178, %mul3A_1179 : i32
      %add3A_1181 = arith.addi %add3A, %mul3A_1180 : i32
      %mul3A_1182 = arith.constant 64 : i32
      %mul3A_1183 = arith.muli %add3A_1181, %mul3A_1182 : i32
      %add3A_1184 = arith.constant 1 : i32
      %add3A_1185 = arith.addi %mul3A_1178, %add3A_1184 : i32
      %mul3A_1186 = arith.constant 32 : i32
      %mul3A_1187 = arith.muli %add3A_1185, %mul3A_1186 : i32
      %add3A_1188 = arith.addi %add3A, %mul3A_1187 : i32
      %mul3A_1189 = arith.constant 64 : i32
      %mul3A_1190 = arith.muli %add3A_1188, %mul3A_1189 : i32
      %dma_start3A_1191 = tpu.memref_slice %arg3[%mul3A_1183] : memref<320000xi32, #tpu.memory_space<hbm>> -> memref<64xi32, #tpu.memory_space<hbm>>
      %dma_start3A_1192 = tpu.memref_slice %arg3[%mul3A_1183] : memref<320000xi32, #tpu.memory_space<hbm>> -> memref<64xi32, #tpu.memory_space<hbm>>
      tpu.enqueue_dma source(%dma_start3A_1192 : memref<64xi32, #tpu.memory_space<hbm>>) target(%arg7 : memref<64xi32, #tpu.memory_space<vmem>>) target_semaphore(%arg18 : memref<!tpu.dma_semaphore, #tpu.memory_space<semaphore_mem>>)
      %dma_start3A_1193 = tpu.memref_slice %arg4[%mul3A_1183] : memref<320000xi32, #tpu.memory_space<hbm>> -> memref<64xi32, #tpu.memory_space<hbm>>
      %dma_start3A_1194 = tpu.memref_slice %arg4[%mul3A_1183] : memref<320000xi32, #tpu.memory_space<hbm>> -> memref<64xi32, #tpu.memory_space<hbm>>
      tpu.enqueue_dma source(%dma_start3A_1194 : memref<64xi32, #tpu.memory_space<hbm>>) target(%arg9 : memref<64xi32, #tpu.memory_space<vmem>>) target_semaphore(%arg18 : memref<!tpu.dma_semaphore, #tpu.memory_space<semaphore_mem>>)
      %dma_start3A_1195 = tpu.memref_slice %arg3[%mul3A_1190] : memref<320000xi32, #tpu.memory_space<hbm>> -> memref<64xi32, #tpu.memory_space<hbm>>
      %dma_start3A_1196 = tpu.memref_slice %arg3[%mul3A_1190] : memref<320000xi32, #tpu.memory_space<hbm>> -> memref<64xi32, #tpu.memory_space<hbm>>
      tpu.enqueue_dma source(%dma_start3A_1196 : memref<64xi32, #tpu.memory_space<hbm>>) target(%arg8 : memref<64xi32, #tpu.memory_space<vmem>>) target_semaphore(%arg18 : memref<!tpu.dma_semaphore, #tpu.memory_space<semaphore_mem>>)
      %dma_start3A_1197 = tpu.memref_slice %arg4[%mul3A_1190] : memref<320000xi32, #tpu.memory_space<hbm>> -> memref<64xi32, #tpu.memory_space<hbm>>
      %dma_start3A_1198 = tpu.memref_slice %arg4[%mul3A_1190] : memref<320000xi32, #tpu.memory_space<hbm>> -> memref<64xi32, #tpu.memory_space<hbm>>
      tpu.enqueue_dma source(%dma_start3A_1198 : memref<64xi32, #tpu.memory_space<hbm>>) target(%arg10 : memref<64xi32, #tpu.memory_space<vmem>>) target_semaphore(%arg18 : memref<!tpu.dma_semaphore, #tpu.memory_space<semaphore_mem>>)
      %dma_wait3A_1199 = tpu.memref_slice %arg3[%mul3A_1183] : memref<320000xi32, #tpu.memory_space<hbm>> -> memref<64xi32, #tpu.memory_space<hbm>>
      %dma_wait3A_1200 = tpu.memref_slice %arg3[%mul3A_1183] : memref<320000xi32, #tpu.memory_space<hbm>> -> memref<64xi32, #tpu.memory_space<hbm>>
      tpu.wait_dma2 semaphore(%arg18 : memref<!tpu.dma_semaphore, #tpu.memory_space<semaphore_mem>>) src(%dma_wait3A_1200 : memref<64xi32, #tpu.memory_space<hbm>>) dst(%arg7 : memref<64xi32, #tpu.memory_space<vmem>>)
      %dma_wait3A_1201 = tpu.memref_slice %arg4[%mul3A_1183] : memref<320000xi32, #tpu.memory_space<hbm>> -> memref<64xi32, #tpu.memory_space<hbm>>
      %dma_wait3A_1202 = tpu.memref_slice %arg4[%mul3A_1183] : memref<320000xi32, #tpu.memory_space<hbm>> -> memref<64xi32, #tpu.memory_space<hbm>>
      tpu.wait_dma2 semaphore(%arg18 : memref<!tpu.dma_semaphore, #tpu.memory_space<semaphore_mem>>) src(%dma_wait3A_1202 : memref<64xi32, #tpu.memory_space<hbm>>) dst(%arg9 : memref<64xi32, #tpu.memory_space<vmem>>)
      %dma_wait3A_1203 = tpu.memref_slice %arg3[%mul3A_1190] : memref<320000xi32, #tpu.memory_space<hbm>> -> memref<64xi32, #tpu.memory_space<hbm>>
      %dma_wait3A_1204 = tpu.memref_slice %arg3[%mul3A_1190] : memref<320000xi32, #tpu.memory_space<hbm>> -> memref<64xi32, #tpu.memory_space<hbm>>
      tpu.wait_dma2 semaphore(%arg18 : memref<!tpu.dma_semaphore, #tpu.memory_space<semaphore_mem>>) src(%dma_wait3A_1204 : memref<64xi32, #tpu.memory_space<hbm>>) dst(%arg8 : memref<64xi32, #tpu.memory_space<vmem>>)
      %dma_wait3A_1205 = tpu.memref_slice %arg4[%mul3A_1190] : memref<320000xi32, #tpu.memory_space<hbm>> -> memref<64xi32, #tpu.memory_space<hbm>>
      %dma_wait3A_1206 = tpu.memref_slice %arg4[%mul3A_1190] : memref<320000xi32, #tpu.memory_space<hbm>> -> memref<64xi32, #tpu.memory_space<hbm>>
      tpu.wait_dma2 semaphore(%arg18 : memref<!tpu.dma_semaphore, #tpu.memory_space<semaphore_mem>>) src(%dma_wait3A_1206 : memref<64xi32, #tpu.memory_space<hbm>>) dst(%arg10 : memref<64xi32, #tpu.memory_space<vmem>>)
      %dma_wait3A_1207 = arith.constant 0 : i32
      %dma_wait3A_1208 = arith.constant 0 : i32
      %dma_wait3A_1209 = tpu.memref_slice %arg2[%dma_wait3A_1207, %dma_wait3A_1208] : memref<10000x128xf32, #tpu.memory_space<hbm>> -> memref<64x128xf32, #tpu.memory_space<hbm>>
      %dma_wait3A_1210 = arith.constant 0 : i32
      %dma_wait3A_1211 = arith.constant 0 : i32
      %dma_wait3A_1212 = tpu.memref_slice %arg2[%dma_wait3A_1210, %dma_wait3A_1211] : memref<10000x128xf32, #tpu.memory_space<hbm>> -> memref<64x128xf32, #tpu.memory_space<hbm>>
      tpu.wait_dma2 semaphore(%arg19 : memref<!tpu.dma_semaphore, #tpu.memory_space<semaphore_mem>>) src(%dma_wait3A_1212 : memref<64x128xf32, #tpu.memory_space<hbm>>) dst(%arg15 : memref<64x128xf32, #tpu.memory_space<vmem>>)
      %dma_start3A_1213 = arith.constant 0 : i32
      %dma_start3A_1214 = arith.constant 0 : i32
      %dma_start3A_1215 = tpu.memref_slice %arg2[%dma_start3A_1213, %dma_start3A_1214] : memref<10000x128xf32, #tpu.memory_space<hbm>> -> memref<10000x128xf32, #tpu.memory_space<hbm>>
      tpu.enqueue_indirect_dma source(%dma_start3A_1215 : memref<10000x128xf32, #tpu.memory_space<hbm>>) target(%arg15 : memref<64x128xf32, #tpu.memory_space<vmem>>) offsets(%arg7 : memref<64xi32, #tpu.memory_space<vmem>>) semaphore(%arg21 : memref<!tpu.dma_semaphore, #tpu.memory_space<semaphore_mem>>)
      %dma_wait3A_1216 = arith.constant 0 : i32
      %dma_wait3A_1217 = arith.constant 0 : i32
      %dma_wait3A_1218 = tpu.memref_slice %arg2[%dma_wait3A_1216, %dma_wait3A_1217] : memref<10000x128xf32, #tpu.memory_space<hbm>> -> memref<64x128xf32, #tpu.memory_space<hbm>>
      %dma_wait3A_1219 = arith.constant 0 : i32
      %dma_wait3A_1220 = arith.constant 0 : i32
      %dma_wait3A_1221 = tpu.memref_slice %arg2[%dma_wait3A_1219, %dma_wait3A_1220] : memref<10000x128xf32, #tpu.memory_space<hbm>> -> memref<64x128xf32, #tpu.memory_space<hbm>>
      tpu.wait_dma2 semaphore(%arg20 : memref<!tpu.dma_semaphore, #tpu.memory_space<semaphore_mem>>) src(%dma_wait3A_1221 : memref<64x128xf32, #tpu.memory_space<hbm>>) dst(%arg16 : memref<64x128xf32, #tpu.memory_space<vmem>>)
      %dma_start3A_1222 = arith.constant 0 : i32
      %dma_start3A_1223 = arith.constant 0 : i32
      %dma_start3A_1224 = tpu.memref_slice %arg2[%dma_start3A_1222, %dma_start3A_1223] : memref<10000x128xf32, #tpu.memory_space<hbm>> -> memref<10000x128xf32, #tpu.memory_space<hbm>>
      tpu.enqueue_indirect_dma source(%dma_start3A_1224 : memref<10000x128xf32, #tpu.memory_space<hbm>>) target(%arg16 : memref<64x128xf32, #tpu.memory_space<vmem>>) offsets(%arg8 : memref<64xi32, #tpu.memory_space<vmem>>) semaphore(%arg22 : memref<!tpu.dma_semaphore, #tpu.memory_space<semaphore_mem>>)
      %dma_wait3A_1225 = arith.constant 0 : i32
      %dma_wait3A_1226 = arith.constant 0 : i32
      %dma_wait3A_1227 = tpu.memref_slice %arg2[%dma_wait3A_1225, %dma_wait3A_1226] : memref<10000x128xf32, #tpu.memory_space<hbm>> -> memref<10000x128xf32, #tpu.memory_space<hbm>>
      tpu.wait_indirect_dma semaphore(%arg21 : memref<!tpu.dma_semaphore, #tpu.memory_space<semaphore_mem>>) src(%dma_wait3A_1227 : memref<10000x128xf32, #tpu.memory_space<hbm>>) dst(%arg15 : memref<64x128xf32, #tpu.memory_space<vmem>>)
      %dma_start3A_1228 = arith.constant 0 : i32
      %dma_start3A_1229 = arith.constant 0 : i32
      %dma_start3A_1230 = tpu.memref_slice %arg17[%dma_start3A_1228, %dma_start3A_1229] : memref<10112x128xf32, #tpu.memory_space<vmem_shared>> -> memref<10112x128xf32, #tpu.memory_space<vmem_shared>>
      tpu.enqueue_indirect_dma source(%arg15 : memref<64x128xf32, #tpu.memory_space<vmem>>) target(%dma_start3A_1230 : memref<10112x128xf32, #tpu.memory_space<vmem_shared>>) offsets(%arg9 : memref<64xi32, #tpu.memory_space<vmem>>) semaphore(%arg19 : memref<!tpu.dma_semaphore, #tpu.memory_space<semaphore_mem>>) {add = true}
      %dma_wait3A_1231 = arith.constant 0 : i32
      %dma_wait3A_1232 = arith.constant 0 : i32
      %dma_wait3A_1233 = tpu.memref_slice %arg2[%dma_wait3A_1231, %dma_wait3A_1232] : memref<10000x128xf32, #tpu.memory_space<hbm>> -> memref<10000x128xf32, #tpu.memory_space<hbm>>
      tpu.wait_indirect_dma semaphore(%arg22 : memref<!tpu.dma_semaphore, #tpu.memory_space<semaphore_mem>>) src(%dma_wait3A_1233 : memref<10000x128xf32, #tpu.memory_space<hbm>>) dst(%arg16 : memref<64x128xf32, #tpu.memory_space<vmem>>)
      %dma_start3A_1234 = arith.constant 0 : i32
      %dma_start3A_1235 = arith.constant 0 : i32
      %dma_start3A_1236 = tpu.memref_slice %arg17[%dma_start3A_1234, %dma_start3A_1235] : memref<10112x128xf32, #tpu.memory_space<vmem_shared>> -> memref<10112x128xf32, #tpu.memory_space<vmem_shared>>
      tpu.enqueue_indirect_dma source(%arg16 : memref<64x128xf32, #tpu.memory_space<vmem>>) target(%dma_start3A_1236 : memref<10112x128xf32, #tpu.memory_space<vmem_shared>>) offsets(%arg10 : memref<64xi32, #tpu.memory_space<vmem>>) semaphore(%arg20 : memref<!tpu.dma_semaphore, #tpu.memory_space<semaphore_mem>>) {add = true}
      %mul3A_1237 = arith.constant 4 : i32
      %mul3A_1238 = arith.muli %mul3A_1237, %scan3A_1176 : i32
      %add3A_1239 = arith.constant 2 : i32
      %add3A_1240 = arith.addi %mul3A_1238, %add3A_1239 : i32
      %mul3A_1241 = arith.constant 32 : i32
      %mul3A_1242 = arith.muli %add3A_1240, %mul3A_1241 : i32
      %add3A_1243 = arith.addi %add3A, %mul3A_1242 : i32
      %mul3A_1244 = arith.constant 64 : i32
      %mul3A_1245 = arith.muli %add3A_1243, %mul3A_1244 : i32
      %add3A_1246 = arith.constant 1 : i32
      %add3A_1247 = arith.addi %add3A_1240, %add3A_1246 : i32
      %mul3A_1248 = arith.constant 32 : i32
      %mul3A_1249 = arith.muli %add3A_1247, %mul3A_1248 : i32
      %add3A_1250 = arith.addi %add3A, %mul3A_1249 : i32
      %mul3A_1251 = arith.constant 64 : i32
      %mul3A_1252 = arith.muli %add3A_1250, %mul3A_1251 : i32
      %dma_start3A_1253 = tpu.memref_slice %arg3[%mul3A_1245] : memref<320000xi32, #tpu.memory_space<hbm>> -> memref<64xi32, #tpu.memory_space<hbm>>
      %dma_start3A_1254 = tpu.memref_slice %arg3[%mul3A_1245] : memref<320000xi32, #tpu.memory_space<hbm>> -> memref<64xi32, #tpu.memory_space<hbm>>
      tpu.enqueue_dma source(%dma_start3A_1254 : memref<64xi32, #tpu.memory_space<hbm>>) target(%arg7 : memref<64xi32, #tpu.memory_space<vmem>>) target_semaphore(%arg18 : memref<!tpu.dma_semaphore, #tpu.memory_space<semaphore_mem>>)
      %dma_start3A_1255 = tpu.memref_slice %arg4[%mul3A_1245] : memref<320000xi32, #tpu.memory_space<hbm>> -> memref<64xi32, #tpu.memory_space<hbm>>
      %dma_start3A_1256 = tpu.memref_slice %arg4[%mul3A_1245] : memref<320000xi32, #tpu.memory_space<hbm>> -> memref<64xi32, #tpu.memory_space<hbm>>
      tpu.enqueue_dma source(%dma_start3A_1256 : memref<64xi32, #tpu.memory_space<hbm>>) target(%arg11 : memref<64xi32, #tpu.memory_space<vmem>>) target_semaphore(%arg18 : memref<!tpu.dma_semaphore, #tpu.memory_space<semaphore_mem>>)
      %dma_start3A_1257 = tpu.memref_slice %arg3[%mul3A_1252] : memref<320000xi32, #tpu.memory_space<hbm>> -> memref<64xi32, #tpu.memory_space<hbm>>
      %dma_start3A_1258 = tpu.memref_slice %arg3[%mul3A_1252] : memref<320000xi32, #tpu.memory_space<hbm>> -> memref<64xi32, #tpu.memory_space<hbm>>
      tpu.enqueue_dma source(%dma_start3A_1258 : memref<64xi32, #tpu.memory_space<hbm>>) target(%arg8 : memref<64xi32, #tpu.memory_space<vmem>>) target_semaphore(%arg18 : memref<!tpu.dma_semaphore, #tpu.memory_space<semaphore_mem>>)
      %dma_start3A_1259 = tpu.memref_slice %arg4[%mul3A_1252] : memref<320000xi32, #tpu.memory_space<hbm>> -> memref<64xi32, #tpu.memory_space<hbm>>
      %dma_start3A_1260 = tpu.memref_slice %arg4[%mul3A_1252] : memref<320000xi32, #tpu.memory_space<hbm>> -> memref<64xi32, #tpu.memory_space<hbm>>
      tpu.enqueue_dma source(%dma_start3A_1260 : memref<64xi32, #tpu.memory_space<hbm>>) target(%arg12 : memref<64xi32, #tpu.memory_space<vmem>>) target_semaphore(%arg18 : memref<!tpu.dma_semaphore, #tpu.memory_space<semaphore_mem>>)
      %dma_wait3A_1261 = tpu.memref_slice %arg3[%mul3A_1245] : memref<320000xi32, #tpu.memory_space<hbm>> -> memref<64xi32, #tpu.memory_space<hbm>>
      %dma_wait3A_1262 = tpu.memref_slice %arg3[%mul3A_1245] : memref<320000xi32, #tpu.memory_space<hbm>> -> memref<64xi32, #tpu.memory_space<hbm>>
      tpu.wait_dma2 semaphore(%arg18 : memref<!tpu.dma_semaphore, #tpu.memory_space<semaphore_mem>>) src(%dma_wait3A_1262 : memref<64xi32, #tpu.memory_space<hbm>>) dst(%arg7 : memref<64xi32, #tpu.memory_space<vmem>>)
      %dma_wait3A_1263 = tpu.memref_slice %arg4[%mul3A_1245] : memref<320000xi32, #tpu.memory_space<hbm>> -> memref<64xi32, #tpu.memory_space<hbm>>
      %dma_wait3A_1264 = tpu.memref_slice %arg4[%mul3A_1245] : memref<320000xi32, #tpu.memory_space<hbm>> -> memref<64xi32, #tpu.memory_space<hbm>>
      tpu.wait_dma2 semaphore(%arg18 : memref<!tpu.dma_semaphore, #tpu.memory_space<semaphore_mem>>) src(%dma_wait3A_1264 : memref<64xi32, #tpu.memory_space<hbm>>) dst(%arg11 : memref<64xi32, #tpu.memory_space<vmem>>)
      %dma_wait3A_1265 = tpu.memref_slice %arg3[%mul3A_1252] : memref<320000xi32, #tpu.memory_space<hbm>> -> memref<64xi32, #tpu.memory_space<hbm>>
      %dma_wait3A_1266 = tpu.memref_slice %arg3[%mul3A_1252] : memref<320000xi32, #tpu.memory_space<hbm>> -> memref<64xi32, #tpu.memory_space<hbm>>
      tpu.wait_dma2 semaphore(%arg18 : memref<!tpu.dma_semaphore, #tpu.memory_space<semaphore_mem>>) src(%dma_wait3A_1266 : memref<64xi32, #tpu.memory_space<hbm>>) dst(%arg8 : memref<64xi32, #tpu.memory_space<vmem>>)
      %dma_wait3A_1267 = tpu.memref_slice %arg4[%mul3A_1252] : memref<320000xi32, #tpu.memory_space<hbm>> -> memref<64xi32, #tpu.memory_space<hbm>>
      %dma_wait3A_1268 = tpu.memref_slice %arg4[%mul3A_1252] : memref<320000xi32, #tpu.memory_space<hbm>> -> memref<64xi32, #tpu.memory_space<hbm>>
      tpu.wait_dma2 semaphore(%arg18 : memref<!tpu.dma_semaphore, #tpu.memory_space<semaphore_mem>>) src(%dma_wait3A_1268 : memref<64xi32, #tpu.memory_space<hbm>>) dst(%arg12 : memref<64xi32, #tpu.memory_space<vmem>>)
      %dma_wait3A_1269 = arith.constant 0 : i32
      %dma_wait3A_1270 = arith.constant 0 : i32
      %dma_wait3A_1271 = tpu.memref_slice %arg2[%dma_wait3A_1269, %dma_wait3A_1270] : memref<10000x128xf32, #tpu.memory_space<hbm>> -> memref<64x128xf32, #tpu.memory_space<hbm>>
      %dma_wait3A_1272 = arith.constant 0 : i32
      %dma_wait3A_1273 = arith.constant 0 : i32
      %dma_wait3A_1274 = tpu.memref_slice %arg2[%dma_wait3A_1272, %dma_wait3A_1273] : memref<10000x128xf32, #tpu.memory_space<hbm>> -> memref<64x128xf32, #tpu.memory_space<hbm>>
      tpu.wait_dma2 semaphore(%arg19 : memref<!tpu.dma_semaphore, #tpu.memory_space<semaphore_mem>>) src(%dma_wait3A_1274 : memref<64x128xf32, #tpu.memory_space<hbm>>) dst(%arg15 : memref<64x128xf32, #tpu.memory_space<vmem>>)
      %dma_start3A_1275 = arith.constant 0 : i32
      %dma_start3A_1276 = arith.constant 0 : i32
      %dma_start3A_1277 = tpu.memref_slice %arg2[%dma_start3A_1275, %dma_start3A_1276] : memref<10000x128xf32, #tpu.memory_space<hbm>> -> memref<10000x128xf32, #tpu.memory_space<hbm>>
      tpu.enqueue_indirect_dma source(%dma_start3A_1277 : memref<10000x128xf32, #tpu.memory_space<hbm>>) target(%arg15 : memref<64x128xf32, #tpu.memory_space<vmem>>) offsets(%arg7 : memref<64xi32, #tpu.memory_space<vmem>>) semaphore(%arg21 : memref<!tpu.dma_semaphore, #tpu.memory_space<semaphore_mem>>)
      %dma_wait3A_1278 = arith.constant 0 : i32
      %dma_wait3A_1279 = arith.constant 0 : i32
      %dma_wait3A_1280 = tpu.memref_slice %arg2[%dma_wait3A_1278, %dma_wait3A_1279] : memref<10000x128xf32, #tpu.memory_space<hbm>> -> memref<64x128xf32, #tpu.memory_space<hbm>>
      %dma_wait3A_1281 = arith.constant 0 : i32
      %dma_wait3A_1282 = arith.constant 0 : i32
      %dma_wait3A_1283 = tpu.memref_slice %arg2[%dma_wait3A_1281, %dma_wait3A_1282] : memref<10000x128xf32, #tpu.memory_space<hbm>> -> memref<64x128xf32, #tpu.memory_space<hbm>>
      tpu.wait_dma2 semaphore(%arg20 : memref<!tpu.dma_semaphore, #tpu.memory_space<semaphore_mem>>) src(%dma_wait3A_1283 : memref<64x128xf32, #tpu.memory_space<hbm>>) dst(%arg16 : memref<64x128xf32, #tpu.memory_space<vmem>>)
      %dma_start3A_1284 = arith.constant 0 : i32
      %dma_start3A_1285 = arith.constant 0 : i32
      %dma_start3A_1286 = tpu.memref_slice %arg2[%dma_start3A_1284, %dma_start3A_1285] : memref<10000x128xf32, #tpu.memory_space<hbm>> -> memref<10000x128xf32, #tpu.memory_space<hbm>>
      tpu.enqueue_indirect_dma source(%dma_start3A_1286 : memref<10000x128xf32, #tpu.memory_space<hbm>>) target(%arg16 : memref<64x128xf32, #tpu.memory_space<vmem>>) offsets(%arg8 : memref<64xi32, #tpu.memory_space<vmem>>) semaphore(%arg22 : memref<!tpu.dma_semaphore, #tpu.memory_space<semaphore_mem>>)
      %dma_wait3A_1287 = arith.constant 0 : i32
      %dma_wait3A_1288 = arith.constant 0 : i32
      %dma_wait3A_1289 = tpu.memref_slice %arg2[%dma_wait3A_1287, %dma_wait3A_1288] : memref<10000x128xf32, #tpu.memory_space<hbm>> -> memref<10000x128xf32, #tpu.memory_space<hbm>>
      tpu.wait_indirect_dma semaphore(%arg21 : memref<!tpu.dma_semaphore, #tpu.memory_space<semaphore_mem>>) src(%dma_wait3A_1289 : memref<10000x128xf32, #tpu.memory_space<hbm>>) dst(%arg15 : memref<64x128xf32, #tpu.memory_space<vmem>>)
      %dma_start3A_1290 = arith.constant 0 : i32
      %dma_start3A_1291 = arith.constant 0 : i32
      %dma_start3A_1292 = tpu.memref_slice %arg17[%dma_start3A_1290, %dma_start3A_1291] : memref<10112x128xf32, #tpu.memory_space<vmem_shared>> -> memref<10112x128xf32, #tpu.memory_space<vmem_shared>>
      tpu.enqueue_indirect_dma source(%arg15 : memref<64x128xf32, #tpu.memory_space<vmem>>) target(%dma_start3A_1292 : memref<10112x128xf32, #tpu.memory_space<vmem_shared>>) offsets(%arg11 : memref<64xi32, #tpu.memory_space<vmem>>) semaphore(%arg19 : memref<!tpu.dma_semaphore, #tpu.memory_space<semaphore_mem>>) {add = true}
      %dma_wait3A_1293 = arith.constant 0 : i32
      %dma_wait3A_1294 = arith.constant 0 : i32
      %dma_wait3A_1295 = tpu.memref_slice %arg2[%dma_wait3A_1293, %dma_wait3A_1294] : memref<10000x128xf32, #tpu.memory_space<hbm>> -> memref<10000x128xf32, #tpu.memory_space<hbm>>
      tpu.wait_indirect_dma semaphore(%arg22 : memref<!tpu.dma_semaphore, #tpu.memory_space<semaphore_mem>>) src(%dma_wait3A_1295 : memref<10000x128xf32, #tpu.memory_space<hbm>>) dst(%arg16 : memref<64x128xf32, #tpu.memory_space<vmem>>)
      %dma_start3A_1296 = arith.constant 0 : i32
      %dma_start3A_1297 = arith.constant 0 : i32
      %dma_start3A_1298 = tpu.memref_slice %arg17[%dma_start3A_1296, %dma_start3A_1297] : memref<10112x128xf32, #tpu.memory_space<vmem_shared>> -> memref<10112x128xf32, #tpu.memory_space<vmem_shared>>
      tpu.enqueue_indirect_dma source(%arg16 : memref<64x128xf32, #tpu.memory_space<vmem>>) target(%dma_start3A_1298 : memref<10112x128xf32, #tpu.memory_space<vmem_shared>>) offsets(%arg12 : memref<64xi32, #tpu.memory_space<vmem>>) semaphore(%arg20 : memref<!tpu.dma_semaphore, #tpu.memory_space<semaphore_mem>>) {add = true}
    }
    %scan3A_697 = arith.constant 38 : i32
    %dma_wait3A_698 = arith.constant 0 : i32
    %dma_wait3A_699 = arith.constant 0 : i32
    %dma_wait3A_700 = tpu.memref_slice %arg2[%dma_wait3A_698, %dma_wait3A_699] : memref<10000x128xf32, #tpu.memory_space<hbm>> -> memref<64x128xf32, #tpu.memory_space<hbm>>
    %dma_wait3A_701 = arith.constant 0 : i32
    %dma_wait3A_702 = arith.constant 0 : i32
    %dma_wait3A_703 = tpu.memref_slice %arg2[%dma_wait3A_701, %dma_wait3A_702] : memref<10000x128xf32, #tpu.memory_space<hbm>> -> memref<64x128xf32, #tpu.memory_space<hbm>>
    tpu.wait_dma2 semaphore(%arg19 : memref<!tpu.dma_semaphore, #tpu.memory_space<semaphore_mem>>) src(%dma_wait3A_703 : memref<64x128xf32, #tpu.memory_space<hbm>>) dst(%arg15 : memref<64x128xf32, #tpu.memory_space<vmem>>)
    %dma_wait3A_704 = arith.constant 0 : i32
    %dma_wait3A_705 = arith.constant 0 : i32
    %dma_wait3A_706 = tpu.memref_slice %arg2[%dma_wait3A_704, %dma_wait3A_705] : memref<10000x128xf32, #tpu.memory_space<hbm>> -> memref<64x128xf32, #tpu.memory_space<hbm>>
    %dma_wait3A_707 = arith.constant 0 : i32
    %dma_wait3A_708 = arith.constant 0 : i32
    %dma_wait3A_709 = tpu.memref_slice %arg2[%dma_wait3A_707, %dma_wait3A_708] : memref<10000x128xf32, #tpu.memory_space<hbm>> -> memref<64x128xf32, #tpu.memory_space<hbm>>
    tpu.wait_dma2 semaphore(%arg20 : memref<!tpu.dma_semaphore, #tpu.memory_space<semaphore_mem>>) src(%dma_wait3A_709 : memref<64x128xf32, #tpu.memory_space<hbm>>) dst(%arg16 : memref<64x128xf32, #tpu.memory_space<vmem>>)
    %lt3A_710 = arith.constant 8 : i32
    %lt3A_711 = arith.cmpi slt, %add3A, %lt3A_710 : i32
    %convert_element_type3A_712 = arith.extui %lt3A_711 : i1 to i32
    %cond3A_713 = arith.constant 0 : i32
    %cond3A_714 = arith.cmpi ne, %convert_element_type3A_712, %cond3A_713 : i32
    scf.if %cond3A_714 {
      %add3A_1176 = arith.constant 4992 : i32
      %add3A_1177 = arith.addi %add3A_1176, %add3A : i32
      %mul3A_1178 = arith.constant 64 : i32
      %mul3A_1179 = arith.muli %add3A_1177, %mul3A_1178 : i32
      "tpu.region"() ({
        %run_scoped3A = tpu.sem_alloc : memref<!tpu.dma_semaphore, #tpu.memory_space<semaphore_mem>>
        %dma_start3A_1186 = tpu.memref_slice %arg3[%mul3A_1179] : memref<320000xi32, #tpu.memory_space<hbm>> -> memref<64xi32, #tpu.memory_space<hbm>>
        %dma_start3A_1187 = tpu.memref_slice %arg3[%mul3A_1179] : memref<320000xi32, #tpu.memory_space<hbm>> -> memref<64xi32, #tpu.memory_space<hbm>>
        tpu.enqueue_dma source(%dma_start3A_1187 : memref<64xi32, #tpu.memory_space<hbm>>) target(%arg7 : memref<64xi32, #tpu.memory_space<vmem>>) target_semaphore(%run_scoped3A : memref<!tpu.dma_semaphore, #tpu.memory_space<semaphore_mem>>)
        %dma_wait3A_1188 = tpu.memref_slice %arg3[%mul3A_1179] : memref<320000xi32, #tpu.memory_space<hbm>> -> memref<64xi32, #tpu.memory_space<hbm>>
        %dma_wait3A_1189 = tpu.memref_slice %arg3[%mul3A_1179] : memref<320000xi32, #tpu.memory_space<hbm>> -> memref<64xi32, #tpu.memory_space<hbm>>
        tpu.wait_dma2 semaphore(%run_scoped3A : memref<!tpu.dma_semaphore, #tpu.memory_space<semaphore_mem>>) src(%dma_wait3A_1189 : memref<64xi32, #tpu.memory_space<hbm>>) dst(%arg7 : memref<64xi32, #tpu.memory_space<vmem>>)
        tpu.yield
      }) : () -> ()
      "tpu.region"() ({
        %run_scoped3A = tpu.sem_alloc : memref<!tpu.dma_semaphore, #tpu.memory_space<semaphore_mem>>
        %dma_start3A_1186 = tpu.memref_slice %arg4[%mul3A_1179] : memref<320000xi32, #tpu.memory_space<hbm>> -> memref<64xi32, #tpu.memory_space<hbm>>
        %dma_start3A_1187 = tpu.memref_slice %arg4[%mul3A_1179] : memref<320000xi32, #tpu.memory_space<hbm>> -> memref<64xi32, #tpu.memory_space<hbm>>
        tpu.enqueue_dma source(%dma_start3A_1187 : memref<64xi32, #tpu.memory_space<hbm>>) target(%arg9 : memref<64xi32, #tpu.memory_space<vmem>>) target_semaphore(%run_scoped3A : memref<!tpu.dma_semaphore, #tpu.memory_space<semaphore_mem>>)
        %dma_wait3A_1188 = tpu.memref_slice %arg4[%mul3A_1179] : memref<320000xi32, #tpu.memory_space<hbm>> -> memref<64xi32, #tpu.memory_space<hbm>>
        %dma_wait3A_1189 = tpu.memref_slice %arg4[%mul3A_1179] : memref<320000xi32, #tpu.memory_space<hbm>> -> memref<64xi32, #tpu.memory_space<hbm>>
        tpu.wait_dma2 semaphore(%run_scoped3A : memref<!tpu.dma_semaphore, #tpu.memory_space<semaphore_mem>>) src(%dma_wait3A_1189 : memref<64xi32, #tpu.memory_space<hbm>>) dst(%arg9 : memref<64xi32, #tpu.memory_space<vmem>>)
        tpu.yield
      }) : () -> ()
      %dma_start3A_1180 = arith.constant 0 : i32
      %dma_start3A_1181 = arith.constant 0 : i32
      %dma_start3A_1182 = tpu.memref_slice %arg2[%dma_start3A_1180, %dma_start3A_1181] : memref<10000x128xf32, #tpu.memory_space<hbm>> -> memref<10000x128xf32, #tpu.memory_space<hbm>>
      tpu.enqueue_indirect_dma source(%dma_start3A_1182 : memref<10000x128xf32, #tpu.memory_space<hbm>>) target(%arg15 : memref<64x128xf32, #tpu.memory_space<vmem>>) offsets(%arg7 : memref<64xi32, #tpu.memory_space<vmem>>) semaphore(%arg21 : memref<!tpu.dma_semaphore, #tpu.memory_space<semaphore_mem>>)
      %dma_wait3A_1183 = arith.constant 0 : i32
      %dma_wait3A_1184 = arith.constant 0 : i32
      %dma_wait3A_1185 = tpu.memref_slice %arg2[%dma_wait3A_1183, %dma_wait3A_1184] : memref<10000x128xf32, #tpu.memory_space<hbm>> -> memref<10000x128xf32, #tpu.memory_space<hbm>>
      tpu.wait_indirect_dma semaphore(%arg21 : memref<!tpu.dma_semaphore, #tpu.memory_space<semaphore_mem>>) src(%dma_wait3A_1185 : memref<10000x128xf32, #tpu.memory_space<hbm>>) dst(%arg15 : memref<64x128xf32, #tpu.memory_space<vmem>>)
      "tpu.region"() ({
        %run_scoped3A = tpu.sem_alloc : memref<!tpu.dma_semaphore, #tpu.memory_space<semaphore_mem>>
        %dma_start3A_1186 = arith.constant 0 : i32
        %dma_start3A_1187 = arith.constant 0 : i32
        %dma_start3A_1188 = tpu.memref_slice %arg17[%dma_start3A_1186, %dma_start3A_1187] : memref<10112x128xf32, #tpu.memory_space<vmem_shared>> -> memref<10112x128xf32, #tpu.memory_space<vmem_shared>>
        tpu.enqueue_indirect_dma source(%arg15 : memref<64x128xf32, #tpu.memory_space<vmem>>) target(%dma_start3A_1188 : memref<10112x128xf32, #tpu.memory_space<vmem_shared>>) offsets(%arg9 : memref<64xi32, #tpu.memory_space<vmem>>) semaphore(%run_scoped3A : memref<!tpu.dma_semaphore, #tpu.memory_space<semaphore_mem>>) {add = true}
        %dma_wait3A_1189 = arith.constant 0 : i32
        %dma_wait3A_1190 = arith.constant 0 : i32
        %dma_wait3A_1191 = tpu.memref_slice %arg17[%dma_wait3A_1189, %dma_wait3A_1190] : memref<10112x128xf32, #tpu.memory_space<vmem_shared>> -> memref<10112x128xf32, #tpu.memory_space<vmem_shared>>
        tpu.wait_indirect_dma semaphore(%run_scoped3A : memref<!tpu.dma_semaphore, #tpu.memory_space<semaphore_mem>>) src(%arg15 : memref<64x128xf32, #tpu.memory_space<vmem>>) dst(%dma_wait3A_1191 : memref<10112x128xf32, #tpu.memory_space<vmem_shared>>)
        tpu.yield
      }) : () -> ()
    } else {
    }
    %barrier3A_715 = arith.constant 0 : index
    tpu.barrier barrier_id(%barrier3A_715)
    %add3A_716 = arith.constant 0 : i32
    %add3A_717 = arith.addi %mul3A_2, %add3A_716 : i32
    %add3A_718 = arith.constant 64 : i32
    %add3A_719 = arith.addi %mul3A_2, %add3A_718 : i32
    %add3A_720 = arith.constant 128 : i32
    %add3A_721 = arith.addi %mul3A_2, %add3A_720 : i32
    %add3A_722 = arith.constant 192 : i32
    %add3A_723 = arith.addi %mul3A_2, %add3A_722 : i32
    %add3A_724 = arith.constant 256 : i32
    %add3A_725 = arith.addi %mul3A_2, %add3A_724 : i32
    %add3A_726 = arith.constant 320 : i32
    %add3A_727 = arith.addi %mul3A_2, %add3A_726 : i32
    %add3A_728 = arith.constant 384 : i32
    %add3A_729 = arith.addi %mul3A_2, %add3A_728 : i32
    %add3A_730 = arith.constant 448 : i32
    %add3A_731 = arith.addi %mul3A_2, %add3A_730 : i32
    %add3A_732 = arith.constant 512 : i32
    %add3A_733 = arith.addi %mul3A_2, %add3A_732 : i32
    %add3A_734 = arith.constant 576 : i32
    %add3A_735 = arith.addi %mul3A_2, %add3A_734 : i32
    %dma_start3A_736 = arith.constant 0 : i32
    %dma_start3A_737 = arith.constant 0 : i32
    %dma_start3A_738 = tpu.memref_slice %arg15[%dma_start3A_736, %dma_start3A_737] : memref<64x128xf32, #tpu.memory_space<vmem>> -> memref<64x128xf32, #tpu.memory_space<vmem>>
    %dma_start3A_739 = arith.constant 0 : i32
    %dma_start3A_740 = tpu.memref_slice %arg17[%add3A_717, %dma_start3A_739] : memref<10112x128xf32, #tpu.memory_space<vmem_shared>> -> memref<64x128xf32, #tpu.memory_space<vmem_shared>>
    %dma_start3A_741 = arith.constant 0 : i32
    %dma_start3A_742 = arith.constant 0 : i32
    %dma_start3A_743 = tpu.memref_slice %arg15[%dma_start3A_741, %dma_start3A_742] : memref<64x128xf32, #tpu.memory_space<vmem>> -> memref<64x128xf32, #tpu.memory_space<vmem>>
    %dma_start3A_744 = arith.constant 0 : i32
    %dma_start3A_745 = tpu.memref_slice %arg17[%add3A_717, %dma_start3A_744] : memref<10112x128xf32, #tpu.memory_space<vmem_shared>> -> memref<64x128xf32, #tpu.memory_space<vmem_shared>>
    tpu.enqueue_dma source(%dma_start3A_745 : memref<64x128xf32, #tpu.memory_space<vmem_shared>>) target(%dma_start3A_743 : memref<64x128xf32, #tpu.memory_space<vmem>>) target_semaphore(%arg18 : memref<!tpu.dma_semaphore, #tpu.memory_space<semaphore_mem>>)
    %dma_start3A_746 = arith.constant 0 : i32
    %dma_start3A_747 = arith.constant 0 : i32
    %dma_start3A_748 = tpu.memref_slice %arg16[%dma_start3A_746, %dma_start3A_747] : memref<64x128xf32, #tpu.memory_space<vmem>> -> memref<64x128xf32, #tpu.memory_space<vmem>>
    %dma_start3A_749 = arith.constant 0 : i32
    %dma_start3A_750 = tpu.memref_slice %arg17[%add3A_719, %dma_start3A_749] : memref<10112x128xf32, #tpu.memory_space<vmem_shared>> -> memref<64x128xf32, #tpu.memory_space<vmem_shared>>
    %dma_start3A_751 = arith.constant 0 : i32
    %dma_start3A_752 = arith.constant 0 : i32
    %dma_start3A_753 = tpu.memref_slice %arg16[%dma_start3A_751, %dma_start3A_752] : memref<64x128xf32, #tpu.memory_space<vmem>> -> memref<64x128xf32, #tpu.memory_space<vmem>>
    %dma_start3A_754 = arith.constant 0 : i32
    %dma_start3A_755 = tpu.memref_slice %arg17[%add3A_719, %dma_start3A_754] : memref<10112x128xf32, #tpu.memory_space<vmem_shared>> -> memref<64x128xf32, #tpu.memory_space<vmem_shared>>
    tpu.enqueue_dma source(%dma_start3A_755 : memref<64x128xf32, #tpu.memory_space<vmem_shared>>) target(%dma_start3A_753 : memref<64x128xf32, #tpu.memory_space<vmem>>) target_semaphore(%arg18 : memref<!tpu.dma_semaphore, #tpu.memory_space<semaphore_mem>>)
    %dma_wait3A_756 = arith.constant 0 : i32
    %dma_wait3A_757 = arith.constant 0 : i32
    %dma_wait3A_758 = tpu.memref_slice %arg15[%dma_wait3A_756, %dma_wait3A_757] : memref<64x128xf32, #tpu.memory_space<vmem>> -> memref<64x128xf32, #tpu.memory_space<vmem>>
    %dma_wait3A_759 = arith.constant 0 : i32
    %dma_wait3A_760 = tpu.memref_slice %arg17[%add3A_717, %dma_wait3A_759] : memref<10112x128xf32, #tpu.memory_space<vmem_shared>> -> memref<64x128xf32, #tpu.memory_space<vmem_shared>>
    %dma_wait3A_761 = arith.constant 0 : i32
    %dma_wait3A_762 = arith.constant 0 : i32
    %dma_wait3A_763 = tpu.memref_slice %arg15[%dma_wait3A_761, %dma_wait3A_762] : memref<64x128xf32, #tpu.memory_space<vmem>> -> memref<64x128xf32, #tpu.memory_space<vmem>>
    %dma_wait3A_764 = arith.constant 0 : i32
    %dma_wait3A_765 = tpu.memref_slice %arg17[%add3A_717, %dma_wait3A_764] : memref<10112x128xf32, #tpu.memory_space<vmem_shared>> -> memref<64x128xf32, #tpu.memory_space<vmem_shared>>
    tpu.wait_dma2 semaphore(%arg18 : memref<!tpu.dma_semaphore, #tpu.memory_space<semaphore_mem>>) src(%dma_wait3A_765 : memref<64x128xf32, #tpu.memory_space<vmem_shared>>) dst(%dma_wait3A_763 : memref<64x128xf32, #tpu.memory_space<vmem>>)
    %dma_start3A_766 = arith.constant 0 : i32
    %dma_start3A_767 = arith.constant 0 : i32
    %dma_start3A_768 = tpu.memref_slice %arg15[%dma_start3A_766, %dma_start3A_767] : memref<64x128xf32, #tpu.memory_space<vmem>> -> memref<64x128xf32, #tpu.memory_space<vmem>>
    %dma_start3A_769 = arith.constant 0 : i32
    %dma_start3A_770 = tpu.memref_slice %arg5[%arg0, %add3A_717, %dma_start3A_769] : memref<2x10112x128xf32, #tpu.memory_space<hbm>> -> memref<1x64x128xf32, #tpu.memory_space<hbm>>
    %dma_start3A_771 = tpu.memref_squeeze %dma_start3A_770 : memref<1x64x128xf32, #tpu.memory_space<hbm>> -> memref<64x128xf32, #tpu.memory_space<hbm>>
    %dma_start3A_772 = arith.constant 0 : i32
    %dma_start3A_773 = tpu.memref_slice %arg5[%arg0, %add3A_717, %dma_start3A_772] : memref<2x10112x128xf32, #tpu.memory_space<hbm>> -> memref<1x64x128xf32, #tpu.memory_space<hbm>>
    %dma_start3A_774 = tpu.memref_squeeze %dma_start3A_773 : memref<1x64x128xf32, #tpu.memory_space<hbm>> -> memref<64x128xf32, #tpu.memory_space<hbm>>
    %dma_start3A_775 = arith.constant 0 : i32
    %dma_start3A_776 = arith.constant 0 : i32
    %dma_start3A_777 = tpu.memref_slice %arg15[%dma_start3A_775, %dma_start3A_776] : memref<64x128xf32, #tpu.memory_space<vmem>> -> memref<64x128xf32, #tpu.memory_space<vmem>>
    tpu.enqueue_dma source(%dma_start3A_777 : memref<64x128xf32, #tpu.memory_space<vmem>>) target(%dma_start3A_774 : memref<64x128xf32, #tpu.memory_space<hbm>>) target_semaphore(%arg19 : memref<!tpu.dma_semaphore, #tpu.memory_space<semaphore_mem>>)
    %dma_wait3A_778 = arith.constant 0 : i32
    %dma_wait3A_779 = arith.constant 0 : i32
    %dma_wait3A_780 = tpu.memref_slice %arg15[%dma_wait3A_778, %dma_wait3A_779] : memref<64x128xf32, #tpu.memory_space<vmem>> -> memref<64x128xf32, #tpu.memory_space<vmem>>
    %dma_wait3A_781 = arith.constant 0 : i32
    %dma_wait3A_782 = tpu.memref_slice %arg5[%arg0, %add3A_717, %dma_wait3A_781] : memref<2x10112x128xf32, #tpu.memory_space<hbm>> -> memref<1x64x128xf32, #tpu.memory_space<hbm>>
    %dma_wait3A_783 = tpu.memref_squeeze %dma_wait3A_782 : memref<1x64x128xf32, #tpu.memory_space<hbm>> -> memref<64x128xf32, #tpu.memory_space<hbm>>
    %dma_wait3A_784 = arith.constant 0 : i32
    %dma_wait3A_785 = tpu.memref_slice %arg5[%arg0, %add3A_717, %dma_wait3A_784] : memref<2x10112x128xf32, #tpu.memory_space<hbm>> -> memref<1x64x128xf32, #tpu.memory_space<hbm>>
    %dma_wait3A_786 = tpu.memref_squeeze %dma_wait3A_785 : memref<1x64x128xf32, #tpu.memory_space<hbm>> -> memref<64x128xf32, #tpu.memory_space<hbm>>
    %dma_wait3A_787 = arith.constant 0 : i32
    %dma_wait3A_788 = arith.constant 0 : i32
    %dma_wait3A_789 = tpu.memref_slice %arg15[%dma_wait3A_787, %dma_wait3A_788] : memref<64x128xf32, #tpu.memory_space<vmem>> -> memref<64x128xf32, #tpu.memory_space<vmem>>
    tpu.wait_dma2 semaphore(%arg19 : memref<!tpu.dma_semaphore, #tpu.memory_space<semaphore_mem>>) src(%dma_wait3A_789 : memref<64x128xf32, #tpu.memory_space<vmem>>) dst(%dma_wait3A_786 : memref<64x128xf32, #tpu.memory_space<hbm>>)
    %dma_start3A_790 = arith.constant 0 : i32
    %dma_start3A_791 = arith.constant 0 : i32
    %dma_start3A_792 = tpu.memref_slice %arg15[%dma_start3A_790, %dma_start3A_791] : memref<64x128xf32, #tpu.memory_space<vmem>> -> memref<64x128xf32, #tpu.memory_space<vmem>>
    %dma_start3A_793 = arith.constant 0 : i32
    %dma_start3A_794 = tpu.memref_slice %arg17[%add3A_721, %dma_start3A_793] : memref<10112x128xf32, #tpu.memory_space<vmem_shared>> -> memref<64x128xf32, #tpu.memory_space<vmem_shared>>
    %dma_start3A_795 = arith.constant 0 : i32
    %dma_start3A_796 = arith.constant 0 : i32
    %dma_start3A_797 = tpu.memref_slice %arg15[%dma_start3A_795, %dma_start3A_796] : memref<64x128xf32, #tpu.memory_space<vmem>> -> memref<64x128xf32, #tpu.memory_space<vmem>>
    %dma_start3A_798 = arith.constant 0 : i32
    %dma_start3A_799 = tpu.memref_slice %arg17[%add3A_721, %dma_start3A_798] : memref<10112x128xf32, #tpu.memory_space<vmem_shared>> -> memref<64x128xf32, #tpu.memory_space<vmem_shared>>
    tpu.enqueue_dma source(%dma_start3A_799 : memref<64x128xf32, #tpu.memory_space<vmem_shared>>) target(%dma_start3A_797 : memref<64x128xf32, #tpu.memory_space<vmem>>) target_semaphore(%arg18 : memref<!tpu.dma_semaphore, #tpu.memory_space<semaphore_mem>>)
    %dma_wait3A_800 = arith.constant 0 : i32
    %dma_wait3A_801 = arith.constant 0 : i32
    %dma_wait3A_802 = tpu.memref_slice %arg16[%dma_wait3A_800, %dma_wait3A_801] : memref<64x128xf32, #tpu.memory_space<vmem>> -> memref<64x128xf32, #tpu.memory_space<vmem>>
    %dma_wait3A_803 = arith.constant 0 : i32
    %dma_wait3A_804 = tpu.memref_slice %arg17[%add3A_719, %dma_wait3A_803] : memref<10112x128xf32, #tpu.memory_space<vmem_shared>> -> memref<64x128xf32, #tpu.memory_space<vmem_shared>>
    %dma_wait3A_805 = arith.constant 0 : i32
    %dma_wait3A_806 = arith.constant 0 : i32
    %dma_wait3A_807 = tpu.memref_slice %arg16[%dma_wait3A_805, %dma_wait3A_806] : memref<64x128xf32, #tpu.memory_space<vmem>> -> memref<64x128xf32, #tpu.memory_space<vmem>>
    %dma_wait3A_808 = arith.constant 0 : i32
    %dma_wait3A_809 = tpu.memref_slice %arg17[%add3A_719, %dma_wait3A_808] : memref<10112x128xf32, #tpu.memory_space<vmem_shared>> -> memref<64x128xf32, #tpu.memory_space<vmem_shared>>
    tpu.wait_dma2 semaphore(%arg18 : memref<!tpu.dma_semaphore, #tpu.memory_space<semaphore_mem>>) src(%dma_wait3A_809 : memref<64x128xf32, #tpu.memory_space<vmem_shared>>) dst(%dma_wait3A_807 : memref<64x128xf32, #tpu.memory_space<vmem>>)
    %dma_start3A_810 = arith.constant 0 : i32
    %dma_start3A_811 = arith.constant 0 : i32
    %dma_start3A_812 = tpu.memref_slice %arg16[%dma_start3A_810, %dma_start3A_811] : memref<64x128xf32, #tpu.memory_space<vmem>> -> memref<64x128xf32, #tpu.memory_space<vmem>>
    %dma_start3A_813 = arith.constant 0 : i32
    %dma_start3A_814 = tpu.memref_slice %arg5[%arg0, %add3A_719, %dma_start3A_813] : memref<2x10112x128xf32, #tpu.memory_space<hbm>> -> memref<1x64x128xf32, #tpu.memory_space<hbm>>
    %dma_start3A_815 = tpu.memref_squeeze %dma_start3A_814 : memref<1x64x128xf32, #tpu.memory_space<hbm>> -> memref<64x128xf32, #tpu.memory_space<hbm>>
    %dma_start3A_816 = arith.constant 0 : i32
    %dma_start3A_817 = tpu.memref_slice %arg5[%arg0, %add3A_719, %dma_start3A_816] : memref<2x10112x128xf32, #tpu.memory_space<hbm>> -> memref<1x64x128xf32, #tpu.memory_space<hbm>>
    %dma_start3A_818 = tpu.memref_squeeze %dma_start3A_817 : memref<1x64x128xf32, #tpu.memory_space<hbm>> -> memref<64x128xf32, #tpu.memory_space<hbm>>
    %dma_start3A_819 = arith.constant 0 : i32
    %dma_start3A_820 = arith.constant 0 : i32
    %dma_start3A_821 = tpu.memref_slice %arg16[%dma_start3A_819, %dma_start3A_820] : memref<64x128xf32, #tpu.memory_space<vmem>> -> memref<64x128xf32, #tpu.memory_space<vmem>>
    tpu.enqueue_dma source(%dma_start3A_821 : memref<64x128xf32, #tpu.memory_space<vmem>>) target(%dma_start3A_818 : memref<64x128xf32, #tpu.memory_space<hbm>>) target_semaphore(%arg19 : memref<!tpu.dma_semaphore, #tpu.memory_space<semaphore_mem>>)
    %dma_wait3A_822 = arith.constant 0 : i32
    %dma_wait3A_823 = arith.constant 0 : i32
    %dma_wait3A_824 = tpu.memref_slice %arg16[%dma_wait3A_822, %dma_wait3A_823] : memref<64x128xf32, #tpu.memory_space<vmem>> -> memref<64x128xf32, #tpu.memory_space<vmem>>
    %dma_wait3A_825 = arith.constant 0 : i32
    %dma_wait3A_826 = tpu.memref_slice %arg5[%arg0, %add3A_719, %dma_wait3A_825] : memref<2x10112x128xf32, #tpu.memory_space<hbm>> -> memref<1x64x128xf32, #tpu.memory_space<hbm>>
    %dma_wait3A_827 = tpu.memref_squeeze %dma_wait3A_826 : memref<1x64x128xf32, #tpu.memory_space<hbm>> -> memref<64x128xf32, #tpu.memory_space<hbm>>
    %dma_wait3A_828 = arith.constant 0 : i32
    %dma_wait3A_829 = tpu.memref_slice %arg5[%arg0, %add3A_719, %dma_wait3A_828] : memref<2x10112x128xf32, #tpu.memory_space<hbm>> -> memref<1x64x128xf32, #tpu.memory_space<hbm>>
    %dma_wait3A_830 = tpu.memref_squeeze %dma_wait3A_829 : memref<1x64x128xf32, #tpu.memory_space<hbm>> -> memref<64x128xf32, #tpu.memory_space<hbm>>
    %dma_wait3A_831 = arith.constant 0 : i32
    %dma_wait3A_832 = arith.constant 0 : i32
    %dma_wait3A_833 = tpu.memref_slice %arg16[%dma_wait3A_831, %dma_wait3A_832] : memref<64x128xf32, #tpu.memory_space<vmem>> -> memref<64x128xf32, #tpu.memory_space<vmem>>
    tpu.wait_dma2 semaphore(%arg19 : memref<!tpu.dma_semaphore, #tpu.memory_space<semaphore_mem>>) src(%dma_wait3A_833 : memref<64x128xf32, #tpu.memory_space<vmem>>) dst(%dma_wait3A_830 : memref<64x128xf32, #tpu.memory_space<hbm>>)
    %dma_start3A_834 = arith.constant 0 : i32
    %dma_start3A_835 = arith.constant 0 : i32
    %dma_start3A_836 = tpu.memref_slice %arg16[%dma_start3A_834, %dma_start3A_835] : memref<64x128xf32, #tpu.memory_space<vmem>> -> memref<64x128xf32, #tpu.memory_space<vmem>>
    %dma_start3A_837 = arith.constant 0 : i32
    %dma_start3A_838 = tpu.memref_slice %arg17[%add3A_723, %dma_start3A_837] : memref<10112x128xf32, #tpu.memory_space<vmem_shared>> -> memref<64x128xf32, #tpu.memory_space<vmem_shared>>
    %dma_start3A_839 = arith.constant 0 : i32
    %dma_start3A_840 = arith.constant 0 : i32
    %dma_start3A_841 = tpu.memref_slice %arg16[%dma_start3A_839, %dma_start3A_840] : memref<64x128xf32, #tpu.memory_space<vmem>> -> memref<64x128xf32, #tpu.memory_space<vmem>>
    %dma_start3A_842 = arith.constant 0 : i32
    %dma_start3A_843 = tpu.memref_slice %arg17[%add3A_723, %dma_start3A_842] : memref<10112x128xf32, #tpu.memory_space<vmem_shared>> -> memref<64x128xf32, #tpu.memory_space<vmem_shared>>
    tpu.enqueue_dma source(%dma_start3A_843 : memref<64x128xf32, #tpu.memory_space<vmem_shared>>) target(%dma_start3A_841 : memref<64x128xf32, #tpu.memory_space<vmem>>) target_semaphore(%arg18 : memref<!tpu.dma_semaphore, #tpu.memory_space<semaphore_mem>>)
    %dma_wait3A_844 = arith.constant 0 : i32
    %dma_wait3A_845 = arith.constant 0 : i32
    %dma_wait3A_846 = tpu.memref_slice %arg15[%dma_wait3A_844, %dma_wait3A_845] : memref<64x128xf32, #tpu.memory_space<vmem>> -> memref<64x128xf32, #tpu.memory_space<vmem>>
    %dma_wait3A_847 = arith.constant 0 : i32
    %dma_wait3A_848 = tpu.memref_slice %arg17[%add3A_721, %dma_wait3A_847] : memref<10112x128xf32, #tpu.memory_space<vmem_shared>> -> memref<64x128xf32, #tpu.memory_space<vmem_shared>>
    %dma_wait3A_849 = arith.constant 0 : i32
    %dma_wait3A_850 = arith.constant 0 : i32
    %dma_wait3A_851 = tpu.memref_slice %arg15[%dma_wait3A_849, %dma_wait3A_850] : memref<64x128xf32, #tpu.memory_space<vmem>> -> memref<64x128xf32, #tpu.memory_space<vmem>>
    %dma_wait3A_852 = arith.constant 0 : i32
    %dma_wait3A_853 = tpu.memref_slice %arg17[%add3A_721, %dma_wait3A_852] : memref<10112x128xf32, #tpu.memory_space<vmem_shared>> -> memref<64x128xf32, #tpu.memory_space<vmem_shared>>
    tpu.wait_dma2 semaphore(%arg18 : memref<!tpu.dma_semaphore, #tpu.memory_space<semaphore_mem>>) src(%dma_wait3A_853 : memref<64x128xf32, #tpu.memory_space<vmem_shared>>) dst(%dma_wait3A_851 : memref<64x128xf32, #tpu.memory_space<vmem>>)
    %dma_start3A_854 = arith.constant 0 : i32
    %dma_start3A_855 = arith.constant 0 : i32
    %dma_start3A_856 = tpu.memref_slice %arg15[%dma_start3A_854, %dma_start3A_855] : memref<64x128xf32, #tpu.memory_space<vmem>> -> memref<64x128xf32, #tpu.memory_space<vmem>>
    %dma_start3A_857 = arith.constant 0 : i32
    %dma_start3A_858 = tpu.memref_slice %arg5[%arg0, %add3A_721, %dma_start3A_857] : memref<2x10112x128xf32, #tpu.memory_space<hbm>> -> memref<1x64x128xf32, #tpu.memory_space<hbm>>
    %dma_start3A_859 = tpu.memref_squeeze %dma_start3A_858 : memref<1x64x128xf32, #tpu.memory_space<hbm>> -> memref<64x128xf32, #tpu.memory_space<hbm>>
    %dma_start3A_860 = arith.constant 0 : i32
    %dma_start3A_861 = tpu.memref_slice %arg5[%arg0, %add3A_721, %dma_start3A_860] : memref<2x10112x128xf32, #tpu.memory_space<hbm>> -> memref<1x64x128xf32, #tpu.memory_space<hbm>>
    %dma_start3A_862 = tpu.memref_squeeze %dma_start3A_861 : memref<1x64x128xf32, #tpu.memory_space<hbm>> -> memref<64x128xf32, #tpu.memory_space<hbm>>
    %dma_start3A_863 = arith.constant 0 : i32
    %dma_start3A_864 = arith.constant 0 : i32
    %dma_start3A_865 = tpu.memref_slice %arg15[%dma_start3A_863, %dma_start3A_864] : memref<64x128xf32, #tpu.memory_space<vmem>> -> memref<64x128xf32, #tpu.memory_space<vmem>>
    tpu.enqueue_dma source(%dma_start3A_865 : memref<64x128xf32, #tpu.memory_space<vmem>>) target(%dma_start3A_862 : memref<64x128xf32, #tpu.memory_space<hbm>>) target_semaphore(%arg19 : memref<!tpu.dma_semaphore, #tpu.memory_space<semaphore_mem>>)
    %dma_wait3A_866 = arith.constant 0 : i32
    %dma_wait3A_867 = arith.constant 0 : i32
    %dma_wait3A_868 = tpu.memref_slice %arg15[%dma_wait3A_866, %dma_wait3A_867] : memref<64x128xf32, #tpu.memory_space<vmem>> -> memref<64x128xf32, #tpu.memory_space<vmem>>
    %dma_wait3A_869 = arith.constant 0 : i32
    %dma_wait3A_870 = tpu.memref_slice %arg5[%arg0, %add3A_721, %dma_wait3A_869] : memref<2x10112x128xf32, #tpu.memory_space<hbm>> -> memref<1x64x128xf32, #tpu.memory_space<hbm>>
    %dma_wait3A_871 = tpu.memref_squeeze %dma_wait3A_870 : memref<1x64x128xf32, #tpu.memory_space<hbm>> -> memref<64x128xf32, #tpu.memory_space<hbm>>
    %dma_wait3A_872 = arith.constant 0 : i32
    %dma_wait3A_873 = tpu.memref_slice %arg5[%arg0, %add3A_721, %dma_wait3A_872] : memref<2x10112x128xf32, #tpu.memory_space<hbm>> -> memref<1x64x128xf32, #tpu.memory_space<hbm>>
    %dma_wait3A_874 = tpu.memref_squeeze %dma_wait3A_873 : memref<1x64x128xf32, #tpu.memory_space<hbm>> -> memref<64x128xf32, #tpu.memory_space<hbm>>
    %dma_wait3A_875 = arith.constant 0 : i32
    %dma_wait3A_876 = arith.constant 0 : i32
    %dma_wait3A_877 = tpu.memref_slice %arg15[%dma_wait3A_875, %dma_wait3A_876] : memref<64x128xf32, #tpu.memory_space<vmem>> -> memref<64x128xf32, #tpu.memory_space<vmem>>
    tpu.wait_dma2 semaphore(%arg19 : memref<!tpu.dma_semaphore, #tpu.memory_space<semaphore_mem>>) src(%dma_wait3A_877 : memref<64x128xf32, #tpu.memory_space<vmem>>) dst(%dma_wait3A_874 : memref<64x128xf32, #tpu.memory_space<hbm>>)
    %dma_start3A_878 = arith.constant 0 : i32
    %dma_start3A_879 = arith.constant 0 : i32
    %dma_start3A_880 = tpu.memref_slice %arg15[%dma_start3A_878, %dma_start3A_879] : memref<64x128xf32, #tpu.memory_space<vmem>> -> memref<64x128xf32, #tpu.memory_space<vmem>>
    %dma_start3A_881 = arith.constant 0 : i32
    %dma_start3A_882 = tpu.memref_slice %arg17[%add3A_725, %dma_start3A_881] : memref<10112x128xf32, #tpu.memory_space<vmem_shared>> -> memref<64x128xf32, #tpu.memory_space<vmem_shared>>
    %dma_start3A_883 = arith.constant 0 : i32
    %dma_start3A_884 = arith.constant 0 : i32
    %dma_start3A_885 = tpu.memref_slice %arg15[%dma_start3A_883, %dma_start3A_884] : memref<64x128xf32, #tpu.memory_space<vmem>> -> memref<64x128xf32, #tpu.memory_space<vmem>>
    %dma_start3A_886 = arith.constant 0 : i32
    %dma_start3A_887 = tpu.memref_slice %arg17[%add3A_725, %dma_start3A_886] : memref<10112x128xf32, #tpu.memory_space<vmem_shared>> -> memref<64x128xf32, #tpu.memory_space<vmem_shared>>
    tpu.enqueue_dma source(%dma_start3A_887 : memref<64x128xf32, #tpu.memory_space<vmem_shared>>) target(%dma_start3A_885 : memref<64x128xf32, #tpu.memory_space<vmem>>) target_semaphore(%arg18 : memref<!tpu.dma_semaphore, #tpu.memory_space<semaphore_mem>>)
    %dma_wait3A_888 = arith.constant 0 : i32
    %dma_wait3A_889 = arith.constant 0 : i32
    %dma_wait3A_890 = tpu.memref_slice %arg16[%dma_wait3A_888, %dma_wait3A_889] : memref<64x128xf32, #tpu.memory_space<vmem>> -> memref<64x128xf32, #tpu.memory_space<vmem>>
    %dma_wait3A_891 = arith.constant 0 : i32
    %dma_wait3A_892 = tpu.memref_slice %arg17[%add3A_723, %dma_wait3A_891] : memref<10112x128xf32, #tpu.memory_space<vmem_shared>> -> memref<64x128xf32, #tpu.memory_space<vmem_shared>>
    %dma_wait3A_893 = arith.constant 0 : i32
    %dma_wait3A_894 = arith.constant 0 : i32
    %dma_wait3A_895 = tpu.memref_slice %arg16[%dma_wait3A_893, %dma_wait3A_894] : memref<64x128xf32, #tpu.memory_space<vmem>> -> memref<64x128xf32, #tpu.memory_space<vmem>>
    %dma_wait3A_896 = arith.constant 0 : i32
    %dma_wait3A_897 = tpu.memref_slice %arg17[%add3A_723, %dma_wait3A_896] : memref<10112x128xf32, #tpu.memory_space<vmem_shared>> -> memref<64x128xf32, #tpu.memory_space<vmem_shared>>
    tpu.wait_dma2 semaphore(%arg18 : memref<!tpu.dma_semaphore, #tpu.memory_space<semaphore_mem>>) src(%dma_wait3A_897 : memref<64x128xf32, #tpu.memory_space<vmem_shared>>) dst(%dma_wait3A_895 : memref<64x128xf32, #tpu.memory_space<vmem>>)
    %dma_start3A_898 = arith.constant 0 : i32
    %dma_start3A_899 = arith.constant 0 : i32
    %dma_start3A_900 = tpu.memref_slice %arg16[%dma_start3A_898, %dma_start3A_899] : memref<64x128xf32, #tpu.memory_space<vmem>> -> memref<64x128xf32, #tpu.memory_space<vmem>>
    %dma_start3A_901 = arith.constant 0 : i32
    %dma_start3A_902 = tpu.memref_slice %arg5[%arg0, %add3A_723, %dma_start3A_901] : memref<2x10112x128xf32, #tpu.memory_space<hbm>> -> memref<1x64x128xf32, #tpu.memory_space<hbm>>
    %dma_start3A_903 = tpu.memref_squeeze %dma_start3A_902 : memref<1x64x128xf32, #tpu.memory_space<hbm>> -> memref<64x128xf32, #tpu.memory_space<hbm>>
    %dma_start3A_904 = arith.constant 0 : i32
    %dma_start3A_905 = tpu.memref_slice %arg5[%arg0, %add3A_723, %dma_start3A_904] : memref<2x10112x128xf32, #tpu.memory_space<hbm>> -> memref<1x64x128xf32, #tpu.memory_space<hbm>>
    %dma_start3A_906 = tpu.memref_squeeze %dma_start3A_905 : memref<1x64x128xf32, #tpu.memory_space<hbm>> -> memref<64x128xf32, #tpu.memory_space<hbm>>
    %dma_start3A_907 = arith.constant 0 : i32
    %dma_start3A_908 = arith.constant 0 : i32
    %dma_start3A_909 = tpu.memref_slice %arg16[%dma_start3A_907, %dma_start3A_908] : memref<64x128xf32, #tpu.memory_space<vmem>> -> memref<64x128xf32, #tpu.memory_space<vmem>>
    tpu.enqueue_dma source(%dma_start3A_909 : memref<64x128xf32, #tpu.memory_space<vmem>>) target(%dma_start3A_906 : memref<64x128xf32, #tpu.memory_space<hbm>>) target_semaphore(%arg19 : memref<!tpu.dma_semaphore, #tpu.memory_space<semaphore_mem>>)
    %dma_wait3A_910 = arith.constant 0 : i32
    %dma_wait3A_911 = arith.constant 0 : i32
    %dma_wait3A_912 = tpu.memref_slice %arg16[%dma_wait3A_910, %dma_wait3A_911] : memref<64x128xf32, #tpu.memory_space<vmem>> -> memref<64x128xf32, #tpu.memory_space<vmem>>
    %dma_wait3A_913 = arith.constant 0 : i32
    %dma_wait3A_914 = tpu.memref_slice %arg5[%arg0, %add3A_723, %dma_wait3A_913] : memref<2x10112x128xf32, #tpu.memory_space<hbm>> -> memref<1x64x128xf32, #tpu.memory_space<hbm>>
    %dma_wait3A_915 = tpu.memref_squeeze %dma_wait3A_914 : memref<1x64x128xf32, #tpu.memory_space<hbm>> -> memref<64x128xf32, #tpu.memory_space<hbm>>
    %dma_wait3A_916 = arith.constant 0 : i32
    %dma_wait3A_917 = tpu.memref_slice %arg5[%arg0, %add3A_723, %dma_wait3A_916] : memref<2x10112x128xf32, #tpu.memory_space<hbm>> -> memref<1x64x128xf32, #tpu.memory_space<hbm>>
    %dma_wait3A_918 = tpu.memref_squeeze %dma_wait3A_917 : memref<1x64x128xf32, #tpu.memory_space<hbm>> -> memref<64x128xf32, #tpu.memory_space<hbm>>
    %dma_wait3A_919 = arith.constant 0 : i32
    %dma_wait3A_920 = arith.constant 0 : i32
    %dma_wait3A_921 = tpu.memref_slice %arg16[%dma_wait3A_919, %dma_wait3A_920] : memref<64x128xf32, #tpu.memory_space<vmem>> -> memref<64x128xf32, #tpu.memory_space<vmem>>
    tpu.wait_dma2 semaphore(%arg19 : memref<!tpu.dma_semaphore, #tpu.memory_space<semaphore_mem>>) src(%dma_wait3A_921 : memref<64x128xf32, #tpu.memory_space<vmem>>) dst(%dma_wait3A_918 : memref<64x128xf32, #tpu.memory_space<hbm>>)
    %dma_start3A_922 = arith.constant 0 : i32
    %dma_start3A_923 = arith.constant 0 : i32
    %dma_start3A_924 = tpu.memref_slice %arg16[%dma_start3A_922, %dma_start3A_923] : memref<64x128xf32, #tpu.memory_space<vmem>> -> memref<64x128xf32, #tpu.memory_space<vmem>>
    %dma_start3A_925 = arith.constant 0 : i32
    %dma_start3A_926 = tpu.memref_slice %arg17[%add3A_727, %dma_start3A_925] : memref<10112x128xf32, #tpu.memory_space<vmem_shared>> -> memref<64x128xf32, #tpu.memory_space<vmem_shared>>
    %dma_start3A_927 = arith.constant 0 : i32
    %dma_start3A_928 = arith.constant 0 : i32
    %dma_start3A_929 = tpu.memref_slice %arg16[%dma_start3A_927, %dma_start3A_928] : memref<64x128xf32, #tpu.memory_space<vmem>> -> memref<64x128xf32, #tpu.memory_space<vmem>>
    %dma_start3A_930 = arith.constant 0 : i32
    %dma_start3A_931 = tpu.memref_slice %arg17[%add3A_727, %dma_start3A_930] : memref<10112x128xf32, #tpu.memory_space<vmem_shared>> -> memref<64x128xf32, #tpu.memory_space<vmem_shared>>
    tpu.enqueue_dma source(%dma_start3A_931 : memref<64x128xf32, #tpu.memory_space<vmem_shared>>) target(%dma_start3A_929 : memref<64x128xf32, #tpu.memory_space<vmem>>) target_semaphore(%arg18 : memref<!tpu.dma_semaphore, #tpu.memory_space<semaphore_mem>>)
    %dma_wait3A_932 = arith.constant 0 : i32
    %dma_wait3A_933 = arith.constant 0 : i32
    %dma_wait3A_934 = tpu.memref_slice %arg15[%dma_wait3A_932, %dma_wait3A_933] : memref<64x128xf32, #tpu.memory_space<vmem>> -> memref<64x128xf32, #tpu.memory_space<vmem>>
    %dma_wait3A_935 = arith.constant 0 : i32
    %dma_wait3A_936 = tpu.memref_slice %arg17[%add3A_725, %dma_wait3A_935] : memref<10112x128xf32, #tpu.memory_space<vmem_shared>> -> memref<64x128xf32, #tpu.memory_space<vmem_shared>>
    %dma_wait3A_937 = arith.constant 0 : i32
    %dma_wait3A_938 = arith.constant 0 : i32
    %dma_wait3A_939 = tpu.memref_slice %arg15[%dma_wait3A_937, %dma_wait3A_938] : memref<64x128xf32, #tpu.memory_space<vmem>> -> memref<64x128xf32, #tpu.memory_space<vmem>>
    %dma_wait3A_940 = arith.constant 0 : i32
    %dma_wait3A_941 = tpu.memref_slice %arg17[%add3A_725, %dma_wait3A_940] : memref<10112x128xf32, #tpu.memory_space<vmem_shared>> -> memref<64x128xf32, #tpu.memory_space<vmem_shared>>
    tpu.wait_dma2 semaphore(%arg18 : memref<!tpu.dma_semaphore, #tpu.memory_space<semaphore_mem>>) src(%dma_wait3A_941 : memref<64x128xf32, #tpu.memory_space<vmem_shared>>) dst(%dma_wait3A_939 : memref<64x128xf32, #tpu.memory_space<vmem>>)
    %dma_start3A_942 = arith.constant 0 : i32
    %dma_start3A_943 = arith.constant 0 : i32
    %dma_start3A_944 = tpu.memref_slice %arg15[%dma_start3A_942, %dma_start3A_943] : memref<64x128xf32, #tpu.memory_space<vmem>> -> memref<64x128xf32, #tpu.memory_space<vmem>>
    %dma_start3A_945 = arith.constant 0 : i32
    %dma_start3A_946 = tpu.memref_slice %arg5[%arg0, %add3A_725, %dma_start3A_945] : memref<2x10112x128xf32, #tpu.memory_space<hbm>> -> memref<1x64x128xf32, #tpu.memory_space<hbm>>
    %dma_start3A_947 = tpu.memref_squeeze %dma_start3A_946 : memref<1x64x128xf32, #tpu.memory_space<hbm>> -> memref<64x128xf32, #tpu.memory_space<hbm>>
    %dma_start3A_948 = arith.constant 0 : i32
    %dma_start3A_949 = tpu.memref_slice %arg5[%arg0, %add3A_725, %dma_start3A_948] : memref<2x10112x128xf32, #tpu.memory_space<hbm>> -> memref<1x64x128xf32, #tpu.memory_space<hbm>>
    %dma_start3A_950 = tpu.memref_squeeze %dma_start3A_949 : memref<1x64x128xf32, #tpu.memory_space<hbm>> -> memref<64x128xf32, #tpu.memory_space<hbm>>
    %dma_start3A_951 = arith.constant 0 : i32
    %dma_start3A_952 = arith.constant 0 : i32
    %dma_start3A_953 = tpu.memref_slice %arg15[%dma_start3A_951, %dma_start3A_952] : memref<64x128xf32, #tpu.memory_space<vmem>> -> memref<64x128xf32, #tpu.memory_space<vmem>>
    tpu.enqueue_dma source(%dma_start3A_953 : memref<64x128xf32, #tpu.memory_space<vmem>>) target(%dma_start3A_950 : memref<64x128xf32, #tpu.memory_space<hbm>>) target_semaphore(%arg19 : memref<!tpu.dma_semaphore, #tpu.memory_space<semaphore_mem>>)
    %dma_wait3A_954 = arith.constant 0 : i32
    %dma_wait3A_955 = arith.constant 0 : i32
    %dma_wait3A_956 = tpu.memref_slice %arg15[%dma_wait3A_954, %dma_wait3A_955] : memref<64x128xf32, #tpu.memory_space<vmem>> -> memref<64x128xf32, #tpu.memory_space<vmem>>
    %dma_wait3A_957 = arith.constant 0 : i32
    %dma_wait3A_958 = tpu.memref_slice %arg5[%arg0, %add3A_725, %dma_wait3A_957] : memref<2x10112x128xf32, #tpu.memory_space<hbm>> -> memref<1x64x128xf32, #tpu.memory_space<hbm>>
    %dma_wait3A_959 = tpu.memref_squeeze %dma_wait3A_958 : memref<1x64x128xf32, #tpu.memory_space<hbm>> -> memref<64x128xf32, #tpu.memory_space<hbm>>
    %dma_wait3A_960 = arith.constant 0 : i32
    %dma_wait3A_961 = tpu.memref_slice %arg5[%arg0, %add3A_725, %dma_wait3A_960] : memref<2x10112x128xf32, #tpu.memory_space<hbm>> -> memref<1x64x128xf32, #tpu.memory_space<hbm>>
    %dma_wait3A_962 = tpu.memref_squeeze %dma_wait3A_961 : memref<1x64x128xf32, #tpu.memory_space<hbm>> -> memref<64x128xf32, #tpu.memory_space<hbm>>
    %dma_wait3A_963 = arith.constant 0 : i32
    %dma_wait3A_964 = arith.constant 0 : i32
    %dma_wait3A_965 = tpu.memref_slice %arg15[%dma_wait3A_963, %dma_wait3A_964] : memref<64x128xf32, #tpu.memory_space<vmem>> -> memref<64x128xf32, #tpu.memory_space<vmem>>
    tpu.wait_dma2 semaphore(%arg19 : memref<!tpu.dma_semaphore, #tpu.memory_space<semaphore_mem>>) src(%dma_wait3A_965 : memref<64x128xf32, #tpu.memory_space<vmem>>) dst(%dma_wait3A_962 : memref<64x128xf32, #tpu.memory_space<hbm>>)
    %dma_start3A_966 = arith.constant 0 : i32
    %dma_start3A_967 = arith.constant 0 : i32
    %dma_start3A_968 = tpu.memref_slice %arg15[%dma_start3A_966, %dma_start3A_967] : memref<64x128xf32, #tpu.memory_space<vmem>> -> memref<64x128xf32, #tpu.memory_space<vmem>>
    %dma_start3A_969 = arith.constant 0 : i32
    %dma_start3A_970 = tpu.memref_slice %arg17[%add3A_729, %dma_start3A_969] : memref<10112x128xf32, #tpu.memory_space<vmem_shared>> -> memref<64x128xf32, #tpu.memory_space<vmem_shared>>
    %dma_start3A_971 = arith.constant 0 : i32
    %dma_start3A_972 = arith.constant 0 : i32
    %dma_start3A_973 = tpu.memref_slice %arg15[%dma_start3A_971, %dma_start3A_972] : memref<64x128xf32, #tpu.memory_space<vmem>> -> memref<64x128xf32, #tpu.memory_space<vmem>>
    %dma_start3A_974 = arith.constant 0 : i32
    %dma_start3A_975 = tpu.memref_slice %arg17[%add3A_729, %dma_start3A_974] : memref<10112x128xf32, #tpu.memory_space<vmem_shared>> -> memref<64x128xf32, #tpu.memory_space<vmem_shared>>
    tpu.enqueue_dma source(%dma_start3A_975 : memref<64x128xf32, #tpu.memory_space<vmem_shared>>) target(%dma_start3A_973 : memref<64x128xf32, #tpu.memory_space<vmem>>) target_semaphore(%arg18 : memref<!tpu.dma_semaphore, #tpu.memory_space<semaphore_mem>>)
    %dma_wait3A_976 = arith.constant 0 : i32
    %dma_wait3A_977 = arith.constant 0 : i32
    %dma_wait3A_978 = tpu.memref_slice %arg16[%dma_wait3A_976, %dma_wait3A_977] : memref<64x128xf32, #tpu.memory_space<vmem>> -> memref<64x128xf32, #tpu.memory_space<vmem>>
    %dma_wait3A_979 = arith.constant 0 : i32
    %dma_wait3A_980 = tpu.memref_slice %arg17[%add3A_727, %dma_wait3A_979] : memref<10112x128xf32, #tpu.memory_space<vmem_shared>> -> memref<64x128xf32, #tpu.memory_space<vmem_shared>>
    %dma_wait3A_981 = arith.constant 0 : i32
    %dma_wait3A_982 = arith.constant 0 : i32
    %dma_wait3A_983 = tpu.memref_slice %arg16[%dma_wait3A_981, %dma_wait3A_982] : memref<64x128xf32, #tpu.memory_space<vmem>> -> memref<64x128xf32, #tpu.memory_space<vmem>>
    %dma_wait3A_984 = arith.constant 0 : i32
    %dma_wait3A_985 = tpu.memref_slice %arg17[%add3A_727, %dma_wait3A_984] : memref<10112x128xf32, #tpu.memory_space<vmem_shared>> -> memref<64x128xf32, #tpu.memory_space<vmem_shared>>
    tpu.wait_dma2 semaphore(%arg18 : memref<!tpu.dma_semaphore, #tpu.memory_space<semaphore_mem>>) src(%dma_wait3A_985 : memref<64x128xf32, #tpu.memory_space<vmem_shared>>) dst(%dma_wait3A_983 : memref<64x128xf32, #tpu.memory_space<vmem>>)
    %dma_start3A_986 = arith.constant 0 : i32
    %dma_start3A_987 = arith.constant 0 : i32
    %dma_start3A_988 = tpu.memref_slice %arg16[%dma_start3A_986, %dma_start3A_987] : memref<64x128xf32, #tpu.memory_space<vmem>> -> memref<64x128xf32, #tpu.memory_space<vmem>>
    %dma_start3A_989 = arith.constant 0 : i32
    %dma_start3A_990 = tpu.memref_slice %arg5[%arg0, %add3A_727, %dma_start3A_989] : memref<2x10112x128xf32, #tpu.memory_space<hbm>> -> memref<1x64x128xf32, #tpu.memory_space<hbm>>
    %dma_start3A_991 = tpu.memref_squeeze %dma_start3A_990 : memref<1x64x128xf32, #tpu.memory_space<hbm>> -> memref<64x128xf32, #tpu.memory_space<hbm>>
    %dma_start3A_992 = arith.constant 0 : i32
    %dma_start3A_993 = tpu.memref_slice %arg5[%arg0, %add3A_727, %dma_start3A_992] : memref<2x10112x128xf32, #tpu.memory_space<hbm>> -> memref<1x64x128xf32, #tpu.memory_space<hbm>>
    %dma_start3A_994 = tpu.memref_squeeze %dma_start3A_993 : memref<1x64x128xf32, #tpu.memory_space<hbm>> -> memref<64x128xf32, #tpu.memory_space<hbm>>
    %dma_start3A_995 = arith.constant 0 : i32
    %dma_start3A_996 = arith.constant 0 : i32
    %dma_start3A_997 = tpu.memref_slice %arg16[%dma_start3A_995, %dma_start3A_996] : memref<64x128xf32, #tpu.memory_space<vmem>> -> memref<64x128xf32, #tpu.memory_space<vmem>>
    tpu.enqueue_dma source(%dma_start3A_997 : memref<64x128xf32, #tpu.memory_space<vmem>>) target(%dma_start3A_994 : memref<64x128xf32, #tpu.memory_space<hbm>>) target_semaphore(%arg19 : memref<!tpu.dma_semaphore, #tpu.memory_space<semaphore_mem>>)
    %dma_wait3A_998 = arith.constant 0 : i32
    %dma_wait3A_999 = arith.constant 0 : i32
    %dma_wait3A_1000 = tpu.memref_slice %arg16[%dma_wait3A_998, %dma_wait3A_999] : memref<64x128xf32, #tpu.memory_space<vmem>> -> memref<64x128xf32, #tpu.memory_space<vmem>>
    %dma_wait3A_1001 = arith.constant 0 : i32
    %dma_wait3A_1002 = tpu.memref_slice %arg5[%arg0, %add3A_727, %dma_wait3A_1001] : memref<2x10112x128xf32, #tpu.memory_space<hbm>> -> memref<1x64x128xf32, #tpu.memory_space<hbm>>
    %dma_wait3A_1003 = tpu.memref_squeeze %dma_wait3A_1002 : memref<1x64x128xf32, #tpu.memory_space<hbm>> -> memref<64x128xf32, #tpu.memory_space<hbm>>
    %dma_wait3A_1004 = arith.constant 0 : i32
    %dma_wait3A_1005 = tpu.memref_slice %arg5[%arg0, %add3A_727, %dma_wait3A_1004] : memref<2x10112x128xf32, #tpu.memory_space<hbm>> -> memref<1x64x128xf32, #tpu.memory_space<hbm>>
    %dma_wait3A_1006 = tpu.memref_squeeze %dma_wait3A_1005 : memref<1x64x128xf32, #tpu.memory_space<hbm>> -> memref<64x128xf32, #tpu.memory_space<hbm>>
    %dma_wait3A_1007 = arith.constant 0 : i32
    %dma_wait3A_1008 = arith.constant 0 : i32
    %dma_wait3A_1009 = tpu.memref_slice %arg16[%dma_wait3A_1007, %dma_wait3A_1008] : memref<64x128xf32, #tpu.memory_space<vmem>> -> memref<64x128xf32, #tpu.memory_space<vmem>>
    tpu.wait_dma2 semaphore(%arg19 : memref<!tpu.dma_semaphore, #tpu.memory_space<semaphore_mem>>) src(%dma_wait3A_1009 : memref<64x128xf32, #tpu.memory_space<vmem>>) dst(%dma_wait3A_1006 : memref<64x128xf32, #tpu.memory_space<hbm>>)
    %dma_start3A_1010 = arith.constant 0 : i32
    %dma_start3A_1011 = arith.constant 0 : i32
    %dma_start3A_1012 = tpu.memref_slice %arg16[%dma_start3A_1010, %dma_start3A_1011] : memref<64x128xf32, #tpu.memory_space<vmem>> -> memref<64x128xf32, #tpu.memory_space<vmem>>
    %dma_start3A_1013 = arith.constant 0 : i32
    %dma_start3A_1014 = tpu.memref_slice %arg17[%add3A_731, %dma_start3A_1013] : memref<10112x128xf32, #tpu.memory_space<vmem_shared>> -> memref<64x128xf32, #tpu.memory_space<vmem_shared>>
    %dma_start3A_1015 = arith.constant 0 : i32
    %dma_start3A_1016 = arith.constant 0 : i32
    %dma_start3A_1017 = tpu.memref_slice %arg16[%dma_start3A_1015, %dma_start3A_1016] : memref<64x128xf32, #tpu.memory_space<vmem>> -> memref<64x128xf32, #tpu.memory_space<vmem>>
    %dma_start3A_1018 = arith.constant 0 : i32
    %dma_start3A_1019 = tpu.memref_slice %arg17[%add3A_731, %dma_start3A_1018] : memref<10112x128xf32, #tpu.memory_space<vmem_shared>> -> memref<64x128xf32, #tpu.memory_space<vmem_shared>>
    tpu.enqueue_dma source(%dma_start3A_1019 : memref<64x128xf32, #tpu.memory_space<vmem_shared>>) target(%dma_start3A_1017 : memref<64x128xf32, #tpu.memory_space<vmem>>) target_semaphore(%arg18 : memref<!tpu.dma_semaphore, #tpu.memory_space<semaphore_mem>>)
    %dma_wait3A_1020 = arith.constant 0 : i32
    %dma_wait3A_1021 = arith.constant 0 : i32
    %dma_wait3A_1022 = tpu.memref_slice %arg15[%dma_wait3A_1020, %dma_wait3A_1021] : memref<64x128xf32, #tpu.memory_space<vmem>> -> memref<64x128xf32, #tpu.memory_space<vmem>>
    %dma_wait3A_1023 = arith.constant 0 : i32
    %dma_wait3A_1024 = tpu.memref_slice %arg17[%add3A_729, %dma_wait3A_1023] : memref<10112x128xf32, #tpu.memory_space<vmem_shared>> -> memref<64x128xf32, #tpu.memory_space<vmem_shared>>
    %dma_wait3A_1025 = arith.constant 0 : i32
    %dma_wait3A_1026 = arith.constant 0 : i32
    %dma_wait3A_1027 = tpu.memref_slice %arg15[%dma_wait3A_1025, %dma_wait3A_1026] : memref<64x128xf32, #tpu.memory_space<vmem>> -> memref<64x128xf32, #tpu.memory_space<vmem>>
    %dma_wait3A_1028 = arith.constant 0 : i32
    %dma_wait3A_1029 = tpu.memref_slice %arg17[%add3A_729, %dma_wait3A_1028] : memref<10112x128xf32, #tpu.memory_space<vmem_shared>> -> memref<64x128xf32, #tpu.memory_space<vmem_shared>>
    tpu.wait_dma2 semaphore(%arg18 : memref<!tpu.dma_semaphore, #tpu.memory_space<semaphore_mem>>) src(%dma_wait3A_1029 : memref<64x128xf32, #tpu.memory_space<vmem_shared>>) dst(%dma_wait3A_1027 : memref<64x128xf32, #tpu.memory_space<vmem>>)
    %dma_start3A_1030 = arith.constant 0 : i32
    %dma_start3A_1031 = arith.constant 0 : i32
    %dma_start3A_1032 = tpu.memref_slice %arg15[%dma_start3A_1030, %dma_start3A_1031] : memref<64x128xf32, #tpu.memory_space<vmem>> -> memref<64x128xf32, #tpu.memory_space<vmem>>
    %dma_start3A_1033 = arith.constant 0 : i32
    %dma_start3A_1034 = tpu.memref_slice %arg5[%arg0, %add3A_729, %dma_start3A_1033] : memref<2x10112x128xf32, #tpu.memory_space<hbm>> -> memref<1x64x128xf32, #tpu.memory_space<hbm>>
    %dma_start3A_1035 = tpu.memref_squeeze %dma_start3A_1034 : memref<1x64x128xf32, #tpu.memory_space<hbm>> -> memref<64x128xf32, #tpu.memory_space<hbm>>
    %dma_start3A_1036 = arith.constant 0 : i32
    %dma_start3A_1037 = tpu.memref_slice %arg5[%arg0, %add3A_729, %dma_start3A_1036] : memref<2x10112x128xf32, #tpu.memory_space<hbm>> -> memref<1x64x128xf32, #tpu.memory_space<hbm>>
    %dma_start3A_1038 = tpu.memref_squeeze %dma_start3A_1037 : memref<1x64x128xf32, #tpu.memory_space<hbm>> -> memref<64x128xf32, #tpu.memory_space<hbm>>
    %dma_start3A_1039 = arith.constant 0 : i32
    %dma_start3A_1040 = arith.constant 0 : i32
    %dma_start3A_1041 = tpu.memref_slice %arg15[%dma_start3A_1039, %dma_start3A_1040] : memref<64x128xf32, #tpu.memory_space<vmem>> -> memref<64x128xf32, #tpu.memory_space<vmem>>
    tpu.enqueue_dma source(%dma_start3A_1041 : memref<64x128xf32, #tpu.memory_space<vmem>>) target(%dma_start3A_1038 : memref<64x128xf32, #tpu.memory_space<hbm>>) target_semaphore(%arg19 : memref<!tpu.dma_semaphore, #tpu.memory_space<semaphore_mem>>)
    %dma_wait3A_1042 = arith.constant 0 : i32
    %dma_wait3A_1043 = arith.constant 0 : i32
    %dma_wait3A_1044 = tpu.memref_slice %arg15[%dma_wait3A_1042, %dma_wait3A_1043] : memref<64x128xf32, #tpu.memory_space<vmem>> -> memref<64x128xf32, #tpu.memory_space<vmem>>
    %dma_wait3A_1045 = arith.constant 0 : i32
    %dma_wait3A_1046 = tpu.memref_slice %arg5[%arg0, %add3A_729, %dma_wait3A_1045] : memref<2x10112x128xf32, #tpu.memory_space<hbm>> -> memref<1x64x128xf32, #tpu.memory_space<hbm>>
    %dma_wait3A_1047 = tpu.memref_squeeze %dma_wait3A_1046 : memref<1x64x128xf32, #tpu.memory_space<hbm>> -> memref<64x128xf32, #tpu.memory_space<hbm>>
    %dma_wait3A_1048 = arith.constant 0 : i32
    %dma_wait3A_1049 = tpu.memref_slice %arg5[%arg0, %add3A_729, %dma_wait3A_1048] : memref<2x10112x128xf32, #tpu.memory_space<hbm>> -> memref<1x64x128xf32, #tpu.memory_space<hbm>>
    %dma_wait3A_1050 = tpu.memref_squeeze %dma_wait3A_1049 : memref<1x64x128xf32, #tpu.memory_space<hbm>> -> memref<64x128xf32, #tpu.memory_space<hbm>>
    %dma_wait3A_1051 = arith.constant 0 : i32
    %dma_wait3A_1052 = arith.constant 0 : i32
    %dma_wait3A_1053 = tpu.memref_slice %arg15[%dma_wait3A_1051, %dma_wait3A_1052] : memref<64x128xf32, #tpu.memory_space<vmem>> -> memref<64x128xf32, #tpu.memory_space<vmem>>
    tpu.wait_dma2 semaphore(%arg19 : memref<!tpu.dma_semaphore, #tpu.memory_space<semaphore_mem>>) src(%dma_wait3A_1053 : memref<64x128xf32, #tpu.memory_space<vmem>>) dst(%dma_wait3A_1050 : memref<64x128xf32, #tpu.memory_space<hbm>>)
    %dma_start3A_1054 = arith.constant 0 : i32
    %dma_start3A_1055 = arith.constant 0 : i32
    %dma_start3A_1056 = tpu.memref_slice %arg15[%dma_start3A_1054, %dma_start3A_1055] : memref<64x128xf32, #tpu.memory_space<vmem>> -> memref<64x128xf32, #tpu.memory_space<vmem>>
    %dma_start3A_1057 = arith.constant 0 : i32
    %dma_start3A_1058 = tpu.memref_slice %arg17[%add3A_733, %dma_start3A_1057] : memref<10112x128xf32, #tpu.memory_space<vmem_shared>> -> memref<64x128xf32, #tpu.memory_space<vmem_shared>>
    %dma_start3A_1059 = arith.constant 0 : i32
    %dma_start3A_1060 = arith.constant 0 : i32
    %dma_start3A_1061 = tpu.memref_slice %arg15[%dma_start3A_1059, %dma_start3A_1060] : memref<64x128xf32, #tpu.memory_space<vmem>> -> memref<64x128xf32, #tpu.memory_space<vmem>>
    %dma_start3A_1062 = arith.constant 0 : i32
    %dma_start3A_1063 = tpu.memref_slice %arg17[%add3A_733, %dma_start3A_1062] : memref<10112x128xf32, #tpu.memory_space<vmem_shared>> -> memref<64x128xf32, #tpu.memory_space<vmem_shared>>
    tpu.enqueue_dma source(%dma_start3A_1063 : memref<64x128xf32, #tpu.memory_space<vmem_shared>>) target(%dma_start3A_1061 : memref<64x128xf32, #tpu.memory_space<vmem>>) target_semaphore(%arg18 : memref<!tpu.dma_semaphore, #tpu.memory_space<semaphore_mem>>)
    %dma_wait3A_1064 = arith.constant 0 : i32
    %dma_wait3A_1065 = arith.constant 0 : i32
    %dma_wait3A_1066 = tpu.memref_slice %arg16[%dma_wait3A_1064, %dma_wait3A_1065] : memref<64x128xf32, #tpu.memory_space<vmem>> -> memref<64x128xf32, #tpu.memory_space<vmem>>
    %dma_wait3A_1067 = arith.constant 0 : i32
    %dma_wait3A_1068 = tpu.memref_slice %arg17[%add3A_731, %dma_wait3A_1067] : memref<10112x128xf32, #tpu.memory_space<vmem_shared>> -> memref<64x128xf32, #tpu.memory_space<vmem_shared>>
    %dma_wait3A_1069 = arith.constant 0 : i32
    %dma_wait3A_1070 = arith.constant 0 : i32
    %dma_wait3A_1071 = tpu.memref_slice %arg16[%dma_wait3A_1069, %dma_wait3A_1070] : memref<64x128xf32, #tpu.memory_space<vmem>> -> memref<64x128xf32, #tpu.memory_space<vmem>>
    %dma_wait3A_1072 = arith.constant 0 : i32
    %dma_wait3A_1073 = tpu.memref_slice %arg17[%add3A_731, %dma_wait3A_1072] : memref<10112x128xf32, #tpu.memory_space<vmem_shared>> -> memref<64x128xf32, #tpu.memory_space<vmem_shared>>
    tpu.wait_dma2 semaphore(%arg18 : memref<!tpu.dma_semaphore, #tpu.memory_space<semaphore_mem>>) src(%dma_wait3A_1073 : memref<64x128xf32, #tpu.memory_space<vmem_shared>>) dst(%dma_wait3A_1071 : memref<64x128xf32, #tpu.memory_space<vmem>>)
    %dma_start3A_1074 = arith.constant 0 : i32
    %dma_start3A_1075 = arith.constant 0 : i32
    %dma_start3A_1076 = tpu.memref_slice %arg16[%dma_start3A_1074, %dma_start3A_1075] : memref<64x128xf32, #tpu.memory_space<vmem>> -> memref<64x128xf32, #tpu.memory_space<vmem>>
    %dma_start3A_1077 = arith.constant 0 : i32
    %dma_start3A_1078 = tpu.memref_slice %arg5[%arg0, %add3A_731, %dma_start3A_1077] : memref<2x10112x128xf32, #tpu.memory_space<hbm>> -> memref<1x64x128xf32, #tpu.memory_space<hbm>>
    %dma_start3A_1079 = tpu.memref_squeeze %dma_start3A_1078 : memref<1x64x128xf32, #tpu.memory_space<hbm>> -> memref<64x128xf32, #tpu.memory_space<hbm>>
    %dma_start3A_1080 = arith.constant 0 : i32
    %dma_start3A_1081 = tpu.memref_slice %arg5[%arg0, %add3A_731, %dma_start3A_1080] : memref<2x10112x128xf32, #tpu.memory_space<hbm>> -> memref<1x64x128xf32, #tpu.memory_space<hbm>>
    %dma_start3A_1082 = tpu.memref_squeeze %dma_start3A_1081 : memref<1x64x128xf32, #tpu.memory_space<hbm>> -> memref<64x128xf32, #tpu.memory_space<hbm>>
    %dma_start3A_1083 = arith.constant 0 : i32
    %dma_start3A_1084 = arith.constant 0 : i32
    %dma_start3A_1085 = tpu.memref_slice %arg16[%dma_start3A_1083, %dma_start3A_1084] : memref<64x128xf32, #tpu.memory_space<vmem>> -> memref<64x128xf32, #tpu.memory_space<vmem>>
    tpu.enqueue_dma source(%dma_start3A_1085 : memref<64x128xf32, #tpu.memory_space<vmem>>) target(%dma_start3A_1082 : memref<64x128xf32, #tpu.memory_space<hbm>>) target_semaphore(%arg19 : memref<!tpu.dma_semaphore, #tpu.memory_space<semaphore_mem>>)
    %dma_wait3A_1086 = arith.constant 0 : i32
    %dma_wait3A_1087 = arith.constant 0 : i32
    %dma_wait3A_1088 = tpu.memref_slice %arg16[%dma_wait3A_1086, %dma_wait3A_1087] : memref<64x128xf32, #tpu.memory_space<vmem>> -> memref<64x128xf32, #tpu.memory_space<vmem>>
    %dma_wait3A_1089 = arith.constant 0 : i32
    %dma_wait3A_1090 = tpu.memref_slice %arg5[%arg0, %add3A_731, %dma_wait3A_1089] : memref<2x10112x128xf32, #tpu.memory_space<hbm>> -> memref<1x64x128xf32, #tpu.memory_space<hbm>>
    %dma_wait3A_1091 = tpu.memref_squeeze %dma_wait3A_1090 : memref<1x64x128xf32, #tpu.memory_space<hbm>> -> memref<64x128xf32, #tpu.memory_space<hbm>>
    %dma_wait3A_1092 = arith.constant 0 : i32
    %dma_wait3A_1093 = tpu.memref_slice %arg5[%arg0, %add3A_731, %dma_wait3A_1092] : memref<2x10112x128xf32, #tpu.memory_space<hbm>> -> memref<1x64x128xf32, #tpu.memory_space<hbm>>
    %dma_wait3A_1094 = tpu.memref_squeeze %dma_wait3A_1093 : memref<1x64x128xf32, #tpu.memory_space<hbm>> -> memref<64x128xf32, #tpu.memory_space<hbm>>
    %dma_wait3A_1095 = arith.constant 0 : i32
    %dma_wait3A_1096 = arith.constant 0 : i32
    %dma_wait3A_1097 = tpu.memref_slice %arg16[%dma_wait3A_1095, %dma_wait3A_1096] : memref<64x128xf32, #tpu.memory_space<vmem>> -> memref<64x128xf32, #tpu.memory_space<vmem>>
    tpu.wait_dma2 semaphore(%arg19 : memref<!tpu.dma_semaphore, #tpu.memory_space<semaphore_mem>>) src(%dma_wait3A_1097 : memref<64x128xf32, #tpu.memory_space<vmem>>) dst(%dma_wait3A_1094 : memref<64x128xf32, #tpu.memory_space<hbm>>)
    %dma_start3A_1098 = arith.constant 0 : i32
    %dma_start3A_1099 = arith.constant 0 : i32
    %dma_start3A_1100 = tpu.memref_slice %arg16[%dma_start3A_1098, %dma_start3A_1099] : memref<64x128xf32, #tpu.memory_space<vmem>> -> memref<56x128xf32, #tpu.memory_space<vmem>>
    %dma_start3A_1101 = arith.constant 0 : i32
    %dma_start3A_1102 = tpu.memref_slice %arg17[%add3A_735, %dma_start3A_1101] : memref<10112x128xf32, #tpu.memory_space<vmem_shared>> -> memref<56x128xf32, #tpu.memory_space<vmem_shared>>
    %dma_start3A_1103 = arith.constant 0 : i32
    %dma_start3A_1104 = arith.constant 0 : i32
    %dma_start3A_1105 = tpu.memref_slice %arg16[%dma_start3A_1103, %dma_start3A_1104] : memref<64x128xf32, #tpu.memory_space<vmem>> -> memref<56x128xf32, #tpu.memory_space<vmem>>
    %dma_start3A_1106 = arith.constant 0 : i32
    %dma_start3A_1107 = tpu.memref_slice %arg17[%add3A_735, %dma_start3A_1106] : memref<10112x128xf32, #tpu.memory_space<vmem_shared>> -> memref<56x128xf32, #tpu.memory_space<vmem_shared>>
    tpu.enqueue_dma source(%dma_start3A_1107 : memref<56x128xf32, #tpu.memory_space<vmem_shared>>) target(%dma_start3A_1105 : memref<56x128xf32, #tpu.memory_space<vmem>>) target_semaphore(%arg18 : memref<!tpu.dma_semaphore, #tpu.memory_space<semaphore_mem>>)
    %dma_wait3A_1108 = arith.constant 0 : i32
    %dma_wait3A_1109 = arith.constant 0 : i32
    %dma_wait3A_1110 = tpu.memref_slice %arg15[%dma_wait3A_1108, %dma_wait3A_1109] : memref<64x128xf32, #tpu.memory_space<vmem>> -> memref<64x128xf32, #tpu.memory_space<vmem>>
    %dma_wait3A_1111 = arith.constant 0 : i32
    %dma_wait3A_1112 = tpu.memref_slice %arg17[%add3A_733, %dma_wait3A_1111] : memref<10112x128xf32, #tpu.memory_space<vmem_shared>> -> memref<64x128xf32, #tpu.memory_space<vmem_shared>>
    %dma_wait3A_1113 = arith.constant 0 : i32
    %dma_wait3A_1114 = arith.constant 0 : i32
    %dma_wait3A_1115 = tpu.memref_slice %arg15[%dma_wait3A_1113, %dma_wait3A_1114] : memref<64x128xf32, #tpu.memory_space<vmem>> -> memref<64x128xf32, #tpu.memory_space<vmem>>
    %dma_wait3A_1116 = arith.constant 0 : i32
    %dma_wait3A_1117 = tpu.memref_slice %arg17[%add3A_733, %dma_wait3A_1116] : memref<10112x128xf32, #tpu.memory_space<vmem_shared>> -> memref<64x128xf32, #tpu.memory_space<vmem_shared>>
    tpu.wait_dma2 semaphore(%arg18 : memref<!tpu.dma_semaphore, #tpu.memory_space<semaphore_mem>>) src(%dma_wait3A_1117 : memref<64x128xf32, #tpu.memory_space<vmem_shared>>) dst(%dma_wait3A_1115 : memref<64x128xf32, #tpu.memory_space<vmem>>)
    %dma_start3A_1118 = arith.constant 0 : i32
    %dma_start3A_1119 = arith.constant 0 : i32
    %dma_start3A_1120 = tpu.memref_slice %arg15[%dma_start3A_1118, %dma_start3A_1119] : memref<64x128xf32, #tpu.memory_space<vmem>> -> memref<64x128xf32, #tpu.memory_space<vmem>>
    %dma_start3A_1121 = arith.constant 0 : i32
    %dma_start3A_1122 = tpu.memref_slice %arg5[%arg0, %add3A_733, %dma_start3A_1121] : memref<2x10112x128xf32, #tpu.memory_space<hbm>> -> memref<1x64x128xf32, #tpu.memory_space<hbm>>
    %dma_start3A_1123 = tpu.memref_squeeze %dma_start3A_1122 : memref<1x64x128xf32, #tpu.memory_space<hbm>> -> memref<64x128xf32, #tpu.memory_space<hbm>>
    %dma_start3A_1124 = arith.constant 0 : i32
    %dma_start3A_1125 = tpu.memref_slice %arg5[%arg0, %add3A_733, %dma_start3A_1124] : memref<2x10112x128xf32, #tpu.memory_space<hbm>> -> memref<1x64x128xf32, #tpu.memory_space<hbm>>
    %dma_start3A_1126 = tpu.memref_squeeze %dma_start3A_1125 : memref<1x64x128xf32, #tpu.memory_space<hbm>> -> memref<64x128xf32, #tpu.memory_space<hbm>>
    %dma_start3A_1127 = arith.constant 0 : i32
    %dma_start3A_1128 = arith.constant 0 : i32
    %dma_start3A_1129 = tpu.memref_slice %arg15[%dma_start3A_1127, %dma_start3A_1128] : memref<64x128xf32, #tpu.memory_space<vmem>> -> memref<64x128xf32, #tpu.memory_space<vmem>>
    tpu.enqueue_dma source(%dma_start3A_1129 : memref<64x128xf32, #tpu.memory_space<vmem>>) target(%dma_start3A_1126 : memref<64x128xf32, #tpu.memory_space<hbm>>) target_semaphore(%arg19 : memref<!tpu.dma_semaphore, #tpu.memory_space<semaphore_mem>>)
    %dma_wait3A_1130 = arith.constant 0 : i32
    %dma_wait3A_1131 = arith.constant 0 : i32
    %dma_wait3A_1132 = tpu.memref_slice %arg16[%dma_wait3A_1130, %dma_wait3A_1131] : memref<64x128xf32, #tpu.memory_space<vmem>> -> memref<56x128xf32, #tpu.memory_space<vmem>>
    %dma_wait3A_1133 = arith.constant 0 : i32
    %dma_wait3A_1134 = tpu.memref_slice %arg17[%add3A_735, %dma_wait3A_1133] : memref<10112x128xf32, #tpu.memory_space<vmem_shared>> -> memref<56x128xf32, #tpu.memory_space<vmem_shared>>
    %dma_wait3A_1135 = arith.constant 0 : i32
    %dma_wait3A_1136 = arith.constant 0 : i32
    %dma_wait3A_1137 = tpu.memref_slice %arg16[%dma_wait3A_1135, %dma_wait3A_1136] : memref<64x128xf32, #tpu.memory_space<vmem>> -> memref<56x128xf32, #tpu.memory_space<vmem>>
    %dma_wait3A_1138 = arith.constant 0 : i32
    %dma_wait3A_1139 = tpu.memref_slice %arg17[%add3A_735, %dma_wait3A_1138] : memref<10112x128xf32, #tpu.memory_space<vmem_shared>> -> memref<56x128xf32, #tpu.memory_space<vmem_shared>>
    tpu.wait_dma2 semaphore(%arg18 : memref<!tpu.dma_semaphore, #tpu.memory_space<semaphore_mem>>) src(%dma_wait3A_1139 : memref<56x128xf32, #tpu.memory_space<vmem_shared>>) dst(%dma_wait3A_1137 : memref<56x128xf32, #tpu.memory_space<vmem>>)
    %dma_start3A_1140 = arith.constant 0 : i32
    %dma_start3A_1141 = arith.constant 0 : i32
    %dma_start3A_1142 = tpu.memref_slice %arg16[%dma_start3A_1140, %dma_start3A_1141] : memref<64x128xf32, #tpu.memory_space<vmem>> -> memref<56x128xf32, #tpu.memory_space<vmem>>
    %dma_start3A_1143 = arith.constant 0 : i32
    %dma_start3A_1144 = tpu.memref_slice %arg5[%arg0, %add3A_735, %dma_start3A_1143] : memref<2x10112x128xf32, #tpu.memory_space<hbm>> -> memref<1x56x128xf32, #tpu.memory_space<hbm>>
    %dma_start3A_1145 = tpu.memref_squeeze %dma_start3A_1144 : memref<1x56x128xf32, #tpu.memory_space<hbm>> -> memref<56x128xf32, #tpu.memory_space<hbm>>
    %dma_start3A_1146 = arith.constant 0 : i32
    %dma_start3A_1147 = tpu.memref_slice %arg5[%arg0, %add3A_735, %dma_start3A_1146] : memref<2x10112x128xf32, #tpu.memory_space<hbm>> -> memref<1x56x128xf32, #tpu.memory_space<hbm>>
    %dma_start3A_1148 = tpu.memref_squeeze %dma_start3A_1147 : memref<1x56x128xf32, #tpu.memory_space<hbm>> -> memref<56x128xf32, #tpu.memory_space<hbm>>
    %dma_start3A_1149 = arith.constant 0 : i32
    %dma_start3A_1150 = arith.constant 0 : i32
    %dma_start3A_1151 = tpu.memref_slice %arg16[%dma_start3A_1149, %dma_start3A_1150] : memref<64x128xf32, #tpu.memory_space<vmem>> -> memref<56x128xf32, #tpu.memory_space<vmem>>
    tpu.enqueue_dma source(%dma_start3A_1151 : memref<56x128xf32, #tpu.memory_space<vmem>>) target(%dma_start3A_1148 : memref<56x128xf32, #tpu.memory_space<hbm>>) target_semaphore(%arg19 : memref<!tpu.dma_semaphore, #tpu.memory_space<semaphore_mem>>)
    %dma_wait3A_1152 = arith.constant 0 : i32
    %dma_wait3A_1153 = arith.constant 0 : i32
    %dma_wait3A_1154 = tpu.memref_slice %arg15[%dma_wait3A_1152, %dma_wait3A_1153] : memref<64x128xf32, #tpu.memory_space<vmem>> -> memref<64x128xf32, #tpu.memory_space<vmem>>
    %dma_wait3A_1155 = arith.constant 0 : i32
    %dma_wait3A_1156 = tpu.memref_slice %arg5[%arg0, %add3A_733, %dma_wait3A_1155] : memref<2x10112x128xf32, #tpu.memory_space<hbm>> -> memref<1x64x128xf32, #tpu.memory_space<hbm>>
    %dma_wait3A_1157 = tpu.memref_squeeze %dma_wait3A_1156 : memref<1x64x128xf32, #tpu.memory_space<hbm>> -> memref<64x128xf32, #tpu.memory_space<hbm>>
    %dma_wait3A_1158 = arith.constant 0 : i32
    %dma_wait3A_1159 = tpu.memref_slice %arg5[%arg0, %add3A_733, %dma_wait3A_1158] : memref<2x10112x128xf32, #tpu.memory_space<hbm>> -> memref<1x64x128xf32, #tpu.memory_space<hbm>>
    %dma_wait3A_1160 = tpu.memref_squeeze %dma_wait3A_1159 : memref<1x64x128xf32, #tpu.memory_space<hbm>> -> memref<64x128xf32, #tpu.memory_space<hbm>>
    %dma_wait3A_1161 = arith.constant 0 : i32
    %dma_wait3A_1162 = arith.constant 0 : i32
    %dma_wait3A_1163 = tpu.memref_slice %arg15[%dma_wait3A_1161, %dma_wait3A_1162] : memref<64x128xf32, #tpu.memory_space<vmem>> -> memref<64x128xf32, #tpu.memory_space<vmem>>
    tpu.wait_dma2 semaphore(%arg19 : memref<!tpu.dma_semaphore, #tpu.memory_space<semaphore_mem>>) src(%dma_wait3A_1163 : memref<64x128xf32, #tpu.memory_space<vmem>>) dst(%dma_wait3A_1160 : memref<64x128xf32, #tpu.memory_space<hbm>>)
    %dma_wait3A_1164 = arith.constant 0 : i32
    %dma_wait3A_1165 = arith.constant 0 : i32
    %dma_wait3A_1166 = tpu.memref_slice %arg16[%dma_wait3A_1164, %dma_wait3A_1165] : memref<64x128xf32, #tpu.memory_space<vmem>> -> memref<56x128xf32, #tpu.memory_space<vmem>>
    %dma_wait3A_1167 = arith.constant 0 : i32
    %dma_wait3A_1168 = tpu.memref_slice %arg5[%arg0, %add3A_735, %dma_wait3A_1167] : memref<2x10112x128xf32, #tpu.memory_space<hbm>> -> memref<1x56x128xf32, #tpu.memory_space<hbm>>
    %dma_wait3A_1169 = tpu.memref_squeeze %dma_wait3A_1168 : memref<1x56x128xf32, #tpu.memory_space<hbm>> -> memref<56x128xf32, #tpu.memory_space<hbm>>
    %dma_wait3A_1170 = arith.constant 0 : i32
    %dma_wait3A_1171 = tpu.memref_slice %arg5[%arg0, %add3A_735, %dma_wait3A_1170] : memref<2x10112x128xf32, #tpu.memory_space<hbm>> -> memref<1x56x128xf32, #tpu.memory_space<hbm>>
    %dma_wait3A_1172 = tpu.memref_squeeze %dma_wait3A_1171 : memref<1x56x128xf32, #tpu.memory_space<hbm>> -> memref<56x128xf32, #tpu.memory_space<hbm>>
    %dma_wait3A_1173 = arith.constant 0 : i32
    %dma_wait3A_1174 = arith.constant 0 : i32
    %dma_wait3A_1175 = tpu.memref_slice %arg16[%dma_wait3A_1173, %dma_wait3A_1174] : memref<64x128xf32, #tpu.memory_space<vmem>> -> memref<56x128xf32, #tpu.memory_space<vmem>>
    tpu.wait_dma2 semaphore(%arg19 : memref<!tpu.dma_semaphore, #tpu.memory_space<semaphore_mem>>) src(%dma_wait3A_1175 : memref<56x128xf32, #tpu.memory_space<vmem>>) dst(%dma_wait3A_1172 : memref<56x128xf32, #tpu.memory_space<hbm>>)
    return
  }
}

</mosaic_0001>

<sc_bundles>
// kernel: _sc_scatter.3.cloned.1.call-start
scs
__scs_entry_jumppad:
0x0: {  	(pc) =	sbr.rel $0x88, $3  }
0x1: {  	(tag) =	ssettag $0x0;
	lr =	simm.s32 $0x1  }
0x2: {  	[smem:$0x3F9E] =	sst lr;
	_ =	strace $0xD0000000  }
0x3: {  	_ = 	snop  }
0x4: {  	_ = 	snop  }
0x5: {  	_ = 	snop  }
0x6: {  	_ = 	snop  }
0x7: {  	_ = 	snop  }
__scs_overlays_trampoline_lowered:
0x8: {  	[smem:$0x3FAD] =	sst s0  }
0x9: {  	[smem:$0x3FAE] =	sst s1  }
0xa: {  	[smem:$0x3FAF] =	sst s2  }
0xb: {  	[smem:$0x3FB0] =	sst s3  }
0xc: {  	[smem:$0x3FB1] =	sst s4  }
0xd: {  	[smem:$0x3FB2] =	sst s5  }
0xe: {  	[smem:$0x3FB3] =	sst s6  }
0xf: {  	[smem:$0x3FB4] =	sst s7  }
0x10: {  	[smem:$0x3FB5] =	sst s8  }
0x11: {  	[smem:$0x3FB6] =	sst s9;
	s0 =	simm.s32 @!p0 $0x0  }
0x12: {  	s1 =	sld [smem:$0x3F9C];
	s0 =	simm.s32 @p0 $0x1  }
0x13: {  	[smem:$0x3FB7] =	sst s0;
	s0 =	simm.s32 @!p1 $0x0  }
0x14: {  	s2 =	sld [smem:$0x3F9B];
	s0 =	simm.s32 @p1 $0x1  }
0x15: {  	[smem:$0x3FB8] =	sst s0;
	s0 =	simm.s32 @!p2 $0x0  }
0x16: {  	s3 =	sld [smem:$0x3FDB];
	s0 =	simm.s32 @p2 $0x1  }
0x17: {  	s4 =	simm.s32 $0x1BF5;
	[smem:$0x3FBA] =	sst s0  }
0x18: {  	s0 =	sld [smem:$0x3F9D];
	_ =	swait.ge [sflag:s4], $0x0  }
0x19: {  	s7 =	sld [smem:$0x3F9E]  }
0x1a: {  	s8 =	sadd.s32 $0xFFFFE003, lr  }
0x1b: {  	s9 =	sadd.s32 $0xFFFFFEF7, lr;
	s5 =	simm.s32 $0xFFFFFFFF;
	p2 =	slt.u32 s8, $0xFFFFF086  }
0x1c: {  	p1 =	slt.u32 s9, $0xF7A;
	s5 =	simm.s32 @!p2 $0x0  }
0x1d: {  	s5 =	simm.s32 @p1 $0x1;
	p0 =	seq.s32 s7, s2  }
0x1e: {  	s7 =	smul.u32 @!p0 $0xF7A, s2;
	p2 =	seq.s32 @!p0 s5, $0x0  }
0x1f: {  	s9 =	smul.u32 $0xF7A, s1;
	s8 =	simm.s32 @!p0 $0x1BF5;
	p2 =	por !p2, p0  }
0x20: {  	[sflag:s8] =	ssyncset.s32 @!p0 $0xFFFFF086;
	s6 =	sadd.s32 @!p0 s3, s7;
	s7 =	simm.s32 @!p0 $0x108  }
0x21: {  	s3 =	sadd.s32 s3, s9;
	s6 =	sadd.s32 @!p0 $0x88, s6;
	s7 =	simm.s32 @p2 $0x1082  }
0x22: {  	[simem:s7], [sflag:s8] =	dma.local @!p0 [hbm:s6], $0xF7A  }
0x23: {  	s9 =	sor.u32 $0xD0000000, s2;
	s6 =	simm.s32 $0x108;
	_ =	swait.ge @!p0 [sflag:s8], $0x0  }
0x24: {  	s3 =	sadd.s32 $0x88, s3;
	s6 =	simm.s32 @!p1 $0x1082;
	[sflag:s4] =	ssyncset.s32 $0xFFFFF086  }
0x25: {  	[simem:s6], [sflag:s4] =	dma.local [hbm:s3], $0xF7A  }
0x26: {  	[smem:$0x3F9E] =	sst s1;
	(tag) =	ssettag s2;
	_ =	strace s9  }
0x27: {  	s1 =	sld [smem:$0x3FAE]  }
0x28: {  	s2 =	sld [smem:$0x3FAF]  }
0x29: {  	s4 =	sld [smem:$0x3FB1]  }
0x2a: {  	p0 =	seq.s32 s5, $0x0;
	s5 =	sld [smem:$0x3FB2]  }
0x2b: {  	s6 =	sld [smem:$0x3FB3]  }
0x2c: {  	s7 =	sld [smem:$0x3FB4]  }
0x2d: {  	s3 =	simm.s32 $0x108;
	s8 =	sld [smem:$0x3FB5]  }
0x2e: {  	s3 =	simm.s32 @!p0 $0x1082;
	s9 =	sld [smem:$0x3FB6]  }
0x2f: {  	lr =	sadd.s32 s0, s3;
	s0 =	sld [smem:$0x3FAD]  }
0x30: {  	s3 =	sld [smem:$0x3FB0]  }
0x31: {  	[smem:$0x3FB9] =	sst s10  }
0x32: {  	s10 =	sld [smem:$0x3FB7];
	_ =	sdelay $0x3  }
0x33: {  	p0 =	seq.s32 s10, $0x1;
	s10 =	sld [smem:$0x3FB9];
	_ =	sdelay $0x3  }
0x34: {  	[smem:$0x3FB9] =	sst s10  }
0x35: {  	s10 =	sld [smem:$0x3FB8];
	_ =	sdelay $0x3  }
0x36: {  	p1 =	seq.s32 s10, $0x1;
	s10 =	sld [smem:$0x3FB9];
	_ =	sdelay $0x3  }
0x37: {  	[smem:$0x3FB9] =	sst s10  }
0x38: {  	s10 =	sld [smem:$0x3FBA]  }
0x39: {  	_ = 	snop;
	(pc) =	sbr.ind lr, $3  }
0x3a: {  	_ = 	snop  }
0x3b: {  	_ = 	snop  }
0x3c: {  	p2 =	seq.s32 s10, $0x1;
	s10 =	sld [smem:$0x3FB9]  }
0x3d: {  	_ =	shalt  }
0x3e: {  	_ =	shalt  }
0x3f: {  	_ =	shalt  }
0x40: {  	_ =	shalt  }
0x41: {  	_ =	shalt  }
0x42: {  	_ =	shalt  }
0x43: {  	_ =	shalt  }
0x44: {  	_ =	shalt  }
0x45: {  	_ =	shalt  }
0x46: {  	_ =	shalt  }
0x47: {  	_ =	shalt  }
0x48: {  	_ =	shalt  }
0x49: {  	_ =	shalt  }
0x4a: {  	_ =	shalt  }
0x4b: {  	_ =	shalt  }
0x4c: {  	_ =	shalt  }
0x4d: {  	_ =	shalt  }
0x4e: {  	_ =	shalt  }
0x4f: {  	_ =	shalt  }
0x50: {  	_ =	shalt  }
0x51: {  	_ =	shalt  }
0x52: {  	_ =	shalt  }
0x53: {  	_ =	shalt  }
0x54: {  	_ =	shalt  }
0x55: {  	_ =	shalt  }
0x56: {  	_ =	shalt  }
0x57: {  	_ =	shalt  }
0x58: {  	_ =	shalt  }
0x59: {  	_ =	shalt  }
0x5a: {  	_ =	shalt  }
0x5b: {  	_ =	shalt  }
0x5c: {  	_ =	shalt  }
0x5d: {  	_ =	shalt  }
0x5e: {  	_ =	shalt  }
0x5f: {  	_ =	shalt  }
0x60: {  	_ =	shalt  }
0x61: {  	_ =	shalt  }
0x62: {  	_ =	shalt  }
0x63: {  	_ =	shalt  }
0x64: {  	_ =	shalt  }
0x65: {  	_ =	shalt  }
0x66: {  	_ =	shalt  }
0x67: {  	_ =	shalt  }
0x68: {  	_ =	shalt  }
0x69: {  	_ =	shalt  }
0x6a: {  	_ =	shalt  }
0x6b: {  	_ =	shalt  }
0x6c: {  	_ =	shalt  }
0x6d: {  	_ =	shalt  }
0x6e: {  	_ =	shalt  }
0x6f: {  	_ =	shalt  }
0x70: {  	_ =	shalt  }
0x71: {  	_ =	shalt  }
0x72: {  	_ =	shalt  }
0x73: {  	_ =	shalt  }
0x74: {  	_ =	shalt  }
0x75: {  	_ =	shalt  }
0x76: {  	_ =	shalt  }
0x77: {  	_ =	shalt  }
0x78: {  	_ =	shalt  }
0x79: {  	_ =	shalt  }
0x7a: {  	_ =	shalt  }
0x7b: {  	_ =	shalt  }
0x7c: {  	_ =	shalt  }
0x7d: {  	_ =	shalt  }
0x7e: {  	_ =	shalt  }
0x7f: {  	_ =	shalt  }
0x80: {  	_ =	shalt  }
0x81: {  	_ =	shalt  }
0x82: {  	_ =	shalt  }
0x83: {  	_ =	shalt  }
0x84: {  	_ =	shalt  }
0x85: {  	_ =	shalt  }
0x86: {  	_ =	shalt  }
0x87: {  	_ =	shalt  }
.Lfunc_end0:
.L_simem_size_0:
called_computation_lowered:
.L_overlay_start_0:
0x88: {  	s2 =	sld [smem:$0x3FD9]  }
0x89: {  	s3 =	sld [smem:$0x3FFE];
	_ =	sdelay $0x1  }
0x8a: {  	s1 =	srdreg.scid  }
0x8b: {  	s0 =	sand.u32 $0x1, s1  }
0x8c: {  	s15 =	sshll.u32 s0, $0xA;
	s2 =	sadd.s32 s3, s2  }
0x8d: {  	s2 =	sadd.s32 s2, s15  }
0x8e: {  	[smem:$0x3FC5] =	sst s2  }
0x8f: {  	_ = 	snop  }
0x90: {  	s2 =	sld [smem:$0x3FD0]  }
0x91: {  	s16 =	sld [smem:$0x3FC9]  }
0x92: {  	s4 =	sld [smem:$0x3FC8]  }
0x93: {  	s6 =	simm.s32 $0xA;
	s7 =	simm.s32 $0x10;
	s5 =	sld [smem:$0x3FC7]  }
0x94: {  	[smem:s7], [sflag:s6] =	dma.local [hbm:s2], $0x1  }
0x95: {  	_ =	swait.eq [sflag:s6], $0x1  }
0x96: {  	[sflag:s6] =	ssyncset.done $0x0  }
0x97: {  	s17 =	sld [smem:$0x10];
	[sflag:s6] =	ssyncadd.s32 $0xFFFFFFFF  }
0x98: {  	s18 =	sld [smem:$0x11];
	(tm) =	ssettm $0x1  }
0x99: {  	s19 =	sld [smem:$0x3FFB];
	_ =	sdelay $0x3  }
0x9a: {  	_ =	strace s19  }
0x9b: {  	s7 =	sld [smem:$0x3FFC];
	_ =	sdelay $0x3  }
0x9c: {  	_ =	strace s7  }
0x9d: {  	s7 =	sld [smem:$0x3FFD];
	_ =	sdelay $0x3  }
0x9e: {  	_ =	strace s7  }
0x9f: {  	_ =	strace $0x8FFFFFFF  }
0xa0: {  	s20 =	sld [smem:$0x3FDB];
	_ =	sdelay $0x1  }
0xa1: {  	s8 =	simm.s32 $_scs_section_size  }
0xa2: {  	s9 =	simm.s32 $_size__tile_overlayer_lowered;
	s10 =	simm.s32 $_tile_overlayer_lowered  }
0xa3: {  	s23 =	simm.s32 $0x1BFF;
	s22 =	sshll.u32 s10, $0x1;
	s7 =	sadd.s32 s8, s20  }
0xa4: {  	s11 =	simm.s32 $0x0;
	s21 =	sshll.u32 s9, $0x1;
	s9 =	sadd.s32 s22, s7  }
0xa5: {  	[timem:s11], [sflag:s23] =	dma.local [hbm:s9], s21  }
0xa6: {  	_ =	swait.ge [sflag:s23], s21  }
0xa7: {  	s8 =	ssub.s32 $0x0, s21;
	[sflag:s23] =	ssyncset.done $0x0  }
0xa8: {  	[sflag:s23] =	ssyncadd.s32 s8;
	_ =	sdelay $0x1  }
0xa9: {  	s24 =	simm.s32 $0x1B8B  }
0xaa: {  	_ =	swait.ge [sflag:s24], $0x1  }
0xab: {  	[sflag:s24] =	ssyncset.done $0x0  }
0xac: {  	s25 =	simm.s32 $0x1B8E;
	[sflag:s24] =	ssyncadd.s32 $0xFFFFFFFF  }
0xad: {  	s26 =	simm.s32 $execute0_lowered;
	[smem:$0x3FD2] =	sst s25  }
0xae: {  	s8 =	sshll.u32 s26, $0x1;
	_ =	strace $0x80000046;
	[dreg:$0x1] =	wrdreg $0xFFFFFFFF  }
0xaf: {  	s28 =	simm.s32 $_size_execute0_lowered;
	s7 =	sadd.s32 s7, s8;
	[dreg:$0x0] =	wrdreg $0x0  }
0xb0: {  	s8 =	sshll.u32 s28, $0x1;
	[dreg:$0x2] =	wrdreg s7  }
0xb1: {  	[dreg:$0x3] =	wrdreg s8  }
0xb2: {  	[dreg:$0x4] =	wrdreg $0xC0  }
0xb3: {  	_ =	task [dreg:s11], $0x5FFFF  }
0xb4: {  	[dreg:$0x1] =	wrdreg $0xFFFFFFFF  }
0xb5: {  	[dreg:$0x0] =	wrdreg $0x60  }
0xb6: {  	[dreg:$0x2] =	wrdreg s16  }
0xb7: {  	[dreg:$0x3] =	wrdreg s4  }
0xb8: {  	[dreg:$0x4] =	wrdreg s5  }
0xb9: {  	[dreg:$0x5] =	wrdreg s17  }
0xba: {  	[dreg:$0x6] =	wrdreg s18  }
0xbb: {  	[dreg:$0x7] =	wrdreg $0x44000  }
0xbc: {  	[dreg:$0x8] =	wrdreg $0x9  }
0xbd: {  	_ =	task.clear_ibuf [dreg:s11], $0x9FFFF;
	_ =	strace $0x90000046  }
0xbe: {  	s29 =	simm.s32 $0x9;
	_ =	strace $0x80000048  }
0xbf: {  	_ =	swait.ge [sflag:s29], $0x1  }
0xc0: {  	[sflag:s29] =	ssyncadd.s32 $0xFFFFFFFF  }
0xc1: {  	_ =	strace $0x90000048  }
0xc2: {  	_ =	sfence  }
0xc3: {  	s30 =	sld [smem:$0x0];
	_ =	sdelay $0x2  }
0xc4: {  	s31 =	sshll.u32 s1, $0xD;
	s1 =	sshrl.u32 s1, $0x2  }
0xc5: {  	s3 =	sand.u32 $0x4000, s31;
	s1 =	sadd.s32 s1, s30  }
0xc6: {  	s0 =	sor.u32 s3, s0;
	s1 =	sshll.u32 s1, $0x11  }
0xc7: {  	s0 =	sor.u32 s1, s0  }
0xc8: {  	s0 =	sadd.s32 $0x8F2B, s0  }
0xc9: {  	[sflag:s0] =	ssyncadd.remote.s32 $0x1  }
0xca: {  	_ =	sfence.sel $0xFFFF  }
0xcb: {  	[dreg:$0x0] =	wrdreg $0xFFFFFFFF;
	(pc) =	sbr.abs _section_cstart, $3  }
0xcc: {  	[dreg:$0x1] =	wrdreg $0xFFFFFFFF  }
0xcd: {  	_ =	task.clear_ibuf [dreg:s11], $0x2FFFF;
	_ =	strace $0x9FFFFFFF  }
0xce: {  	(tm) =	ssettm $0x7FFFFFFF  }
0xcf: {  	_ =	shalt  }
tec
execute0_lowered:
.L_overlay_start_1:
0x0: {  	(tag) =	ssettag $0x1  }
0x1: {  	s0 =	srdreg.scid;
	s10 =	rddreg [dreg:$0x3]  }
0x2: {  	s11 =	rddreg [dreg:$0x4];
	s24 =	stileid.u32;
	s2 =	sand.u32 $0x1, s0  }
0x3: {  	s1 =	simm.s32 $0x0;
	s12 =	smul.u32 $0x13C00, s24;
	s0 =	ssub.s32 $0x2, s2  }
0x4: {  	[smem:$0x7FF] =	sst s1;
	s13 =	smul.u32 $0x13C000, s2;
	s3 =	sshrl.u32 s0, $0x1  }
0x5: {  	s4 =	sadd.s32 $0x4000, s12;
	s5 =	sadd.s32 $0x6000, s12;
	s6 =	sadd.s32 $0x8000, s12  }
0x6: {  	s7 =	sadd.s32 $0xA000, s12;
	s8 =	sadd.s32 $0xC000, s12;
	s0 =	ssub.s32 s0, s3  }
0x7: {  	s3 =	sadd.s32 $0x2000, s12;
	s14 =	sadd.s32 s12, s13;
	s17 =	sadd.s32 s13, s4  }
0x8: {  	s18 =	sadd.s32 s13, s5;
	s19 =	sadd.s32 s13, s6;
	s14 =	sshrl.u32 s14, $0x3  }
0x9: {  	s20 =	sadd.s32 s13, s7;
	s17 =	sshrl.u32 s17, $0x3;
	s16 =	sadd.s32 s11, s14  }
0xa: {  	s21 =	sadd.s32 s13, s8;
	s26 =	sadd.s32 s11, s17;
	[dreg:$0x7] =	wrdreg s16  }
0xb: {  	s25 =	sadd.s32 s13, s3;
	s14 =	sadd.s32 s10, s14;
	[dreg:$0x9] =	wrdreg s26  }
0xc: {  	s18 =	sshrl.u32 s18, $0x3;
	s17 =	sadd.s32 s10, s17;
	[dreg:$0x11] =	wrdreg s14  }
0xd: {  	s20 =	sshrl.u32 s20, $0x3;
	s26 =	sadd.s32 s11, s18;
	[dreg:$0x13] =	wrdreg s17  }
0xe: {  	s21 =	sshrl.u32 s21, $0x3;
	s14 =	sadd.s32 s10, s20;
	[dreg:$0xa] =	wrdreg s26  }
0xf: {  	s16 =	sshrl.u32 s25, $0x3;
	s17 =	sadd.s32 s10, s21;
	[dreg:$0x16] =	wrdreg s14  }
0x10: {  	s19 =	sshrl.u32 s19, $0x3;
	s25 =	sadd.s32 s11, s16;
	[dreg:$0x17] =	wrdreg s17  }
0x11: {  	s26 =	sadd.s32 s11, s19;
	[dreg:$0x8] =	wrdreg s25  }
0x12: {  	s16 =	sadd.s32 s10, s16;
	[dreg:$0xb] =	wrdreg s26  }
0x13: {  	s9 =	sadd.s32 $0xE000, s12;
	[dreg:$0x12] =	wrdreg s16  }
0x14: {  	s22 =	sadd.s32 s13, s9;
	s26 =	sadd.s32 s11, s20;
	s16 =	rddreg [dreg:$0x0]  }
0x15: {  	s22 =	sshrl.u32 s22, $0x3;
	s25 =	sadd.s32 s10, s18;
	[dreg:$0xc] =	wrdreg s26  }
0x16: {  	s18 =	sadd.s32 s10, s22;
	[dreg:$0x14] =	wrdreg s25  }
0x17: {  	s28 =	simm.s32 $0x4;
	s15 =	sadd.s32 $0x10000, s12;
	[dreg:$0x18] =	wrdreg s18  }
0x18: {  	s23 =	sadd.s32 s13, s15;
	s26 =	sadd.s32 s11, s21;
	s21 =	rddreg [dreg:$0x2]  }
0x19: {  	s12 =	sadd.s32 $0x12000, s12;
	s23 =	sshrl.u32 s23, $0x3;
	s25 =	rddreg [dreg:$0x5]  }
0x1a: {  	s13 =	sadd.s32 s13, s12;
	[dreg:$0xd] =	wrdreg s26;
	s26 =	sadd.s32 s11, s22  }
0x1b: {  	s13 =	sshrl.u32 s13, $0x3;
	[dreg:$0xe] =	wrdreg s26;
	s26 =	sadd.s32 s11, s23  }
0x1c: {  	s29 =	simm.s32 $0x5;
	s11 =	sadd.s32 s11, s13;
	[dreg:$0xf] =	wrdreg s26  }
0x1d: {  	s30 =	simm.s32 $0x3;
	s0 =	smax.u32 s0, $0x1;
	[dreg:$0x10] =	wrdreg s11  }
0x1e: {  	s20 =	smul.u32 $0x4F000, s24;
	s26 =	sadd.s32 s10, s19;
	s11 =	rddreg [dreg:$0x1]  }
0x1f: {  	s22 =	sshll.u32 s2, $0xB;
	s19 =	sadd.s32 s10, s23;
	[dreg:$0x15] =	wrdreg s26  }
0x20: {  	s5 =	sadd.s32 s5, s25;
	s10 =	sadd.s32 s10, s13;
	[dreg:$0x19] =	wrdreg s19  }
0x21: {  	s6 =	sadd.s32 s6, s25;
	s17 =	sadd.s32 s7, s25;
	[dreg:$0x1a] =	wrdreg s10  }
0x22: {  	s23 =	sshll.u32 s24, $0x7;
	_ =	strace $0x80000047;
	[dreg:$0x1e] =	wrdreg s5  }
0x23: {  	s18 =	sadd.s32 s8, s25;
	s13 =	sor.u32 s23, s22;
	[dreg:$0x1f] =	wrdreg s6  }
0x24: {  	s26 =	sshll.u32 s2, $0x4;
	s10 =	sshrl.u32 s20, $0x2;
	[smem:$0x7E7] =	sst s17  }
0x25: {  	s23 =	sadd.s32 s4, s25;
	s19 =	sadd.s32 s9, s25;
	[smem:$0x7E8] =	sst s18  }
0x26: {  	s20 =	sadd.s32 s15, s25;
	s22 =	sadd.s32 s12, s25;
	[smem:$0x7E9] =	sst s19  }
0x27: {  	s15 =	sshll.u32 s24, $0x4;
	s14 =	sor.u32 s24, s26;
	[smem:$0x7EA] =	sst s20  }
0x28: {  	s31 =	sadd.s32 s10, s25;
	s10 =	sadd.s32 s3, s25;
	[smem:$0x7EB] =	sst s22  }
0x29: {  	s6 =	sadd.s32 $0x8, s21;
	s18 =	sshll.u32 s2, $0x8;
	[smem:$0x7FC] =	sst s0  }
0x2a: {  	s2 =	sshll.u32 s2, $0x7;
	[dreg:$0x1d] =	wrdreg s23;
	s26 =	sor.u32 $0x20, s14  }
0x2b: {  	s7 =	sshll.u32 s14, $0x4;
	p0 =	sgt.u32 s14, $0x3;
	p1 =	sgt.u32 s14, $0x7  }
0x2c: {  	s17 =	sshll.u32 s14, $0x3;
	s14 =	smov.u32 s10;
	[dreg:$0x1b] =	wrdreg s31  }
0x2d: {  	s8 =	sadd.s32 s21, s7;
	s9 =	sshll.u32 s26, $0x4;
	[dreg:$0x1c] =	wrdreg s14  }
0x2e: {  	s4 =	sadd.s32 s7, s6;
	s3 =	sshll.u32 s26, $0x3;
	[smem:$0x7EC] =	sst s8  }
0x2f: {  	s22 =	sor.u32 $0x200, s17;
	[smem:$0x7ED] =	sst s4;
	s12 =	sadd.s32 s21, s9  }
0x30: {  	s7 =	sadd.s32 s2, s11;
	s5 =	sadd.s32 s9, s6;
	[smem:$0x7EE] =	sst s12  }
0x31: {  	s2 =	sadd.s32 s2, s21;
	s20 =	sadd.s32 s11, s3;
	[smem:$0x7EF] =	sst s5  }
0x32: {  	s4 =	sadd.s32 s15, s21;
	s3 =	sadd.s32 s21, s3;
	[smem:$0x7F2] =	sst s20  }
0x33: {  	s26 =	sadd.s32 s11, s22;
	s8 =	sadd.s32 s11, s17;
	[smem:$0x7F3] =	sst s3  }
0x34: {  	s9 =	sadd.s32 s21, s17;
	s10 =	sadd.s32 s18, s4;
	[smem:$0x7F4] =	sst s26  }
0x35: {  	s19 =	sadd.s32 $0x9C00, s4;
	s4 =	sadd.s32 $0x9C08, s4;
	[smem:$0x7F6] =	sst s8  }
0x36: {  	[smem:$0x7F7] =	sst s9;
	s12 =	sshll.u32 s24, $0x3;
	s5 =	sor.u32 $0x300, s17  }
0x37: {  	s18 =	sor.u32 $0x2000, s13;
	s26 =	sor.u32 $0x4000, s13;
	s13 =	simm.s32 $0x400  }
0x38: {  	s8 =	simm.s32 $0x80;
	s9 =	simm.s32 $0x300;
	[smem:$0x7F0] =	sst s19  }
0x39: {  	[smem:$0x7F1] =	sst s4;
	s4 =	sadd.s32 s21, s22;
	s20 =	sadd.s32 s12, s7  }
0x3a: {  	s22 =	sadd.s32 s12, s2;
	s15 =	sor.u32 $0x9C00, s12;
	s17 =	sadd.s32 s11, s5  }
0x3b: {  	s19 =	sadd.s32 s21, s5;
	s3 =	sshrl.u32 s18, $0x3;
	[smem:$0x7FD] =	sst s26  }
0x3c: {  	s18 =	simm.s32 $0x200;
	s5 =	simm.s32 $0x40;
	[smem:$0x7F5] =	sst s4  }
0x3d: {  	s7 =	simm.s32 $0x2400;
	s12 =	simm.s32 $0x380;
	[smem:$0x7F8] =	sst s17  }
0x3e: {  	s26 =	simm.s32 $0x2;
	[smem:$0x7F9] =	sst s19;
	s24 =	sadd.s32 s11, s15  }
0x3f: {  	s2 =	sadd.s32 s21, s15;
	s11 =	sadd.s32 s3, s21;
	s15 =	simm.s32 $0x100  }
0x40: {  	s17 =	simm.s32 $0x180;
	s19 =	simm.s32 $0x280;
	[smem:$0x7FA] =	sst s24  }
0x41: {  	v0 =	vimm.f32 $0.0e+00;
	v1 =	vimm.f32 $1.000000000e+00;
	[smem:$0x7FB] =	sst s2;
	s24 =	simm.s32 $0x1;
	s2 =	simm.s32 $0x0  }
.LBB2_1:
0x42: {  	[smem:$0x7E6] =	sst s2;
	s0 =	simm.s32 $0x0;
	s2 =	simm.s32 $0x200  }
.LBB2_2:
0x43: {  	p2 =	sne.s32 s2, $0x7E00;
	[tilespmem:s0+$0x2470] =	vst v0  }
0x44: {  	[tilespmem:s0+$0x400] =	vst v0  }
0x45: {  	[tilespmem:s0+$0x2400] =	vst v0  }
0x46: {  	[tilespmem:s0+$0x410] =	vst v0  }
0x47: {  	[tilespmem:s0+$0x2410] =	vst v0  }
0x48: {  	[tilespmem:s0+$0x420] =	vst v0  }
0x49: {  	[tilespmem:s0+$0x2420] =	vst v0  }
0x4a: {  	[tilespmem:s0+$0x430] =	vst v0  }
0x4b: {  	[tilespmem:s0+$0x2430] =	vst v0  }
0x4c: {  	[tilespmem:s0+$0x440] =	vst v0  }
0x4d: {  	[tilespmem:s0+$0x2440] =	vst v0  }
.Ltmp0:
0x4e: {  	[tilespmem:s0+$0x450] =	vst v0;
	(pc) =	sbr.rel @p2 .LBB2_2-.Ltmp0, $4  }
0x4f: {  	[tilespmem:s0+$0x2450] =	vst v0  }
0x50: {  	[tilespmem:s0+$0x460] =	vst v0  }
0x51: {  	[tilespmem:s0+$0x2460] =	vst v0  }
0x52: {  	[tilespmem:s0+$0x470] =	vst v0;
	s0 =	sshra.s32 s2, $0x2;
	s2 =	sadd.s32 $0x200, s2  }
0x53: {  	[tilespmem:s0+$0x2470] =	vst v0  }
0x54: {  	[tilespmem:s0+$0x400] =	vst v0  }
0x55: {  	[tilespmem:s0+$0x2400] =	vst v0  }
0x56: {  	[tilespmem:s0+$0x410] =	vst v0  }
0x57: {  	[tilespmem:s0+$0x2410] =	vst v0  }
0x58: {  	[tilespmem:s0+$0x420] =	vst v0  }
0x59: {  	[tilespmem:s0+$0x2420] =	vst v0  }
0x5a: {  	[tilespmem:s0+$0x430] =	vst v0  }
0x5b: {  	[tilespmem:s0+$0x2430] =	vst v0  }
0x5c: {  	[tilespmem:s0+$0x440] =	vst v0  }
0x5d: {  	[tilespmem:s0+$0x2440] =	vst v0  }
0x5e: {  	[tilespmem:s0+$0x450] =	vst v0  }
0x5f: {  	[tilespmem:s0+$0x2450] =	vst v0  }
0x60: {  	[tilespmem:s0+$0x460] =	vst v0  }
0x61: {  	[tilespmem:s0+$0x2460] =	vst v0  }
0x62: {  	[tilespmem:s0+$0x470] =	vst v0;
	s2 =	simm.s32 $0x6  }
0x63: {  	[spmem:s31] =	stream.linear.scatter [tilespmem:s13], [sflag:$0x6], $0x2000, $0x38;
	[tilespmem:$0x18000] =	vst v63  }
0x64: {  	_ =	swait.ge [sflag:s2], $0x2000  }
0x65: {  	[sflag:s2] =	ssyncset.done $0x0  }
0x66: {  	[sflag:s2] =	ssyncadd.s32 $0xFFFFE000  }
0x67: {  	[spmem:s14] =	stream.linear.scatter [tilespmem:s13], [sflag:$0x6], $0x2000, $0x38;
	[tilespmem:$0x18000] =	vst v63  }
0x68: {  	_ =	swait.ge [sflag:s2], $0x2000  }
0x69: {  	[sflag:s2] =	ssyncset.done $0x0  }
0x6a: {  	[sflag:s2] =	ssyncadd.s32 $0xFFFFE000  }
0x6b: {  	[spmem:s23] =	stream.linear.scatter [tilespmem:s13], [sflag:$0x6], $0x2000, $0x38;
	[tilespmem:$0x18000] =	vst v63  }
0x6c: {  	_ =	swait.ge [sflag:s2], $0x2000  }
0x6d: {  	[sflag:s2] =	ssyncset.done $0x0  }
0x6e: {  	s23 =	rddreg [dreg:$0x1e];
	[sflag:s2] =	ssyncadd.s32 $0xFFFFE000  }
0x6f: {  	[spmem:s23] =	stream.linear.scatter [tilespmem:s13], [sflag:$0x6], $0x2000, $0x38;
	[tilespmem:$0x18000] =	vst v63  }
0x70: {  	_ =	swait.ge [sflag:s2], $0x2000  }
0x71: {  	[sflag:s2] =	ssyncset.done $0x0  }
0x72: {  	s3 =	rddreg [dreg:$0x1f];
	[sflag:s2] =	ssyncadd.s32 $0xFFFFE000  }
0x73: {  	[spmem:s3] =	stream.linear.scatter [tilespmem:s13], [sflag:$0x6], $0x2000, $0x38;
	[tilespmem:$0x18000] =	vst v63  }
0x74: {  	_ =	swait.ge [sflag:s2], $0x2000  }
0x75: {  	s4 =	sld [smem:$0x7E7]  }
0x76: {  	[sflag:s2] =	ssyncset.done $0x0  }
0x77: {  	[sflag:s2] =	ssyncadd.s32 $0xFFFFE000  }
0x78: {  	[spmem:s4] =	stream.linear.scatter [tilespmem:s13], [sflag:$0x6], $0x2000, $0x38;
	[tilespmem:$0x18000] =	vst v63  }
0x79: {  	_ =	swait.ge [sflag:s2], $0x2000  }
0x7a: {  	s23 =	sld [smem:$0x7E8]  }
0x7b: {  	[sflag:s2] =	ssyncset.done $0x0  }
0x7c: {  	[sflag:s2] =	ssyncadd.s32 $0xFFFFE000  }
0x7d: {  	[spmem:s23] =	stream.linear.scatter [tilespmem:s13], [sflag:$0x6], $0x2000, $0x38;
	[tilespmem:$0x18000] =	vst v63  }
0x7e: {  	_ =	swait.ge [sflag:s2], $0x2000  }
0x7f: {  	s3 =	sld [smem:$0x7E9]  }
0x80: {  	[sflag:s2] =	ssyncset.done $0x0  }
0x81: {  	[sflag:s2] =	ssyncadd.s32 $0xFFFFE000  }
0x82: {  	[spmem:s3] =	stream.linear.scatter [tilespmem:s13], [sflag:$0x6], $0x2000, $0x38;
	[tilespmem:$0x18000] =	vst v63  }
0x83: {  	_ =	swait.ge [sflag:s2], $0x2000  }
0x84: {  	s4 =	sld [smem:$0x7EA]  }
0x85: {  	[sflag:s2] =	ssyncset.done $0x0  }
0x86: {  	[sflag:s2] =	ssyncadd.s32 $0xFFFFE000  }
0x87: {  	[spmem:s4] =	stream.linear.scatter [tilespmem:s13], [sflag:$0x6], $0x2000, $0x38;
	[tilespmem:$0x18000] =	vst v63  }
0x88: {  	_ =	swait.ge [sflag:s2], $0x2000  }
0x89: {  	s23 =	sld [smem:$0x7EB]  }
0x8a: {  	[sflag:s2] =	ssyncset.done $0x0  }
0x8b: {  	[sflag:s2] =	ssyncadd.s32 $0xFFFFE000  }
0x8c: {  	[spmem:s23] =	stream.linear.scatter [tilespmem:s13], [sflag:$0x6], $0x1C00, $0x38;
	[tilespmem:$0x18000] =	vst v63  }
0x8d: {  	_ =	swait.ge [sflag:s2], $0x1C00  }
0x8e: {  	[sflag:s2] =	ssyncset.done $0x0  }
0x8f: {  	s0 =	simm.s32 $0x0;
	[sflag:s2] =	ssyncadd.s32 $0xFFFFE400;
	s2 =	simm.s32 $0x200  }
.LBB2_4:
0x90: {  	p2 =	sne.s32 s2, $0x7E00;
	[tilespmem:s0+$0x2470] =	vst v1  }
0x91: {  	[tilespmem:s0+$0x400] =	vst v1  }
0x92: {  	[tilespmem:s0+$0x2400] =	vst v1  }
0x93: {  	[tilespmem:s0+$0x410] =	vst v1  }
0x94: {  	[tilespmem:s0+$0x2410] =	vst v1  }
0x95: {  	[tilespmem:s0+$0x420] =	vst v1  }
0x96: {  	[tilespmem:s0+$0x2420] =	vst v1  }
0x97: {  	[tilespmem:s0+$0x430] =	vst v1  }
0x98: {  	[tilespmem:s0+$0x2430] =	vst v1  }
0x99: {  	[tilespmem:s0+$0x440] =	vst v1  }
0x9a: {  	[tilespmem:s0+$0x2440] =	vst v1  }
.Ltmp1:
0x9b: {  	[tilespmem:s0+$0x450] =	vst v1;
	(pc) =	sbr.rel @p2 .LBB2_4-.Ltmp1, $4  }
0x9c: {  	[tilespmem:s0+$0x2450] =	vst v1  }
0x9d: {  	[tilespmem:s0+$0x460] =	vst v1  }
0x9e: {  	[tilespmem:s0+$0x2460] =	vst v1  }
0x9f: {  	[tilespmem:s0+$0x470] =	vst v1;
	s0 =	sshra.s32 s2, $0x2;
	s2 =	sadd.s32 $0x200, s2  }
0xa0: {  	[tilespmem:s0+$0x2470] =	vst v1  }
0xa1: {  	[tilespmem:s0+$0x400] =	vst v1  }
0xa2: {  	[tilespmem:s0+$0x2400] =	vst v1  }
0xa3: {  	[tilespmem:s0+$0x410] =	vst v1  }
0xa4: {  	[tilespmem:s0+$0x2410] =	vst v1  }
0xa5: {  	[tilespmem:s0+$0x420] =	vst v1  }
0xa6: {  	[tilespmem:s0+$0x2420] =	vst v1  }
0xa7: {  	[tilespmem:s0+$0x430] =	vst v1  }
0xa8: {  	[tilespmem:s0+$0x2430] =	vst v1  }
0xa9: {  	[tilespmem:s0+$0x440] =	vst v1  }
0xaa: {  	[tilespmem:s0+$0x2440] =	vst v1  }
0xab: {  	[tilespmem:s0+$0x450] =	vst v1  }
0xac: {  	[tilespmem:s0+$0x2450] =	vst v1  }
0xad: {  	[tilespmem:s0+$0x460] =	vst v1  }
0xae: {  	[tilespmem:s0+$0x2460] =	vst v1  }
0xaf: {  	[tilespmem:s0+$0x470] =	vst v1  }
0xb0: {  	[bflag:$0x0] =	sbarrier.arrive $0xFFFF  }
0xb1: {  	s2 =	sld [smem:$0x7EC];
	_ =	sdelay $0x1  }
0xb2: {  	s0 =	simm.s32 $0x0;
	s3 =	sld [smem:$0x7ED]  }
0xb3: {  	[tilespmem:s15], [sflag:$0x1] =	stream.linear.gather [hbm4b:s2+s0], $0x40, $0x38;
	[tilespmem:$0x18000] =	vst v63  }
0xb4: {  	s4 =	sld [smem:$0x7EE]  }
0xb5: {  	[tilespmem:s17], [sflag:$0x1] =	stream.linear.gather [hbm4b:s3+s0], $0x40, $0x38;
	[tilespmem:$0x18000] =	vst v63  }
0xb6: {  	s23 =	sld [smem:$0x7EF]  }
0xb7: {  	[tilespmem:s18], [sflag:$0x1] =	stream.linear.gather [hbm4b:s4+s0], $0x40, $0x38;
	[tilespmem:$0x18000] =	vst v63  }
0xb8: {  	_ = 	snop  }
0xb9: {  	[tilespmem:s19], [sflag:$0x1] =	stream.linear.gather [hbm4b:s23+s0], $0x40, $0x38;
	[tilespmem:$0x18000] =	vst v63  }
0xba: {  	_ =	swait.ge [sflag:s24], $0x40  }
0xbb: {  	[sflag:s24] =	ssyncset.done $0x0  }
0xbc: {  	[sflag:s24] =	ssyncadd.s32 $0xFFFFFFC0  }
0xbd: {  	_ =	swait.ge [sflag:s24], $0x40  }
0xbe: {  	[sflag:s24] =	ssyncset.done $0x0  }
0xbf: {  	[sflag:s24] =	ssyncadd.s32 $0xFFFFFFC0  }
0xc0: {  	_ =	swait.ge [sflag:s24], $0x40  }
0xc1: {  	[sflag:s24] =	ssyncset.done $0x0  }
0xc2: {  	[sflag:s24] =	ssyncadd.s32 $0xFFFFFFC0  }
0xc3: {  	_ =	swait.ge [sflag:s24], $0x40  }
0xc4: {  	[sflag:s24] =	ssyncset.done $0x0  }
0xc5: {  	[sflag:s24] =	ssyncadd.s32 $0xFFFFFFC0  }
0xc6: {  	[spmem:s25] =	stream.indirect.scatter.add.f32 [tilespmem:s13], [sflag:$0x2], $0x80, s15, s5, $0xb8;
	[tilespmem:$0x18000] =	vst v63  }
0xc7: {  	_ = 	snop  }
0xc8: {  	[spmem:s25] =	stream.indirect.scatter.add.f32 [tilespmem:s7], [sflag:$0x2], $0x80, s17, s5, $0xb8;
	[tilespmem:$0x18000] =	vst v63  }
0xc9: {  	_ = 	snop  }
0xca: {  	[spmem:s25] =	stream.indirect.scatter.add.f32 [tilespmem:s13], [sflag:$0x2], $0x80, s18, s5, $0xb8;
	[tilespmem:$0x18000] =	vst v63  }
0xcb: {  	_ = 	snop  }
0xcc: {  	[spmem:s25] =	stream.indirect.scatter.add.f32 [tilespmem:s7], [sflag:$0x2], $0x80, s19, s5, $0xb8;
	[tilespmem:$0x18000] =	vst v63  }
0xcd: {  	s2 =	sadd.s32 $0x0, s11  }
0xce: {  	[tilespmem:s1], [sflag:$0x1] =	stream.linear.gather [hbm4b:s2+s1], $0x40, $0x38;
	[tilespmem:$0x18000] =	vst v63  }
0xcf: {  	s0 =	sadd.s32 $0x8, s2;
	s2 =	sadd.s32 $0x0, s10  }
0xd0: {  	[tilespmem:s8], [sflag:$0x1] =	stream.linear.gather [hbm4b:s0+s1], $0x40, $0x38;
	[tilespmem:$0x18000] =	vst v63  }
0xd1: {  	s3 =	sadd.s32 $0x600, s2  }
0xd2: {  	[tilespmem:s9], [sflag:$0x1] =	stream.linear.gather [hbm4b:s3+s1], $0x40, $0x38;
	[tilespmem:$0x18000] =	vst v63  }
0xd3: {  	s4 =	sadd.s32 $0x608, s2  }
0xd4: {  	[tilespmem:s12], [sflag:$0x1] =	stream.linear.gather [hbm4b:s4+s1], $0x40, $0x38;
	[tilespmem:$0x18000] =	vst v63  }
0xd5: {  	_ =	swait.ge [sflag:s24], $0x40  }
0xd6: {  	[sflag:s24] =	ssyncset.done $0x0  }
0xd7: {  	[sflag:s24] =	ssyncadd.s32 $0xFFFFFFC0  }
0xd8: {  	_ =	swait.ge [sflag:s24], $0x40  }
0xd9: {  	[sflag:s24] =	ssyncset.done $0x0  }
0xda: {  	[sflag:s24] =	ssyncadd.s32 $0xFFFFFFC0  }
0xdb: {  	_ =	swait.ge [sflag:s24], $0x40  }
0xdc: {  	[sflag:s24] =	ssyncset.done $0x0  }
0xdd: {  	[sflag:s24] =	ssyncadd.s32 $0xFFFFFFC0  }
0xde: {  	_ =	swait.ge [sflag:s24], $0x40  }
0xdf: {  	[sflag:s24] =	ssyncset.done $0x0  }
0xe0: {  	[sflag:s24] =	ssyncadd.s32 $0xFFFFFFC0  }
0xe1: {  	_ =	swait.ge [sflag:s26], $0x2000  }
0xe2: {  	[sflag:s26] =	ssyncset.done $0x0  }
0xe3: {  	[sflag:s26] =	ssyncadd.s32 $0xFFFFE000  }
0xe4: {  	_ =	swait.ge [sflag:s26], $0x2000  }
0xe5: {  	[sflag:s26] =	ssyncset.done $0x0  }
0xe6: {  	[sflag:s26] =	ssyncadd.s32 $0xFFFFE000  }
0xe7: {  	_ =	swait.ge [sflag:s26], $0x2000  }
0xe8: {  	[sflag:s26] =	ssyncset.done $0x0  }
0xe9: {  	[sflag:s26] =	ssyncadd.s32 $0xFFFFE000  }
0xea: {  	_ =	swait.ge [sflag:s26], $0x2000  }
0xeb: {  	[sflag:s26] =	ssyncset.done $0x0  }
0xec: {  	[sflag:s26] =	ssyncadd.s32 $0xFFFFE000  }
0xed: {  	[spmem:s25] =	stream.indirect.scatter.add.f32 [tilespmem:s13], [sflag:$0x2], $0x80, s1, s5, $0xb8;
	[tilespmem:$0x18000] =	vst v63  }
0xee: {  	s4 =	sld [smem:$0x7FD]  }
0xef: {  	[spmem:s25] =	stream.indirect.scatter.add.f32 [tilespmem:s7], [sflag:$0x2], $0x80, s8, s5, $0xb8;
	[tilespmem:$0x18000] =	vst v63  }
0xf0: {  	_ = 	snop  }
0xf1: {  	[spmem:s25] =	stream.indirect.scatter.add.f32 [tilespmem:s13], [sflag:$0x2], $0x80, s9, s5, $0xb8;
	[tilespmem:$0x18000] =	vst v63  }
0xf2: {  	s23 =	sshrl.u32 s4, $0x3  }
0xf3: {  	[spmem:s25] =	stream.indirect.scatter.add.f32 [tilespmem:s7], [sflag:$0x2], $0x80, s12, s5, $0xb8;
	[tilespmem:$0x18000] =	vst v63  }
0xf4: {  	s3 =	sadd.s32 s21, s23  }
0xf5: {  	[tilespmem:s15], [sflag:$0x1] =	stream.linear.gather [hbm4b:s3+s1], $0x40, $0x38;
	[tilespmem:$0x18000] =	vst v63  }
0xf6: {  	s0 =	sadd.s32 s23, s6  }
0xf7: {  	[tilespmem:s17], [sflag:$0x1] =	stream.linear.gather [hbm4b:s0+s1], $0x40, $0x38;
	[tilespmem:$0x18000] =	vst v63  }
0xf8: {  	s3 =	sadd.s32 $0xA00, s2  }
0xf9: {  	[tilespmem:s18], [sflag:$0x1] =	stream.linear.gather [hbm4b:s3+s1], $0x40, $0x38;
	[tilespmem:$0x18000] =	vst v63  }
0xfa: {  	s23 =	sadd.s32 $0xA08, s2  }
0xfb: {  	[tilespmem:s19], [sflag:$0x1] =	stream.linear.gather [hbm4b:s23+s1], $0x40, $0x38;
	[tilespmem:$0x18000] =	vst v63  }
0xfc: {  	_ =	swait.ge [sflag:s24], $0x40  }
0xfd: {  	[sflag:s24] =	ssyncset.done $0x0  }
0xfe: {  	[sflag:s24] =	ssyncadd.s32 $0xFFFFFFC0  }
0xff: {  	_ =	swait.ge [sflag:s24], $0x40  }
0x100: {  	[sflag:s24] =	ssyncset.done $0x0  }
0x101: {  	[sflag:s24] =	ssyncadd.s32 $0xFFFFFFC0  }
0x102: {  	_ =	swait.ge [sflag:s24], $0x40  }
0x103: {  	[sflag:s24] =	ssyncset.done $0x0  }
0x104: {  	[sflag:s24] =	ssyncadd.s32 $0xFFFFFFC0  }
0x105: {  	_ =	swait.ge [sflag:s24], $0x40  }
0x106: {  	[sflag:s24] =	ssyncset.done $0x0  }
0x107: {  	[sflag:s24] =	ssyncadd.s32 $0xFFFFFFC0  }
0x108: {  	_ =	swait.ge [sflag:s26], $0x2000  }
0x109: {  	[sflag:s26] =	ssyncset.done $0x0  }
0x10a: {  	[sflag:s26] =	ssyncadd.s32 $0xFFFFE000  }
0x10b: {  	_ =	swait.ge [sflag:s26], $0x2000  }
0x10c: {  	[sflag:s26] =	ssyncset.done $0x0  }
0x10d: {  	[sflag:s26] =	ssyncadd.s32 $0xFFFFE000  }
0x10e: {  	_ =	swait.ge [sflag:s26], $0x2000  }
0x10f: {  	[sflag:s26] =	ssyncset.done $0x0  }
0x110: {  	[sflag:s26] =	ssyncadd.s32 $0xFFFFE000  }
0x111: {  	_ =	swait.ge [sflag:s26], $0x2000  }
0x112: {  	[sflag:s26] =	ssyncset.done $0x0  }
0x113: {  	[sflag:s26] =	ssyncadd.s32 $0xFFFFE000  }
0x114: {  	[spmem:s25] =	stream.indirect.scatter.add.f32 [tilespmem:s13], [sflag:$0x2], $0x80, s15, s5, $0xb8;
	[tilespmem:$0x18000] =	vst v63  }
0x115: {  	_ = 	snop  }
0x116: {  	[spmem:s25] =	stream.indirect.scatter.add.f32 [tilespmem:s7], [sflag:$0x2], $0x80, s17, s5, $0xb8;
	[tilespmem:$0x18000] =	vst v63  }
0x117: {  	s0 =	sadd.s32 $0x4000, s4;
	s23 =	simm.s32 $0x800  }
0x118: {  	[spmem:s25] =	stream.indirect.scatter.add.f32 [tilespmem:s13], [sflag:$0x2], $0x80, s18, s5, $0xb8;
	[tilespmem:$0x18000] =	vst v63  }
.LBB2_6:
0x119: {  	[spmem:s25] =	stream.indirect.scatter.add.f32 [tilespmem:s7], [sflag:$0x2], $0x80, s19, s5, $0xb8;
	[tilespmem:$0x18000] =	vst v63  }
0x11a: {  	s2 =	smov.u32 s23  }
0x11b: {  	p2 =	sne.s32 s23, $0x9000;
	s23 =	sadd.s32 $0x800, s23;
	s3 =	sadd.s32 s2, s11  }
0x11c: {  	[tilespmem:s1], [sflag:$0x1] =	stream.linear.gather [hbm4b:s3+s1], $0x40, $0x38;
	[tilespmem:$0x18000] =	vst v63  }
0x11d: {  	s2 =	sadd.s32 s2, s10;
	s3 =	sadd.s32 $0x8, s3  }
0x11e: {  	[tilespmem:s8], [sflag:$0x1] =	stream.linear.gather [hbm4b:s3+s1], $0x40, $0x38;
	[tilespmem:$0x18000] =	vst v63  }
0x11f: {  	s3 =	sadd.s32 $0x600, s2  }
0x120: {  	[tilespmem:s9], [sflag:$0x1] =	stream.linear.gather [hbm4b:s3+s1], $0x40, $0x38;
	[tilespmem:$0x18000] =	vst v63  }
0x121: {  	s3 =	sadd.s32 $0x608, s2  }
0x122: {  	[tilespmem:s12], [sflag:$0x1] =	stream.linear.gather [hbm4b:s3+s1], $0x40, $0x38;
	[tilespmem:$0x18000] =	vst v63  }
0x123: {  	_ =	swait.ge [sflag:s24], $0x40  }
0x124: {  	[sflag:s24] =	ssyncset.done $0x0  }
0x125: {  	[sflag:s24] =	ssyncadd.s32 $0xFFFFFFC0  }
0x126: {  	_ =	swait.ge [sflag:s24], $0x40  }
0x127: {  	[sflag:s24] =	ssyncset.done $0x0  }
0x128: {  	[sflag:s24] =	ssyncadd.s32 $0xFFFFFFC0  }
0x129: {  	_ =	swait.ge [sflag:s24], $0x40  }
0x12a: {  	[sflag:s24] =	ssyncset.done $0x0  }
0x12b: {  	[sflag:s24] =	ssyncadd.s32 $0xFFFFFFC0  }
0x12c: {  	_ =	swait.ge [sflag:s24], $0x40  }
0x12d: {  	[sflag:s24] =	ssyncset.done $0x0  }
0x12e: {  	[sflag:s24] =	ssyncadd.s32 $0xFFFFFFC0  }
0x12f: {  	_ =	swait.ge [sflag:s26], $0x2000  }
0x130: {  	[sflag:s26] =	ssyncset.done $0x0  }
0x131: {  	[sflag:s26] =	ssyncadd.s32 $0xFFFFE000  }
0x132: {  	_ =	swait.ge [sflag:s26], $0x2000  }
0x133: {  	[sflag:s26] =	ssyncset.done $0x0  }
0x134: {  	[sflag:s26] =	ssyncadd.s32 $0xFFFFE000  }
0x135: {  	_ =	swait.ge [sflag:s26], $0x2000  }
0x136: {  	[sflag:s26] =	ssyncset.done $0x0  }
0x137: {  	[sflag:s26] =	ssyncadd.s32 $0xFFFFE000  }
0x138: {  	_ =	swait.ge [sflag:s26], $0x2000  }
0x139: {  	[sflag:s26] =	ssyncset.done $0x0  }
0x13a: {  	[sflag:s26] =	ssyncadd.s32 $0xFFFFE000  }
0x13b: {  	[spmem:s25] =	stream.indirect.scatter.add.f32 [tilespmem:s13], [sflag:$0x2], $0x80, s1, s5, $0xb8;
	[tilespmem:$0x18000] =	vst v63  }
0x13c: {  	_ = 	snop  }
0x13d: {  	[spmem:s25] =	stream.indirect.scatter.add.f32 [tilespmem:s7], [sflag:$0x2], $0x80, s8, s5, $0xb8;
	[tilespmem:$0x18000] =	vst v63  }
0x13e: {  	_ = 	snop  }
0x13f: {  	[spmem:s25] =	stream.indirect.scatter.add.f32 [tilespmem:s13], [sflag:$0x2], $0x80, s9, s5, $0xb8;
	[tilespmem:$0x18000] =	vst v63  }
0x140: {  	s3 =	sshrl.u32 s0, $0x3  }
0x141: {  	[spmem:s25] =	stream.indirect.scatter.add.f32 [tilespmem:s7], [sflag:$0x2], $0x80, s12, s5, $0xb8;
	[tilespmem:$0x18000] =	vst v63  }
0x142: {  	s4 =	sadd.s32 s21, s3  }
0x143: {  	[tilespmem:s15], [sflag:$0x1] =	stream.linear.gather [hbm4b:s4+s1], $0x40, $0x38;
	[tilespmem:$0x18000] =	vst v63  }
0x144: {  	s3 =	sadd.s32 s3, s6  }
0x145: {  	[tilespmem:s17], [sflag:$0x1] =	stream.linear.gather [hbm4b:s3+s1], $0x40, $0x38;
	[tilespmem:$0x18000] =	vst v63  }
0x146: {  	s3 =	sadd.s32 $0xA00, s2  }
0x147: {  	[tilespmem:s18], [sflag:$0x1] =	stream.linear.gather [hbm4b:s3+s1], $0x40, $0x38;
	[tilespmem:$0x18000] =	vst v63  }
0x148: {  	s2 =	sadd.s32 $0xA08, s2  }
0x149: {  	[tilespmem:s19], [sflag:$0x1] =	stream.linear.gather [hbm4b:s2+s1], $0x40, $0x38;
	[tilespmem:$0x18000] =	vst v63  }
0x14a: {  	_ =	swait.ge [sflag:s24], $0x40  }
0x14b: {  	[sflag:s24] =	ssyncset.done $0x0  }
0x14c: {  	[sflag:s24] =	ssyncadd.s32 $0xFFFFFFC0  }
0x14d: {  	_ =	swait.ge [sflag:s24], $0x40  }
0x14e: {  	[sflag:s24] =	ssyncset.done $0x0  }
0x14f: {  	[sflag:s24] =	ssyncadd.s32 $0xFFFFFFC0  }
0x150: {  	_ =	swait.ge [sflag:s24], $0x40  }
0x151: {  	[sflag:s24] =	ssyncset.done $0x0  }
0x152: {  	[sflag:s24] =	ssyncadd.s32 $0xFFFFFFC0  }
0x153: {  	_ =	swait.ge [sflag:s24], $0x40  }
0x154: {  	[sflag:s24] =	ssyncset.done $0x0  }
0x155: {  	[sflag:s24] =	ssyncadd.s32 $0xFFFFFFC0  }
0x156: {  	_ =	swait.ge [sflag:s26], $0x2000  }
0x157: {  	[sflag:s26] =	ssyncset.done $0x0  }
0x158: {  	[sflag:s26] =	ssyncadd.s32 $0xFFFFE000  }
0x159: {  	_ =	swait.ge [sflag:s26], $0x2000  }
0x15a: {  	[sflag:s26] =	ssyncset.done $0x0  }
0x15b: {  	[sflag:s26] =	ssyncadd.s32 $0xFFFFE000  }
0x15c: {  	_ =	swait.ge [sflag:s26], $0x2000  }
0x15d: {  	[sflag:s26] =	ssyncset.done $0x0  }
0x15e: {  	[sflag:s26] =	ssyncadd.s32 $0xFFFFE000  }
0x15f: {  	_ =	swait.ge [sflag:s26], $0x2000  }
0x160: {  	[sflag:s26] =	ssyncset.done $0x0  }
0x161: {  	[sflag:s26] =	ssyncadd.s32 $0xFFFFE000  }
0x162: {  	[spmem:s25] =	stream.indirect.scatter.add.f32 [tilespmem:s13], [sflag:$0x2], $0x80, s15, s5, $0xb8;
	[tilespmem:$0x18000] =	vst v63  }
.Ltmp2:
0x163: {  	(pc) =	sbr.rel @p2 .LBB2_6-.Ltmp2, $4  }
0x164: {  	[spmem:s25] =	stream.indirect.scatter.add.f32 [tilespmem:s7], [sflag:$0x2], $0x80, s17, s5, $0xb8;
	[tilespmem:$0x18000] =	vst v63  }
0x165: {  	_ = 	snop  }
0x166: {  	[spmem:s25] =	stream.indirect.scatter.add.f32 [tilespmem:s13], [sflag:$0x2], $0x80, s18, s5, $0xb8;
	[tilespmem:$0x18000] =	vst v63  }
0x167: {  	s0 =	sadd.s32 $0x4000, s0  }
0x168: {  	[spmem:s25] =	stream.indirect.scatter.add.f32 [tilespmem:s7], [sflag:$0x2], $0x80, s19, s5, $0xb8;
	[tilespmem:$0x18000] =	vst v63  }
0x169: {  	_ =	swait.ge [sflag:s26], $0x2000  }
0x16a: {  	[sflag:s26] =	ssyncset.done $0x0  }
0x16b: {  	[sflag:s26] =	ssyncadd.s32 $0xFFFFE000  }
0x16c: {  	_ =	swait.ge [sflag:s26], $0x2000  }
0x16d: {  	[sflag:s26] =	ssyncset.done $0x0  }
0x16e: {  	[sflag:s26] =	ssyncadd.s32 $0xFFFFE000  }
0x16f: {  	_ =	swait.ge [sflag:s26], $0x2000  }
0x170: {  	[sflag:s26] =	ssyncset.done $0x0  }
0x171: {  	[sflag:s26] =	ssyncadd.s32 $0xFFFFE000  }
0x172: {  	_ =	swait.ge [sflag:s26], $0x2000  }
0x173: {  	s3 =	sld [smem:$0x7F0]  }
0x174: {  	[sflag:s26] =	ssyncset.done $0x0  }
0x175: {  	s0 =	simm.s32 @!p0 $0x0;
	s2 =	simm.s32 @!p0 $0x100;
	[sflag:s26] =	ssyncadd.s32 $0xFFFFE000  }
0x176: {  	[tilespmem:s2], [sflag:$0x6] =	stream.linear.gather @!p0 [hbm4b:s3+s0], $0x40, $0x38;
	[tilespmem:$0x18000] =	vst v63  }
0x177: {  	s3 =	simm.s32 @!p0 $0x6  }
0x178: {  	_ =	swait.ge @!p0 [sflag:s3], $0x40  }
0x179: {  	s23 =	sld [smem:$0x7F1]  }
0x17a: {  	[sflag:s3] =	ssyncset.done @!p0 $0x0  }
0x17b: {  	s4 =	simm.s32 @!p0 $0x180;
	[sflag:s3] =	ssyncadd.s32 @!p0 $0xFFFFFFC0  }
0x17c: {  	[tilespmem:s4], [sflag:$0x6] =	stream.linear.gather @!p0 [hbm4b:s23+s0], $0x40, $0x38;
	[tilespmem:$0x18000] =	vst v63  }
0x17d: {  	_ =	swait.ge @!p0 [sflag:s3], $0x40  }
0x17e: {  	[sflag:s3] =	ssyncset.done @!p0 $0x0  }
0x17f: {  	s0 =	simm.s32 @!p0 $0x40;
	s23 =	simm.s32 @!p0 $0x400;
	[sflag:s3] =	ssyncadd.s32 @!p0 $0xFFFFFFC0  }
0x180: {  	[spmem:s25] =	stream.indirect.scatter.add.f32 @!p0 [tilespmem:s23], [sflag:$0x6], $0x80, s2, s0, $0xb8;
	[tilespmem:$0x18000] =	vst v63  }
0x181: {  	_ =	swait.ge @!p0 [sflag:s3], $0x2000  }
0x182: {  	[sflag:s3] =	ssyncset.done @!p0 $0x0  }
0x183: {  	s2 =	simm.s32 @!p0 $0x2400;
	[sflag:s3] =	ssyncadd.s32 @!p0 $0xFFFFE000  }
0x184: {  	[spmem:s25] =	stream.indirect.scatter.add.f32 @!p0 [tilespmem:s2], [sflag:$0x6], $0x80, s4, s0, $0xb8;
	[tilespmem:$0x18000] =	vst v63  }
0x185: {  	_ =	swait.ge @!p0 [sflag:s3], $0x2000  }
0x186: {  	[sflag:s3] =	ssyncset.done @!p0 $0x0  }
0x187: {  	[sflag:s3] =	ssyncadd.s32 @!p0 $0xFFFFE000  }
0x188: {  	[bflag:$0x0] =	sbarrier.arrive $0xFFFF  }
0x189: {  	[tilespmem:s13], [sflag:$0x1] =	stream.linear.gather [spmem:s31], $0x2000, $0x38;
	[tilespmem:$0x18000] =	vst v63  }
0x18a: {  	_ = 	snop  }
0x18b: {  	[tilespmem:s7], [sflag:$0x1] =	stream.linear.gather [spmem:s14], $0x2000, $0x38;
	[tilespmem:$0x18000] =	vst v63  }
0x18c: {  	_ =	swait.ge [sflag:s24], $0x2000  }
0x18d: {  	[sflag:s24] =	ssyncset.done $0x0  }
0x18e: {  	s0 =	simm.s32 $0x0;
	s3 =	rddreg [dreg:$0x7];
	[sflag:s24] =	ssyncadd.s32 $0xFFFFE000  }
0x18f: {  	[hbm4b:s3+s0] =	stream.linear.scatter [tilespmem:s13], [sflag:$0x2], $0x2000, $0x38;
	[tilespmem:$0x18000] =	vst v63  }
0x190: {  	_ =	swait.ge [sflag:s26], $0x2000  }
0x191: {  	[sflag:s26] =	ssyncset.done $0x0  }
0x192: {  	s3 =	rddreg [dreg:$0x1d];
	[sflag:s26] =	ssyncadd.s32 $0xFFFFE000  }
0x193: {  	[tilespmem:s13], [sflag:$0x1] =	stream.linear.gather [spmem:s3], $0x2000, $0x38;
	[tilespmem:$0x18000] =	vst v63  }
0x194: {  	_ =	swait.ge [sflag:s24], $0x2000  }
0x195: {  	[sflag:s24] =	ssyncset.done $0x0  }
0x196: {  	s4 =	rddreg [dreg:$0x8];
	[sflag:s24] =	ssyncadd.s32 $0xFFFFE000  }
0x197: {  	[hbm4b:s4+s0] =	stream.linear.scatter [tilespmem:s7], [sflag:$0x2], $0x2000, $0x38;
	[tilespmem:$0x18000] =	vst v63  }
0x198: {  	_ =	swait.ge [sflag:s26], $0x2000  }
0x199: {  	[sflag:s26] =	ssyncset.done $0x0  }
0x19a: {  	s23 =	rddreg [dreg:$0x1e];
	[sflag:s26] =	ssyncadd.s32 $0xFFFFE000  }
0x19b: {  	[tilespmem:s7], [sflag:$0x1] =	stream.linear.gather [spmem:s23], $0x2000, $0x38;
	[tilespmem:$0x18000] =	vst v63  }
0x19c: {  	_ =	swait.ge [sflag:s24], $0x2000  }
0x19d: {  	[sflag:s24] =	ssyncset.done $0x0  }
0x19e: {  	s4 =	rddreg [dreg:$0x9];
	[sflag:s24] =	ssyncadd.s32 $0xFFFFE000  }
0x19f: {  	[hbm4b:s4+s0] =	stream.linear.scatter [tilespmem:s13], [sflag:$0x2], $0x2000, $0x38;
	[tilespmem:$0x18000] =	vst v63  }
0x1a0: {  	_ =	swait.ge [sflag:s26], $0x2000  }
0x1a1: {  	[sflag:s26] =	ssyncset.done $0x0  }
0x1a2: {  	s23 =	rddreg [dreg:$0x1f];
	[sflag:s26] =	ssyncadd.s32 $0xFFFFE000  }
0x1a3: {  	[tilespmem:s13], [sflag:$0x1] =	stream.linear.gather [spmem:s23], $0x2000, $0x38;
	[tilespmem:$0x18000] =	vst v63  }
0x1a4: {  	_ =	swait.ge [sflag:s24], $0x2000  }
0x1a5: {  	[sflag:s24] =	ssyncset.done $0x0  }
0x1a6: {  	s4 =	rddreg [dreg:$0xa];
	[sflag:s24] =	ssyncadd.s32 $0xFFFFE000  }
0x1a7: {  	[hbm4b:s4+s0] =	stream.linear.scatter [tilespmem:s7], [sflag:$0x2], $0x2000, $0x38;
	[tilespmem:$0x18000] =	vst v63  }
0x1a8: {  	_ =	swait.ge [sflag:s26], $0x2000  }
0x1a9: {  	s23 =	sld [smem:$0x7E7]  }
0x1aa: {  	[sflag:s26] =	ssyncset.done $0x0  }
0x1ab: {  	[sflag:s26] =	ssyncadd.s32 $0xFFFFE000  }
0x1ac: {  	[tilespmem:s7], [sflag:$0x1] =	stream.linear.gather [spmem:s23], $0x2000, $0x38;
	[tilespmem:$0x18000] =	vst v63  }
0x1ad: {  	_ =	swait.ge [sflag:s24], $0x2000  }
0x1ae: {  	[sflag:s24] =	ssyncset.done $0x0  }
0x1af: {  	s4 =	rddreg [dreg:$0xb];
	[sflag:s24] =	ssyncadd.s32 $0xFFFFE000  }
0x1b0: {  	[hbm4b:s4+s0] =	stream.linear.scatter [tilespmem:s13], [sflag:$0x2], $0x2000, $0x38;
	[tilespmem:$0x18000] =	vst v63  }
0x1b1: {  	_ =	swait.ge [sflag:s26], $0x2000  }
0x1b2: {  	s23 =	sld [smem:$0x7E8]  }
0x1b3: {  	[sflag:s26] =	ssyncset.done $0x0  }
0x1b4: {  	[sflag:s26] =	ssyncadd.s32 $0xFFFFE000  }
0x1b5: {  	[tilespmem:s13], [sflag:$0x1] =	stream.linear.gather [spmem:s23], $0x2000, $0x38;
	[tilespmem:$0x18000] =	vst v63  }
0x1b6: {  	_ =	swait.ge [sflag:s24], $0x2000  }
0x1b7: {  	[sflag:s24] =	ssyncset.done $0x0  }
0x1b8: {  	s4 =	rddreg [dreg:$0xc];
	[sflag:s24] =	ssyncadd.s32 $0xFFFFE000  }
0x1b9: {  	[hbm4b:s4+s0] =	stream.linear.scatter [tilespmem:s7], [sflag:$0x2], $0x2000, $0x38;
	[tilespmem:$0x18000] =	vst v63  }
0x1ba: {  	_ =	swait.ge [sflag:s26], $0x2000  }
0x1bb: {  	s23 =	sld [smem:$0x7E9]  }
0x1bc: {  	[sflag:s26] =	ssyncset.done $0x0  }
0x1bd: {  	[sflag:s26] =	ssyncadd.s32 $0xFFFFE000  }
0x1be: {  	[tilespmem:s7], [sflag:$0x1] =	stream.linear.gather [spmem:s23], $0x2000, $0x38;
	[tilespmem:$0x18000] =	vst v63  }
0x1bf: {  	_ =	swait.ge [sflag:s24], $0x2000  }
0x1c0: {  	[sflag:s24] =	ssyncset.done $0x0  }
0x1c1: {  	s4 =	rddreg [dreg:$0xd];
	[sflag:s24] =	ssyncadd.s32 $0xFFFFE000  }
0x1c2: {  	[hbm4b:s4+s0] =	stream.linear.scatter [tilespmem:s13], [sflag:$0x2], $0x2000, $0x38;
	[tilespmem:$0x18000] =	vst v63  }
0x1c3: {  	_ =	swait.ge [sflag:s26], $0x2000  }
0x1c4: {  	s23 =	sld [smem:$0x7EA]  }
0x1c5: {  	[sflag:s26] =	ssyncset.done $0x0  }
0x1c6: {  	[sflag:s26] =	ssyncadd.s32 $0xFFFFE000  }
0x1c7: {  	[tilespmem:s13], [sflag:$0x1] =	stream.linear.gather [spmem:s23], $0x2000, $0x38;
	[tilespmem:$0x18000] =	vst v63  }
0x1c8: {  	_ =	swait.ge [sflag:s24], $0x2000  }
0x1c9: {  	[sflag:s24] =	ssyncset.done $0x0  }
0x1ca: {  	s4 =	rddreg [dreg:$0xe];
	[sflag:s24] =	ssyncadd.s32 $0xFFFFE000  }
0x1cb: {  	[hbm4b:s4+s0] =	stream.linear.scatter [tilespmem:s7], [sflag:$0x2], $0x2000, $0x38;
	[tilespmem:$0x18000] =	vst v63  }
0x1cc: {  	_ =	swait.ge [sflag:s26], $0x2000  }
0x1cd: {  	s23 =	sld [smem:$0x7EB]  }
0x1ce: {  	[sflag:s26] =	ssyncset.done $0x0  }
0x1cf: {  	[sflag:s26] =	ssyncadd.s32 $0xFFFFE000  }
0x1d0: {  	[tilespmem:s7], [sflag:$0x1] =	stream.linear.gather [spmem:s23], $0x1C00, $0x38;
	[tilespmem:$0x18000] =	vst v63  }
0x1d1: {  	_ =	swait.ge [sflag:s24], $0x2000  }
0x1d2: {  	[sflag:s24] =	ssyncset.done $0x0  }
0x1d3: {  	s4 =	rddreg [dreg:$0xf];
	[sflag:s24] =	ssyncadd.s32 $0xFFFFE000  }
0x1d4: {  	[hbm4b:s4+s0] =	stream.linear.scatter [tilespmem:s13], [sflag:$0x2], $0x2000, $0x38;
	[tilespmem:$0x18000] =	vst v63  }
0x1d5: {  	_ =	swait.ge [sflag:s24], $0x1C00  }
0x1d6: {  	[sflag:s24] =	ssyncset.done $0x0  }
0x1d7: {  	s23 =	rddreg [dreg:$0x10];
	[sflag:s24] =	ssyncadd.s32 $0xFFFFE400  }
0x1d8: {  	[hbm4b:s23+s0] =	stream.linear.scatter [tilespmem:s7], [sflag:$0x2], $0x1C00, $0x38;
	[tilespmem:$0x18000] =	vst v63  }
0x1d9: {  	_ =	swait.ge [sflag:s26], $0x2000  }
0x1da: {  	[sflag:s26] =	ssyncset.done $0x0  }
0x1db: {  	[sflag:s26] =	ssyncadd.s32 $0xFFFFE000  }
0x1dc: {  	_ =	swait.ge [sflag:s26], $0x1C00  }
0x1dd: {  	[sflag:s26] =	ssyncset.done $0x0  }
0x1de: {  	[sflag:s26] =	ssyncadd.s32 $0xFFFFE400  }
0x1df: {  	s2 =	simm.s32 $0x200;
	s0 =	simm.s32 $0x0;
	[bflag:$0x0] =	sbarrier.arrive $0xFFFF  }
.LBB2_8:
0x1e0: {  	p2 =	sne.s32 s2, $0x7E00;
	[tilespmem:s0+$0x470] =	vst v0  }
0x1e1: {  	[tilespmem:s0+$0x400] =	vst v0  }
0x1e2: {  	[tilespmem:s0+$0x410] =	vst v0  }
.Ltmp3:
0x1e3: {  	[tilespmem:s0+$0x420] =	vst v0;
	(pc) =	sbr.rel @p2 .LBB2_8-.Ltmp3, $4  }
0x1e4: {  	[tilespmem:s0+$0x430] =	vst v0  }
0x1e5: {  	[tilespmem:s0+$0x440] =	vst v0  }
0x1e6: {  	[tilespmem:s0+$0x450] =	vst v0  }
0x1e7: {  	[tilespmem:s0+$0x460] =	vst v0;
	s0 =	sshra.s32 s2, $0x2;
	s2 =	sadd.s32 $0x200, s2  }
0x1e8: {  	[tilespmem:s0+$0x470] =	vst v0  }
0x1e9: {  	[tilespmem:s0+$0x400] =	vst v0  }
0x1ea: {  	[tilespmem:s0+$0x410] =	vst v0  }
0x1eb: {  	[tilespmem:s0+$0x420] =	vst v0  }
0x1ec: {  	[tilespmem:s0+$0x430] =	vst v0  }
0x1ed: {  	[tilespmem:s0+$0x440] =	vst v0  }
0x1ee: {  	[tilespmem:s0+$0x450] =	vst v0  }
0x1ef: {  	[tilespmem:s0+$0x460] =	vst v0;
	s2 =	simm.s32 $0x6  }
0x1f0: {  	[spmem:s31] =	stream.linear.scatter [tilespmem:s13], [sflag:$0x6], $0x2000, $0x38;
	[tilespmem:$0x18000] =	vst v63  }
0x1f1: {  	_ =	swait.ge [sflag:s2], $0x2000  }
0x1f2: {  	[sflag:s2] =	ssyncset.done $0x0  }
0x1f3: {  	[sflag:s2] =	ssyncadd.s32 $0xFFFFE000  }
0x1f4: {  	[spmem:s14] =	stream.linear.scatter [tilespmem:s13], [sflag:$0x6], $0x2000, $0x38;
	[tilespmem:$0x18000] =	vst v63  }
0x1f5: {  	_ =	swait.ge [sflag:s2], $0x2000  }
0x1f6: {  	[sflag:s2] =	ssyncset.done $0x0  }
0x1f7: {  	[sflag:s2] =	ssyncadd.s32 $0xFFFFE000  }
0x1f8: {  	[spmem:s3] =	stream.linear.scatter [tilespmem:s13], [sflag:$0x6], $0x2000, $0x38;
	[tilespmem:$0x18000] =	vst v63  }
0x1f9: {  	_ =	swait.ge [sflag:s2], $0x2000  }
0x1fa: {  	[sflag:s2] =	ssyncset.done $0x0  }
0x1fb: {  	s14 =	rddreg [dreg:$0x1e];
	[sflag:s2] =	ssyncadd.s32 $0xFFFFE000  }
0x1fc: {  	[spmem:s14] =	stream.linear.scatter [tilespmem:s13], [sflag:$0x6], $0x2000, $0x38;
	[tilespmem:$0x18000] =	vst v63  }
0x1fd: {  	_ =	swait.ge [sflag:s2], $0x2000  }
0x1fe: {  	[sflag:s2] =	ssyncset.done $0x0  }
0x1ff: {  	s23 =	rddreg [dreg:$0x1f];
	[sflag:s2] =	ssyncadd.s32 $0xFFFFE000  }
0x200: {  	[spmem:s23] =	stream.linear.scatter [tilespmem:s13], [sflag:$0x6], $0x2000, $0x38;
	[tilespmem:$0x18000] =	vst v63  }
0x201: {  	_ =	swait.ge [sflag:s2], $0x2000  }
0x202: {  	s31 =	sld [smem:$0x7E7]  }
0x203: {  	[sflag:s2] =	ssyncset.done $0x0  }
0x204: {  	[sflag:s2] =	ssyncadd.s32 $0xFFFFE000  }
0x205: {  	[spmem:s31] =	stream.linear.scatter [tilespmem:s13], [sflag:$0x6], $0x2000, $0x38;
	[tilespmem:$0x18000] =	vst v63  }
0x206: {  	_ =	swait.ge [sflag:s2], $0x2000  }
0x207: {  	s3 =	sld [smem:$0x7E8]  }
0x208: {  	[sflag:s2] =	ssyncset.done $0x0  }
0x209: {  	[sflag:s2] =	ssyncadd.s32 $0xFFFFE000  }
0x20a: {  	[spmem:s3] =	stream.linear.scatter [tilespmem:s13], [sflag:$0x6], $0x2000, $0x38;
	[tilespmem:$0x18000] =	vst v63  }
0x20b: {  	_ =	swait.ge [sflag:s2], $0x2000  }
0x20c: {  	s4 =	sld [smem:$0x7E9]  }
0x20d: {  	[sflag:s2] =	ssyncset.done $0x0  }
0x20e: {  	[sflag:s2] =	ssyncadd.s32 $0xFFFFE000  }
0x20f: {  	[spmem:s4] =	stream.linear.scatter [tilespmem:s13], [sflag:$0x6], $0x2000, $0x38;
	[tilespmem:$0x18000] =	vst v63  }
0x210: {  	_ =	swait.ge [sflag:s2], $0x2000  }
0x211: {  	s14 =	sld [smem:$0x7EA]  }
0x212: {  	[sflag:s2] =	ssyncset.done $0x0  }
0x213: {  	[sflag:s2] =	ssyncadd.s32 $0xFFFFE000  }
0x214: {  	[spmem:s14] =	stream.linear.scatter [tilespmem:s13], [sflag:$0x6], $0x2000, $0x38;
	[tilespmem:$0x18000] =	vst v63  }
0x215: {  	_ =	swait.ge [sflag:s2], $0x2000  }
0x216: {  	s23 =	sld [smem:$0x7EB]  }
0x217: {  	[sflag:s2] =	ssyncset.done $0x0  }
0x218: {  	[sflag:s2] =	ssyncadd.s32 $0xFFFFE000  }
0x219: {  	[spmem:s23] =	stream.linear.scatter [tilespmem:s13], [sflag:$0x6], $0x1C00, $0x38;
	[tilespmem:$0x18000] =	vst v63  }
0x21a: {  	_ =	swait.ge [sflag:s2], $0x1C00  }
0x21b: {  	[sflag:s2] =	ssyncset.done $0x0  }
0x21c: {  	[sflag:s2] =	ssyncadd.s32 $0xFFFFE400  }
0x21d: {  	[bflag:$0x0] =	sbarrier.arrive $0xFFFF  }
0x21e: {  	s31 =	sld [smem:$0x7F6];
	_ =	sdelay $0x1  }
0x21f: {  	s0 =	simm.s32 $0x0;
	s3 =	sld [smem:$0x7F7]  }
0x220: {  	[tilespmem:s0], [sflag:$0x1] =	stream.linear.gather [hbm4b:s31+s0], $0x40, $0x38;
	[tilespmem:$0x18000] =	vst v63  }
0x221: {  	s4 =	sld [smem:$0x7F2]  }
0x222: {  	[tilespmem:s15], [sflag:$0x1] =	stream.linear.gather [hbm4b:s3+s0], $0x40, $0x38;
	[tilespmem:$0x18000] =	vst v63  }
0x223: {  	s14 =	sld [smem:$0x7F3]  }
0x224: {  	[tilespmem:s8], [sflag:$0x1] =	stream.linear.gather [hbm4b:s4+s0], $0x40, $0x38;
	[tilespmem:$0x18000] =	vst v63  }
0x225: {  	_ = 	snop  }
0x226: {  	[tilespmem:s17], [sflag:$0x1] =	stream.linear.gather [hbm4b:s14+s0], $0x40, $0x38;
	[tilespmem:$0x18000] =	vst v63  }
0x227: {  	_ =	swait.ge [sflag:s24], $0x40  }
0x228: {  	[sflag:s24] =	ssyncset.done $0x0  }
0x229: {  	[sflag:s24] =	ssyncadd.s32 $0xFFFFFFC0  }
0x22a: {  	_ =	swait.ge [sflag:s24], $0x40  }
0x22b: {  	[sflag:s24] =	ssyncset.done $0x0  }
0x22c: {  	[sflag:s24] =	ssyncadd.s32 $0xFFFFFFC0  }
0x22d: {  	_ =	swait.ge [sflag:s24], $0x40  }
0x22e: {  	[sflag:s24] =	ssyncset.done $0x0  }
0x22f: {  	[sflag:s24] =	ssyncadd.s32 $0xFFFFFFC0  }
0x230: {  	_ =	swait.ge [sflag:s24], $0x40  }
0x231: {  	[sflag:s24] =	ssyncset.done $0x0  }
0x232: {  	[sflag:s24] =	ssyncadd.s32 $0xFFFFFFC0  }
0x233: {  	[tilespmem:s13], [sflag:$0x4] =	stream.indirect.gather [hbm4b:s16+s5], $0x80, s0, s5, $0xb8;
	[tilespmem:$0x18000] =	vst v63  }
0x234: {  	_ = 	snop  }
0x235: {  	[tilespmem:s7], [sflag:$0x5] =	stream.indirect.gather [hbm4b:s16+s5], $0x80, s8, s5, $0xb8;
	[tilespmem:$0x18000] =	vst v63  }
0x236: {  	_ =	swait.ge [sflag:s28], $0x2000  }
0x237: {  	[sflag:s28] =	ssyncset.done $0x0  }
0x238: {  	[sflag:s28] =	ssyncadd.s32 $0xFFFFE000  }
0x239: {  	[spmem:s25] =	stream.indirect.scatter.add.f32 [tilespmem:s13], [sflag:$0x2], $0x80, s15, s5, $0xb8;
	[tilespmem:$0x18000] =	vst v63  }
0x23a: {  	_ =	swait.ge [sflag:s29], $0x2000  }
0x23b: {  	[sflag:s29] =	ssyncset.done $0x0  }
0x23c: {  	s23 =	sld [smem:$0x7F4];
	[sflag:s29] =	ssyncadd.s32 $0xFFFFE000  }
0x23d: {  	[spmem:s25] =	stream.indirect.scatter.add.f32 [tilespmem:s7], [sflag:$0x3], $0x80, s17, s5, $0xb8;
	[tilespmem:$0x18000] =	vst v63  }
0x23e: {  	s31 =	sld [smem:$0x7F5]  }
0x23f: {  	[tilespmem:s0], [sflag:$0x1] =	stream.linear.gather [hbm4b:s23+s0], $0x40, $0x38;
	[tilespmem:$0x18000] =	vst v63  }
0x240: {  	s3 =	sld [smem:$0x7F8]  }
0x241: {  	[tilespmem:s18], [sflag:$0x1] =	stream.linear.gather [hbm4b:s31+s0], $0x40, $0x38;
	[tilespmem:$0x18000] =	vst v63  }
0x242: {  	s4 =	sld [smem:$0x7F9]  }
0x243: {  	[tilespmem:s8], [sflag:$0x1] =	stream.linear.gather [hbm4b:s3+s0], $0x40, $0x38;
	[tilespmem:$0x18000] =	vst v63  }
0x244: {  	_ = 	snop  }
0x245: {  	[tilespmem:s19], [sflag:$0x1] =	stream.linear.gather [hbm4b:s4+s0], $0x40, $0x38;
	[tilespmem:$0x18000] =	vst v63  }
0x246: {  	_ =	swait.ge [sflag:s24], $0x40  }
0x247: {  	[sflag:s24] =	ssyncset.done $0x0  }
0x248: {  	[sflag:s24] =	ssyncadd.s32 $0xFFFFFFC0  }
0x249: {  	_ =	swait.ge [sflag:s24], $0x40  }
0x24a: {  	[sflag:s24] =	ssyncset.done $0x0  }
0x24b: {  	[sflag:s24] =	ssyncadd.s32 $0xFFFFFFC0  }
0x24c: {  	_ =	swait.ge [sflag:s24], $0x40  }
0x24d: {  	[sflag:s24] =	ssyncset.done $0x0  }
0x24e: {  	[sflag:s24] =	ssyncadd.s32 $0xFFFFFFC0  }
0x24f: {  	_ =	swait.ge [sflag:s24], $0x40  }
0x250: {  	[sflag:s24] =	ssyncset.done $0x0  }
0x251: {  	[sflag:s24] =	ssyncadd.s32 $0xFFFFFFC0  }
0x252: {  	_ =	swait.ge [sflag:s26], $0x2000  }
0x253: {  	[sflag:s26] =	ssyncset.done $0x0  }
0x254: {  	[sflag:s26] =	ssyncadd.s32 $0xFFFFE000  }
0x255: {  	[tilespmem:s13], [sflag:$0x4] =	stream.indirect.gather [hbm4b:s16+s5], $0x80, s0, s5, $0xb8;
	[tilespmem:$0x18000] =	vst v63  }
0x256: {  	_ =	swait.ge [sflag:s30], $0x2000  }
0x257: {  	[sflag:s30] =	ssyncset.done $0x0  }
0x258: {  	[sflag:s30] =	ssyncadd.s32 $0xFFFFE000  }
0x259: {  	[tilespmem:s7], [sflag:$0x5] =	stream.indirect.gather [hbm4b:s16+s5], $0x80, s8, s5, $0xb8;
	[tilespmem:$0x18000] =	vst v63  }
0x25a: {  	_ =	swait.ge [sflag:s28], $0x2000  }
0x25b: {  	[sflag:s28] =	ssyncset.done $0x0  }
0x25c: {  	[sflag:s28] =	ssyncadd.s32 $0xFFFFE000  }
0x25d: {  	[spmem:s25] =	stream.indirect.scatter.add.f32 [tilespmem:s13], [sflag:$0x2], $0x80, s18, s5, $0xb8;
	[tilespmem:$0x18000] =	vst v63  }
0x25e: {  	_ =	swait.ge [sflag:s29], $0x2000  }
0x25f: {  	[sflag:s29] =	ssyncset.done $0x0  }
0x260: {  	s0 =	sadd.s32 $0x0, s20;
	[sflag:s29] =	ssyncadd.s32 $0xFFFFE000  }
0x261: {  	[spmem:s25] =	stream.indirect.scatter.add.f32 [tilespmem:s7], [sflag:$0x3], $0x80, s19, s5, $0xb8;
	[tilespmem:$0x18000] =	vst v63  }
0x262: {  	s2 =	sadd.s32 $0x0, s22;
	s14 =	sadd.s32 $0x400, s0  }
0x263: {  	[tilespmem:s1], [sflag:$0x1] =	stream.linear.gather [hbm4b:s14+s1], $0x40, $0x38;
	[tilespmem:$0x18000] =	vst v63  }
0x264: {  	s23 =	sadd.s32 $0x400, s2  }
0x265: {  	[tilespmem:s15], [sflag:$0x1] =	stream.linear.gather [hbm4b:s23+s1], $0x40, $0x38;
	[tilespmem:$0x18000] =	vst v63  }
0x266: {  	s31 =	sadd.s32 $0x500, s0  }
0x267: {  	[tilespmem:s8], [sflag:$0x1] =	stream.linear.gather [hbm4b:s31+s1], $0x40, $0x38;
	[tilespmem:$0x18000] =	vst v63  }
0x268: {  	s4 =	sadd.s32 $0x500, s2  }
0x269: {  	[tilespmem:s17], [sflag:$0x1] =	stream.linear.gather [hbm4b:s4+s1], $0x40, $0x38;
	[tilespmem:$0x18000] =	vst v63  }
0x26a: {  	_ =	swait.ge [sflag:s24], $0x40  }
0x26b: {  	[sflag:s24] =	ssyncset.done $0x0  }
0x26c: {  	[sflag:s24] =	ssyncadd.s32 $0xFFFFFFC0  }
0x26d: {  	_ =	swait.ge [sflag:s24], $0x40  }
0x26e: {  	[sflag:s24] =	ssyncset.done $0x0  }
0x26f: {  	[sflag:s24] =	ssyncadd.s32 $0xFFFFFFC0  }
0x270: {  	_ =	swait.ge [sflag:s24], $0x40  }
0x271: {  	[sflag:s24] =	ssyncset.done $0x0  }
0x272: {  	[sflag:s24] =	ssyncadd.s32 $0xFFFFFFC0  }
0x273: {  	_ =	swait.ge [sflag:s24], $0x40  }
0x274: {  	[sflag:s24] =	ssyncset.done $0x0  }
0x275: {  	[sflag:s24] =	ssyncadd.s32 $0xFFFFFFC0  }
0x276: {  	_ =	swait.ge [sflag:s26], $0x2000  }
0x277: {  	[sflag:s26] =	ssyncset.done $0x0  }
0x278: {  	[sflag:s26] =	ssyncadd.s32 $0xFFFFE000  }
0x279: {  	[tilespmem:s13], [sflag:$0x4] =	stream.indirect.gather [hbm4b:s16+s5], $0x80, s1, s5, $0xb8;
	[tilespmem:$0x18000] =	vst v63  }
0x27a: {  	_ =	swait.ge [sflag:s30], $0x2000  }
0x27b: {  	[sflag:s30] =	ssyncset.done $0x0  }
0x27c: {  	[sflag:s30] =	ssyncadd.s32 $0xFFFFE000  }
0x27d: {  	[tilespmem:s7], [sflag:$0x5] =	stream.indirect.gather [hbm4b:s16+s5], $0x80, s8, s5, $0xb8;
	[tilespmem:$0x18000] =	vst v63  }
0x27e: {  	_ =	swait.ge [sflag:s28], $0x2000  }
0x27f: {  	[sflag:s28] =	ssyncset.done $0x0  }
0x280: {  	[sflag:s28] =	ssyncadd.s32 $0xFFFFE000  }
0x281: {  	[spmem:s25] =	stream.indirect.scatter.add.f32 [tilespmem:s13], [sflag:$0x2], $0x80, s15, s5, $0xb8;
	[tilespmem:$0x18000] =	vst v63  }
0x282: {  	_ =	swait.ge [sflag:s29], $0x2000  }
0x283: {  	[sflag:s29] =	ssyncset.done $0x0  }
0x284: {  	[sflag:s29] =	ssyncadd.s32 $0xFFFFE000  }
0x285: {  	[spmem:s25] =	stream.indirect.scatter.add.f32 [tilespmem:s7], [sflag:$0x3], $0x80, s17, s5, $0xb8;
	[tilespmem:$0x18000] =	vst v63  }
0x286: {  	s14 =	sadd.s32 $0x600, s0  }
0x287: {  	[tilespmem:s1], [sflag:$0x1] =	stream.linear.gather [hbm4b:s14+s1], $0x40, $0x38;
	[tilespmem:$0x18000] =	vst v63  }
0x288: {  	s23 =	sadd.s32 $0x600, s2  }
0x289: {  	[tilespmem:s18], [sflag:$0x1] =	stream.linear.gather [hbm4b:s23+s1], $0x40, $0x38;
	[tilespmem:$0x18000] =	vst v63  }
0x28a: {  	s0 =	sadd.s32 $0x700, s0  }
0x28b: {  	[tilespmem:s8], [sflag:$0x1] =	stream.linear.gather [hbm4b:s0+s1], $0x40, $0x38;
	[tilespmem:$0x18000] =	vst v63  }
0x28c: {  	s31 =	sadd.s32 $0x700, s2  }
0x28d: {  	[tilespmem:s19], [sflag:$0x1] =	stream.linear.gather [hbm4b:s31+s1], $0x40, $0x38;
	[tilespmem:$0x18000] =	vst v63  }
0x28e: {  	_ =	swait.ge [sflag:s24], $0x40  }
0x28f: {  	[sflag:s24] =	ssyncset.done $0x0  }
0x290: {  	[sflag:s24] =	ssyncadd.s32 $0xFFFFFFC0  }
0x291: {  	_ =	swait.ge [sflag:s24], $0x40  }
0x292: {  	[sflag:s24] =	ssyncset.done $0x0  }
0x293: {  	[sflag:s24] =	ssyncadd.s32 $0xFFFFFFC0  }
0x294: {  	_ =	swait.ge [sflag:s24], $0x40  }
0x295: {  	[sflag:s24] =	ssyncset.done $0x0  }
0x296: {  	[sflag:s24] =	ssyncadd.s32 $0xFFFFFFC0  }
0x297: {  	_ =	swait.ge [sflag:s24], $0x40  }
0x298: {  	[sflag:s24] =	ssyncset.done $0x0  }
0x299: {  	[sflag:s24] =	ssyncadd.s32 $0xFFFFFFC0  }
0x29a: {  	_ =	swait.ge [sflag:s26], $0x2000  }
0x29b: {  	[sflag:s26] =	ssyncset.done $0x0  }
0x29c: {  	[sflag:s26] =	ssyncadd.s32 $0xFFFFE000  }
0x29d: {  	[tilespmem:s13], [sflag:$0x4] =	stream.indirect.gather [hbm4b:s16+s5], $0x80, s1, s5, $0xb8;
	[tilespmem:$0x18000] =	vst v63  }
0x29e: {  	_ =	swait.ge [sflag:s30], $0x2000  }
0x29f: {  	[sflag:s30] =	ssyncset.done $0x0  }
0x2a0: {  	[sflag:s30] =	ssyncadd.s32 $0xFFFFE000  }
0x2a1: {  	[tilespmem:s7], [sflag:$0x5] =	stream.indirect.gather [hbm4b:s16+s5], $0x80, s8, s5, $0xb8;
	[tilespmem:$0x18000] =	vst v63  }
0x2a2: {  	_ =	swait.ge [sflag:s28], $0x2000  }
0x2a3: {  	[sflag:s28] =	ssyncset.done $0x0  }
0x2a4: {  	[sflag:s28] =	ssyncadd.s32 $0xFFFFE000  }
0x2a5: {  	[spmem:s25] =	stream.indirect.scatter.add.f32 [tilespmem:s13], [sflag:$0x2], $0x80, s18, s5, $0xb8;
	[tilespmem:$0x18000] =	vst v63  }
0x2a6: {  	_ =	swait.ge [sflag:s29], $0x2000  }
0x2a7: {  	s3 =	sadd.s32 $0x400, s22;
	[sflag:s29] =	ssyncset.done $0x0  }
0x2a8: {  	s2 =	simm.s32 $0x800;
	s23 =	sadd.s32 $0x400, s20;
	[sflag:s29] =	ssyncadd.s32 $0xFFFFE000  }
.LBB2_10:
0x2a9: {  	[spmem:s25] =	stream.indirect.scatter.add.f32 [tilespmem:s7], [sflag:$0x3], $0x80, s19, s5, $0xb8;
	[tilespmem:$0x18000] =	vst v63  }
0x2aa: {  	s0 =	smov.u32 s2  }
0x2ab: {  	s31 =	sadd.s32 $0x400, s2;
	s14 =	sadd.s32 $0x400, s23;
	s4 =	sadd.s32 s0, s20  }
0x2ac: {  	[tilespmem:s1], [sflag:$0x1] =	stream.linear.gather [hbm4b:s14+s1], $0x40, $0x38;
	[tilespmem:$0x18000] =	vst v63  }
0x2ad: {  	p2 =	sne.s32 s2, $0x9400;
	s2 =	sadd.s32 $0x400, s3  }
0x2ae: {  	[tilespmem:s15], [sflag:$0x1] =	stream.linear.gather [hbm4b:s2+s1], $0x40, $0x38;
	[tilespmem:$0x18000] =	vst v63  }
0x2af: {  	s2 =	sadd.s32 $0x500, s23  }
0x2b0: {  	[tilespmem:s8], [sflag:$0x1] =	stream.linear.gather [hbm4b:s2+s1], $0x40, $0x38;
	[tilespmem:$0x18000] =	vst v63  }
0x2b1: {  	s2 =	sadd.s32 $0x500, s3  }
0x2b2: {  	[tilespmem:s17], [sflag:$0x1] =	stream.linear.gather [hbm4b:s2+s1], $0x40, $0x38;
	[tilespmem:$0x18000] =	vst v63  }
0x2b3: {  	_ =	swait.ge [sflag:s24], $0x40  }
0x2b4: {  	[sflag:s24] =	ssyncset.done $0x0  }
0x2b5: {  	[sflag:s24] =	ssyncadd.s32 $0xFFFFFFC0  }
0x2b6: {  	_ =	swait.ge [sflag:s24], $0x40  }
0x2b7: {  	[sflag:s24] =	ssyncset.done $0x0  }
0x2b8: {  	[sflag:s24] =	ssyncadd.s32 $0xFFFFFFC0  }
0x2b9: {  	_ =	swait.ge [sflag:s24], $0x40  }
0x2ba: {  	[sflag:s24] =	ssyncset.done $0x0  }
0x2bb: {  	[sflag:s24] =	ssyncadd.s32 $0xFFFFFFC0  }
0x2bc: {  	_ =	swait.ge [sflag:s24], $0x40  }
0x2bd: {  	[sflag:s24] =	ssyncset.done $0x0  }
0x2be: {  	[sflag:s24] =	ssyncadd.s32 $0xFFFFFFC0  }
0x2bf: {  	_ =	swait.ge [sflag:s26], $0x2000  }
0x2c0: {  	[sflag:s26] =	ssyncset.done $0x0  }
0x2c1: {  	[sflag:s26] =	ssyncadd.s32 $0xFFFFE000  }
0x2c2: {  	[tilespmem:s13], [sflag:$0x4] =	stream.indirect.gather [hbm4b:s16+s5], $0x80, s1, s5, $0xb8;
	[tilespmem:$0x18000] =	vst v63  }
0x2c3: {  	_ =	swait.ge [sflag:s30], $0x2000  }
0x2c4: {  	[sflag:s30] =	ssyncset.done $0x0  }
0x2c5: {  	[sflag:s30] =	ssyncadd.s32 $0xFFFFE000  }
0x2c6: {  	[tilespmem:s7], [sflag:$0x5] =	stream.indirect.gather [hbm4b:s16+s5], $0x80, s8, s5, $0xb8;
	[tilespmem:$0x18000] =	vst v63  }
0x2c7: {  	_ =	swait.ge [sflag:s28], $0x2000  }
0x2c8: {  	[sflag:s28] =	ssyncset.done $0x0  }
0x2c9: {  	[sflag:s28] =	ssyncadd.s32 $0xFFFFE000  }
0x2ca: {  	[spmem:s25] =	stream.indirect.scatter.add.f32 [tilespmem:s13], [sflag:$0x2], $0x80, s15, s5, $0xb8;
	[tilespmem:$0x18000] =	vst v63  }
0x2cb: {  	_ =	swait.ge [sflag:s29], $0x2000  }
0x2cc: {  	[sflag:s29] =	ssyncset.done $0x0  }
0x2cd: {  	[sflag:s29] =	ssyncadd.s32 $0xFFFFE000  }
0x2ce: {  	[spmem:s25] =	stream.indirect.scatter.add.f32 [tilespmem:s7], [sflag:$0x3], $0x80, s17, s5, $0xb8;
	[tilespmem:$0x18000] =	vst v63  }
0x2cf: {  	s2 =	sadd.s32 $0x600, s23  }
0x2d0: {  	[tilespmem:s1], [sflag:$0x1] =	stream.linear.gather [hbm4b:s2+s1], $0x40, $0x38;
	[tilespmem:$0x18000] =	vst v63  }
0x2d1: {  	s2 =	sadd.s32 $0x600, s3  }
0x2d2: {  	[tilespmem:s18], [sflag:$0x1] =	stream.linear.gather [hbm4b:s2+s1], $0x40, $0x38;
	[tilespmem:$0x18000] =	vst v63  }
0x2d3: {  	s2 =	sadd.s32 $0x700, s23;
	s23 =	smov.u32 s4  }
0x2d4: {  	[tilespmem:s8], [sflag:$0x1] =	stream.linear.gather [hbm4b:s2+s1], $0x40, $0x38;
	[tilespmem:$0x18000] =	vst v63  }
0x2d5: {  	s2 =	sadd.s32 $0x700, s3  }
0x2d6: {  	[tilespmem:s19], [sflag:$0x1] =	stream.linear.gather [hbm4b:s2+s1], $0x40, $0x38;
	[tilespmem:$0x18000] =	vst v63  }
0x2d7: {  	_ =	swait.ge [sflag:s24], $0x40  }
0x2d8: {  	[sflag:s24] =	ssyncset.done $0x0  }
0x2d9: {  	[sflag:s24] =	ssyncadd.s32 $0xFFFFFFC0  }
0x2da: {  	_ =	swait.ge [sflag:s24], $0x40  }
0x2db: {  	[sflag:s24] =	ssyncset.done $0x0  }
0x2dc: {  	[sflag:s24] =	ssyncadd.s32 $0xFFFFFFC0  }
0x2dd: {  	_ =	swait.ge [sflag:s24], $0x40  }
0x2de: {  	[sflag:s24] =	ssyncset.done $0x0  }
0x2df: {  	[sflag:s24] =	ssyncadd.s32 $0xFFFFFFC0  }
0x2e0: {  	_ =	swait.ge [sflag:s24], $0x40  }
0x2e1: {  	[sflag:s24] =	ssyncset.done $0x0  }
0x2e2: {  	[sflag:s24] =	ssyncadd.s32 $0xFFFFFFC0  }
0x2e3: {  	_ =	swait.ge [sflag:s26], $0x2000  }
0x2e4: {  	[sflag:s26] =	ssyncset.done $0x0  }
0x2e5: {  	[sflag:s26] =	ssyncadd.s32 $0xFFFFE000  }
0x2e6: {  	[tilespmem:s13], [sflag:$0x4] =	stream.indirect.gather [hbm4b:s16+s5], $0x80, s1, s5, $0xb8;
	[tilespmem:$0x18000] =	vst v63  }
0x2e7: {  	_ =	swait.ge [sflag:s30], $0x2000  }
0x2e8: {  	[sflag:s30] =	ssyncset.done $0x0  }
0x2e9: {  	[sflag:s30] =	ssyncadd.s32 $0xFFFFE000  }
0x2ea: {  	[tilespmem:s7], [sflag:$0x5] =	stream.indirect.gather [hbm4b:s16+s5], $0x80, s8, s5, $0xb8;
	[tilespmem:$0x18000] =	vst v63  }
0x2eb: {  	_ =	swait.ge [sflag:s28], $0x2000  }
0x2ec: {  	[sflag:s28] =	ssyncset.done $0x0  }
.Ltmp4:
0x2ed: {  	[sflag:s28] =	ssyncadd.s32 $0xFFFFE000;
	(pc) =	sbr.rel @p2 .LBB2_10-.Ltmp4, $4  }
0x2ee: {  	[spmem:s25] =	stream.indirect.scatter.add.f32 [tilespmem:s13], [sflag:$0x2], $0x80, s18, s5, $0xb8;
	[tilespmem:$0x18000] =	vst v63  }
0x2ef: {  	_ =	swait.ge [sflag:s29], $0x2000  }
0x2f0: {  	[sflag:s29] =	ssyncset.done $0x0  }
0x2f1: {  	s3 =	sadd.s32 s0, s22;
	s2 =	smov.u32 s31;
	[sflag:s29] =	ssyncadd.s32 $0xFFFFE000  }
0x2f2: {  	[spmem:s25] =	stream.indirect.scatter.add.f32 [tilespmem:s7], [sflag:$0x3], $0x80, s19, s5, $0xb8;
	[tilespmem:$0x18000] =	vst v63  }
0x2f3: {  	s0 =	sadd.s32 $0x400, s23  }
0x2f4: {  	[tilespmem:s1], [sflag:$0x1] =	stream.linear.gather [hbm4b:s0+s1], $0x40, $0x38;
	[tilespmem:$0x18000] =	vst v63  }
0x2f5: {  	s14 =	sadd.s32 $0x400, s3  }
0x2f6: {  	[tilespmem:s15], [sflag:$0x1] =	stream.linear.gather [hbm4b:s14+s1], $0x40, $0x38;
	[tilespmem:$0x18000] =	vst v63  }
0x2f7: {  	s2 =	sadd.s32 $0x500, s23  }
0x2f8: {  	[tilespmem:s8], [sflag:$0x1] =	stream.linear.gather [hbm4b:s2+s1], $0x40, $0x38;
	[tilespmem:$0x18000] =	vst v63  }
0x2f9: {  	s4 =	sadd.s32 $0x500, s3  }
0x2fa: {  	[tilespmem:s17], [sflag:$0x1] =	stream.linear.gather [hbm4b:s4+s1], $0x40, $0x38;
	[tilespmem:$0x18000] =	vst v63  }
0x2fb: {  	_ =	swait.ge [sflag:s24], $0x40  }
0x2fc: {  	[sflag:s24] =	ssyncset.done $0x0  }
0x2fd: {  	[sflag:s24] =	ssyncadd.s32 $0xFFFFFFC0  }
0x2fe: {  	_ =	swait.ge [sflag:s24], $0x40  }
0x2ff: {  	[sflag:s24] =	ssyncset.done $0x0  }
0x300: {  	[sflag:s24] =	ssyncadd.s32 $0xFFFFFFC0  }
0x301: {  	_ =	swait.ge [sflag:s24], $0x40  }
0x302: {  	[sflag:s24] =	ssyncset.done $0x0  }
0x303: {  	[sflag:s24] =	ssyncadd.s32 $0xFFFFFFC0  }
0x304: {  	_ =	swait.ge [sflag:s24], $0x40  }
0x305: {  	[sflag:s24] =	ssyncset.done $0x0  }
0x306: {  	[sflag:s24] =	ssyncadd.s32 $0xFFFFFFC0  }
0x307: {  	_ =	swait.ge [sflag:s26], $0x2000  }
0x308: {  	[sflag:s26] =	ssyncset.done $0x0  }
0x309: {  	[sflag:s26] =	ssyncadd.s32 $0xFFFFE000  }
0x30a: {  	[tilespmem:s13], [sflag:$0x4] =	stream.indirect.gather [hbm4b:s16+s5], $0x80, s1, s5, $0xb8;
	[tilespmem:$0x18000] =	vst v63  }
0x30b: {  	_ =	swait.ge [sflag:s30], $0x2000  }
0x30c: {  	[sflag:s30] =	ssyncset.done $0x0  }
0x30d: {  	[sflag:s30] =	ssyncadd.s32 $0xFFFFE000  }
0x30e: {  	[tilespmem:s7], [sflag:$0x5] =	stream.indirect.gather [hbm4b:s16+s5], $0x80, s8, s5, $0xb8;
	[tilespmem:$0x18000] =	vst v63  }
0x30f: {  	_ =	swait.ge [sflag:s28], $0x2000  }
0x310: {  	[sflag:s28] =	ssyncset.done $0x0  }
0x311: {  	[sflag:s28] =	ssyncadd.s32 $0xFFFFE000  }
0x312: {  	[spmem:s25] =	stream.indirect.scatter.add.f32 [tilespmem:s13], [sflag:$0x2], $0x80, s15, s5, $0xb8;
	[tilespmem:$0x18000] =	vst v63  }
0x313: {  	_ =	swait.ge [sflag:s29], $0x2000  }
0x314: {  	[sflag:s29] =	ssyncset.done $0x0  }
0x315: {  	[sflag:s29] =	ssyncadd.s32 $0xFFFFE000  }
0x316: {  	[spmem:s25] =	stream.indirect.scatter.add.f32 [tilespmem:s7], [sflag:$0x3], $0x80, s17, s5, $0xb8;
	[tilespmem:$0x18000] =	vst v63  }
0x317: {  	s14 =	sadd.s32 $0x600, s23  }
0x318: {  	[tilespmem:s1], [sflag:$0x1] =	stream.linear.gather [hbm4b:s14+s1], $0x40, $0x38;
	[tilespmem:$0x18000] =	vst v63  }
0x319: {  	s2 =	sadd.s32 $0x600, s3  }
0x31a: {  	[tilespmem:s18], [sflag:$0x1] =	stream.linear.gather [hbm4b:s2+s1], $0x40, $0x38;
	[tilespmem:$0x18000] =	vst v63  }
0x31b: {  	s4 =	sadd.s32 $0x700, s23  }
0x31c: {  	[tilespmem:s8], [sflag:$0x1] =	stream.linear.gather [hbm4b:s4+s1], $0x40, $0x38;
	[tilespmem:$0x18000] =	vst v63  }
0x31d: {  	s14 =	sadd.s32 $0x700, s3  }
0x31e: {  	[tilespmem:s19], [sflag:$0x1] =	stream.linear.gather [hbm4b:s14+s1], $0x40, $0x38;
	[tilespmem:$0x18000] =	vst v63  }
0x31f: {  	_ =	swait.ge [sflag:s24], $0x40  }
0x320: {  	[sflag:s24] =	ssyncset.done $0x0  }
0x321: {  	[sflag:s24] =	ssyncadd.s32 $0xFFFFFFC0  }
0x322: {  	_ =	swait.ge [sflag:s24], $0x40  }
0x323: {  	[sflag:s24] =	ssyncset.done $0x0  }
0x324: {  	[sflag:s24] =	ssyncadd.s32 $0xFFFFFFC0  }
0x325: {  	_ =	swait.ge [sflag:s24], $0x40  }
0x326: {  	[sflag:s24] =	ssyncset.done $0x0  }
0x327: {  	[sflag:s24] =	ssyncadd.s32 $0xFFFFFFC0  }
0x328: {  	_ =	swait.ge [sflag:s24], $0x40  }
0x329: {  	[sflag:s24] =	ssyncset.done $0x0  }
0x32a: {  	[sflag:s24] =	ssyncadd.s32 $0xFFFFFFC0  }
0x32b: {  	_ =	swait.ge [sflag:s26], $0x2000  }
0x32c: {  	[sflag:s26] =	ssyncset.done $0x0  }
0x32d: {  	[sflag:s26] =	ssyncadd.s32 $0xFFFFE000  }
0x32e: {  	[tilespmem:s13], [sflag:$0x4] =	stream.indirect.gather [hbm4b:s16+s5], $0x80, s1, s5, $0xb8;
	[tilespmem:$0x18000] =	vst v63  }
0x32f: {  	_ =	swait.ge [sflag:s30], $0x2000  }
0x330: {  	[sflag:s30] =	ssyncset.done $0x0  }
0x331: {  	[sflag:s30] =	ssyncadd.s32 $0xFFFFE000  }
0x332: {  	[tilespmem:s7], [sflag:$0x5] =	stream.indirect.gather [hbm4b:s16+s5], $0x80, s8, s5, $0xb8;
	[tilespmem:$0x18000] =	vst v63  }
0x333: {  	_ =	swait.ge [sflag:s28], $0x2000  }
0x334: {  	[sflag:s28] =	ssyncset.done $0x0  }
0x335: {  	[sflag:s28] =	ssyncadd.s32 $0xFFFFE000  }
0x336: {  	[spmem:s25] =	stream.indirect.scatter.add.f32 [tilespmem:s13], [sflag:$0x2], $0x80, s18, s5, $0xb8;
	[tilespmem:$0x18000] =	vst v63  }
0x337: {  	_ =	swait.ge [sflag:s29], $0x2000  }
0x338: {  	[sflag:s29] =	ssyncset.done $0x0  }
0x339: {  	[sflag:s29] =	ssyncadd.s32 $0xFFFFE000  }
0x33a: {  	[spmem:s25] =	stream.indirect.scatter.add.f32 [tilespmem:s7], [sflag:$0x3], $0x80, s19, s5, $0xb8;
	[tilespmem:$0x18000] =	vst v63  }
0x33b: {  	_ =	swait.ge [sflag:s26], $0x2000  }
0x33c: {  	[sflag:s26] =	ssyncset.done $0x0  }
0x33d: {  	[sflag:s26] =	ssyncadd.s32 $0xFFFFE000  }
0x33e: {  	_ =	swait.ge [sflag:s30], $0x2000  }
0x33f: {  	s2 =	sld [smem:$0x7FA]  }
0x340: {  	[sflag:s30] =	ssyncset.done $0x0  }
0x341: {  	s0 =	simm.s32 @!p1 $0x0;
	[sflag:s30] =	ssyncadd.s32 $0xFFFFE000  }
0x342: {  	[tilespmem:s0], [sflag:$0x6] =	stream.linear.gather @!p1 [hbm4b:s2+s0], $0x40, $0x38;
	[tilespmem:$0x18000] =	vst v63  }
0x343: {  	s2 =	simm.s32 @!p1 $0x6  }
0x344: {  	_ =	swait.ge @!p1 [sflag:s2], $0x40  }
0x345: {  	s4 =	sld [smem:$0x7FB]  }
0x346: {  	[sflag:s2] =	ssyncset.done @!p1 $0x0  }
0x347: {  	s3 =	simm.s32 @!p1 $0x100;
	[sflag:s2] =	ssyncadd.s32 @!p1 $0xFFFFFFC0  }
0x348: {  	[tilespmem:s3], [sflag:$0x6] =	stream.linear.gather @!p1 [hbm4b:s4+s0], $0x40, $0x38;
	[tilespmem:$0x18000] =	vst v63  }
0x349: {  	_ =	swait.ge @!p1 [sflag:s2], $0x40  }
0x34a: {  	[sflag:s2] =	ssyncset.done @!p1 $0x0  }
0x34b: {  	s14 =	simm.s32 @!p1 $0x400;
	s4 =	simm.s32 @!p1 $0x40;
	[sflag:s2] =	ssyncadd.s32 @!p1 $0xFFFFFFC0  }
0x34c: {  	[tilespmem:s14], [sflag:$0x4] =	stream.indirect.gather @!p1 [hbm4b:s16+s4], $0x80, s0, s4, $0xb8;
	[tilespmem:$0x18000] =	vst v63  }
0x34d: {  	s0 =	simm.s32 @!p1 $0x4  }
0x34e: {  	_ =	swait.ge @!p1 [sflag:s0], $0x2000  }
0x34f: {  	[sflag:s0] =	ssyncset.done @!p1 $0x0  }
0x350: {  	[sflag:s0] =	ssyncadd.s32 @!p1 $0xFFFFE000  }
0x351: {  	[spmem:s25] =	stream.indirect.scatter.add.f32 @!p1 [tilespmem:s14], [sflag:$0x6], $0x80, s3, s4, $0xb8;
	[tilespmem:$0x18000] =	vst v63  }
0x352: {  	_ =	swait.ge @!p1 [sflag:s2], $0x2000  }
0x353: {  	[sflag:s2] =	ssyncset.done @!p1 $0x0  }
0x354: {  	[sflag:s2] =	ssyncadd.s32 @!p1 $0xFFFFE000  }
0x355: {  	[bflag:$0x0] =	sbarrier.arrive $0xFFFF  }
0x356: {  	s31 =	rddreg [dreg:$0x1b]  }
0x357: {  	[tilespmem:s13], [sflag:$0x1] =	stream.linear.gather [spmem:s31], $0x2000, $0x38;
	[tilespmem:$0x18000] =	vst v63  }
0x358: {  	s14 =	rddreg [dreg:$0x1c]  }
0x359: {  	[tilespmem:s7], [sflag:$0x1] =	stream.linear.gather [spmem:s14], $0x2000, $0x38;
	[tilespmem:$0x18000] =	vst v63  }
0x35a: {  	_ =	swait.ge [sflag:s24], $0x2000  }
0x35b: {  	[sflag:s24] =	ssyncset.done $0x0  }
0x35c: {  	s23 =	rddreg [dreg:$0x11];
	[sflag:s24] =	ssyncadd.s32 $0xFFFFE000  }
0x35d: {  	[hbm4b:s23+s1] =	stream.linear.scatter [tilespmem:s13], [sflag:$0x2], $0x2000, $0x38;
	[tilespmem:$0x18000] =	vst v63  }
0x35e: {  	_ =	swait.ge [sflag:s26], $0x2000  }
0x35f: {  	[sflag:s26] =	ssyncset.done $0x0  }
0x360: {  	s23 =	rddreg [dreg:$0x1d];
	[sflag:s26] =	ssyncadd.s32 $0xFFFFE000  }
0x361: {  	[tilespmem:s13], [sflag:$0x1] =	stream.linear.gather [spmem:s23], $0x2000, $0x38;
	[tilespmem:$0x18000] =	vst v63  }
0x362: {  	_ =	swait.ge [sflag:s24], $0x2000  }
0x363: {  	[sflag:s24] =	ssyncset.done $0x0  }
0x364: {  	s2 =	rddreg [dreg:$0x12];
	[sflag:s24] =	ssyncadd.s32 $0xFFFFE000  }
0x365: {  	[hbm4b:s2+s1] =	stream.linear.scatter [tilespmem:s7], [sflag:$0x2], $0x2000, $0x38;
	[tilespmem:$0x18000] =	vst v63  }
0x366: {  	_ =	swait.ge [sflag:s26], $0x2000  }
0x367: {  	[sflag:s26] =	ssyncset.done $0x0  }
0x368: {  	s3 =	rddreg [dreg:$0x1e];
	[sflag:s26] =	ssyncadd.s32 $0xFFFFE000  }
0x369: {  	[tilespmem:s7], [sflag:$0x1] =	stream.linear.gather [spmem:s3], $0x2000, $0x38;
	[tilespmem:$0x18000] =	vst v63  }
0x36a: {  	_ =	swait.ge [sflag:s24], $0x2000  }
0x36b: {  	[sflag:s24] =	ssyncset.done $0x0  }
0x36c: {  	s4 =	rddreg [dreg:$0x13];
	[sflag:s24] =	ssyncadd.s32 $0xFFFFE000  }
0x36d: {  	[hbm4b:s4+s1] =	stream.linear.scatter [tilespmem:s13], [sflag:$0x2], $0x2000, $0x38;
	[tilespmem:$0x18000] =	vst v63  }
0x36e: {  	_ =	swait.ge [sflag:s26], $0x2000  }
0x36f: {  	[sflag:s26] =	ssyncset.done $0x0  }
0x370: {  	s2 =	rddreg [dreg:$0x1f];
	[sflag:s26] =	ssyncadd.s32 $0xFFFFE000  }
0x371: {  	[tilespmem:s13], [sflag:$0x1] =	stream.linear.gather [spmem:s2], $0x2000, $0x38;
	[tilespmem:$0x18000] =	vst v63  }
0x372: {  	_ =	swait.ge [sflag:s24], $0x2000  }
0x373: {  	[sflag:s24] =	ssyncset.done $0x0  }
0x374: {  	s3 =	rddreg [dreg:$0x14];
	[sflag:s24] =	ssyncadd.s32 $0xFFFFE000  }
0x375: {  	[hbm4b:s3+s1] =	stream.linear.scatter [tilespmem:s7], [sflag:$0x2], $0x2000, $0x38;
	[tilespmem:$0x18000] =	vst v63  }
0x376: {  	_ =	swait.ge [sflag:s26], $0x2000  }
0x377: {  	s4 =	sld [smem:$0x7E7]  }
0x378: {  	[sflag:s26] =	ssyncset.done $0x0  }
0x379: {  	[sflag:s26] =	ssyncadd.s32 $0xFFFFE000  }
0x37a: {  	[tilespmem:s7], [sflag:$0x1] =	stream.linear.gather [spmem:s4], $0x2000, $0x38;
	[tilespmem:$0x18000] =	vst v63  }
0x37b: {  	_ =	swait.ge [sflag:s24], $0x2000  }
0x37c: {  	[sflag:s24] =	ssyncset.done $0x0  }
0x37d: {  	s2 =	rddreg [dreg:$0x15];
	[sflag:s24] =	ssyncadd.s32 $0xFFFFE000  }
0x37e: {  	[hbm4b:s2+s1] =	stream.linear.scatter [tilespmem:s13], [sflag:$0x2], $0x2000, $0x38;
	[tilespmem:$0x18000] =	vst v63  }
0x37f: {  	_ =	swait.ge [sflag:s26], $0x2000  }
0x380: {  	s3 =	sld [smem:$0x7E8]  }
0x381: {  	[sflag:s26] =	ssyncset.done $0x0  }
0x382: {  	[sflag:s26] =	ssyncadd.s32 $0xFFFFE000  }
0x383: {  	[tilespmem:s13], [sflag:$0x1] =	stream.linear.gather [spmem:s3], $0x2000, $0x38;
	[tilespmem:$0x18000] =	vst v63  }
0x384: {  	_ =	swait.ge [sflag:s24], $0x2000  }
0x385: {  	[sflag:s24] =	ssyncset.done $0x0  }
0x386: {  	s4 =	rddreg [dreg:$0x16];
	[sflag:s24] =	ssyncadd.s32 $0xFFFFE000  }
0x387: {  	[hbm4b:s4+s1] =	stream.linear.scatter [tilespmem:s7], [sflag:$0x2], $0x2000, $0x38;
	[tilespmem:$0x18000] =	vst v63  }
0x388: {  	_ =	swait.ge [sflag:s26], $0x2000  }
0x389: {  	s2 =	sld [smem:$0x7E9]  }
0x38a: {  	[sflag:s26] =	ssyncset.done $0x0  }
0x38b: {  	[sflag:s26] =	ssyncadd.s32 $0xFFFFE000  }
0x38c: {  	[tilespmem:s7], [sflag:$0x1] =	stream.linear.gather [spmem:s2], $0x2000, $0x38;
	[tilespmem:$0x18000] =	vst v63  }
0x38d: {  	_ =	swait.ge [sflag:s24], $0x2000  }
0x38e: {  	[sflag:s24] =	ssyncset.done $0x0  }
0x38f: {  	s3 =	rddreg [dreg:$0x17];
	[sflag:s24] =	ssyncadd.s32 $0xFFFFE000  }
0x390: {  	[hbm4b:s3+s1] =	stream.linear.scatter [tilespmem:s13], [sflag:$0x2], $0x2000, $0x38;
	[tilespmem:$0x18000] =	vst v63  }
0x391: {  	_ =	swait.ge [sflag:s26], $0x2000  }
0x392: {  	s4 =	sld [smem:$0x7EA]  }
0x393: {  	[sflag:s26] =	ssyncset.done $0x0  }
0x394: {  	[sflag:s26] =	ssyncadd.s32 $0xFFFFE000  }
0x395: {  	[tilespmem:s13], [sflag:$0x1] =	stream.linear.gather [spmem:s4], $0x2000, $0x38;
	[tilespmem:$0x18000] =	vst v63  }
0x396: {  	_ =	swait.ge [sflag:s24], $0x2000  }
0x397: {  	[sflag:s24] =	ssyncset.done $0x0  }
0x398: {  	s2 =	rddreg [dreg:$0x18];
	[sflag:s24] =	ssyncadd.s32 $0xFFFFE000  }
0x399: {  	[hbm4b:s2+s1] =	stream.linear.scatter [tilespmem:s7], [sflag:$0x2], $0x2000, $0x38;
	[tilespmem:$0x18000] =	vst v63  }
0x39a: {  	_ =	swait.ge [sflag:s26], $0x2000  }
0x39b: {  	s3 =	sld [smem:$0x7EB]  }
0x39c: {  	[sflag:s26] =	ssyncset.done $0x0  }
0x39d: {  	[sflag:s26] =	ssyncadd.s32 $0xFFFFE000  }
0x39e: {  	[tilespmem:s7], [sflag:$0x1] =	stream.linear.gather [spmem:s3], $0x1C00, $0x38;
	[tilespmem:$0x18000] =	vst v63  }
0x39f: {  	_ =	swait.ge [sflag:s24], $0x2000  }
0x3a0: {  	[sflag:s24] =	ssyncset.done $0x0  }
0x3a1: {  	s4 =	rddreg [dreg:$0x19];
	[sflag:s24] =	ssyncadd.s32 $0xFFFFE000  }
0x3a2: {  	[hbm4b:s4+s1] =	stream.linear.scatter [tilespmem:s13], [sflag:$0x2], $0x2000, $0x38;
	[tilespmem:$0x18000] =	vst v63  }
0x3a3: {  	_ =	swait.ge [sflag:s24], $0x1C00  }
0x3a4: {  	[sflag:s24] =	ssyncset.done $0x0  }
0x3a5: {  	s2 =	rddreg [dreg:$0x1a];
	[sflag:s24] =	ssyncadd.s32 $0xFFFFE400  }
0x3a6: {  	[hbm4b:s2+s1] =	stream.linear.scatter [tilespmem:s7], [sflag:$0x2], $0x1C00, $0x38;
	[tilespmem:$0x18000] =	vst v63  }
0x3a7: {  	_ =	swait.ge [sflag:s26], $0x2000  }
0x3a8: {  	[sflag:s26] =	ssyncset.done $0x0  }
0x3a9: {  	[sflag:s26] =	ssyncadd.s32 $0xFFFFE000  }
0x3aa: {  	_ =	swait.ge [sflag:s26], $0x1C00  }
0x3ab: {  	s3 =	sld [smem:$0x7E6]  }
0x3ac: {  	s4 =	sld [smem:$0x7FC];
	_ =	sdelay $0x1  }
0x3ad: {  	s2 =	sadd.s32 $0x1, s3  }
0x3ae: {  	p2 =	sne.s32 s2, s4  }
.Ltmp5:
0x3af: {  	_ = 	snop;
	(pc) =	sbr.rel @p2 .LBB2_1-.Ltmp5, $3  }
0x3b0: {  	_ =	sdelay $0x1  }
0x3b1: {  	[sflag:s26] =	ssyncset.done $0x0  }
0x3b2: {  	[sflag:s26] =	ssyncadd.s32 $0xFFFFE400  }
0x3b3: {  	_ =	sfence.sel $0x180000  }
0x3b4: {  	[bflag:$0x0] =	sbarrier.arrive $0xFFFF  }
0x3b5: {  	_ =	strace $0x90000047  }
0x3b6: {  	s0 =	stileid.u32;
	[bflag:$0x2] =	sbarrier.arrive $0xFFFF  }
0x3b7: {  	p0 =	sne.s32 s0, $0x0;
	s0 =	rddreg [dreg:$0x6]  }
0x3b8: {  	s0 =	sadd.s32 @!p0 $0x100000, s0  }
0x3b9: {  	[sflag:s0] =	ssyncadd.tile.s32 @!p0 $0x1;
	_ =	shalt  }
.Lfunc_end2:
_tile_overlayer_lowered:
.L_overlay_start_2:
0x3ba: {  	(tag) =	ssettag $0x2  }
0x3bb: {  	s0 =	rddreg [dreg:$0x0];
	s2 =	stileid.u32  }
0x3bc: {  	s1 =	rddreg [dreg:$0x1];
	p0 =	sne.s32 s2, $0x0  }
0x3bd: {  	s3 =	rddreg [dreg:$0x2];
	[bflag:$0x3] =	sbarrier.arrive $0xFFFF;
	s2 =	simm.s32 @!p0 $0x1C06  }
0x3be: {  	[timem:s3], [sflag:s2] =	dma.local @!p0 [hbm:s0], s1  }
0x3bf: {  	s0 =	simm.s32 @!p0 $0x6  }
0x3c0: {  	_ =	swait.ge @!p0 [sflag:s0], s1  }
0x3c1: {  	s1 =	ssub.s32 @!p0 $0x0, s1;
	[sflag:s0] =	ssyncset.done @!p0 $0x0  }
0x3c2: {  	[sflag:s0] =	ssyncadd.s32 @!p0 s1  }
0x3c3: {  	[bflag:$0x3] =	sbarrier.arrive $0xFFFF  }
0x3c4: {  	_ =	shalt  }

</sc_bundles>
